<compile_context>
chip_gen: v7x
topology: tpu7x:2x2x1
jax: 0.10.2.dev20260603
libtpu: 0.0.44.dev20260713+nightly
codegen_flags: <defaults>
</compile_context>

<pallas_src>
import jax
import jax.numpy as jnp
import numpy as np
from jax import lax
from jax.experimental import pallas as pl
from jax.experimental.pallas import tpu as pltpu
from jax.experimental.pallas import tpu_sc as plsc

_P = 0.9
_B, _C, _H, _W = 4, 96, 384, 384
_N = _H * _W
_BC = _B * _C

_HPAD = 8
_HCH = 48
_NCH = _H // _HCH
_HWIN = _HCH + 2 * _HPAD
_L = _HCH * _W
_WPAD = 512

_NC, _NS = 2, 16
_NW = _NC * _NS
_PPW = _BC // _NW
_U = 8
_GPR = _W // 16


def _perm_fixed(n_element, dim, p):
    probs = np.array([1.0 - p / 2.0, p / 8.0, p / 8.0, p / 8.0, p / 8.0])
    rng = np.random.default_rng(0)
    rs = rng.choice(5, size=2 * n_element - 1, p=probs)
    perm = np.arange(n_element, dtype=np.int64)
    t = 0
    for i in range(-n_element + 1, n_element):
        r = rs[t]
        t += 1
        i = abs(i)
        if r != 0:
            if r == 1:
                idx = i + 1
            elif r == 2:
                idx = i - 1
            elif r == 3:
                idx = i + dim
            else:
                idx = i - dim
            if 0 < idx < n_element:
                tmp = int(perm[i])
                perm[i] = int(perm[idx])
                perm[idx] = tmp
    return perm


def _local_indices():
    perm = _perm_fixed(_N, _W, _P)
    li = np.empty(_N, dtype=np.int32)
    wwin = _HWIN * _W
    for ch in range(_NCH):
        j0 = ch * _L
        w0 = min(max(j0 - _HPAD * _W, 0), _N - wwin)
        seg = perm[j0:j0 + _L] - w0
        assert seg.min() >= 0 and seg.max() < wwin
        packed = ((seg // _W) * _WPAD + seg % _W).astype(np.int32)
        packed = packed.reshape(_HCH, _GPR, 16).transpose(1, 0, 2)
        li[j0:j0 + _L] = packed.reshape(-1)
    return li


_LI_NP = _local_indices()


def _body(x_hbm, li_hbm, o_hbm, idx_v, win0_v, win1_v, out0_v, out1_v,
          wsem0, wsem1, osem0, osem1):
    cid = lax.axis_index("c")
    sid = lax.axis_index("s")
    wid = sid * _NC + cid
    p0 = wid * _PPW

    wins = [win0_v, win1_v]
    outs = [out0_v, out1_v]
    wsems = [wsem0, wsem1]
    osems = [osem0, osem1]

    def chunk_body(ch, carry):
        hj0 = pl.multiple_of(ch * _HCH, _HCH)
        h0 = pl.multiple_of(jnp.clip(hj0 - _HPAD, 0, _H - _HWIN), _HPAD)
        pltpu.sync_copy(li_hbm.at[pl.ds(pl.multiple_of(ch * _L, _L), _L)],
                        idx_v)

        def plane_bc(r):
            p = p0 + r
            return p // _C, p % _C

        def win_start(r):
            b, c = plane_bc(r)
            return pltpu.async_copy(
                x_hbm.at[b, c, pl.ds(h0, _HWIN), :],
                wins[r % 2].at[:, pl.ds(0, _W)], wsems[r % 2])

        win_copies = {0: win_start(0)}
        out_copies = {}
        for r in range(_PPW):
            if r + 1 < _PPW:
                win_copies[r + 1] = win_start(r + 1)
            win_copies[r].wait()
            if r >= 2:
                out_copies[r - 2].wait()
            wv = wins[r % 2]
            ov = outs[r % 2]

            @plsc.parallel_loop(0, _GPR)
            def col_body(cc, wv=wv, ov=ov):
                cbase = cc * (_HCH * 16)
                c16 = cc * 16

                @plsc.parallel_loop(0, _HCH, unroll=_U)
                def row_body(rr, cbase=cbase, c16=c16, wv=wv, ov=ov):
                    iv = idx_v[pl.ds(cbase + rr * 16, 16)]
                    ri = iv >> 9
                    ci = iv & 511
                    ov[rr, pl.ds(c16, 16)] = plsc.load_gather(wv, [ri, ci])

            b, c = plane_bc(r)
            out_copies[r] = pltpu.async_copy(
                ov, o_hbm.at[b, c, pl.ds(hj0, _HCH), :], osems[r % 2])
        out_copies[_PPW - 2].wait()
        out_copies[_PPW - 1].wait()
        return carry

    lax.fori_loop(0, _NCH, chunk_body, 0)


@jax.jit
def _run(x, li):
    mesh = plsc.VectorSubcoreMesh(core_axis_name="c", subcore_axis_name="s")
    f = pl.kernel(
        _body,
        mesh=mesh,
        compiler_params=pltpu.CompilerParams(needs_layout_passes=False),
        out_type=jax.ShapeDtypeStruct((_B, _C, _H, _W), jnp.float32),
        scratch_types=[
            pltpu.VMEM((_L,), jnp.int32),
            pltpu.VMEM((_HWIN, _WPAD), jnp.float32),
            pltpu.VMEM((_HWIN, _WPAD), jnp.float32),
            pltpu.VMEM((_HCH, _W), jnp.float32),
            pltpu.VMEM((_HCH, _W), jnp.float32),
            pltpu.SemaphoreType.DMA,
            pltpu.SemaphoreType.DMA,
            pltpu.SemaphoreType.DMA,
            pltpu.SemaphoreType.DMA,
        ],
    )
    return f(x, li)


def kernel(x):
    return _run(x, jnp.asarray(_LI_NP))

# --- scband reference (transcript-rebuilt; emitter-appended) ---
"""Pipeline reference for scband-cloplayer-74586402062828 (READ-ONLY COPY).

The authoritative reference and input builder live on the scoring server;
editing this copy changes nothing except your own understanding.
"""

import jax, jax.numpy as jnp
import numpy as np

P = 0.9
B, C, H, W = 4, 96, 384, 384


def _index_permute(n_element, dim, p):
    # Faithful reproduction of CLOPLayer._index_permute: sequential random
    # local swaps over a flat index array. Random draws are precomputed with a
    # fixed-seed numpy RNG for determinism; the swap semantics are identical.
    probs = np.array([1.0 - p / 2.0, p / 8.0, p / 8.0, p / 8.0, p / 8.0])
    rng = np.random.default_rng(0)
    total = 2 * n_element - 1
    rs = rng.choice(5, size=total, p=probs)
    perm = np.arange(n_element, dtype=np.int64)
    t = 0
    for i in range(-n_element + 1, n_element):
        r = rs[t]
        t += 1
        i = abs(i)
        if r != 0:
            if r == 1:
                idx = i + 1
            elif r == 2:
                idx = i - 1
            elif r == 3:
                idx = i + dim
            else:
                idx = i - dim
            if (idx > 0) and (idx < n_element):
                tmp = int(perm[i])
                perm[i] = int(perm[idx])
                perm[idx] = tmp
    return perm


def setup_inputs(seed: int = 0) -> dict:
    key = jax.random.key(seed)
    x = jax.random.normal(key, (B, C, H, W), dtype=jnp.float32)
    return {"x": x}


def reference(x):
    b, c = x.shape[0], x.shape[1]
    n_element = x.shape[2] * x.shape[3]
    dim = int(np.sqrt(n_element))
    perm = jnp.asarray(_index_permute(n_element, dim, P))
    flat = x.reshape(b, c, n_element)
    # torch.gather(flat, 2, idx) with idx broadcast over (b, c) == take along axis 2
    res = jnp.take(flat, perm, axis=2)
    return res.reshape(x.shape)

if __name__ == "__main__":
    import jax
    _d = setup_inputs()
    print(jax.jit(kernel)(*tuple(_d.values())))

</pallas_src>

<mosaic_0001>
#map = affine_map<(d0, d1) -> (0, 0, 0, 0)>
#map1 = affine_map<(d0, d1) -> (0)>
module attributes {stable_mosaic.version = 14 : i64} {
  func.func @_body(%arg0: i32, %arg1: i32, %arg2: memref<4x96x384x384xf32, #tpu.memory_space<hbm>>, %arg3: memref<147456xi32, #tpu.memory_space<hbm>>, %arg4: memref<4x96x384x384xf32, #tpu.memory_space<hbm>>, %arg5: memref<18432xi32, #tpu.memory_space<vmem>>, %arg6: memref<64x512xf32, #tpu.memory_space<vmem>>, %arg7: memref<64x512xf32, #tpu.memory_space<vmem>>, %arg8: memref<48x384xf32, #tpu.memory_space<vmem>>, %arg9: memref<48x384xf32, #tpu.memory_space<vmem>>, %arg10: memref<!tpu.dma_semaphore, #tpu.memory_space<semaphore_mem>>, %arg11: memref<!tpu.dma_semaphore, #tpu.memory_space<semaphore_mem>>, %arg12: memref<!tpu.dma_semaphore, #tpu.memory_space<semaphore_mem>>, %arg13: memref<!tpu.dma_semaphore, #tpu.memory_space<semaphore_mem>>) attributes {dimension_semantics = [#tpu.dimension_semantics<core_parallel>, #tpu.dimension_semantics<subcore_parallel>], iteration_bounds = array<i64: 2, 16>, scalar_prefetch = 0 : i64, scratch_operands = 9 : i64, tpu.core_type = #tpu.core_type<sc_vector_subcore>, window_params = [{transform_indices = #map}, {transform_indices = #map1}, {transform_indices = #map}]} {
    %mul3A = arith.constant 2 : i32
    %mul3A_0 = arith.muli %arg1, %mul3A : i32
    %add3A = arith.addi %mul3A_0, %arg0 : i32
    %mul3A_1 = arith.constant 12 : i32
    %mul3A_2 = arith.muli %add3A, %mul3A_1 : i32
    %scan3A = arith.constant 0 : i32
    %scan3A_3 = arith.constant 0 : i32
    %scan3A_4 = arith.constant 8 : i32
    %scan3A_5 = arith.addi %scan3A_3, %scan3A_4 : i32
    %scan3A_6 = arith.constant 1 : i32
    scf.for %scan3A_8 = %scan3A_3 to %scan3A_5 step %scan3A_6  : i32 {
      %mul3A_9 = arith.constant 48 : i32
      %mul3A_10 = arith.muli %scan3A_8, %mul3A_9 : i32
      %multiple_of3A = tpu.assume_multiple %mul3A_10, 48 : i32
      %sub3A = arith.constant 8 : i32
      %sub3A_11 = arith.subi %multiple_of3A, %sub3A : i32
      %jit3A = arith.constant 0 : i32
      %jit3A_12 = arith.constant 320 : i32
      %max3A = arith.maxsi %jit3A, %sub3A_11 : i32
      %min3A = arith.minsi %jit3A_12, %max3A : i32
      %multiple_of3A_13 = tpu.assume_multiple %min3A, 8 : i32
      %mul3A_14 = arith.constant 18432 : i32
      %mul3A_15 = arith.muli %scan3A_8, %mul3A_14 : i32
      %multiple_of3A_16 = tpu.assume_multiple %mul3A_15, 18432 : i32
      "tpu.region"() ({
        %run_scoped3A = tpu.sem_alloc : memref<!tpu.dma_semaphore, #tpu.memory_space<semaphore_mem>>
        %dma_start3A_1482 = tpu.memref_slice %arg3[%multiple_of3A_16] : memref<147456xi32, #tpu.memory_space<hbm>> -> memref<18432xi32, #tpu.memory_space<hbm>>
        %dma_start3A_1483 = tpu.memref_slice %arg3[%multiple_of3A_16] : memref<147456xi32, #tpu.memory_space<hbm>> -> memref<18432xi32, #tpu.memory_space<hbm>>
        tpu.enqueue_dma source(%dma_start3A_1483 : memref<18432xi32, #tpu.memory_space<hbm>>) target(%arg5 : memref<18432xi32, #tpu.memory_space<vmem>>) target_semaphore(%run_scoped3A : memref<!tpu.dma_semaphore, #tpu.memory_space<semaphore_mem>>)
        %dma_wait3A_1484 = tpu.memref_slice %arg3[%multiple_of3A_16] : memref<147456xi32, #tpu.memory_space<hbm>> -> memref<18432xi32, #tpu.memory_space<hbm>>
        %dma_wait3A_1485 = tpu.memref_slice %arg3[%multiple_of3A_16] : memref<147456xi32, #tpu.memory_space<hbm>> -> memref<18432xi32, #tpu.memory_space<hbm>>
        tpu.wait_dma2 semaphore(%run_scoped3A : memref<!tpu.dma_semaphore, #tpu.memory_space<semaphore_mem>>) src(%dma_wait3A_1485 : memref<18432xi32, #tpu.memory_space<hbm>>) dst(%arg5 : memref<18432xi32, #tpu.memory_space<vmem>>)
        tpu.yield
      }) : () -> ()
      %add3A_17 = arith.constant 0 : i32
      %add3A_18 = arith.addi %mul3A_2, %add3A_17 : i32
      %jit3A_19 = arith.constant 96 : i32
      %div3A = arith.divsi %add3A_18, %jit3A_19 : i32
      %sign3A = arith.constant 0 : i32
      %sign3A_20 = arith.cmpi sgt, %add3A_18, %sign3A : i32
      %sign3A_21 = arith.extui %sign3A_20 : i1 to i32
      %sign3A_22 = arith.constant 0 : i32
      %sign3A_23 = arith.cmpi slt, %add3A_18, %sign3A_22 : i32
      %sign3A_24 = arith.extui %sign3A_23 : i1 to i32
      %sign3A_25 = arith.subi %sign3A_21, %sign3A_24 : i32
      %sign3A_26 = arith.constant 0 : i32
      %sign3A_27 = arith.cmpi sgt, %jit3A_19, %sign3A_26 : i32
      %sign3A_28 = arith.extui %sign3A_27 : i1 to i32
      %sign3A_29 = arith.constant 0 : i32
      %sign3A_30 = arith.cmpi slt, %jit3A_19, %sign3A_29 : i32
      %sign3A_31 = arith.extui %sign3A_30 : i1 to i32
      %sign3A_32 = arith.subi %sign3A_28, %sign3A_31 : i32
      %ne3A = arith.cmpi ne, %sign3A_25, %sign3A_32 : i32
      %rem3A = arith.remsi %add3A_18, %jit3A_19 : i32
      %ne3A_33 = arith.constant 0 : i32
      %ne3A_34 = arith.cmpi ne, %rem3A, %ne3A_33 : i32
      %and3A = arith.andi %ne3A, %ne3A_34 : i1
      %sub3A_35 = arith.constant 1 : i32
      %sub3A_36 = arith.subi %div3A, %sub3A_35 : i32
      %select_n3A = arith.select %and3A, %sub3A_36, %div3A : i32
      %jit3A_37 = arith.constant 96 : i32
      %eq3A = arith.constant 0 : i32
      %eq3A_38 = arith.cmpi eq, %jit3A_37, %eq3A : i32
      %jit3A_39 = arith.constant 1 : i32
      %select_n3A_40 = arith.select %eq3A_38, %jit3A_39, %jit3A_37 : i32
      %rem3A_41 = arith.remsi %add3A_18, %select_n3A_40 : i32
      %ne3A_42 = arith.constant 0 : i32
      %ne3A_43 = arith.cmpi ne, %rem3A_41, %ne3A_42 : i32
      %lt3A = arith.constant 0 : i32
      %lt3A_44 = arith.cmpi slt, %rem3A_41, %lt3A : i32
      %lt3A_45 = arith.constant 0 : i32
      %lt3A_46 = arith.cmpi slt, %select_n3A_40, %lt3A_45 : i32
      %ne3A_47 = arith.xori %lt3A_44, %lt3A_46 : i1
      %and3A_48 = arith.andi %ne3A_47, %ne3A_43 : i1
      %add3A_49 = arith.addi %rem3A_41, %select_n3A_40 : i32
      %select_n3A_50 = arith.select %and3A_48, %add3A_49, %rem3A_41 : i32
      %dma_start3A = arith.constant 0 : i32
      %dma_start3A_51 = arith.constant 0 : i32
      %dma_start3A_52 = tpu.memref_slice %arg6[%dma_start3A, %dma_start3A_51] : memref<64x512xf32, #tpu.memory_space<vmem>> -> memref<64x384xf32, #tpu.memory_space<vmem>>
      %dma_start3A_53 = arith.constant 0 : i32
      %dma_start3A_54 = tpu.memref_slice %arg2[%select_n3A, %select_n3A_50, %multiple_of3A_13, %dma_start3A_53] : memref<4x96x384x384xf32, #tpu.memory_space<hbm>> -> memref<1x1x64x384xf32, #tpu.memory_space<hbm>>
      %dma_start3A_55 = tpu.memref_squeeze %dma_start3A_54 : memref<1x1x64x384xf32, #tpu.memory_space<hbm>> -> memref<64x384xf32, #tpu.memory_space<hbm>>
      %dma_start3A_56 = arith.constant 0 : i32
      %dma_start3A_57 = arith.constant 0 : i32
      %dma_start3A_58 = tpu.memref_slice %arg6[%dma_start3A_56, %dma_start3A_57] : memref<64x512xf32, #tpu.memory_space<vmem>> -> memref<64x384xf32, #tpu.memory_space<vmem>>
      %dma_start3A_59 = arith.constant 0 : i32
      %dma_start3A_60 = tpu.memref_slice %arg2[%select_n3A, %select_n3A_50, %multiple_of3A_13, %dma_start3A_59] : memref<4x96x384x384xf32, #tpu.memory_space<hbm>> -> memref<1x1x64x384xf32, #tpu.memory_space<hbm>>
      %dma_start3A_61 = tpu.memref_squeeze %dma_start3A_60 : memref<1x1x64x384xf32, #tpu.memory_space<hbm>> -> memref<64x384xf32, #tpu.memory_space<hbm>>
      tpu.enqueue_dma source(%dma_start3A_61 : memref<64x384xf32, #tpu.memory_space<hbm>>) target(%dma_start3A_58 : memref<64x384xf32, #tpu.memory_space<vmem>>) target_semaphore(%arg10 : memref<!tpu.dma_semaphore, #tpu.memory_space<semaphore_mem>>)
      %add3A_62 = arith.constant 1 : i32
      %add3A_63 = arith.addi %mul3A_2, %add3A_62 : i32
      %jit3A_64 = arith.constant 96 : i32
      %div3A_65 = arith.divsi %add3A_63, %jit3A_64 : i32
      %sign3A_66 = arith.constant 0 : i32
      %sign3A_67 = arith.cmpi sgt, %add3A_63, %sign3A_66 : i32
      %sign3A_68 = arith.extui %sign3A_67 : i1 to i32
      %sign3A_69 = arith.constant 0 : i32
      %sign3A_70 = arith.cmpi slt, %add3A_63, %sign3A_69 : i32
      %sign3A_71 = arith.extui %sign3A_70 : i1 to i32
      %sign3A_72 = arith.subi %sign3A_68, %sign3A_71 : i32
      %sign3A_73 = arith.constant 0 : i32
      %sign3A_74 = arith.cmpi sgt, %jit3A_64, %sign3A_73 : i32
      %sign3A_75 = arith.extui %sign3A_74 : i1 to i32
      %sign3A_76 = arith.constant 0 : i32
      %sign3A_77 = arith.cmpi slt, %jit3A_64, %sign3A_76 : i32
      %sign3A_78 = arith.extui %sign3A_77 : i1 to i32
      %sign3A_79 = arith.subi %sign3A_75, %sign3A_78 : i32
      %ne3A_80 = arith.cmpi ne, %sign3A_72, %sign3A_79 : i32
      %rem3A_81 = arith.remsi %add3A_63, %jit3A_64 : i32
      %ne3A_82 = arith.constant 0 : i32
      %ne3A_83 = arith.cmpi ne, %rem3A_81, %ne3A_82 : i32
      %and3A_84 = arith.andi %ne3A_80, %ne3A_83 : i1
      %sub3A_85 = arith.constant 1 : i32
      %sub3A_86 = arith.subi %div3A_65, %sub3A_85 : i32
      %select_n3A_87 = arith.select %and3A_84, %sub3A_86, %div3A_65 : i32
      %jit3A_88 = arith.constant 96 : i32
      %eq3A_89 = arith.constant 0 : i32
      %eq3A_90 = arith.cmpi eq, %jit3A_88, %eq3A_89 : i32
      %jit3A_91 = arith.constant 1 : i32
      %select_n3A_92 = arith.select %eq3A_90, %jit3A_91, %jit3A_88 : i32
      %rem3A_93 = arith.remsi %add3A_63, %select_n3A_92 : i32
      %ne3A_94 = arith.constant 0 : i32
      %ne3A_95 = arith.cmpi ne, %rem3A_93, %ne3A_94 : i32
      %lt3A_96 = arith.constant 0 : i32
      %lt3A_97 = arith.cmpi slt, %rem3A_93, %lt3A_96 : i32
      %lt3A_98 = arith.constant 0 : i32
      %lt3A_99 = arith.cmpi slt, %select_n3A_92, %lt3A_98 : i32
      %ne3A_100 = arith.xori %lt3A_97, %lt3A_99 : i1
      %and3A_101 = arith.andi %ne3A_100, %ne3A_95 : i1
      %add3A_102 = arith.addi %rem3A_93, %select_n3A_92 : i32
      %select_n3A_103 = arith.select %and3A_101, %add3A_102, %rem3A_93 : i32
      %dma_start3A_104 = arith.constant 0 : i32
      %dma_start3A_105 = arith.constant 0 : i32
      %dma_start3A_106 = tpu.memref_slice %arg7[%dma_start3A_104, %dma_start3A_105] : memref<64x512xf32, #tpu.memory_space<vmem>> -> memref<64x384xf32, #tpu.memory_space<vmem>>
      %dma_start3A_107 = arith.constant 0 : i32
      %dma_start3A_108 = tpu.memref_slice %arg2[%select_n3A_87, %select_n3A_103, %multiple_of3A_13, %dma_start3A_107] : memref<4x96x384x384xf32, #tpu.memory_space<hbm>> -> memref<1x1x64x384xf32, #tpu.memory_space<hbm>>
      %dma_start3A_109 = tpu.memref_squeeze %dma_start3A_108 : memref<1x1x64x384xf32, #tpu.memory_space<hbm>> -> memref<64x384xf32, #tpu.memory_space<hbm>>
      %dma_start3A_110 = arith.constant 0 : i32
      %dma_start3A_111 = arith.constant 0 : i32
      %dma_start3A_112 = tpu.memref_slice %arg7[%dma_start3A_110, %dma_start3A_111] : memref<64x512xf32, #tpu.memory_space<vmem>> -> memref<64x384xf32, #tpu.memory_space<vmem>>
      %dma_start3A_113 = arith.constant 0 : i32
      %dma_start3A_114 = tpu.memref_slice %arg2[%select_n3A_87, %select_n3A_103, %multiple_of3A_13, %dma_start3A_113] : memref<4x96x384x384xf32, #tpu.memory_space<hbm>> -> memref<1x1x64x384xf32, #tpu.memory_space<hbm>>
      %dma_start3A_115 = tpu.memref_squeeze %dma_start3A_114 : memref<1x1x64x384xf32, #tpu.memory_space<hbm>> -> memref<64x384xf32, #tpu.memory_space<hbm>>
      tpu.enqueue_dma source(%dma_start3A_115 : memref<64x384xf32, #tpu.memory_space<hbm>>) target(%dma_start3A_112 : memref<64x384xf32, #tpu.memory_space<vmem>>) target_semaphore(%arg11 : memref<!tpu.dma_semaphore, #tpu.memory_space<semaphore_mem>>)
      %dma_wait3A = arith.constant 0 : i32
      %dma_wait3A_116 = arith.constant 0 : i32
      %dma_wait3A_117 = tpu.memref_slice %arg6[%dma_wait3A, %dma_wait3A_116] : memref<64x512xf32, #tpu.memory_space<vmem>> -> memref<64x384xf32, #tpu.memory_space<vmem>>
      %dma_wait3A_118 = arith.constant 0 : i32
      %dma_wait3A_119 = tpu.memref_slice %arg2[%select_n3A, %select_n3A_50, %multiple_of3A_13, %dma_wait3A_118] : memref<4x96x384x384xf32, #tpu.memory_space<hbm>> -> memref<1x1x64x384xf32, #tpu.memory_space<hbm>>
      %dma_wait3A_120 = tpu.memref_squeeze %dma_wait3A_119 : memref<1x1x64x384xf32, #tpu.memory_space<hbm>> -> memref<64x384xf32, #tpu.memory_space<hbm>>
      %dma_wait3A_121 = arith.constant 0 : i32
      %dma_wait3A_122 = arith.constant 0 : i32
      %dma_wait3A_123 = tpu.memref_slice %arg6[%dma_wait3A_121, %dma_wait3A_122] : memref<64x512xf32, #tpu.memory_space<vmem>> -> memref<64x384xf32, #tpu.memory_space<vmem>>
      %dma_wait3A_124 = arith.constant 0 : i32
      %dma_wait3A_125 = tpu.memref_slice %arg2[%select_n3A, %select_n3A_50, %multiple_of3A_13, %dma_wait3A_124] : memref<4x96x384x384xf32, #tpu.memory_space<hbm>> -> memref<1x1x64x384xf32, #tpu.memory_space<hbm>>
      %dma_wait3A_126 = tpu.memref_squeeze %dma_wait3A_125 : memref<1x1x64x384xf32, #tpu.memory_space<hbm>> -> memref<64x384xf32, #tpu.memory_space<hbm>>
      tpu.wait_dma2 semaphore(%arg10 : memref<!tpu.dma_semaphore, #tpu.memory_space<semaphore_mem>>) src(%dma_wait3A_126 : memref<64x384xf32, #tpu.memory_space<hbm>>) dst(%dma_wait3A_123 : memref<64x384xf32, #tpu.memory_space<vmem>>)
      %parallel_loop3A = arith.constant 0 : i32
      %parallel_loop3A_127 = arith.constant 24 : i32
      %parallel_loop3A_128 = arith.constant 1 : i32
      scf.for %parallel_loop3A_1482 = %parallel_loop3A to %parallel_loop3A_127 step %parallel_loop3A_128  : i32 {
        %parallel_loop3A_1483 = arith.constant 768 : i32
        %parallel_loop3A_1484 = arith.muli %parallel_loop3A_1482, %parallel_loop3A_1483 : i32
        %parallel_loop3A_1485 = arith.constant 16 : i32
        %parallel_loop3A_1486 = arith.muli %parallel_loop3A_1482, %parallel_loop3A_1485 : i32
        %parallel_loop3A_1487 = arith.constant 0 : i32
        %parallel_loop3A_1488 = arith.constant 48 : i32
        %parallel_loop3A_1489 = arith.constant 1 : i32
        scf.for %parallel_loop3A_1490 = %parallel_loop3A_1487 to %parallel_loop3A_1488 step %parallel_loop3A_1489  : i32 {
          %parallel_loop3A_1491 = arith.constant 16 : i32
          %parallel_loop3A_1492 = arith.muli %parallel_loop3A_1490, %parallel_loop3A_1491 : i32
          %parallel_loop3A_1493 = arith.addi %parallel_loop3A_1484, %parallel_loop3A_1492 : i32
          %parallel_loop3A_1494 = arith.index_cast %parallel_loop3A_1493 : i32 to index
          %parallel_loop3A_1495 = tpu.vector_load %arg5[%parallel_loop3A_1494] {strides = array<i32>} : memref<18432xi32, #tpu.memory_space<vmem>>, vector<16xi32>,
          %parallel_loop3A_1496 = arith.constant 9 : i32
          %parallel_loop3A_1497 = vector.broadcast %parallel_loop3A_1496 : i32 to vector<16xi32>
          %parallel_loop3A_1498 = arith.shrsi %parallel_loop3A_1495, %parallel_loop3A_1497 : vector<16xi32>
          %parallel_loop3A_1499 = arith.constant 511 : i32
          %parallel_loop3A_1500 = vector.broadcast %parallel_loop3A_1499 : i32 to vector<16xi32>
          %parallel_loop3A_1501 = arith.andi %parallel_loop3A_1495, %parallel_loop3A_1500 : vector<16xi32>
          %parallel_loop3A_1502 = tpu.vector_load_idx %arg6[%parallel_loop3A_1498, %parallel_loop3A_1501] : memref<64x512xf32, #tpu.memory_space<vmem>>[vector<16xi32>, vector<16xi32>], vector<16xf32>,
          %parallel_loop3A_1503 = arith.index_cast %parallel_loop3A_1490 : i32 to index
          %parallel_loop3A_1504 = arith.index_cast %parallel_loop3A_1486 : i32 to index
          %parallel_loop3A_1505 = tpu.vector_load %arg8[%parallel_loop3A_1503, %parallel_loop3A_1504] {strides = array<i32>} : memref<48x384xf32, #tpu.memory_space<vmem>>, vector<16xf32>,
          tpu.vector_store %arg8[%parallel_loop3A_1503, %parallel_loop3A_1504], %parallel_loop3A_1502 {strides = array<i32>} : memref<48x384xf32, #tpu.memory_space<vmem>>, vector<16xf32>,
        } {sc.loop_unroll_factor = 8 : i64, sc.parallel_access}
      } {sc.loop_unroll_factor = 1 : i64, sc.parallel_access}
      %add3A_129 = arith.constant 0 : i32
      %add3A_130 = arith.addi %mul3A_2, %add3A_129 : i32
      %jit3A_131 = arith.constant 96 : i32
      %div3A_132 = arith.divsi %add3A_130, %jit3A_131 : i32
      %sign3A_133 = arith.constant 0 : i32
      %sign3A_134 = arith.cmpi sgt, %add3A_130, %sign3A_133 : i32
      %sign3A_135 = arith.extui %sign3A_134 : i1 to i32
      %sign3A_136 = arith.constant 0 : i32
      %sign3A_137 = arith.cmpi slt, %add3A_130, %sign3A_136 : i32
      %sign3A_138 = arith.extui %sign3A_137 : i1 to i32
      %sign3A_139 = arith.subi %sign3A_135, %sign3A_138 : i32
      %sign3A_140 = arith.constant 0 : i32
      %sign3A_141 = arith.cmpi sgt, %jit3A_131, %sign3A_140 : i32
      %sign3A_142 = arith.extui %sign3A_141 : i1 to i32
      %sign3A_143 = arith.constant 0 : i32
      %sign3A_144 = arith.cmpi slt, %jit3A_131, %sign3A_143 : i32
      %sign3A_145 = arith.extui %sign3A_144 : i1 to i32
      %sign3A_146 = arith.subi %sign3A_142, %sign3A_145 : i32
      %ne3A_147 = arith.cmpi ne, %sign3A_139, %sign3A_146 : i32
      %rem3A_148 = arith.remsi %add3A_130, %jit3A_131 : i32
      %ne3A_149 = arith.constant 0 : i32
      %ne3A_150 = arith.cmpi ne, %rem3A_148, %ne3A_149 : i32
      %and3A_151 = arith.andi %ne3A_147, %ne3A_150 : i1
      %sub3A_152 = arith.constant 1 : i32
      %sub3A_153 = arith.subi %div3A_132, %sub3A_152 : i32
      %select_n3A_154 = arith.select %and3A_151, %sub3A_153, %div3A_132 : i32
      %jit3A_155 = arith.constant 96 : i32
      %eq3A_156 = arith.constant 0 : i32
      %eq3A_157 = arith.cmpi eq, %jit3A_155, %eq3A_156 : i32
      %jit3A_158 = arith.constant 1 : i32
      %select_n3A_159 = arith.select %eq3A_157, %jit3A_158, %jit3A_155 : i32
      %rem3A_160 = arith.remsi %add3A_130, %select_n3A_159 : i32
      %ne3A_161 = arith.constant 0 : i32
      %ne3A_162 = arith.cmpi ne, %rem3A_160, %ne3A_161 : i32
      %lt3A_163 = arith.constant 0 : i32
      %lt3A_164 = arith.cmpi slt, %rem3A_160, %lt3A_163 : i32
      %lt3A_165 = arith.constant 0 : i32
      %lt3A_166 = arith.cmpi slt, %select_n3A_159, %lt3A_165 : i32
      %ne3A_167 = arith.xori %lt3A_164, %lt3A_166 : i1
      %and3A_168 = arith.andi %ne3A_167, %ne3A_162 : i1
      %add3A_169 = arith.addi %rem3A_160, %select_n3A_159 : i32
      %select_n3A_170 = arith.select %and3A_168, %add3A_169, %rem3A_160 : i32
      %dma_start3A_171 = arith.constant 0 : i32
      %dma_start3A_172 = tpu.memref_slice %arg4[%select_n3A_154, %select_n3A_170, %multiple_of3A, %dma_start3A_171] : memref<4x96x384x384xf32, #tpu.memory_space<hbm>> -> memref<1x1x48x384xf32, #tpu.memory_space<hbm>>
      %dma_start3A_173 = tpu.memref_squeeze %dma_start3A_172 : memref<1x1x48x384xf32, #tpu.memory_space<hbm>> -> memref<48x384xf32, #tpu.memory_space<hbm>>
      %dma_start3A_174 = arith.constant 0 : i32
      %dma_start3A_175 = tpu.memref_slice %arg4[%select_n3A_154, %select_n3A_170, %multiple_of3A, %dma_start3A_174] : memref<4x96x384x384xf32, #tpu.memory_space<hbm>> -> memref<1x1x48x384xf32, #tpu.memory_space<hbm>>
      %dma_start3A_176 = tpu.memref_squeeze %dma_start3A_175 : memref<1x1x48x384xf32, #tpu.memory_space<hbm>> -> memref<48x384xf32, #tpu.memory_space<hbm>>
      tpu.enqueue_dma source(%arg8 : memref<48x384xf32, #tpu.memory_space<vmem>>) target(%dma_start3A_176 : memref<48x384xf32, #tpu.memory_space<hbm>>) target_semaphore(%arg12 : memref<!tpu.dma_semaphore, #tpu.memory_space<semaphore_mem>>)
      %add3A_177 = arith.constant 2 : i32
      %add3A_178 = arith.addi %mul3A_2, %add3A_177 : i32
      %jit3A_179 = arith.constant 96 : i32
      %div3A_180 = arith.divsi %add3A_178, %jit3A_179 : i32
      %sign3A_181 = arith.constant 0 : i32
      %sign3A_182 = arith.cmpi sgt, %add3A_178, %sign3A_181 : i32
      %sign3A_183 = arith.extui %sign3A_182 : i1 to i32
      %sign3A_184 = arith.constant 0 : i32
      %sign3A_185 = arith.cmpi slt, %add3A_178, %sign3A_184 : i32
      %sign3A_186 = arith.extui %sign3A_185 : i1 to i32
      %sign3A_187 = arith.subi %sign3A_183, %sign3A_186 : i32
      %sign3A_188 = arith.constant 0 : i32
      %sign3A_189 = arith.cmpi sgt, %jit3A_179, %sign3A_188 : i32
      %sign3A_190 = arith.extui %sign3A_189 : i1 to i32
      %sign3A_191 = arith.constant 0 : i32
      %sign3A_192 = arith.cmpi slt, %jit3A_179, %sign3A_191 : i32
      %sign3A_193 = arith.extui %sign3A_192 : i1 to i32
      %sign3A_194 = arith.subi %sign3A_190, %sign3A_193 : i32
      %ne3A_195 = arith.cmpi ne, %sign3A_187, %sign3A_194 : i32
      %rem3A_196 = arith.remsi %add3A_178, %jit3A_179 : i32
      %ne3A_197 = arith.constant 0 : i32
      %ne3A_198 = arith.cmpi ne, %rem3A_196, %ne3A_197 : i32
      %and3A_199 = arith.andi %ne3A_195, %ne3A_198 : i1
      %sub3A_200 = arith.constant 1 : i32
      %sub3A_201 = arith.subi %div3A_180, %sub3A_200 : i32
      %select_n3A_202 = arith.select %and3A_199, %sub3A_201, %div3A_180 : i32
      %jit3A_203 = arith.constant 96 : i32
      %eq3A_204 = arith.constant 0 : i32
      %eq3A_205 = arith.cmpi eq, %jit3A_203, %eq3A_204 : i32
      %jit3A_206 = arith.constant 1 : i32
      %select_n3A_207 = arith.select %eq3A_205, %jit3A_206, %jit3A_203 : i32
      %rem3A_208 = arith.remsi %add3A_178, %select_n3A_207 : i32
      %ne3A_209 = arith.constant 0 : i32
      %ne3A_210 = arith.cmpi ne, %rem3A_208, %ne3A_209 : i32
      %lt3A_211 = arith.constant 0 : i32
      %lt3A_212 = arith.cmpi slt, %rem3A_208, %lt3A_211 : i32
      %lt3A_213 = arith.constant 0 : i32
      %lt3A_214 = arith.cmpi slt, %select_n3A_207, %lt3A_213 : i32
      %ne3A_215 = arith.xori %lt3A_212, %lt3A_214 : i1
      %and3A_216 = arith.andi %ne3A_215, %ne3A_210 : i1
      %add3A_217 = arith.addi %rem3A_208, %select_n3A_207 : i32
      %select_n3A_218 = arith.select %and3A_216, %add3A_217, %rem3A_208 : i32
      %dma_start3A_219 = arith.constant 0 : i32
      %dma_start3A_220 = arith.constant 0 : i32
      %dma_start3A_221 = tpu.memref_slice %arg6[%dma_start3A_219, %dma_start3A_220] : memref<64x512xf32, #tpu.memory_space<vmem>> -> memref<64x384xf32, #tpu.memory_space<vmem>>
      %dma_start3A_222 = arith.constant 0 : i32
      %dma_start3A_223 = tpu.memref_slice %arg2[%select_n3A_202, %select_n3A_218, %multiple_of3A_13, %dma_start3A_222] : memref<4x96x384x384xf32, #tpu.memory_space<hbm>> -> memref<1x1x64x384xf32, #tpu.memory_space<hbm>>
      %dma_start3A_224 = tpu.memref_squeeze %dma_start3A_223 : memref<1x1x64x384xf32, #tpu.memory_space<hbm>> -> memref<64x384xf32, #tpu.memory_space<hbm>>
      %dma_start3A_225 = arith.constant 0 : i32
      %dma_start3A_226 = arith.constant 0 : i32
      %dma_start3A_227 = tpu.memref_slice %arg6[%dma_start3A_225, %dma_start3A_226] : memref<64x512xf32, #tpu.memory_space<vmem>> -> memref<64x384xf32, #tpu.memory_space<vmem>>
      %dma_start3A_228 = arith.constant 0 : i32
      %dma_start3A_229 = tpu.memref_slice %arg2[%select_n3A_202, %select_n3A_218, %multiple_of3A_13, %dma_start3A_228] : memref<4x96x384x384xf32, #tpu.memory_space<hbm>> -> memref<1x1x64x384xf32, #tpu.memory_space<hbm>>
      %dma_start3A_230 = tpu.memref_squeeze %dma_start3A_229 : memref<1x1x64x384xf32, #tpu.memory_space<hbm>> -> memref<64x384xf32, #tpu.memory_space<hbm>>
      tpu.enqueue_dma source(%dma_start3A_230 : memref<64x384xf32, #tpu.memory_space<hbm>>) target(%dma_start3A_227 : memref<64x384xf32, #tpu.memory_space<vmem>>) target_semaphore(%arg10 : memref<!tpu.dma_semaphore, #tpu.memory_space<semaphore_mem>>)
      %dma_wait3A_231 = arith.constant 0 : i32
      %dma_wait3A_232 = arith.constant 0 : i32
      %dma_wait3A_233 = tpu.memref_slice %arg7[%dma_wait3A_231, %dma_wait3A_232] : memref<64x512xf32, #tpu.memory_space<vmem>> -> memref<64x384xf32, #tpu.memory_space<vmem>>
      %dma_wait3A_234 = arith.constant 0 : i32
      %dma_wait3A_235 = tpu.memref_slice %arg2[%select_n3A_87, %select_n3A_103, %multiple_of3A_13, %dma_wait3A_234] : memref<4x96x384x384xf32, #tpu.memory_space<hbm>> -> memref<1x1x64x384xf32, #tpu.memory_space<hbm>>
      %dma_wait3A_236 = tpu.memref_squeeze %dma_wait3A_235 : memref<1x1x64x384xf32, #tpu.memory_space<hbm>> -> memref<64x384xf32, #tpu.memory_space<hbm>>
      %dma_wait3A_237 = arith.constant 0 : i32
      %dma_wait3A_238 = arith.constant 0 : i32
      %dma_wait3A_239 = tpu.memref_slice %arg7[%dma_wait3A_237, %dma_wait3A_238] : memref<64x512xf32, #tpu.memory_space<vmem>> -> memref<64x384xf32, #tpu.memory_space<vmem>>
      %dma_wait3A_240 = arith.constant 0 : i32
      %dma_wait3A_241 = tpu.memref_slice %arg2[%select_n3A_87, %select_n3A_103, %multiple_of3A_13, %dma_wait3A_240] : memref<4x96x384x384xf32, #tpu.memory_space<hbm>> -> memref<1x1x64x384xf32, #tpu.memory_space<hbm>>
      %dma_wait3A_242 = tpu.memref_squeeze %dma_wait3A_241 : memref<1x1x64x384xf32, #tpu.memory_space<hbm>> -> memref<64x384xf32, #tpu.memory_space<hbm>>
      tpu.wait_dma2 semaphore(%arg11 : memref<!tpu.dma_semaphore, #tpu.memory_space<semaphore_mem>>) src(%dma_wait3A_242 : memref<64x384xf32, #tpu.memory_space<hbm>>) dst(%dma_wait3A_239 : memref<64x384xf32, #tpu.memory_space<vmem>>)
      %parallel_loop3A_243 = arith.constant 0 : i32
      %parallel_loop3A_244 = arith.constant 24 : i32
      %parallel_loop3A_245 = arith.constant 1 : i32
      scf.for %parallel_loop3A_1482 = %parallel_loop3A_243 to %parallel_loop3A_244 step %parallel_loop3A_245  : i32 {
        %parallel_loop3A_1483 = arith.constant 768 : i32
        %parallel_loop3A_1484 = arith.muli %parallel_loop3A_1482, %parallel_loop3A_1483 : i32
        %parallel_loop3A_1485 = arith.constant 16 : i32
        %parallel_loop3A_1486 = arith.muli %parallel_loop3A_1482, %parallel_loop3A_1485 : i32
        %parallel_loop3A_1487 = arith.constant 0 : i32
        %parallel_loop3A_1488 = arith.constant 48 : i32
        %parallel_loop3A_1489 = arith.constant 1 : i32
        scf.for %parallel_loop3A_1490 = %parallel_loop3A_1487 to %parallel_loop3A_1488 step %parallel_loop3A_1489  : i32 {
          %parallel_loop3A_1491 = arith.constant 16 : i32
          %parallel_loop3A_1492 = arith.muli %parallel_loop3A_1490, %parallel_loop3A_1491 : i32
          %parallel_loop3A_1493 = arith.addi %parallel_loop3A_1484, %parallel_loop3A_1492 : i32
          %parallel_loop3A_1494 = arith.index_cast %parallel_loop3A_1493 : i32 to index
          %parallel_loop3A_1495 = tpu.vector_load %arg5[%parallel_loop3A_1494] {strides = array<i32>} : memref<18432xi32, #tpu.memory_space<vmem>>, vector<16xi32>,
          %parallel_loop3A_1496 = arith.constant 9 : i32
          %parallel_loop3A_1497 = vector.broadcast %parallel_loop3A_1496 : i32 to vector<16xi32>
          %parallel_loop3A_1498 = arith.shrsi %parallel_loop3A_1495, %parallel_loop3A_1497 : vector<16xi32>
          %parallel_loop3A_1499 = arith.constant 511 : i32
          %parallel_loop3A_1500 = vector.broadcast %parallel_loop3A_1499 : i32 to vector<16xi32>
          %parallel_loop3A_1501 = arith.andi %parallel_loop3A_1495, %parallel_loop3A_1500 : vector<16xi32>
          %parallel_loop3A_1502 = tpu.vector_load_idx %arg7[%parallel_loop3A_1498, %parallel_loop3A_1501] : memref<64x512xf32, #tpu.memory_space<vmem>>[vector<16xi32>, vector<16xi32>], vector<16xf32>,
          %parallel_loop3A_1503 = arith.index_cast %parallel_loop3A_1490 : i32 to index
          %parallel_loop3A_1504 = arith.index_cast %parallel_loop3A_1486 : i32 to index
          %parallel_loop3A_1505 = tpu.vector_load %arg9[%parallel_loop3A_1503, %parallel_loop3A_1504] {strides = array<i32>} : memref<48x384xf32, #tpu.memory_space<vmem>>, vector<16xf32>,
          tpu.vector_store %arg9[%parallel_loop3A_1503, %parallel_loop3A_1504], %parallel_loop3A_1502 {strides = array<i32>} : memref<48x384xf32, #tpu.memory_space<vmem>>, vector<16xf32>,
        } {sc.loop_unroll_factor = 8 : i64, sc.parallel_access}
      } {sc.loop_unroll_factor = 1 : i64, sc.parallel_access}
      %add3A_246 = arith.constant 1 : i32
      %add3A_247 = arith.addi %mul3A_2, %add3A_246 : i32
      %jit3A_248 = arith.constant 96 : i32
      %div3A_249 = arith.divsi %add3A_247, %jit3A_248 : i32
      %sign3A_250 = arith.constant 0 : i32
      %sign3A_251 = arith.cmpi sgt, %add3A_247, %sign3A_250 : i32
      %sign3A_252 = arith.extui %sign3A_251 : i1 to i32
      %sign3A_253 = arith.constant 0 : i32
      %sign3A_254 = arith.cmpi slt, %add3A_247, %sign3A_253 : i32
      %sign3A_255 = arith.extui %sign3A_254 : i1 to i32
      %sign3A_256 = arith.subi %sign3A_252, %sign3A_255 : i32
      %sign3A_257 = arith.constant 0 : i32
      %sign3A_258 = arith.cmpi sgt, %jit3A_248, %sign3A_257 : i32
      %sign3A_259 = arith.extui %sign3A_258 : i1 to i32
      %sign3A_260 = arith.constant 0 : i32
      %sign3A_261 = arith.cmpi slt, %jit3A_248, %sign3A_260 : i32
      %sign3A_262 = arith.extui %sign3A_261 : i1 to i32
      %sign3A_263 = arith.subi %sign3A_259, %sign3A_262 : i32
      %ne3A_264 = arith.cmpi ne, %sign3A_256, %sign3A_263 : i32
      %rem3A_265 = arith.remsi %add3A_247, %jit3A_248 : i32
      %ne3A_266 = arith.constant 0 : i32
      %ne3A_267 = arith.cmpi ne, %rem3A_265, %ne3A_266 : i32
      %and3A_268 = arith.andi %ne3A_264, %ne3A_267 : i1
      %sub3A_269 = arith.constant 1 : i32
      %sub3A_270 = arith.subi %div3A_249, %sub3A_269 : i32
      %select_n3A_271 = arith.select %and3A_268, %sub3A_270, %div3A_249 : i32
      %jit3A_272 = arith.constant 96 : i32
      %eq3A_273 = arith.constant 0 : i32
      %eq3A_274 = arith.cmpi eq, %jit3A_272, %eq3A_273 : i32
      %jit3A_275 = arith.constant 1 : i32
      %select_n3A_276 = arith.select %eq3A_274, %jit3A_275, %jit3A_272 : i32
      %rem3A_277 = arith.remsi %add3A_247, %select_n3A_276 : i32
      %ne3A_278 = arith.constant 0 : i32
      %ne3A_279 = arith.cmpi ne, %rem3A_277, %ne3A_278 : i32
      %lt3A_280 = arith.constant 0 : i32
      %lt3A_281 = arith.cmpi slt, %rem3A_277, %lt3A_280 : i32
      %lt3A_282 = arith.constant 0 : i32
      %lt3A_283 = arith.cmpi slt, %select_n3A_276, %lt3A_282 : i32
      %ne3A_284 = arith.xori %lt3A_281, %lt3A_283 : i1
      %and3A_285 = arith.andi %ne3A_284, %ne3A_279 : i1
      %add3A_286 = arith.addi %rem3A_277, %select_n3A_276 : i32
      %select_n3A_287 = arith.select %and3A_285, %add3A_286, %rem3A_277 : i32
      %dma_start3A_288 = arith.constant 0 : i32
      %dma_start3A_289 = tpu.memref_slice %arg4[%select_n3A_271, %select_n3A_287, %multiple_of3A, %dma_start3A_288] : memref<4x96x384x384xf32, #tpu.memory_space<hbm>> -> memref<1x1x48x384xf32, #tpu.memory_space<hbm>>
      %dma_start3A_290 = tpu.memref_squeeze %dma_start3A_289 : memref<1x1x48x384xf32, #tpu.memory_space<hbm>> -> memref<48x384xf32, #tpu.memory_space<hbm>>
      %dma_start3A_291 = arith.constant 0 : i32
      %dma_start3A_292 = tpu.memref_slice %arg4[%select_n3A_271, %select_n3A_287, %multiple_of3A, %dma_start3A_291] : memref<4x96x384x384xf32, #tpu.memory_space<hbm>> -> memref<1x1x48x384xf32, #tpu.memory_space<hbm>>
      %dma_start3A_293 = tpu.memref_squeeze %dma_start3A_292 : memref<1x1x48x384xf32, #tpu.memory_space<hbm>> -> memref<48x384xf32, #tpu.memory_space<hbm>>
      tpu.enqueue_dma source(%arg9 : memref<48x384xf32, #tpu.memory_space<vmem>>) target(%dma_start3A_293 : memref<48x384xf32, #tpu.memory_space<hbm>>) target_semaphore(%arg13 : memref<!tpu.dma_semaphore, #tpu.memory_space<semaphore_mem>>)
      %add3A_294 = arith.constant 3 : i32
      %add3A_295 = arith.addi %mul3A_2, %add3A_294 : i32
      %jit3A_296 = arith.constant 96 : i32
      %div3A_297 = arith.divsi %add3A_295, %jit3A_296 : i32
      %sign3A_298 = arith.constant 0 : i32
      %sign3A_299 = arith.cmpi sgt, %add3A_295, %sign3A_298 : i32
      %sign3A_300 = arith.extui %sign3A_299 : i1 to i32
      %sign3A_301 = arith.constant 0 : i32
      %sign3A_302 = arith.cmpi slt, %add3A_295, %sign3A_301 : i32
      %sign3A_303 = arith.extui %sign3A_302 : i1 to i32
      %sign3A_304 = arith.subi %sign3A_300, %sign3A_303 : i32
      %sign3A_305 = arith.constant 0 : i32
      %sign3A_306 = arith.cmpi sgt, %jit3A_296, %sign3A_305 : i32
      %sign3A_307 = arith.extui %sign3A_306 : i1 to i32
      %sign3A_308 = arith.constant 0 : i32
      %sign3A_309 = arith.cmpi slt, %jit3A_296, %sign3A_308 : i32
      %sign3A_310 = arith.extui %sign3A_309 : i1 to i32
      %sign3A_311 = arith.subi %sign3A_307, %sign3A_310 : i32
      %ne3A_312 = arith.cmpi ne, %sign3A_304, %sign3A_311 : i32
      %rem3A_313 = arith.remsi %add3A_295, %jit3A_296 : i32
      %ne3A_314 = arith.constant 0 : i32
      %ne3A_315 = arith.cmpi ne, %rem3A_313, %ne3A_314 : i32
      %and3A_316 = arith.andi %ne3A_312, %ne3A_315 : i1
      %sub3A_317 = arith.constant 1 : i32
      %sub3A_318 = arith.subi %div3A_297, %sub3A_317 : i32
      %select_n3A_319 = arith.select %and3A_316, %sub3A_318, %div3A_297 : i32
      %jit3A_320 = arith.constant 96 : i32
      %eq3A_321 = arith.constant 0 : i32
      %eq3A_322 = arith.cmpi eq, %jit3A_320, %eq3A_321 : i32
      %jit3A_323 = arith.constant 1 : i32
      %select_n3A_324 = arith.select %eq3A_322, %jit3A_323, %jit3A_320 : i32
      %rem3A_325 = arith.remsi %add3A_295, %select_n3A_324 : i32
      %ne3A_326 = arith.constant 0 : i32
      %ne3A_327 = arith.cmpi ne, %rem3A_325, %ne3A_326 : i32
      %lt3A_328 = arith.constant 0 : i32
      %lt3A_329 = arith.cmpi slt, %rem3A_325, %lt3A_328 : i32
      %lt3A_330 = arith.constant 0 : i32
      %lt3A_331 = arith.cmpi slt, %select_n3A_324, %lt3A_330 : i32
      %ne3A_332 = arith.xori %lt3A_329, %lt3A_331 : i1
      %and3A_333 = arith.andi %ne3A_332, %ne3A_327 : i1
      %add3A_334 = arith.addi %rem3A_325, %select_n3A_324 : i32
      %select_n3A_335 = arith.select %and3A_333, %add3A_334, %rem3A_325 : i32
      %dma_start3A_336 = arith.constant 0 : i32
      %dma_start3A_337 = arith.constant 0 : i32
      %dma_start3A_338 = tpu.memref_slice %arg7[%dma_start3A_336, %dma_start3A_337] : memref<64x512xf32, #tpu.memory_space<vmem>> -> memref<64x384xf32, #tpu.memory_space<vmem>>
      %dma_start3A_339 = arith.constant 0 : i32
      %dma_start3A_340 = tpu.memref_slice %arg2[%select_n3A_319, %select_n3A_335, %multiple_of3A_13, %dma_start3A_339] : memref<4x96x384x384xf32, #tpu.memory_space<hbm>> -> memref<1x1x64x384xf32, #tpu.memory_space<hbm>>
      %dma_start3A_341 = tpu.memref_squeeze %dma_start3A_340 : memref<1x1x64x384xf32, #tpu.memory_space<hbm>> -> memref<64x384xf32, #tpu.memory_space<hbm>>
      %dma_start3A_342 = arith.constant 0 : i32
      %dma_start3A_343 = arith.constant 0 : i32
      %dma_start3A_344 = tpu.memref_slice %arg7[%dma_start3A_342, %dma_start3A_343] : memref<64x512xf32, #tpu.memory_space<vmem>> -> memref<64x384xf32, #tpu.memory_space<vmem>>
      %dma_start3A_345 = arith.constant 0 : i32
      %dma_start3A_346 = tpu.memref_slice %arg2[%select_n3A_319, %select_n3A_335, %multiple_of3A_13, %dma_start3A_345] : memref<4x96x384x384xf32, #tpu.memory_space<hbm>> -> memref<1x1x64x384xf32, #tpu.memory_space<hbm>>
      %dma_start3A_347 = tpu.memref_squeeze %dma_start3A_346 : memref<1x1x64x384xf32, #tpu.memory_space<hbm>> -> memref<64x384xf32, #tpu.memory_space<hbm>>
      tpu.enqueue_dma source(%dma_start3A_347 : memref<64x384xf32, #tpu.memory_space<hbm>>) target(%dma_start3A_344 : memref<64x384xf32, #tpu.memory_space<vmem>>) target_semaphore(%arg11 : memref<!tpu.dma_semaphore, #tpu.memory_space<semaphore_mem>>)
      %dma_wait3A_348 = arith.constant 0 : i32
      %dma_wait3A_349 = arith.constant 0 : i32
      %dma_wait3A_350 = tpu.memref_slice %arg6[%dma_wait3A_348, %dma_wait3A_349] : memref<64x512xf32, #tpu.memory_space<vmem>> -> memref<64x384xf32, #tpu.memory_space<vmem>>
      %dma_wait3A_351 = arith.constant 0 : i32
      %dma_wait3A_352 = tpu.memref_slice %arg2[%select_n3A_202, %select_n3A_218, %multiple_of3A_13, %dma_wait3A_351] : memref<4x96x384x384xf32, #tpu.memory_space<hbm>> -> memref<1x1x64x384xf32, #tpu.memory_space<hbm>>
      %dma_wait3A_353 = tpu.memref_squeeze %dma_wait3A_352 : memref<1x1x64x384xf32, #tpu.memory_space<hbm>> -> memref<64x384xf32, #tpu.memory_space<hbm>>
      %dma_wait3A_354 = arith.constant 0 : i32
      %dma_wait3A_355 = arith.constant 0 : i32
      %dma_wait3A_356 = tpu.memref_slice %arg6[%dma_wait3A_354, %dma_wait3A_355] : memref<64x512xf32, #tpu.memory_space<vmem>> -> memref<64x384xf32, #tpu.memory_space<vmem>>
      %dma_wait3A_357 = arith.constant 0 : i32
      %dma_wait3A_358 = tpu.memref_slice %arg2[%select_n3A_202, %select_n3A_218, %multiple_of3A_13, %dma_wait3A_357] : memref<4x96x384x384xf32, #tpu.memory_space<hbm>> -> memref<1x1x64x384xf32, #tpu.memory_space<hbm>>
      %dma_wait3A_359 = tpu.memref_squeeze %dma_wait3A_358 : memref<1x1x64x384xf32, #tpu.memory_space<hbm>> -> memref<64x384xf32, #tpu.memory_space<hbm>>
      tpu.wait_dma2 semaphore(%arg10 : memref<!tpu.dma_semaphore, #tpu.memory_space<semaphore_mem>>) src(%dma_wait3A_359 : memref<64x384xf32, #tpu.memory_space<hbm>>) dst(%dma_wait3A_356 : memref<64x384xf32, #tpu.memory_space<vmem>>)
      %dma_wait3A_360 = arith.constant 0 : i32
      %dma_wait3A_361 = tpu.memref_slice %arg4[%select_n3A_154, %select_n3A_170, %multiple_of3A, %dma_wait3A_360] : memref<4x96x384x384xf32, #tpu.memory_space<hbm>> -> memref<1x1x48x384xf32, #tpu.memory_space<hbm>>
      %dma_wait3A_362 = tpu.memref_squeeze %dma_wait3A_361 : memref<1x1x48x384xf32, #tpu.memory_space<hbm>> -> memref<48x384xf32, #tpu.memory_space<hbm>>
      %dma_wait3A_363 = arith.constant 0 : i32
      %dma_wait3A_364 = tpu.memref_slice %arg4[%select_n3A_154, %select_n3A_170, %multiple_of3A, %dma_wait3A_363] : memref<4x96x384x384xf32, #tpu.memory_space<hbm>> -> memref<1x1x48x384xf32, #tpu.memory_space<hbm>>
      %dma_wait3A_365 = tpu.memref_squeeze %dma_wait3A_364 : memref<1x1x48x384xf32, #tpu.memory_space<hbm>> -> memref<48x384xf32, #tpu.memory_space<hbm>>
      tpu.wait_dma2 semaphore(%arg12 : memref<!tpu.dma_semaphore, #tpu.memory_space<semaphore_mem>>) src(%arg8 : memref<48x384xf32, #tpu.memory_space<vmem>>) dst(%dma_wait3A_365 : memref<48x384xf32, #tpu.memory_space<hbm>>)
      %parallel_loop3A_366 = arith.constant 0 : i32
      %parallel_loop3A_367 = arith.constant 24 : i32
      %parallel_loop3A_368 = arith.constant 1 : i32
      scf.for %parallel_loop3A_1482 = %parallel_loop3A_366 to %parallel_loop3A_367 step %parallel_loop3A_368  : i32 {
        %parallel_loop3A_1483 = arith.constant 768 : i32
        %parallel_loop3A_1484 = arith.muli %parallel_loop3A_1482, %parallel_loop3A_1483 : i32
        %parallel_loop3A_1485 = arith.constant 16 : i32
        %parallel_loop3A_1486 = arith.muli %parallel_loop3A_1482, %parallel_loop3A_1485 : i32
        %parallel_loop3A_1487 = arith.constant 0 : i32
        %parallel_loop3A_1488 = arith.constant 48 : i32
        %parallel_loop3A_1489 = arith.constant 1 : i32
        scf.for %parallel_loop3A_1490 = %parallel_loop3A_1487 to %parallel_loop3A_1488 step %parallel_loop3A_1489  : i32 {
          %parallel_loop3A_1491 = arith.constant 16 : i32
          %parallel_loop3A_1492 = arith.muli %parallel_loop3A_1490, %parallel_loop3A_1491 : i32
          %parallel_loop3A_1493 = arith.addi %parallel_loop3A_1484, %parallel_loop3A_1492 : i32
          %parallel_loop3A_1494 = arith.index_cast %parallel_loop3A_1493 : i32 to index
          %parallel_loop3A_1495 = tpu.vector_load %arg5[%parallel_loop3A_1494] {strides = array<i32>} : memref<18432xi32, #tpu.memory_space<vmem>>, vector<16xi32>,
          %parallel_loop3A_1496 = arith.constant 9 : i32
          %parallel_loop3A_1497 = vector.broadcast %parallel_loop3A_1496 : i32 to vector<16xi32>
          %parallel_loop3A_1498 = arith.shrsi %parallel_loop3A_1495, %parallel_loop3A_1497 : vector<16xi32>
          %parallel_loop3A_1499 = arith.constant 511 : i32
          %parallel_loop3A_1500 = vector.broadcast %parallel_loop3A_1499 : i32 to vector<16xi32>
          %parallel_loop3A_1501 = arith.andi %parallel_loop3A_1495, %parallel_loop3A_1500 : vector<16xi32>
          %parallel_loop3A_1502 = tpu.vector_load_idx %arg6[%parallel_loop3A_1498, %parallel_loop3A_1501] : memref<64x512xf32, #tpu.memory_space<vmem>>[vector<16xi32>, vector<16xi32>], vector<16xf32>,
          %parallel_loop3A_1503 = arith.index_cast %parallel_loop3A_1490 : i32 to index
          %parallel_loop3A_1504 = arith.index_cast %parallel_loop3A_1486 : i32 to index
          %parallel_loop3A_1505 = tpu.vector_load %arg8[%parallel_loop3A_1503, %parallel_loop3A_1504] {strides = array<i32>} : memref<48x384xf32, #tpu.memory_space<vmem>>, vector<16xf32>,
          tpu.vector_store %arg8[%parallel_loop3A_1503, %parallel_loop3A_1504], %parallel_loop3A_1502 {strides = array<i32>} : memref<48x384xf32, #tpu.memory_space<vmem>>, vector<16xf32>,
        } {sc.loop_unroll_factor = 8 : i64, sc.parallel_access}
      } {sc.loop_unroll_factor = 1 : i64, sc.parallel_access}
      %add3A_369 = arith.constant 2 : i32
      %add3A_370 = arith.addi %mul3A_2, %add3A_369 : i32
      %jit3A_371 = arith.constant 96 : i32
      %div3A_372 = arith.divsi %add3A_370, %jit3A_371 : i32
      %sign3A_373 = arith.constant 0 : i32
      %sign3A_374 = arith.cmpi sgt, %add3A_370, %sign3A_373 : i32
      %sign3A_375 = arith.extui %sign3A_374 : i1 to i32
      %sign3A_376 = arith.constant 0 : i32
      %sign3A_377 = arith.cmpi slt, %add3A_370, %sign3A_376 : i32
      %sign3A_378 = arith.extui %sign3A_377 : i1 to i32
      %sign3A_379 = arith.subi %sign3A_375, %sign3A_378 : i32
      %sign3A_380 = arith.constant 0 : i32
      %sign3A_381 = arith.cmpi sgt, %jit3A_371, %sign3A_380 : i32
      %sign3A_382 = arith.extui %sign3A_381 : i1 to i32
      %sign3A_383 = arith.constant 0 : i32
      %sign3A_384 = arith.cmpi slt, %jit3A_371, %sign3A_383 : i32
      %sign3A_385 = arith.extui %sign3A_384 : i1 to i32
      %sign3A_386 = arith.subi %sign3A_382, %sign3A_385 : i32
      %ne3A_387 = arith.cmpi ne, %sign3A_379, %sign3A_386 : i32
      %rem3A_388 = arith.remsi %add3A_370, %jit3A_371 : i32
      %ne3A_389 = arith.constant 0 : i32
      %ne3A_390 = arith.cmpi ne, %rem3A_388, %ne3A_389 : i32
      %and3A_391 = arith.andi %ne3A_387, %ne3A_390 : i1
      %sub3A_392 = arith.constant 1 : i32
      %sub3A_393 = arith.subi %div3A_372, %sub3A_392 : i32
      %select_n3A_394 = arith.select %and3A_391, %sub3A_393, %div3A_372 : i32
      %jit3A_395 = arith.constant 96 : i32
      %eq3A_396 = arith.constant 0 : i32
      %eq3A_397 = arith.cmpi eq, %jit3A_395, %eq3A_396 : i32
      %jit3A_398 = arith.constant 1 : i32
      %select_n3A_399 = arith.select %eq3A_397, %jit3A_398, %jit3A_395 : i32
      %rem3A_400 = arith.remsi %add3A_370, %select_n3A_399 : i32
      %ne3A_401 = arith.constant 0 : i32
      %ne3A_402 = arith.cmpi ne, %rem3A_400, %ne3A_401 : i32
      %lt3A_403 = arith.constant 0 : i32
      %lt3A_404 = arith.cmpi slt, %rem3A_400, %lt3A_403 : i32
      %lt3A_405 = arith.constant 0 : i32
      %lt3A_406 = arith.cmpi slt, %select_n3A_399, %lt3A_405 : i32
      %ne3A_407 = arith.xori %lt3A_404, %lt3A_406 : i1
      %and3A_408 = arith.andi %ne3A_407, %ne3A_402 : i1
      %add3A_409 = arith.addi %rem3A_400, %select_n3A_399 : i32
      %select_n3A_410 = arith.select %and3A_408, %add3A_409, %rem3A_400 : i32
      %dma_start3A_411 = arith.constant 0 : i32
      %dma_start3A_412 = tpu.memref_slice %arg4[%select_n3A_394, %select_n3A_410, %multiple_of3A, %dma_start3A_411] : memref<4x96x384x384xf32, #tpu.memory_space<hbm>> -> memref<1x1x48x384xf32, #tpu.memory_space<hbm>>
      %dma_start3A_413 = tpu.memref_squeeze %dma_start3A_412 : memref<1x1x48x384xf32, #tpu.memory_space<hbm>> -> memref<48x384xf32, #tpu.memory_space<hbm>>
      %dma_start3A_414 = arith.constant 0 : i32
      %dma_start3A_415 = tpu.memref_slice %arg4[%select_n3A_394, %select_n3A_410, %multiple_of3A, %dma_start3A_414] : memref<4x96x384x384xf32, #tpu.memory_space<hbm>> -> memref<1x1x48x384xf32, #tpu.memory_space<hbm>>
      %dma_start3A_416 = tpu.memref_squeeze %dma_start3A_415 : memref<1x1x48x384xf32, #tpu.memory_space<hbm>> -> memref<48x384xf32, #tpu.memory_space<hbm>>
      tpu.enqueue_dma source(%arg8 : memref<48x384xf32, #tpu.memory_space<vmem>>) target(%dma_start3A_416 : memref<48x384xf32, #tpu.memory_space<hbm>>) target_semaphore(%arg12 : memref<!tpu.dma_semaphore, #tpu.memory_space<semaphore_mem>>)
      %add3A_417 = arith.constant 4 : i32
      %add3A_418 = arith.addi %mul3A_2, %add3A_417 : i32
      %jit3A_419 = arith.constant 96 : i32
      %div3A_420 = arith.divsi %add3A_418, %jit3A_419 : i32
      %sign3A_421 = arith.constant 0 : i32
      %sign3A_422 = arith.cmpi sgt, %add3A_418, %sign3A_421 : i32
      %sign3A_423 = arith.extui %sign3A_422 : i1 to i32
      %sign3A_424 = arith.constant 0 : i32
      %sign3A_425 = arith.cmpi slt, %add3A_418, %sign3A_424 : i32
      %sign3A_426 = arith.extui %sign3A_425 : i1 to i32
      %sign3A_427 = arith.subi %sign3A_423, %sign3A_426 : i32
      %sign3A_428 = arith.constant 0 : i32
      %sign3A_429 = arith.cmpi sgt, %jit3A_419, %sign3A_428 : i32
      %sign3A_430 = arith.extui %sign3A_429 : i1 to i32
      %sign3A_431 = arith.constant 0 : i32
      %sign3A_432 = arith.cmpi slt, %jit3A_419, %sign3A_431 : i32
      %sign3A_433 = arith.extui %sign3A_432 : i1 to i32
      %sign3A_434 = arith.subi %sign3A_430, %sign3A_433 : i32
      %ne3A_435 = arith.cmpi ne, %sign3A_427, %sign3A_434 : i32
      %rem3A_436 = arith.remsi %add3A_418, %jit3A_419 : i32
      %ne3A_437 = arith.constant 0 : i32
      %ne3A_438 = arith.cmpi ne, %rem3A_436, %ne3A_437 : i32
      %and3A_439 = arith.andi %ne3A_435, %ne3A_438 : i1
      %sub3A_440 = arith.constant 1 : i32
      %sub3A_441 = arith.subi %div3A_420, %sub3A_440 : i32
      %select_n3A_442 = arith.select %and3A_439, %sub3A_441, %div3A_420 : i32
      %jit3A_443 = arith.constant 96 : i32
      %eq3A_444 = arith.constant 0 : i32
      %eq3A_445 = arith.cmpi eq, %jit3A_443, %eq3A_444 : i32
      %jit3A_446 = arith.constant 1 : i32
      %select_n3A_447 = arith.select %eq3A_445, %jit3A_446, %jit3A_443 : i32
      %rem3A_448 = arith.remsi %add3A_418, %select_n3A_447 : i32
      %ne3A_449 = arith.constant 0 : i32
      %ne3A_450 = arith.cmpi ne, %rem3A_448, %ne3A_449 : i32
      %lt3A_451 = arith.constant 0 : i32
      %lt3A_452 = arith.cmpi slt, %rem3A_448, %lt3A_451 : i32
      %lt3A_453 = arith.constant 0 : i32
      %lt3A_454 = arith.cmpi slt, %select_n3A_447, %lt3A_453 : i32
      %ne3A_455 = arith.xori %lt3A_452, %lt3A_454 : i1
      %and3A_456 = arith.andi %ne3A_455, %ne3A_450 : i1
      %add3A_457 = arith.addi %rem3A_448, %select_n3A_447 : i32
      %select_n3A_458 = arith.select %and3A_456, %add3A_457, %rem3A_448 : i32
      %dma_start3A_459 = arith.constant 0 : i32
      %dma_start3A_460 = arith.constant 0 : i32
      %dma_start3A_461 = tpu.memref_slice %arg6[%dma_start3A_459, %dma_start3A_460] : memref<64x512xf32, #tpu.memory_space<vmem>> -> memref<64x384xf32, #tpu.memory_space<vmem>>
      %dma_start3A_462 = arith.constant 0 : i32
      %dma_start3A_463 = tpu.memref_slice %arg2[%select_n3A_442, %select_n3A_458, %multiple_of3A_13, %dma_start3A_462] : memref<4x96x384x384xf32, #tpu.memory_space<hbm>> -> memref<1x1x64x384xf32, #tpu.memory_space<hbm>>
      %dma_start3A_464 = tpu.memref_squeeze %dma_start3A_463 : memref<1x1x64x384xf32, #tpu.memory_space<hbm>> -> memref<64x384xf32, #tpu.memory_space<hbm>>
      %dma_start3A_465 = arith.constant 0 : i32
      %dma_start3A_466 = arith.constant 0 : i32
      %dma_start3A_467 = tpu.memref_slice %arg6[%dma_start3A_465, %dma_start3A_466] : memref<64x512xf32, #tpu.memory_space<vmem>> -> memref<64x384xf32, #tpu.memory_space<vmem>>
      %dma_start3A_468 = arith.constant 0 : i32
      %dma_start3A_469 = tpu.memref_slice %arg2[%select_n3A_442, %select_n3A_458, %multiple_of3A_13, %dma_start3A_468] : memref<4x96x384x384xf32, #tpu.memory_space<hbm>> -> memref<1x1x64x384xf32, #tpu.memory_space<hbm>>
      %dma_start3A_470 = tpu.memref_squeeze %dma_start3A_469 : memref<1x1x64x384xf32, #tpu.memory_space<hbm>> -> memref<64x384xf32, #tpu.memory_space<hbm>>
      tpu.enqueue_dma source(%dma_start3A_470 : memref<64x384xf32, #tpu.memory_space<hbm>>) target(%dma_start3A_467 : memref<64x384xf32, #tpu.memory_space<vmem>>) target_semaphore(%arg10 : memref<!tpu.dma_semaphore, #tpu.memory_space<semaphore_mem>>)
      %dma_wait3A_471 = arith.constant 0 : i32
      %dma_wait3A_472 = arith.constant 0 : i32
      %dma_wait3A_473 = tpu.memref_slice %arg7[%dma_wait3A_471, %dma_wait3A_472] : memref<64x512xf32, #tpu.memory_space<vmem>> -> memref<64x384xf32, #tpu.memory_space<vmem>>
      %dma_wait3A_474 = arith.constant 0 : i32
      %dma_wait3A_475 = tpu.memref_slice %arg2[%select_n3A_319, %select_n3A_335, %multiple_of3A_13, %dma_wait3A_474] : memref<4x96x384x384xf32, #tpu.memory_space<hbm>> -> memref<1x1x64x384xf32, #tpu.memory_space<hbm>>
      %dma_wait3A_476 = tpu.memref_squeeze %dma_wait3A_475 : memref<1x1x64x384xf32, #tpu.memory_space<hbm>> -> memref<64x384xf32, #tpu.memory_space<hbm>>
      %dma_wait3A_477 = arith.constant 0 : i32
      %dma_wait3A_478 = arith.constant 0 : i32
      %dma_wait3A_479 = tpu.memref_slice %arg7[%dma_wait3A_477, %dma_wait3A_478] : memref<64x512xf32, #tpu.memory_space<vmem>> -> memref<64x384xf32, #tpu.memory_space<vmem>>
      %dma_wait3A_480 = arith.constant 0 : i32
      %dma_wait3A_481 = tpu.memref_slice %arg2[%select_n3A_319, %select_n3A_335, %multiple_of3A_13, %dma_wait3A_480] : memref<4x96x384x384xf32, #tpu.memory_space<hbm>> -> memref<1x1x64x384xf32, #tpu.memory_space<hbm>>
      %dma_wait3A_482 = tpu.memref_squeeze %dma_wait3A_481 : memref<1x1x64x384xf32, #tpu.memory_space<hbm>> -> memref<64x384xf32, #tpu.memory_space<hbm>>
      tpu.wait_dma2 semaphore(%arg11 : memref<!tpu.dma_semaphore, #tpu.memory_space<semaphore_mem>>) src(%dma_wait3A_482 : memref<64x384xf32, #tpu.memory_space<hbm>>) dst(%dma_wait3A_479 : memref<64x384xf32, #tpu.memory_space<vmem>>)
      %dma_wait3A_483 = arith.constant 0 : i32
      %dma_wait3A_484 = tpu.memref_slice %arg4[%select_n3A_271, %select_n3A_287, %multiple_of3A, %dma_wait3A_483] : memref<4x96x384x384xf32, #tpu.memory_space<hbm>> -> memref<1x1x48x384xf32, #tpu.memory_space<hbm>>
      %dma_wait3A_485 = tpu.memref_squeeze %dma_wait3A_484 : memref<1x1x48x384xf32, #tpu.memory_space<hbm>> -> memref<48x384xf32, #tpu.memory_space<hbm>>
      %dma_wait3A_486 = arith.constant 0 : i32
      %dma_wait3A_487 = tpu.memref_slice %arg4[%select_n3A_271, %select_n3A_287, %multiple_of3A, %dma_wait3A_486] : memref<4x96x384x384xf32, #tpu.memory_space<hbm>> -> memref<1x1x48x384xf32, #tpu.memory_space<hbm>>
      %dma_wait3A_488 = tpu.memref_squeeze %dma_wait3A_487 : memref<1x1x48x384xf32, #tpu.memory_space<hbm>> -> memref<48x384xf32, #tpu.memory_space<hbm>>
      tpu.wait_dma2 semaphore(%arg13 : memref<!tpu.dma_semaphore, #tpu.memory_space<semaphore_mem>>) src(%arg9 : memref<48x384xf32, #tpu.memory_space<vmem>>) dst(%dma_wait3A_488 : memref<48x384xf32, #tpu.memory_space<hbm>>)
      %parallel_loop3A_489 = arith.constant 0 : i32
      %parallel_loop3A_490 = arith.constant 24 : i32
      %parallel_loop3A_491 = arith.constant 1 : i32
      scf.for %parallel_loop3A_1482 = %parallel_loop3A_489 to %parallel_loop3A_490 step %parallel_loop3A_491  : i32 {
        %parallel_loop3A_1483 = arith.constant 768 : i32
        %parallel_loop3A_1484 = arith.muli %parallel_loop3A_1482, %parallel_loop3A_1483 : i32
        %parallel_loop3A_1485 = arith.constant 16 : i32
        %parallel_loop3A_1486 = arith.muli %parallel_loop3A_1482, %parallel_loop3A_1485 : i32
        %parallel_loop3A_1487 = arith.constant 0 : i32
        %parallel_loop3A_1488 = arith.constant 48 : i32
        %parallel_loop3A_1489 = arith.constant 1 : i32
        scf.for %parallel_loop3A_1490 = %parallel_loop3A_1487 to %parallel_loop3A_1488 step %parallel_loop3A_1489  : i32 {
          %parallel_loop3A_1491 = arith.constant 16 : i32
          %parallel_loop3A_1492 = arith.muli %parallel_loop3A_1490, %parallel_loop3A_1491 : i32
          %parallel_loop3A_1493 = arith.addi %parallel_loop3A_1484, %parallel_loop3A_1492 : i32
          %parallel_loop3A_1494 = arith.index_cast %parallel_loop3A_1493 : i32 to index
          %parallel_loop3A_1495 = tpu.vector_load %arg5[%parallel_loop3A_1494] {strides = array<i32>} : memref<18432xi32, #tpu.memory_space<vmem>>, vector<16xi32>,
          %parallel_loop3A_1496 = arith.constant 9 : i32
          %parallel_loop3A_1497 = vector.broadcast %parallel_loop3A_1496 : i32 to vector<16xi32>
          %parallel_loop3A_1498 = arith.shrsi %parallel_loop3A_1495, %parallel_loop3A_1497 : vector<16xi32>
          %parallel_loop3A_1499 = arith.constant 511 : i32
          %parallel_loop3A_1500 = vector.broadcast %parallel_loop3A_1499 : i32 to vector<16xi32>
          %parallel_loop3A_1501 = arith.andi %parallel_loop3A_1495, %parallel_loop3A_1500 : vector<16xi32>
          %parallel_loop3A_1502 = tpu.vector_load_idx %arg7[%parallel_loop3A_1498, %parallel_loop3A_1501] : memref<64x512xf32, #tpu.memory_space<vmem>>[vector<16xi32>, vector<16xi32>], vector<16xf32>,
          %parallel_loop3A_1503 = arith.index_cast %parallel_loop3A_1490 : i32 to index
          %parallel_loop3A_1504 = arith.index_cast %parallel_loop3A_1486 : i32 to index
          %parallel_loop3A_1505 = tpu.vector_load %arg9[%parallel_loop3A_1503, %parallel_loop3A_1504] {strides = array<i32>} : memref<48x384xf32, #tpu.memory_space<vmem>>, vector<16xf32>,
          tpu.vector_store %arg9[%parallel_loop3A_1503, %parallel_loop3A_1504], %parallel_loop3A_1502 {strides = array<i32>} : memref<48x384xf32, #tpu.memory_space<vmem>>, vector<16xf32>,
        } {sc.loop_unroll_factor = 8 : i64, sc.parallel_access}
      } {sc.loop_unroll_factor = 1 : i64, sc.parallel_access}
      %add3A_492 = arith.constant 3 : i32
      %add3A_493 = arith.addi %mul3A_2, %add3A_492 : i32
      %jit3A_494 = arith.constant 96 : i32
      %div3A_495 = arith.divsi %add3A_493, %jit3A_494 : i32
      %sign3A_496 = arith.constant 0 : i32
      %sign3A_497 = arith.cmpi sgt, %add3A_493, %sign3A_496 : i32
      %sign3A_498 = arith.extui %sign3A_497 : i1 to i32
      %sign3A_499 = arith.constant 0 : i32
      %sign3A_500 = arith.cmpi slt, %add3A_493, %sign3A_499 : i32
      %sign3A_501 = arith.extui %sign3A_500 : i1 to i32
      %sign3A_502 = arith.subi %sign3A_498, %sign3A_501 : i32
      %sign3A_503 = arith.constant 0 : i32
      %sign3A_504 = arith.cmpi sgt, %jit3A_494, %sign3A_503 : i32
      %sign3A_505 = arith.extui %sign3A_504 : i1 to i32
      %sign3A_506 = arith.constant 0 : i32
      %sign3A_507 = arith.cmpi slt, %jit3A_494, %sign3A_506 : i32
      %sign3A_508 = arith.extui %sign3A_507 : i1 to i32
      %sign3A_509 = arith.subi %sign3A_505, %sign3A_508 : i32
      %ne3A_510 = arith.cmpi ne, %sign3A_502, %sign3A_509 : i32
      %rem3A_511 = arith.remsi %add3A_493, %jit3A_494 : i32
      %ne3A_512 = arith.constant 0 : i32
      %ne3A_513 = arith.cmpi ne, %rem3A_511, %ne3A_512 : i32
      %and3A_514 = arith.andi %ne3A_510, %ne3A_513 : i1
      %sub3A_515 = arith.constant 1 : i32
      %sub3A_516 = arith.subi %div3A_495, %sub3A_515 : i32
      %select_n3A_517 = arith.select %and3A_514, %sub3A_516, %div3A_495 : i32
      %jit3A_518 = arith.constant 96 : i32
      %eq3A_519 = arith.constant 0 : i32
      %eq3A_520 = arith.cmpi eq, %jit3A_518, %eq3A_519 : i32
      %jit3A_521 = arith.constant 1 : i32
      %select_n3A_522 = arith.select %eq3A_520, %jit3A_521, %jit3A_518 : i32
      %rem3A_523 = arith.remsi %add3A_493, %select_n3A_522 : i32
      %ne3A_524 = arith.constant 0 : i32
      %ne3A_525 = arith.cmpi ne, %rem3A_523, %ne3A_524 : i32
      %lt3A_526 = arith.constant 0 : i32
      %lt3A_527 = arith.cmpi slt, %rem3A_523, %lt3A_526 : i32
      %lt3A_528 = arith.constant 0 : i32
      %lt3A_529 = arith.cmpi slt, %select_n3A_522, %lt3A_528 : i32
      %ne3A_530 = arith.xori %lt3A_527, %lt3A_529 : i1
      %and3A_531 = arith.andi %ne3A_530, %ne3A_525 : i1
      %add3A_532 = arith.addi %rem3A_523, %select_n3A_522 : i32
      %select_n3A_533 = arith.select %and3A_531, %add3A_532, %rem3A_523 : i32
      %dma_start3A_534 = arith.constant 0 : i32
      %dma_start3A_535 = tpu.memref_slice %arg4[%select_n3A_517, %select_n3A_533, %multiple_of3A, %dma_start3A_534] : memref<4x96x384x384xf32, #tpu.memory_space<hbm>> -> memref<1x1x48x384xf32, #tpu.memory_space<hbm>>
      %dma_start3A_536 = tpu.memref_squeeze %dma_start3A_535 : memref<1x1x48x384xf32, #tpu.memory_space<hbm>> -> memref<48x384xf32, #tpu.memory_space<hbm>>
      %dma_start3A_537 = arith.constant 0 : i32
      %dma_start3A_538 = tpu.memref_slice %arg4[%select_n3A_517, %select_n3A_533, %multiple_of3A, %dma_start3A_537] : memref<4x96x384x384xf32, #tpu.memory_space<hbm>> -> memref<1x1x48x384xf32, #tpu.memory_space<hbm>>
      %dma_start3A_539 = tpu.memref_squeeze %dma_start3A_538 : memref<1x1x48x384xf32, #tpu.memory_space<hbm>> -> memref<48x384xf32, #tpu.memory_space<hbm>>
      tpu.enqueue_dma source(%arg9 : memref<48x384xf32, #tpu.memory_space<vmem>>) target(%dma_start3A_539 : memref<48x384xf32, #tpu.memory_space<hbm>>) target_semaphore(%arg13 : memref<!tpu.dma_semaphore, #tpu.memory_space<semaphore_mem>>)
      %add3A_540 = arith.constant 5 : i32
      %add3A_541 = arith.addi %mul3A_2, %add3A_540 : i32
      %jit3A_542 = arith.constant 96 : i32
      %div3A_543 = arith.divsi %add3A_541, %jit3A_542 : i32
      %sign3A_544 = arith.constant 0 : i32
      %sign3A_545 = arith.cmpi sgt, %add3A_541, %sign3A_544 : i32
      %sign3A_546 = arith.extui %sign3A_545 : i1 to i32
      %sign3A_547 = arith.constant 0 : i32
      %sign3A_548 = arith.cmpi slt, %add3A_541, %sign3A_547 : i32
      %sign3A_549 = arith.extui %sign3A_548 : i1 to i32
      %sign3A_550 = arith.subi %sign3A_546, %sign3A_549 : i32
      %sign3A_551 = arith.constant 0 : i32
      %sign3A_552 = arith.cmpi sgt, %jit3A_542, %sign3A_551 : i32
      %sign3A_553 = arith.extui %sign3A_552 : i1 to i32
      %sign3A_554 = arith.constant 0 : i32
      %sign3A_555 = arith.cmpi slt, %jit3A_542, %sign3A_554 : i32
      %sign3A_556 = arith.extui %sign3A_555 : i1 to i32
      %sign3A_557 = arith.subi %sign3A_553, %sign3A_556 : i32
      %ne3A_558 = arith.cmpi ne, %sign3A_550, %sign3A_557 : i32
      %rem3A_559 = arith.remsi %add3A_541, %jit3A_542 : i32
      %ne3A_560 = arith.constant 0 : i32
      %ne3A_561 = arith.cmpi ne, %rem3A_559, %ne3A_560 : i32
      %and3A_562 = arith.andi %ne3A_558, %ne3A_561 : i1
      %sub3A_563 = arith.constant 1 : i32
      %sub3A_564 = arith.subi %div3A_543, %sub3A_563 : i32
      %select_n3A_565 = arith.select %and3A_562, %sub3A_564, %div3A_543 : i32
      %jit3A_566 = arith.constant 96 : i32
      %eq3A_567 = arith.constant 0 : i32
      %eq3A_568 = arith.cmpi eq, %jit3A_566, %eq3A_567 : i32
      %jit3A_569 = arith.constant 1 : i32
      %select_n3A_570 = arith.select %eq3A_568, %jit3A_569, %jit3A_566 : i32
      %rem3A_571 = arith.remsi %add3A_541, %select_n3A_570 : i32
      %ne3A_572 = arith.constant 0 : i32
      %ne3A_573 = arith.cmpi ne, %rem3A_571, %ne3A_572 : i32
      %lt3A_574 = arith.constant 0 : i32
      %lt3A_575 = arith.cmpi slt, %rem3A_571, %lt3A_574 : i32
      %lt3A_576 = arith.constant 0 : i32
      %lt3A_577 = arith.cmpi slt, %select_n3A_570, %lt3A_576 : i32
      %ne3A_578 = arith.xori %lt3A_575, %lt3A_577 : i1
      %and3A_579 = arith.andi %ne3A_578, %ne3A_573 : i1
      %add3A_580 = arith.addi %rem3A_571, %select_n3A_570 : i32
      %select_n3A_581 = arith.select %and3A_579, %add3A_580, %rem3A_571 : i32
      %dma_start3A_582 = arith.constant 0 : i32
      %dma_start3A_583 = arith.constant 0 : i32
      %dma_start3A_584 = tpu.memref_slice %arg7[%dma_start3A_582, %dma_start3A_583] : memref<64x512xf32, #tpu.memory_space<vmem>> -> memref<64x384xf32, #tpu.memory_space<vmem>>
      %dma_start3A_585 = arith.constant 0 : i32
      %dma_start3A_586 = tpu.memref_slice %arg2[%select_n3A_565, %select_n3A_581, %multiple_of3A_13, %dma_start3A_585] : memref<4x96x384x384xf32, #tpu.memory_space<hbm>> -> memref<1x1x64x384xf32, #tpu.memory_space<hbm>>
      %dma_start3A_587 = tpu.memref_squeeze %dma_start3A_586 : memref<1x1x64x384xf32, #tpu.memory_space<hbm>> -> memref<64x384xf32, #tpu.memory_space<hbm>>
      %dma_start3A_588 = arith.constant 0 : i32
      %dma_start3A_589 = arith.constant 0 : i32
      %dma_start3A_590 = tpu.memref_slice %arg7[%dma_start3A_588, %dma_start3A_589] : memref<64x512xf32, #tpu.memory_space<vmem>> -> memref<64x384xf32, #tpu.memory_space<vmem>>
      %dma_start3A_591 = arith.constant 0 : i32
      %dma_start3A_592 = tpu.memref_slice %arg2[%select_n3A_565, %select_n3A_581, %multiple_of3A_13, %dma_start3A_591] : memref<4x96x384x384xf32, #tpu.memory_space<hbm>> -> memref<1x1x64x384xf32, #tpu.memory_space<hbm>>
      %dma_start3A_593 = tpu.memref_squeeze %dma_start3A_592 : memref<1x1x64x384xf32, #tpu.memory_space<hbm>> -> memref<64x384xf32, #tpu.memory_space<hbm>>
      tpu.enqueue_dma source(%dma_start3A_593 : memref<64x384xf32, #tpu.memory_space<hbm>>) target(%dma_start3A_590 : memref<64x384xf32, #tpu.memory_space<vmem>>) target_semaphore(%arg11 : memref<!tpu.dma_semaphore, #tpu.memory_space<semaphore_mem>>)
      %dma_wait3A_594 = arith.constant 0 : i32
      %dma_wait3A_595 = arith.constant 0 : i32
      %dma_wait3A_596 = tpu.memref_slice %arg6[%dma_wait3A_594, %dma_wait3A_595] : memref<64x512xf32, #tpu.memory_space<vmem>> -> memref<64x384xf32, #tpu.memory_space<vmem>>
      %dma_wait3A_597 = arith.constant 0 : i32
      %dma_wait3A_598 = tpu.memref_slice %arg2[%select_n3A_442, %select_n3A_458, %multiple_of3A_13, %dma_wait3A_597] : memref<4x96x384x384xf32, #tpu.memory_space<hbm>> -> memref<1x1x64x384xf32, #tpu.memory_space<hbm>>
      %dma_wait3A_599 = tpu.memref_squeeze %dma_wait3A_598 : memref<1x1x64x384xf32, #tpu.memory_space<hbm>> -> memref<64x384xf32, #tpu.memory_space<hbm>>
      %dma_wait3A_600 = arith.constant 0 : i32
      %dma_wait3A_601 = arith.constant 0 : i32
      %dma_wait3A_602 = tpu.memref_slice %arg6[%dma_wait3A_600, %dma_wait3A_601] : memref<64x512xf32, #tpu.memory_space<vmem>> -> memref<64x384xf32, #tpu.memory_space<vmem>>
      %dma_wait3A_603 = arith.constant 0 : i32
      %dma_wait3A_604 = tpu.memref_slice %arg2[%select_n3A_442, %select_n3A_458, %multiple_of3A_13, %dma_wait3A_603] : memref<4x96x384x384xf32, #tpu.memory_space<hbm>> -> memref<1x1x64x384xf32, #tpu.memory_space<hbm>>
      %dma_wait3A_605 = tpu.memref_squeeze %dma_wait3A_604 : memref<1x1x64x384xf32, #tpu.memory_space<hbm>> -> memref<64x384xf32, #tpu.memory_space<hbm>>
      tpu.wait_dma2 semaphore(%arg10 : memref<!tpu.dma_semaphore, #tpu.memory_space<semaphore_mem>>) src(%dma_wait3A_605 : memref<64x384xf32, #tpu.memory_space<hbm>>) dst(%dma_wait3A_602 : memref<64x384xf32, #tpu.memory_space<vmem>>)
      %dma_wait3A_606 = arith.constant 0 : i32
      %dma_wait3A_607 = tpu.memref_slice %arg4[%select_n3A_394, %select_n3A_410, %multiple_of3A, %dma_wait3A_606] : memref<4x96x384x384xf32, #tpu.memory_space<hbm>> -> memref<1x1x48x384xf32, #tpu.memory_space<hbm>>
      %dma_wait3A_608 = tpu.memref_squeeze %dma_wait3A_607 : memref<1x1x48x384xf32, #tpu.memory_space<hbm>> -> memref<48x384xf32, #tpu.memory_space<hbm>>
      %dma_wait3A_609 = arith.constant 0 : i32
      %dma_wait3A_610 = tpu.memref_slice %arg4[%select_n3A_394, %select_n3A_410, %multiple_of3A, %dma_wait3A_609] : memref<4x96x384x384xf32, #tpu.memory_space<hbm>> -> memref<1x1x48x384xf32, #tpu.memory_space<hbm>>
      %dma_wait3A_611 = tpu.memref_squeeze %dma_wait3A_610 : memref<1x1x48x384xf32, #tpu.memory_space<hbm>> -> memref<48x384xf32, #tpu.memory_space<hbm>>
      tpu.wait_dma2 semaphore(%arg12 : memref<!tpu.dma_semaphore, #tpu.memory_space<semaphore_mem>>) src(%arg8 : memref<48x384xf32, #tpu.memory_space<vmem>>) dst(%dma_wait3A_611 : memref<48x384xf32, #tpu.memory_space<hbm>>)
      %parallel_loop3A_612 = arith.constant 0 : i32
      %parallel_loop3A_613 = arith.constant 24 : i32
      %parallel_loop3A_614 = arith.constant 1 : i32
      scf.for %parallel_loop3A_1482 = %parallel_loop3A_612 to %parallel_loop3A_613 step %parallel_loop3A_614  : i32 {
        %parallel_loop3A_1483 = arith.constant 768 : i32
        %parallel_loop3A_1484 = arith.muli %parallel_loop3A_1482, %parallel_loop3A_1483 : i32
        %parallel_loop3A_1485 = arith.constant 16 : i32
        %parallel_loop3A_1486 = arith.muli %parallel_loop3A_1482, %parallel_loop3A_1485 : i32
        %parallel_loop3A_1487 = arith.constant 0 : i32
        %parallel_loop3A_1488 = arith.constant 48 : i32
        %parallel_loop3A_1489 = arith.constant 1 : i32
        scf.for %parallel_loop3A_1490 = %parallel_loop3A_1487 to %parallel_loop3A_1488 step %parallel_loop3A_1489  : i32 {
          %parallel_loop3A_1491 = arith.constant 16 : i32
          %parallel_loop3A_1492 = arith.muli %parallel_loop3A_1490, %parallel_loop3A_1491 : i32
          %parallel_loop3A_1493 = arith.addi %parallel_loop3A_1484, %parallel_loop3A_1492 : i32
          %parallel_loop3A_1494 = arith.index_cast %parallel_loop3A_1493 : i32 to index
          %parallel_loop3A_1495 = tpu.vector_load %arg5[%parallel_loop3A_1494] {strides = array<i32>} : memref<18432xi32, #tpu.memory_space<vmem>>, vector<16xi32>,
          %parallel_loop3A_1496 = arith.constant 9 : i32
          %parallel_loop3A_1497 = vector.broadcast %parallel_loop3A_1496 : i32 to vector<16xi32>
          %parallel_loop3A_1498 = arith.shrsi %parallel_loop3A_1495, %parallel_loop3A_1497 : vector<16xi32>
          %parallel_loop3A_1499 = arith.constant 511 : i32
          %parallel_loop3A_1500 = vector.broadcast %parallel_loop3A_1499 : i32 to vector<16xi32>
          %parallel_loop3A_1501 = arith.andi %parallel_loop3A_1495, %parallel_loop3A_1500 : vector<16xi32>
          %parallel_loop3A_1502 = tpu.vector_load_idx %arg6[%parallel_loop3A_1498, %parallel_loop3A_1501] : memref<64x512xf32, #tpu.memory_space<vmem>>[vector<16xi32>, vector<16xi32>], vector<16xf32>,
          %parallel_loop3A_1503 = arith.index_cast %parallel_loop3A_1490 : i32 to index
          %parallel_loop3A_1504 = arith.index_cast %parallel_loop3A_1486 : i32 to index
          %parallel_loop3A_1505 = tpu.vector_load %arg8[%parallel_loop3A_1503, %parallel_loop3A_1504] {strides = array<i32>} : memref<48x384xf32, #tpu.memory_space<vmem>>, vector<16xf32>,
          tpu.vector_store %arg8[%parallel_loop3A_1503, %parallel_loop3A_1504], %parallel_loop3A_1502 {strides = array<i32>} : memref<48x384xf32, #tpu.memory_space<vmem>>, vector<16xf32>,
        } {sc.loop_unroll_factor = 8 : i64, sc.parallel_access}
      } {sc.loop_unroll_factor = 1 : i64, sc.parallel_access}
      %add3A_615 = arith.constant 4 : i32
      %add3A_616 = arith.addi %mul3A_2, %add3A_615 : i32
      %jit3A_617 = arith.constant 96 : i32
      %div3A_618 = arith.divsi %add3A_616, %jit3A_617 : i32
      %sign3A_619 = arith.constant 0 : i32
      %sign3A_620 = arith.cmpi sgt, %add3A_616, %sign3A_619 : i32
      %sign3A_621 = arith.extui %sign3A_620 : i1 to i32
      %sign3A_622 = arith.constant 0 : i32
      %sign3A_623 = arith.cmpi slt, %add3A_616, %sign3A_622 : i32
      %sign3A_624 = arith.extui %sign3A_623 : i1 to i32
      %sign3A_625 = arith.subi %sign3A_621, %sign3A_624 : i32
      %sign3A_626 = arith.constant 0 : i32
      %sign3A_627 = arith.cmpi sgt, %jit3A_617, %sign3A_626 : i32
      %sign3A_628 = arith.extui %sign3A_627 : i1 to i32
      %sign3A_629 = arith.constant 0 : i32
      %sign3A_630 = arith.cmpi slt, %jit3A_617, %sign3A_629 : i32
      %sign3A_631 = arith.extui %sign3A_630 : i1 to i32
      %sign3A_632 = arith.subi %sign3A_628, %sign3A_631 : i32
      %ne3A_633 = arith.cmpi ne, %sign3A_625, %sign3A_632 : i32
      %rem3A_634 = arith.remsi %add3A_616, %jit3A_617 : i32
      %ne3A_635 = arith.constant 0 : i32
      %ne3A_636 = arith.cmpi ne, %rem3A_634, %ne3A_635 : i32
      %and3A_637 = arith.andi %ne3A_633, %ne3A_636 : i1
      %sub3A_638 = arith.constant 1 : i32
      %sub3A_639 = arith.subi %div3A_618, %sub3A_638 : i32
      %select_n3A_640 = arith.select %and3A_637, %sub3A_639, %div3A_618 : i32
      %jit3A_641 = arith.constant 96 : i32
      %eq3A_642 = arith.constant 0 : i32
      %eq3A_643 = arith.cmpi eq, %jit3A_641, %eq3A_642 : i32
      %jit3A_644 = arith.constant 1 : i32
      %select_n3A_645 = arith.select %eq3A_643, %jit3A_644, %jit3A_641 : i32
      %rem3A_646 = arith.remsi %add3A_616, %select_n3A_645 : i32
      %ne3A_647 = arith.constant 0 : i32
      %ne3A_648 = arith.cmpi ne, %rem3A_646, %ne3A_647 : i32
      %lt3A_649 = arith.constant 0 : i32
      %lt3A_650 = arith.cmpi slt, %rem3A_646, %lt3A_649 : i32
      %lt3A_651 = arith.constant 0 : i32
      %lt3A_652 = arith.cmpi slt, %select_n3A_645, %lt3A_651 : i32
      %ne3A_653 = arith.xori %lt3A_650, %lt3A_652 : i1
      %and3A_654 = arith.andi %ne3A_653, %ne3A_648 : i1
      %add3A_655 = arith.addi %rem3A_646, %select_n3A_645 : i32
      %select_n3A_656 = arith.select %and3A_654, %add3A_655, %rem3A_646 : i32
      %dma_start3A_657 = arith.constant 0 : i32
      %dma_start3A_658 = tpu.memref_slice %arg4[%select_n3A_640, %select_n3A_656, %multiple_of3A, %dma_start3A_657] : memref<4x96x384x384xf32, #tpu.memory_space<hbm>> -> memref<1x1x48x384xf32, #tpu.memory_space<hbm>>
      %dma_start3A_659 = tpu.memref_squeeze %dma_start3A_658 : memref<1x1x48x384xf32, #tpu.memory_space<hbm>> -> memref<48x384xf32, #tpu.memory_space<hbm>>
      %dma_start3A_660 = arith.constant 0 : i32
      %dma_start3A_661 = tpu.memref_slice %arg4[%select_n3A_640, %select_n3A_656, %multiple_of3A, %dma_start3A_660] : memref<4x96x384x384xf32, #tpu.memory_space<hbm>> -> memref<1x1x48x384xf32, #tpu.memory_space<hbm>>
      %dma_start3A_662 = tpu.memref_squeeze %dma_start3A_661 : memref<1x1x48x384xf32, #tpu.memory_space<hbm>> -> memref<48x384xf32, #tpu.memory_space<hbm>>
      tpu.enqueue_dma source(%arg8 : memref<48x384xf32, #tpu.memory_space<vmem>>) target(%dma_start3A_662 : memref<48x384xf32, #tpu.memory_space<hbm>>) target_semaphore(%arg12 : memref<!tpu.dma_semaphore, #tpu.memory_space<semaphore_mem>>)
      %add3A_663 = arith.constant 6 : i32
      %add3A_664 = arith.addi %mul3A_2, %add3A_663 : i32
      %jit3A_665 = arith.constant 96 : i32
      %div3A_666 = arith.divsi %add3A_664, %jit3A_665 : i32
      %sign3A_667 = arith.constant 0 : i32
      %sign3A_668 = arith.cmpi sgt, %add3A_664, %sign3A_667 : i32
      %sign3A_669 = arith.extui %sign3A_668 : i1 to i32
      %sign3A_670 = arith.constant 0 : i32
      %sign3A_671 = arith.cmpi slt, %add3A_664, %sign3A_670 : i32
      %sign3A_672 = arith.extui %sign3A_671 : i1 to i32
      %sign3A_673 = arith.subi %sign3A_669, %sign3A_672 : i32
      %sign3A_674 = arith.constant 0 : i32
      %sign3A_675 = arith.cmpi sgt, %jit3A_665, %sign3A_674 : i32
      %sign3A_676 = arith.extui %sign3A_675 : i1 to i32
      %sign3A_677 = arith.constant 0 : i32
      %sign3A_678 = arith.cmpi slt, %jit3A_665, %sign3A_677 : i32
      %sign3A_679 = arith.extui %sign3A_678 : i1 to i32
      %sign3A_680 = arith.subi %sign3A_676, %sign3A_679 : i32
      %ne3A_681 = arith.cmpi ne, %sign3A_673, %sign3A_680 : i32
      %rem3A_682 = arith.remsi %add3A_664, %jit3A_665 : i32
      %ne3A_683 = arith.constant 0 : i32
      %ne3A_684 = arith.cmpi ne, %rem3A_682, %ne3A_683 : i32
      %and3A_685 = arith.andi %ne3A_681, %ne3A_684 : i1
      %sub3A_686 = arith.constant 1 : i32
      %sub3A_687 = arith.subi %div3A_666, %sub3A_686 : i32
      %select_n3A_688 = arith.select %and3A_685, %sub3A_687, %div3A_666 : i32
      %jit3A_689 = arith.constant 96 : i32
      %eq3A_690 = arith.constant 0 : i32
      %eq3A_691 = arith.cmpi eq, %jit3A_689, %eq3A_690 : i32
      %jit3A_692 = arith.constant 1 : i32
      %select_n3A_693 = arith.select %eq3A_691, %jit3A_692, %jit3A_689 : i32
      %rem3A_694 = arith.remsi %add3A_664, %select_n3A_693 : i32
      %ne3A_695 = arith.constant 0 : i32
      %ne3A_696 = arith.cmpi ne, %rem3A_694, %ne3A_695 : i32
      %lt3A_697 = arith.constant 0 : i32
      %lt3A_698 = arith.cmpi slt, %rem3A_694, %lt3A_697 : i32
      %lt3A_699 = arith.constant 0 : i32
      %lt3A_700 = arith.cmpi slt, %select_n3A_693, %lt3A_699 : i32
      %ne3A_701 = arith.xori %lt3A_698, %lt3A_700 : i1
      %and3A_702 = arith.andi %ne3A_701, %ne3A_696 : i1
      %add3A_703 = arith.addi %rem3A_694, %select_n3A_693 : i32
      %select_n3A_704 = arith.select %and3A_702, %add3A_703, %rem3A_694 : i32
      %dma_start3A_705 = arith.constant 0 : i32
      %dma_start3A_706 = arith.constant 0 : i32
      %dma_start3A_707 = tpu.memref_slice %arg6[%dma_start3A_705, %dma_start3A_706] : memref<64x512xf32, #tpu.memory_space<vmem>> -> memref<64x384xf32, #tpu.memory_space<vmem>>
      %dma_start3A_708 = arith.constant 0 : i32
      %dma_start3A_709 = tpu.memref_slice %arg2[%select_n3A_688, %select_n3A_704, %multiple_of3A_13, %dma_start3A_708] : memref<4x96x384x384xf32, #tpu.memory_space<hbm>> -> memref<1x1x64x384xf32, #tpu.memory_space<hbm>>
      %dma_start3A_710 = tpu.memref_squeeze %dma_start3A_709 : memref<1x1x64x384xf32, #tpu.memory_space<hbm>> -> memref<64x384xf32, #tpu.memory_space<hbm>>
      %dma_start3A_711 = arith.constant 0 : i32
      %dma_start3A_712 = arith.constant 0 : i32
      %dma_start3A_713 = tpu.memref_slice %arg6[%dma_start3A_711, %dma_start3A_712] : memref<64x512xf32, #tpu.memory_space<vmem>> -> memref<64x384xf32, #tpu.memory_space<vmem>>
      %dma_start3A_714 = arith.constant 0 : i32
      %dma_start3A_715 = tpu.memref_slice %arg2[%select_n3A_688, %select_n3A_704, %multiple_of3A_13, %dma_start3A_714] : memref<4x96x384x384xf32, #tpu.memory_space<hbm>> -> memref<1x1x64x384xf32, #tpu.memory_space<hbm>>
      %dma_start3A_716 = tpu.memref_squeeze %dma_start3A_715 : memref<1x1x64x384xf32, #tpu.memory_space<hbm>> -> memref<64x384xf32, #tpu.memory_space<hbm>>
      tpu.enqueue_dma source(%dma_start3A_716 : memref<64x384xf32, #tpu.memory_space<hbm>>) target(%dma_start3A_713 : memref<64x384xf32, #tpu.memory_space<vmem>>) target_semaphore(%arg10 : memref<!tpu.dma_semaphore, #tpu.memory_space<semaphore_mem>>)
      %dma_wait3A_717 = arith.constant 0 : i32
      %dma_wait3A_718 = arith.constant 0 : i32
      %dma_wait3A_719 = tpu.memref_slice %arg7[%dma_wait3A_717, %dma_wait3A_718] : memref<64x512xf32, #tpu.memory_space<vmem>> -> memref<64x384xf32, #tpu.memory_space<vmem>>
      %dma_wait3A_720 = arith.constant 0 : i32
      %dma_wait3A_721 = tpu.memref_slice %arg2[%select_n3A_565, %select_n3A_581, %multiple_of3A_13, %dma_wait3A_720] : memref<4x96x384x384xf32, #tpu.memory_space<hbm>> -> memref<1x1x64x384xf32, #tpu.memory_space<hbm>>
      %dma_wait3A_722 = tpu.memref_squeeze %dma_wait3A_721 : memref<1x1x64x384xf32, #tpu.memory_space<hbm>> -> memref<64x384xf32, #tpu.memory_space<hbm>>
      %dma_wait3A_723 = arith.constant 0 : i32
      %dma_wait3A_724 = arith.constant 0 : i32
      %dma_wait3A_725 = tpu.memref_slice %arg7[%dma_wait3A_723, %dma_wait3A_724] : memref<64x512xf32, #tpu.memory_space<vmem>> -> memref<64x384xf32, #tpu.memory_space<vmem>>
      %dma_wait3A_726 = arith.constant 0 : i32
      %dma_wait3A_727 = tpu.memref_slice %arg2[%select_n3A_565, %select_n3A_581, %multiple_of3A_13, %dma_wait3A_726] : memref<4x96x384x384xf32, #tpu.memory_space<hbm>> -> memref<1x1x64x384xf32, #tpu.memory_space<hbm>>
      %dma_wait3A_728 = tpu.memref_squeeze %dma_wait3A_727 : memref<1x1x64x384xf32, #tpu.memory_space<hbm>> -> memref<64x384xf32, #tpu.memory_space<hbm>>
      tpu.wait_dma2 semaphore(%arg11 : memref<!tpu.dma_semaphore, #tpu.memory_space<semaphore_mem>>) src(%dma_wait3A_728 : memref<64x384xf32, #tpu.memory_space<hbm>>) dst(%dma_wait3A_725 : memref<64x384xf32, #tpu.memory_space<vmem>>)
      %dma_wait3A_729 = arith.constant 0 : i32
      %dma_wait3A_730 = tpu.memref_slice %arg4[%select_n3A_517, %select_n3A_533, %multiple_of3A, %dma_wait3A_729] : memref<4x96x384x384xf32, #tpu.memory_space<hbm>> -> memref<1x1x48x384xf32, #tpu.memory_space<hbm>>
      %dma_wait3A_731 = tpu.memref_squeeze %dma_wait3A_730 : memref<1x1x48x384xf32, #tpu.memory_space<hbm>> -> memref<48x384xf32, #tpu.memory_space<hbm>>
      %dma_wait3A_732 = arith.constant 0 : i32
      %dma_wait3A_733 = tpu.memref_slice %arg4[%select_n3A_517, %select_n3A_533, %multiple_of3A, %dma_wait3A_732] : memref<4x96x384x384xf32, #tpu.memory_space<hbm>> -> memref<1x1x48x384xf32, #tpu.memory_space<hbm>>
      %dma_wait3A_734 = tpu.memref_squeeze %dma_wait3A_733 : memref<1x1x48x384xf32, #tpu.memory_space<hbm>> -> memref<48x384xf32, #tpu.memory_space<hbm>>
      tpu.wait_dma2 semaphore(%arg13 : memref<!tpu.dma_semaphore, #tpu.memory_space<semaphore_mem>>) src(%arg9 : memref<48x384xf32, #tpu.memory_space<vmem>>) dst(%dma_wait3A_734 : memref<48x384xf32, #tpu.memory_space<hbm>>)
      %parallel_loop3A_735 = arith.constant 0 : i32
      %parallel_loop3A_736 = arith.constant 24 : i32
      %parallel_loop3A_737 = arith.constant 1 : i32
      scf.for %parallel_loop3A_1482 = %parallel_loop3A_735 to %parallel_loop3A_736 step %parallel_loop3A_737  : i32 {
        %parallel_loop3A_1483 = arith.constant 768 : i32
        %parallel_loop3A_1484 = arith.muli %parallel_loop3A_1482, %parallel_loop3A_1483 : i32
        %parallel_loop3A_1485 = arith.constant 16 : i32
        %parallel_loop3A_1486 = arith.muli %parallel_loop3A_1482, %parallel_loop3A_1485 : i32
        %parallel_loop3A_1487 = arith.constant 0 : i32
        %parallel_loop3A_1488 = arith.constant 48 : i32
        %parallel_loop3A_1489 = arith.constant 1 : i32
        scf.for %parallel_loop3A_1490 = %parallel_loop3A_1487 to %parallel_loop3A_1488 step %parallel_loop3A_1489  : i32 {
          %parallel_loop3A_1491 = arith.constant 16 : i32
          %parallel_loop3A_1492 = arith.muli %parallel_loop3A_1490, %parallel_loop3A_1491 : i32
          %parallel_loop3A_1493 = arith.addi %parallel_loop3A_1484, %parallel_loop3A_1492 : i32
          %parallel_loop3A_1494 = arith.index_cast %parallel_loop3A_1493 : i32 to index
          %parallel_loop3A_1495 = tpu.vector_load %arg5[%parallel_loop3A_1494] {strides = array<i32>} : memref<18432xi32, #tpu.memory_space<vmem>>, vector<16xi32>,
          %parallel_loop3A_1496 = arith.constant 9 : i32
          %parallel_loop3A_1497 = vector.broadcast %parallel_loop3A_1496 : i32 to vector<16xi32>
          %parallel_loop3A_1498 = arith.shrsi %parallel_loop3A_1495, %parallel_loop3A_1497 : vector<16xi32>
          %parallel_loop3A_1499 = arith.constant 511 : i32
          %parallel_loop3A_1500 = vector.broadcast %parallel_loop3A_1499 : i32 to vector<16xi32>
          %parallel_loop3A_1501 = arith.andi %parallel_loop3A_1495, %parallel_loop3A_1500 : vector<16xi32>
          %parallel_loop3A_1502 = tpu.vector_load_idx %arg7[%parallel_loop3A_1498, %parallel_loop3A_1501] : memref<64x512xf32, #tpu.memory_space<vmem>>[vector<16xi32>, vector<16xi32>], vector<16xf32>,
          %parallel_loop3A_1503 = arith.index_cast %parallel_loop3A_1490 : i32 to index
          %parallel_loop3A_1504 = arith.index_cast %parallel_loop3A_1486 : i32 to index
          %parallel_loop3A_1505 = tpu.vector_load %arg9[%parallel_loop3A_1503, %parallel_loop3A_1504] {strides = array<i32>} : memref<48x384xf32, #tpu.memory_space<vmem>>, vector<16xf32>,
          tpu.vector_store %arg9[%parallel_loop3A_1503, %parallel_loop3A_1504], %parallel_loop3A_1502 {strides = array<i32>} : memref<48x384xf32, #tpu.memory_space<vmem>>, vector<16xf32>,
        } {sc.loop_unroll_factor = 8 : i64, sc.parallel_access}
      } {sc.loop_unroll_factor = 1 : i64, sc.parallel_access}
      %add3A_738 = arith.constant 5 : i32
      %add3A_739 = arith.addi %mul3A_2, %add3A_738 : i32
      %jit3A_740 = arith.constant 96 : i32
      %div3A_741 = arith.divsi %add3A_739, %jit3A_740 : i32
      %sign3A_742 = arith.constant 0 : i32
      %sign3A_743 = arith.cmpi sgt, %add3A_739, %sign3A_742 : i32
      %sign3A_744 = arith.extui %sign3A_743 : i1 to i32
      %sign3A_745 = arith.constant 0 : i32
      %sign3A_746 = arith.cmpi slt, %add3A_739, %sign3A_745 : i32
      %sign3A_747 = arith.extui %sign3A_746 : i1 to i32
      %sign3A_748 = arith.subi %sign3A_744, %sign3A_747 : i32
      %sign3A_749 = arith.constant 0 : i32
      %sign3A_750 = arith.cmpi sgt, %jit3A_740, %sign3A_749 : i32
      %sign3A_751 = arith.extui %sign3A_750 : i1 to i32
      %sign3A_752 = arith.constant 0 : i32
      %sign3A_753 = arith.cmpi slt, %jit3A_740, %sign3A_752 : i32
      %sign3A_754 = arith.extui %sign3A_753 : i1 to i32
      %sign3A_755 = arith.subi %sign3A_751, %sign3A_754 : i32
      %ne3A_756 = arith.cmpi ne, %sign3A_748, %sign3A_755 : i32
      %rem3A_757 = arith.remsi %add3A_739, %jit3A_740 : i32
      %ne3A_758 = arith.constant 0 : i32
      %ne3A_759 = arith.cmpi ne, %rem3A_757, %ne3A_758 : i32
      %and3A_760 = arith.andi %ne3A_756, %ne3A_759 : i1
      %sub3A_761 = arith.constant 1 : i32
      %sub3A_762 = arith.subi %div3A_741, %sub3A_761 : i32
      %select_n3A_763 = arith.select %and3A_760, %sub3A_762, %div3A_741 : i32
      %jit3A_764 = arith.constant 96 : i32
      %eq3A_765 = arith.constant 0 : i32
      %eq3A_766 = arith.cmpi eq, %jit3A_764, %eq3A_765 : i32
      %jit3A_767 = arith.constant 1 : i32
      %select_n3A_768 = arith.select %eq3A_766, %jit3A_767, %jit3A_764 : i32
      %rem3A_769 = arith.remsi %add3A_739, %select_n3A_768 : i32
      %ne3A_770 = arith.constant 0 : i32
      %ne3A_771 = arith.cmpi ne, %rem3A_769, %ne3A_770 : i32
      %lt3A_772 = arith.constant 0 : i32
      %lt3A_773 = arith.cmpi slt, %rem3A_769, %lt3A_772 : i32
      %lt3A_774 = arith.constant 0 : i32
      %lt3A_775 = arith.cmpi slt, %select_n3A_768, %lt3A_774 : i32
      %ne3A_776 = arith.xori %lt3A_773, %lt3A_775 : i1
      %and3A_777 = arith.andi %ne3A_776, %ne3A_771 : i1
      %add3A_778 = arith.addi %rem3A_769, %select_n3A_768 : i32
      %select_n3A_779 = arith.select %and3A_777, %add3A_778, %rem3A_769 : i32
      %dma_start3A_780 = arith.constant 0 : i32
      %dma_start3A_781 = tpu.memref_slice %arg4[%select_n3A_763, %select_n3A_779, %multiple_of3A, %dma_start3A_780] : memref<4x96x384x384xf32, #tpu.memory_space<hbm>> -> memref<1x1x48x384xf32, #tpu.memory_space<hbm>>
      %dma_start3A_782 = tpu.memref_squeeze %dma_start3A_781 : memref<1x1x48x384xf32, #tpu.memory_space<hbm>> -> memref<48x384xf32, #tpu.memory_space<hbm>>
      %dma_start3A_783 = arith.constant 0 : i32
      %dma_start3A_784 = tpu.memref_slice %arg4[%select_n3A_763, %select_n3A_779, %multiple_of3A, %dma_start3A_783] : memref<4x96x384x384xf32, #tpu.memory_space<hbm>> -> memref<1x1x48x384xf32, #tpu.memory_space<hbm>>
      %dma_start3A_785 = tpu.memref_squeeze %dma_start3A_784 : memref<1x1x48x384xf32, #tpu.memory_space<hbm>> -> memref<48x384xf32, #tpu.memory_space<hbm>>
      tpu.enqueue_dma source(%arg9 : memref<48x384xf32, #tpu.memory_space<vmem>>) target(%dma_start3A_785 : memref<48x384xf32, #tpu.memory_space<hbm>>) target_semaphore(%arg13 : memref<!tpu.dma_semaphore, #tpu.memory_space<semaphore_mem>>)
      %add3A_786 = arith.constant 7 : i32
      %add3A_787 = arith.addi %mul3A_2, %add3A_786 : i32
      %jit3A_788 = arith.constant 96 : i32
      %div3A_789 = arith.divsi %add3A_787, %jit3A_788 : i32
      %sign3A_790 = arith.constant 0 : i32
      %sign3A_791 = arith.cmpi sgt, %add3A_787, %sign3A_790 : i32
      %sign3A_792 = arith.extui %sign3A_791 : i1 to i32
      %sign3A_793 = arith.constant 0 : i32
      %sign3A_794 = arith.cmpi slt, %add3A_787, %sign3A_793 : i32
      %sign3A_795 = arith.extui %sign3A_794 : i1 to i32
      %sign3A_796 = arith.subi %sign3A_792, %sign3A_795 : i32
      %sign3A_797 = arith.constant 0 : i32
      %sign3A_798 = arith.cmpi sgt, %jit3A_788, %sign3A_797 : i32
      %sign3A_799 = arith.extui %sign3A_798 : i1 to i32
      %sign3A_800 = arith.constant 0 : i32
      %sign3A_801 = arith.cmpi slt, %jit3A_788, %sign3A_800 : i32
      %sign3A_802 = arith.extui %sign3A_801 : i1 to i32
      %sign3A_803 = arith.subi %sign3A_799, %sign3A_802 : i32
      %ne3A_804 = arith.cmpi ne, %sign3A_796, %sign3A_803 : i32
      %rem3A_805 = arith.remsi %add3A_787, %jit3A_788 : i32
      %ne3A_806 = arith.constant 0 : i32
      %ne3A_807 = arith.cmpi ne, %rem3A_805, %ne3A_806 : i32
      %and3A_808 = arith.andi %ne3A_804, %ne3A_807 : i1
      %sub3A_809 = arith.constant 1 : i32
      %sub3A_810 = arith.subi %div3A_789, %sub3A_809 : i32
      %select_n3A_811 = arith.select %and3A_808, %sub3A_810, %div3A_789 : i32
      %jit3A_812 = arith.constant 96 : i32
      %eq3A_813 = arith.constant 0 : i32
      %eq3A_814 = arith.cmpi eq, %jit3A_812, %eq3A_813 : i32
      %jit3A_815 = arith.constant 1 : i32
      %select_n3A_816 = arith.select %eq3A_814, %jit3A_815, %jit3A_812 : i32
      %rem3A_817 = arith.remsi %add3A_787, %select_n3A_816 : i32
      %ne3A_818 = arith.constant 0 : i32
      %ne3A_819 = arith.cmpi ne, %rem3A_817, %ne3A_818 : i32
      %lt3A_820 = arith.constant 0 : i32
      %lt3A_821 = arith.cmpi slt, %rem3A_817, %lt3A_820 : i32
      %lt3A_822 = arith.constant 0 : i32
      %lt3A_823 = arith.cmpi slt, %select_n3A_816, %lt3A_822 : i32
      %ne3A_824 = arith.xori %lt3A_821, %lt3A_823 : i1
      %and3A_825 = arith.andi %ne3A_824, %ne3A_819 : i1
      %add3A_826 = arith.addi %rem3A_817, %select_n3A_816 : i32
      %select_n3A_827 = arith.select %and3A_825, %add3A_826, %rem3A_817 : i32
      %dma_start3A_828 = arith.constant 0 : i32
      %dma_start3A_829 = arith.constant 0 : i32
      %dma_start3A_830 = tpu.memref_slice %arg7[%dma_start3A_828, %dma_start3A_829] : memref<64x512xf32, #tpu.memory_space<vmem>> -> memref<64x384xf32, #tpu.memory_space<vmem>>
      %dma_start3A_831 = arith.constant 0 : i32
      %dma_start3A_832 = tpu.memref_slice %arg2[%select_n3A_811, %select_n3A_827, %multiple_of3A_13, %dma_start3A_831] : memref<4x96x384x384xf32, #tpu.memory_space<hbm>> -> memref<1x1x64x384xf32, #tpu.memory_space<hbm>>
      %dma_start3A_833 = tpu.memref_squeeze %dma_start3A_832 : memref<1x1x64x384xf32, #tpu.memory_space<hbm>> -> memref<64x384xf32, #tpu.memory_space<hbm>>
      %dma_start3A_834 = arith.constant 0 : i32
      %dma_start3A_835 = arith.constant 0 : i32
      %dma_start3A_836 = tpu.memref_slice %arg7[%dma_start3A_834, %dma_start3A_835] : memref<64x512xf32, #tpu.memory_space<vmem>> -> memref<64x384xf32, #tpu.memory_space<vmem>>
      %dma_start3A_837 = arith.constant 0 : i32
      %dma_start3A_838 = tpu.memref_slice %arg2[%select_n3A_811, %select_n3A_827, %multiple_of3A_13, %dma_start3A_837] : memref<4x96x384x384xf32, #tpu.memory_space<hbm>> -> memref<1x1x64x384xf32, #tpu.memory_space<hbm>>
      %dma_start3A_839 = tpu.memref_squeeze %dma_start3A_838 : memref<1x1x64x384xf32, #tpu.memory_space<hbm>> -> memref<64x384xf32, #tpu.memory_space<hbm>>
      tpu.enqueue_dma source(%dma_start3A_839 : memref<64x384xf32, #tpu.memory_space<hbm>>) target(%dma_start3A_836 : memref<64x384xf32, #tpu.memory_space<vmem>>) target_semaphore(%arg11 : memref<!tpu.dma_semaphore, #tpu.memory_space<semaphore_mem>>)
      %dma_wait3A_840 = arith.constant 0 : i32
      %dma_wait3A_841 = arith.constant 0 : i32
      %dma_wait3A_842 = tpu.memref_slice %arg6[%dma_wait3A_840, %dma_wait3A_841] : memref<64x512xf32, #tpu.memory_space<vmem>> -> memref<64x384xf32, #tpu.memory_space<vmem>>
      %dma_wait3A_843 = arith.constant 0 : i32
      %dma_wait3A_844 = tpu.memref_slice %arg2[%select_n3A_688, %select_n3A_704, %multiple_of3A_13, %dma_wait3A_843] : memref<4x96x384x384xf32, #tpu.memory_space<hbm>> -> memref<1x1x64x384xf32, #tpu.memory_space<hbm>>
      %dma_wait3A_845 = tpu.memref_squeeze %dma_wait3A_844 : memref<1x1x64x384xf32, #tpu.memory_space<hbm>> -> memref<64x384xf32, #tpu.memory_space<hbm>>
      %dma_wait3A_846 = arith.constant 0 : i32
      %dma_wait3A_847 = arith.constant 0 : i32
      %dma_wait3A_848 = tpu.memref_slice %arg6[%dma_wait3A_846, %dma_wait3A_847] : memref<64x512xf32, #tpu.memory_space<vmem>> -> memref<64x384xf32, #tpu.memory_space<vmem>>
      %dma_wait3A_849 = arith.constant 0 : i32
      %dma_wait3A_850 = tpu.memref_slice %arg2[%select_n3A_688, %select_n3A_704, %multiple_of3A_13, %dma_wait3A_849] : memref<4x96x384x384xf32, #tpu.memory_space<hbm>> -> memref<1x1x64x384xf32, #tpu.memory_space<hbm>>
      %dma_wait3A_851 = tpu.memref_squeeze %dma_wait3A_850 : memref<1x1x64x384xf32, #tpu.memory_space<hbm>> -> memref<64x384xf32, #tpu.memory_space<hbm>>
      tpu.wait_dma2 semaphore(%arg10 : memref<!tpu.dma_semaphore, #tpu.memory_space<semaphore_mem>>) src(%dma_wait3A_851 : memref<64x384xf32, #tpu.memory_space<hbm>>) dst(%dma_wait3A_848 : memref<64x384xf32, #tpu.memory_space<vmem>>)
      %dma_wait3A_852 = arith.constant 0 : i32
      %dma_wait3A_853 = tpu.memref_slice %arg4[%select_n3A_640, %select_n3A_656, %multiple_of3A, %dma_wait3A_852] : memref<4x96x384x384xf32, #tpu.memory_space<hbm>> -> memref<1x1x48x384xf32, #tpu.memory_space<hbm>>
      %dma_wait3A_854 = tpu.memref_squeeze %dma_wait3A_853 : memref<1x1x48x384xf32, #tpu.memory_space<hbm>> -> memref<48x384xf32, #tpu.memory_space<hbm>>
      %dma_wait3A_855 = arith.constant 0 : i32
      %dma_wait3A_856 = tpu.memref_slice %arg4[%select_n3A_640, %select_n3A_656, %multiple_of3A, %dma_wait3A_855] : memref<4x96x384x384xf32, #tpu.memory_space<hbm>> -> memref<1x1x48x384xf32, #tpu.memory_space<hbm>>
      %dma_wait3A_857 = tpu.memref_squeeze %dma_wait3A_856 : memref<1x1x48x384xf32, #tpu.memory_space<hbm>> -> memref<48x384xf32, #tpu.memory_space<hbm>>
      tpu.wait_dma2 semaphore(%arg12 : memref<!tpu.dma_semaphore, #tpu.memory_space<semaphore_mem>>) src(%arg8 : memref<48x384xf32, #tpu.memory_space<vmem>>) dst(%dma_wait3A_857 : memref<48x384xf32, #tpu.memory_space<hbm>>)
      %parallel_loop3A_858 = arith.constant 0 : i32
      %parallel_loop3A_859 = arith.constant 24 : i32
      %parallel_loop3A_860 = arith.constant 1 : i32
      scf.for %parallel_loop3A_1482 = %parallel_loop3A_858 to %parallel_loop3A_859 step %parallel_loop3A_860  : i32 {
        %parallel_loop3A_1483 = arith.constant 768 : i32
        %parallel_loop3A_1484 = arith.muli %parallel_loop3A_1482, %parallel_loop3A_1483 : i32
        %parallel_loop3A_1485 = arith.constant 16 : i32
        %parallel_loop3A_1486 = arith.muli %parallel_loop3A_1482, %parallel_loop3A_1485 : i32
        %parallel_loop3A_1487 = arith.constant 0 : i32
        %parallel_loop3A_1488 = arith.constant 48 : i32
        %parallel_loop3A_1489 = arith.constant 1 : i32
        scf.for %parallel_loop3A_1490 = %parallel_loop3A_1487 to %parallel_loop3A_1488 step %parallel_loop3A_1489  : i32 {
          %parallel_loop3A_1491 = arith.constant 16 : i32
          %parallel_loop3A_1492 = arith.muli %parallel_loop3A_1490, %parallel_loop3A_1491 : i32
          %parallel_loop3A_1493 = arith.addi %parallel_loop3A_1484, %parallel_loop3A_1492 : i32
          %parallel_loop3A_1494 = arith.index_cast %parallel_loop3A_1493 : i32 to index
          %parallel_loop3A_1495 = tpu.vector_load %arg5[%parallel_loop3A_1494] {strides = array<i32>} : memref<18432xi32, #tpu.memory_space<vmem>>, vector<16xi32>,
          %parallel_loop3A_1496 = arith.constant 9 : i32
          %parallel_loop3A_1497 = vector.broadcast %parallel_loop3A_1496 : i32 to vector<16xi32>
          %parallel_loop3A_1498 = arith.shrsi %parallel_loop3A_1495, %parallel_loop3A_1497 : vector<16xi32>
          %parallel_loop3A_1499 = arith.constant 511 : i32
          %parallel_loop3A_1500 = vector.broadcast %parallel_loop3A_1499 : i32 to vector<16xi32>
          %parallel_loop3A_1501 = arith.andi %parallel_loop3A_1495, %parallel_loop3A_1500 : vector<16xi32>
          %parallel_loop3A_1502 = tpu.vector_load_idx %arg6[%parallel_loop3A_1498, %parallel_loop3A_1501] : memref<64x512xf32, #tpu.memory_space<vmem>>[vector<16xi32>, vector<16xi32>], vector<16xf32>,
          %parallel_loop3A_1503 = arith.index_cast %parallel_loop3A_1490 : i32 to index
          %parallel_loop3A_1504 = arith.index_cast %parallel_loop3A_1486 : i32 to index
          %parallel_loop3A_1505 = tpu.vector_load %arg8[%parallel_loop3A_1503, %parallel_loop3A_1504] {strides = array<i32>} : memref<48x384xf32, #tpu.memory_space<vmem>>, vector<16xf32>,
          tpu.vector_store %arg8[%parallel_loop3A_1503, %parallel_loop3A_1504], %parallel_loop3A_1502 {strides = array<i32>} : memref<48x384xf32, #tpu.memory_space<vmem>>, vector<16xf32>,
        } {sc.loop_unroll_factor = 8 : i64, sc.parallel_access}
      } {sc.loop_unroll_factor = 1 : i64, sc.parallel_access}
      %add3A_861 = arith.constant 6 : i32
      %add3A_862 = arith.addi %mul3A_2, %add3A_861 : i32
      %jit3A_863 = arith.constant 96 : i32
      %div3A_864 = arith.divsi %add3A_862, %jit3A_863 : i32
      %sign3A_865 = arith.constant 0 : i32
      %sign3A_866 = arith.cmpi sgt, %add3A_862, %sign3A_865 : i32
      %sign3A_867 = arith.extui %sign3A_866 : i1 to i32
      %sign3A_868 = arith.constant 0 : i32
      %sign3A_869 = arith.cmpi slt, %add3A_862, %sign3A_868 : i32
      %sign3A_870 = arith.extui %sign3A_869 : i1 to i32
      %sign3A_871 = arith.subi %sign3A_867, %sign3A_870 : i32
      %sign3A_872 = arith.constant 0 : i32
      %sign3A_873 = arith.cmpi sgt, %jit3A_863, %sign3A_872 : i32
      %sign3A_874 = arith.extui %sign3A_873 : i1 to i32
      %sign3A_875 = arith.constant 0 : i32
      %sign3A_876 = arith.cmpi slt, %jit3A_863, %sign3A_875 : i32
      %sign3A_877 = arith.extui %sign3A_876 : i1 to i32
      %sign3A_878 = arith.subi %sign3A_874, %sign3A_877 : i32
      %ne3A_879 = arith.cmpi ne, %sign3A_871, %sign3A_878 : i32
      %rem3A_880 = arith.remsi %add3A_862, %jit3A_863 : i32
      %ne3A_881 = arith.constant 0 : i32
      %ne3A_882 = arith.cmpi ne, %rem3A_880, %ne3A_881 : i32
      %and3A_883 = arith.andi %ne3A_879, %ne3A_882 : i1
      %sub3A_884 = arith.constant 1 : i32
      %sub3A_885 = arith.subi %div3A_864, %sub3A_884 : i32
      %select_n3A_886 = arith.select %and3A_883, %sub3A_885, %div3A_864 : i32
      %jit3A_887 = arith.constant 96 : i32
      %eq3A_888 = arith.constant 0 : i32
      %eq3A_889 = arith.cmpi eq, %jit3A_887, %eq3A_888 : i32
      %jit3A_890 = arith.constant 1 : i32
      %select_n3A_891 = arith.select %eq3A_889, %jit3A_890, %jit3A_887 : i32
      %rem3A_892 = arith.remsi %add3A_862, %select_n3A_891 : i32
      %ne3A_893 = arith.constant 0 : i32
      %ne3A_894 = arith.cmpi ne, %rem3A_892, %ne3A_893 : i32
      %lt3A_895 = arith.constant 0 : i32
      %lt3A_896 = arith.cmpi slt, %rem3A_892, %lt3A_895 : i32
      %lt3A_897 = arith.constant 0 : i32
      %lt3A_898 = arith.cmpi slt, %select_n3A_891, %lt3A_897 : i32
      %ne3A_899 = arith.xori %lt3A_896, %lt3A_898 : i1
      %and3A_900 = arith.andi %ne3A_899, %ne3A_894 : i1
      %add3A_901 = arith.addi %rem3A_892, %select_n3A_891 : i32
      %select_n3A_902 = arith.select %and3A_900, %add3A_901, %rem3A_892 : i32
      %dma_start3A_903 = arith.constant 0 : i32
      %dma_start3A_904 = tpu.memref_slice %arg4[%select_n3A_886, %select_n3A_902, %multiple_of3A, %dma_start3A_903] : memref<4x96x384x384xf32, #tpu.memory_space<hbm>> -> memref<1x1x48x384xf32, #tpu.memory_space<hbm>>
      %dma_start3A_905 = tpu.memref_squeeze %dma_start3A_904 : memref<1x1x48x384xf32, #tpu.memory_space<hbm>> -> memref<48x384xf32, #tpu.memory_space<hbm>>
      %dma_start3A_906 = arith.constant 0 : i32
      %dma_start3A_907 = tpu.memref_slice %arg4[%select_n3A_886, %select_n3A_902, %multiple_of3A, %dma_start3A_906] : memref<4x96x384x384xf32, #tpu.memory_space<hbm>> -> memref<1x1x48x384xf32, #tpu.memory_space<hbm>>
      %dma_start3A_908 = tpu.memref_squeeze %dma_start3A_907 : memref<1x1x48x384xf32, #tpu.memory_space<hbm>> -> memref<48x384xf32, #tpu.memory_space<hbm>>
      tpu.enqueue_dma source(%arg8 : memref<48x384xf32, #tpu.memory_space<vmem>>) target(%dma_start3A_908 : memref<48x384xf32, #tpu.memory_space<hbm>>) target_semaphore(%arg12 : memref<!tpu.dma_semaphore, #tpu.memory_space<semaphore_mem>>)
      %add3A_909 = arith.constant 8 : i32
      %add3A_910 = arith.addi %mul3A_2, %add3A_909 : i32
      %jit3A_911 = arith.constant 96 : i32
      %div3A_912 = arith.divsi %add3A_910, %jit3A_911 : i32
      %sign3A_913 = arith.constant 0 : i32
      %sign3A_914 = arith.cmpi sgt, %add3A_910, %sign3A_913 : i32
      %sign3A_915 = arith.extui %sign3A_914 : i1 to i32
      %sign3A_916 = arith.constant 0 : i32
      %sign3A_917 = arith.cmpi slt, %add3A_910, %sign3A_916 : i32
      %sign3A_918 = arith.extui %sign3A_917 : i1 to i32
      %sign3A_919 = arith.subi %sign3A_915, %sign3A_918 : i32
      %sign3A_920 = arith.constant 0 : i32
      %sign3A_921 = arith.cmpi sgt, %jit3A_911, %sign3A_920 : i32
      %sign3A_922 = arith.extui %sign3A_921 : i1 to i32
      %sign3A_923 = arith.constant 0 : i32
      %sign3A_924 = arith.cmpi slt, %jit3A_911, %sign3A_923 : i32
      %sign3A_925 = arith.extui %sign3A_924 : i1 to i32
      %sign3A_926 = arith.subi %sign3A_922, %sign3A_925 : i32
      %ne3A_927 = arith.cmpi ne, %sign3A_919, %sign3A_926 : i32
      %rem3A_928 = arith.remsi %add3A_910, %jit3A_911 : i32
      %ne3A_929 = arith.constant 0 : i32
      %ne3A_930 = arith.cmpi ne, %rem3A_928, %ne3A_929 : i32
      %and3A_931 = arith.andi %ne3A_927, %ne3A_930 : i1
      %sub3A_932 = arith.constant 1 : i32
      %sub3A_933 = arith.subi %div3A_912, %sub3A_932 : i32
      %select_n3A_934 = arith.select %and3A_931, %sub3A_933, %div3A_912 : i32
      %jit3A_935 = arith.constant 96 : i32
      %eq3A_936 = arith.constant 0 : i32
      %eq3A_937 = arith.cmpi eq, %jit3A_935, %eq3A_936 : i32
      %jit3A_938 = arith.constant 1 : i32
      %select_n3A_939 = arith.select %eq3A_937, %jit3A_938, %jit3A_935 : i32
      %rem3A_940 = arith.remsi %add3A_910, %select_n3A_939 : i32
      %ne3A_941 = arith.constant 0 : i32
      %ne3A_942 = arith.cmpi ne, %rem3A_940, %ne3A_941 : i32
      %lt3A_943 = arith.constant 0 : i32
      %lt3A_944 = arith.cmpi slt, %rem3A_940, %lt3A_943 : i32
      %lt3A_945 = arith.constant 0 : i32
      %lt3A_946 = arith.cmpi slt, %select_n3A_939, %lt3A_945 : i32
      %ne3A_947 = arith.xori %lt3A_944, %lt3A_946 : i1
      %and3A_948 = arith.andi %ne3A_947, %ne3A_942 : i1
      %add3A_949 = arith.addi %rem3A_940, %select_n3A_939 : i32
      %select_n3A_950 = arith.select %and3A_948, %add3A_949, %rem3A_940 : i32
      %dma_start3A_951 = arith.constant 0 : i32
      %dma_start3A_952 = arith.constant 0 : i32
      %dma_start3A_953 = tpu.memref_slice %arg6[%dma_start3A_951, %dma_start3A_952] : memref<64x512xf32, #tpu.memory_space<vmem>> -> memref<64x384xf32, #tpu.memory_space<vmem>>
      %dma_start3A_954 = arith.constant 0 : i32
      %dma_start3A_955 = tpu.memref_slice %arg2[%select_n3A_934, %select_n3A_950, %multiple_of3A_13, %dma_start3A_954] : memref<4x96x384x384xf32, #tpu.memory_space<hbm>> -> memref<1x1x64x384xf32, #tpu.memory_space<hbm>>
      %dma_start3A_956 = tpu.memref_squeeze %dma_start3A_955 : memref<1x1x64x384xf32, #tpu.memory_space<hbm>> -> memref<64x384xf32, #tpu.memory_space<hbm>>
      %dma_start3A_957 = arith.constant 0 : i32
      %dma_start3A_958 = arith.constant 0 : i32
      %dma_start3A_959 = tpu.memref_slice %arg6[%dma_start3A_957, %dma_start3A_958] : memref<64x512xf32, #tpu.memory_space<vmem>> -> memref<64x384xf32, #tpu.memory_space<vmem>>
      %dma_start3A_960 = arith.constant 0 : i32
      %dma_start3A_961 = tpu.memref_slice %arg2[%select_n3A_934, %select_n3A_950, %multiple_of3A_13, %dma_start3A_960] : memref<4x96x384x384xf32, #tpu.memory_space<hbm>> -> memref<1x1x64x384xf32, #tpu.memory_space<hbm>>
      %dma_start3A_962 = tpu.memref_squeeze %dma_start3A_961 : memref<1x1x64x384xf32, #tpu.memory_space<hbm>> -> memref<64x384xf32, #tpu.memory_space<hbm>>
      tpu.enqueue_dma source(%dma_start3A_962 : memref<64x384xf32, #tpu.memory_space<hbm>>) target(%dma_start3A_959 : memref<64x384xf32, #tpu.memory_space<vmem>>) target_semaphore(%arg10 : memref<!tpu.dma_semaphore, #tpu.memory_space<semaphore_mem>>)
      %dma_wait3A_963 = arith.constant 0 : i32
      %dma_wait3A_964 = arith.constant 0 : i32
      %dma_wait3A_965 = tpu.memref_slice %arg7[%dma_wait3A_963, %dma_wait3A_964] : memref<64x512xf32, #tpu.memory_space<vmem>> -> memref<64x384xf32, #tpu.memory_space<vmem>>
      %dma_wait3A_966 = arith.constant 0 : i32
      %dma_wait3A_967 = tpu.memref_slice %arg2[%select_n3A_811, %select_n3A_827, %multiple_of3A_13, %dma_wait3A_966] : memref<4x96x384x384xf32, #tpu.memory_space<hbm>> -> memref<1x1x64x384xf32, #tpu.memory_space<hbm>>
      %dma_wait3A_968 = tpu.memref_squeeze %dma_wait3A_967 : memref<1x1x64x384xf32, #tpu.memory_space<hbm>> -> memref<64x384xf32, #tpu.memory_space<hbm>>
      %dma_wait3A_969 = arith.constant 0 : i32
      %dma_wait3A_970 = arith.constant 0 : i32
      %dma_wait3A_971 = tpu.memref_slice %arg7[%dma_wait3A_969, %dma_wait3A_970] : memref<64x512xf32, #tpu.memory_space<vmem>> -> memref<64x384xf32, #tpu.memory_space<vmem>>
      %dma_wait3A_972 = arith.constant 0 : i32
      %dma_wait3A_973 = tpu.memref_slice %arg2[%select_n3A_811, %select_n3A_827, %multiple_of3A_13, %dma_wait3A_972] : memref<4x96x384x384xf32, #tpu.memory_space<hbm>> -> memref<1x1x64x384xf32, #tpu.memory_space<hbm>>
      %dma_wait3A_974 = tpu.memref_squeeze %dma_wait3A_973 : memref<1x1x64x384xf32, #tpu.memory_space<hbm>> -> memref<64x384xf32, #tpu.memory_space<hbm>>
      tpu.wait_dma2 semaphore(%arg11 : memref<!tpu.dma_semaphore, #tpu.memory_space<semaphore_mem>>) src(%dma_wait3A_974 : memref<64x384xf32, #tpu.memory_space<hbm>>) dst(%dma_wait3A_971 : memref<64x384xf32, #tpu.memory_space<vmem>>)
      %dma_wait3A_975 = arith.constant 0 : i32
      %dma_wait3A_976 = tpu.memref_slice %arg4[%select_n3A_763, %select_n3A_779, %multiple_of3A, %dma_wait3A_975] : memref<4x96x384x384xf32, #tpu.memory_space<hbm>> -> memref<1x1x48x384xf32, #tpu.memory_space<hbm>>
      %dma_wait3A_977 = tpu.memref_squeeze %dma_wait3A_976 : memref<1x1x48x384xf32, #tpu.memory_space<hbm>> -> memref<48x384xf32, #tpu.memory_space<hbm>>
      %dma_wait3A_978 = arith.constant 0 : i32
      %dma_wait3A_979 = tpu.memref_slice %arg4[%select_n3A_763, %select_n3A_779, %multiple_of3A, %dma_wait3A_978] : memref<4x96x384x384xf32, #tpu.memory_space<hbm>> -> memref<1x1x48x384xf32, #tpu.memory_space<hbm>>
      %dma_wait3A_980 = tpu.memref_squeeze %dma_wait3A_979 : memref<1x1x48x384xf32, #tpu.memory_space<hbm>> -> memref<48x384xf32, #tpu.memory_space<hbm>>
      tpu.wait_dma2 semaphore(%arg13 : memref<!tpu.dma_semaphore, #tpu.memory_space<semaphore_mem>>) src(%arg9 : memref<48x384xf32, #tpu.memory_space<vmem>>) dst(%dma_wait3A_980 : memref<48x384xf32, #tpu.memory_space<hbm>>)
      %parallel_loop3A_981 = arith.constant 0 : i32
      %parallel_loop3A_982 = arith.constant 24 : i32
      %parallel_loop3A_983 = arith.constant 1 : i32
      scf.for %parallel_loop3A_1482 = %parallel_loop3A_981 to %parallel_loop3A_982 step %parallel_loop3A_983  : i32 {
        %parallel_loop3A_1483 = arith.constant 768 : i32
        %parallel_loop3A_1484 = arith.muli %parallel_loop3A_1482, %parallel_loop3A_1483 : i32
        %parallel_loop3A_1485 = arith.constant 16 : i32
        %parallel_loop3A_1486 = arith.muli %parallel_loop3A_1482, %parallel_loop3A_1485 : i32
        %parallel_loop3A_1487 = arith.constant 0 : i32
        %parallel_loop3A_1488 = arith.constant 48 : i32
        %parallel_loop3A_1489 = arith.constant 1 : i32
        scf.for %parallel_loop3A_1490 = %parallel_loop3A_1487 to %parallel_loop3A_1488 step %parallel_loop3A_1489  : i32 {
          %parallel_loop3A_1491 = arith.constant 16 : i32
          %parallel_loop3A_1492 = arith.muli %parallel_loop3A_1490, %parallel_loop3A_1491 : i32
          %parallel_loop3A_1493 = arith.addi %parallel_loop3A_1484, %parallel_loop3A_1492 : i32
          %parallel_loop3A_1494 = arith.index_cast %parallel_loop3A_1493 : i32 to index
          %parallel_loop3A_1495 = tpu.vector_load %arg5[%parallel_loop3A_1494] {strides = array<i32>} : memref<18432xi32, #tpu.memory_space<vmem>>, vector<16xi32>,
          %parallel_loop3A_1496 = arith.constant 9 : i32
          %parallel_loop3A_1497 = vector.broadcast %parallel_loop3A_1496 : i32 to vector<16xi32>
          %parallel_loop3A_1498 = arith.shrsi %parallel_loop3A_1495, %parallel_loop3A_1497 : vector<16xi32>
          %parallel_loop3A_1499 = arith.constant 511 : i32
          %parallel_loop3A_1500 = vector.broadcast %parallel_loop3A_1499 : i32 to vector<16xi32>
          %parallel_loop3A_1501 = arith.andi %parallel_loop3A_1495, %parallel_loop3A_1500 : vector<16xi32>
          %parallel_loop3A_1502 = tpu.vector_load_idx %arg7[%parallel_loop3A_1498, %parallel_loop3A_1501] : memref<64x512xf32, #tpu.memory_space<vmem>>[vector<16xi32>, vector<16xi32>], vector<16xf32>,
          %parallel_loop3A_1503 = arith.index_cast %parallel_loop3A_1490 : i32 to index
          %parallel_loop3A_1504 = arith.index_cast %parallel_loop3A_1486 : i32 to index
          %parallel_loop3A_1505 = tpu.vector_load %arg9[%parallel_loop3A_1503, %parallel_loop3A_1504] {strides = array<i32>} : memref<48x384xf32, #tpu.memory_space<vmem>>, vector<16xf32>,
          tpu.vector_store %arg9[%parallel_loop3A_1503, %parallel_loop3A_1504], %parallel_loop3A_1502 {strides = array<i32>} : memref<48x384xf32, #tpu.memory_space<vmem>>, vector<16xf32>,
        } {sc.loop_unroll_factor = 8 : i64, sc.parallel_access}
      } {sc.loop_unroll_factor = 1 : i64, sc.parallel_access}
      %add3A_984 = arith.constant 7 : i32
      %add3A_985 = arith.addi %mul3A_2, %add3A_984 : i32
      %jit3A_986 = arith.constant 96 : i32
      %div3A_987 = arith.divsi %add3A_985, %jit3A_986 : i32
      %sign3A_988 = arith.constant 0 : i32
      %sign3A_989 = arith.cmpi sgt, %add3A_985, %sign3A_988 : i32
      %sign3A_990 = arith.extui %sign3A_989 : i1 to i32
      %sign3A_991 = arith.constant 0 : i32
      %sign3A_992 = arith.cmpi slt, %add3A_985, %sign3A_991 : i32
      %sign3A_993 = arith.extui %sign3A_992 : i1 to i32
      %sign3A_994 = arith.subi %sign3A_990, %sign3A_993 : i32
      %sign3A_995 = arith.constant 0 : i32
      %sign3A_996 = arith.cmpi sgt, %jit3A_986, %sign3A_995 : i32
      %sign3A_997 = arith.extui %sign3A_996 : i1 to i32
      %sign3A_998 = arith.constant 0 : i32
      %sign3A_999 = arith.cmpi slt, %jit3A_986, %sign3A_998 : i32
      %sign3A_1000 = arith.extui %sign3A_999 : i1 to i32
      %sign3A_1001 = arith.subi %sign3A_997, %sign3A_1000 : i32
      %ne3A_1002 = arith.cmpi ne, %sign3A_994, %sign3A_1001 : i32
      %rem3A_1003 = arith.remsi %add3A_985, %jit3A_986 : i32
      %ne3A_1004 = arith.constant 0 : i32
      %ne3A_1005 = arith.cmpi ne, %rem3A_1003, %ne3A_1004 : i32
      %and3A_1006 = arith.andi %ne3A_1002, %ne3A_1005 : i1
      %sub3A_1007 = arith.constant 1 : i32
      %sub3A_1008 = arith.subi %div3A_987, %sub3A_1007 : i32
      %select_n3A_1009 = arith.select %and3A_1006, %sub3A_1008, %div3A_987 : i32
      %jit3A_1010 = arith.constant 96 : i32
      %eq3A_1011 = arith.constant 0 : i32
      %eq3A_1012 = arith.cmpi eq, %jit3A_1010, %eq3A_1011 : i32
      %jit3A_1013 = arith.constant 1 : i32
      %select_n3A_1014 = arith.select %eq3A_1012, %jit3A_1013, %jit3A_1010 : i32
      %rem3A_1015 = arith.remsi %add3A_985, %select_n3A_1014 : i32
      %ne3A_1016 = arith.constant 0 : i32
      %ne3A_1017 = arith.cmpi ne, %rem3A_1015, %ne3A_1016 : i32
      %lt3A_1018 = arith.constant 0 : i32
      %lt3A_1019 = arith.cmpi slt, %rem3A_1015, %lt3A_1018 : i32
      %lt3A_1020 = arith.constant 0 : i32
      %lt3A_1021 = arith.cmpi slt, %select_n3A_1014, %lt3A_1020 : i32
      %ne3A_1022 = arith.xori %lt3A_1019, %lt3A_1021 : i1
      %and3A_1023 = arith.andi %ne3A_1022, %ne3A_1017 : i1
      %add3A_1024 = arith.addi %rem3A_1015, %select_n3A_1014 : i32
      %select_n3A_1025 = arith.select %and3A_1023, %add3A_1024, %rem3A_1015 : i32
      %dma_start3A_1026 = arith.constant 0 : i32
      %dma_start3A_1027 = tpu.memref_slice %arg4[%select_n3A_1009, %select_n3A_1025, %multiple_of3A, %dma_start3A_1026] : memref<4x96x384x384xf32, #tpu.memory_space<hbm>> -> memref<1x1x48x384xf32, #tpu.memory_space<hbm>>
      %dma_start3A_1028 = tpu.memref_squeeze %dma_start3A_1027 : memref<1x1x48x384xf32, #tpu.memory_space<hbm>> -> memref<48x384xf32, #tpu.memory_space<hbm>>
      %dma_start3A_1029 = arith.constant 0 : i32
      %dma_start3A_1030 = tpu.memref_slice %arg4[%select_n3A_1009, %select_n3A_1025, %multiple_of3A, %dma_start3A_1029] : memref<4x96x384x384xf32, #tpu.memory_space<hbm>> -> memref<1x1x48x384xf32, #tpu.memory_space<hbm>>
      %dma_start3A_1031 = tpu.memref_squeeze %dma_start3A_1030 : memref<1x1x48x384xf32, #tpu.memory_space<hbm>> -> memref<48x384xf32, #tpu.memory_space<hbm>>
      tpu.enqueue_dma source(%arg9 : memref<48x384xf32, #tpu.memory_space<vmem>>) target(%dma_start3A_1031 : memref<48x384xf32, #tpu.memory_space<hbm>>) target_semaphore(%arg13 : memref<!tpu.dma_semaphore, #tpu.memory_space<semaphore_mem>>)
      %add3A_1032 = arith.constant 9 : i32
      %add3A_1033 = arith.addi %mul3A_2, %add3A_1032 : i32
      %jit3A_1034 = arith.constant 96 : i32
      %div3A_1035 = arith.divsi %add3A_1033, %jit3A_1034 : i32
      %sign3A_1036 = arith.constant 0 : i32
      %sign3A_1037 = arith.cmpi sgt, %add3A_1033, %sign3A_1036 : i32
      %sign3A_1038 = arith.extui %sign3A_1037 : i1 to i32
      %sign3A_1039 = arith.constant 0 : i32
      %sign3A_1040 = arith.cmpi slt, %add3A_1033, %sign3A_1039 : i32
      %sign3A_1041 = arith.extui %sign3A_1040 : i1 to i32
      %sign3A_1042 = arith.subi %sign3A_1038, %sign3A_1041 : i32
      %sign3A_1043 = arith.constant 0 : i32
      %sign3A_1044 = arith.cmpi sgt, %jit3A_1034, %sign3A_1043 : i32
      %sign3A_1045 = arith.extui %sign3A_1044 : i1 to i32
      %sign3A_1046 = arith.constant 0 : i32
      %sign3A_1047 = arith.cmpi slt, %jit3A_1034, %sign3A_1046 : i32
      %sign3A_1048 = arith.extui %sign3A_1047 : i1 to i32
      %sign3A_1049 = arith.subi %sign3A_1045, %sign3A_1048 : i32
      %ne3A_1050 = arith.cmpi ne, %sign3A_1042, %sign3A_1049 : i32
      %rem3A_1051 = arith.remsi %add3A_1033, %jit3A_1034 : i32
      %ne3A_1052 = arith.constant 0 : i32
      %ne3A_1053 = arith.cmpi ne, %rem3A_1051, %ne3A_1052 : i32
      %and3A_1054 = arith.andi %ne3A_1050, %ne3A_1053 : i1
      %sub3A_1055 = arith.constant 1 : i32
      %sub3A_1056 = arith.subi %div3A_1035, %sub3A_1055 : i32
      %select_n3A_1057 = arith.select %and3A_1054, %sub3A_1056, %div3A_1035 : i32
      %jit3A_1058 = arith.constant 96 : i32
      %eq3A_1059 = arith.constant 0 : i32
      %eq3A_1060 = arith.cmpi eq, %jit3A_1058, %eq3A_1059 : i32
      %jit3A_1061 = arith.constant 1 : i32
      %select_n3A_1062 = arith.select %eq3A_1060, %jit3A_1061, %jit3A_1058 : i32
      %rem3A_1063 = arith.remsi %add3A_1033, %select_n3A_1062 : i32
      %ne3A_1064 = arith.constant 0 : i32
      %ne3A_1065 = arith.cmpi ne, %rem3A_1063, %ne3A_1064 : i32
      %lt3A_1066 = arith.constant 0 : i32
      %lt3A_1067 = arith.cmpi slt, %rem3A_1063, %lt3A_1066 : i32
      %lt3A_1068 = arith.constant 0 : i32
      %lt3A_1069 = arith.cmpi slt, %select_n3A_1062, %lt3A_1068 : i32
      %ne3A_1070 = arith.xori %lt3A_1067, %lt3A_1069 : i1
      %and3A_1071 = arith.andi %ne3A_1070, %ne3A_1065 : i1
      %add3A_1072 = arith.addi %rem3A_1063, %select_n3A_1062 : i32
      %select_n3A_1073 = arith.select %and3A_1071, %add3A_1072, %rem3A_1063 : i32
      %dma_start3A_1074 = arith.constant 0 : i32
      %dma_start3A_1075 = arith.constant 0 : i32
      %dma_start3A_1076 = tpu.memref_slice %arg7[%dma_start3A_1074, %dma_start3A_1075] : memref<64x512xf32, #tpu.memory_space<vmem>> -> memref<64x384xf32, #tpu.memory_space<vmem>>
      %dma_start3A_1077 = arith.constant 0 : i32
      %dma_start3A_1078 = tpu.memref_slice %arg2[%select_n3A_1057, %select_n3A_1073, %multiple_of3A_13, %dma_start3A_1077] : memref<4x96x384x384xf32, #tpu.memory_space<hbm>> -> memref<1x1x64x384xf32, #tpu.memory_space<hbm>>
      %dma_start3A_1079 = tpu.memref_squeeze %dma_start3A_1078 : memref<1x1x64x384xf32, #tpu.memory_space<hbm>> -> memref<64x384xf32, #tpu.memory_space<hbm>>
      %dma_start3A_1080 = arith.constant 0 : i32
      %dma_start3A_1081 = arith.constant 0 : i32
      %dma_start3A_1082 = tpu.memref_slice %arg7[%dma_start3A_1080, %dma_start3A_1081] : memref<64x512xf32, #tpu.memory_space<vmem>> -> memref<64x384xf32, #tpu.memory_space<vmem>>
      %dma_start3A_1083 = arith.constant 0 : i32
      %dma_start3A_1084 = tpu.memref_slice %arg2[%select_n3A_1057, %select_n3A_1073, %multiple_of3A_13, %dma_start3A_1083] : memref<4x96x384x384xf32, #tpu.memory_space<hbm>> -> memref<1x1x64x384xf32, #tpu.memory_space<hbm>>
      %dma_start3A_1085 = tpu.memref_squeeze %dma_start3A_1084 : memref<1x1x64x384xf32, #tpu.memory_space<hbm>> -> memref<64x384xf32, #tpu.memory_space<hbm>>
      tpu.enqueue_dma source(%dma_start3A_1085 : memref<64x384xf32, #tpu.memory_space<hbm>>) target(%dma_start3A_1082 : memref<64x384xf32, #tpu.memory_space<vmem>>) target_semaphore(%arg11 : memref<!tpu.dma_semaphore, #tpu.memory_space<semaphore_mem>>)
      %dma_wait3A_1086 = arith.constant 0 : i32
      %dma_wait3A_1087 = arith.constant 0 : i32
      %dma_wait3A_1088 = tpu.memref_slice %arg6[%dma_wait3A_1086, %dma_wait3A_1087] : memref<64x512xf32, #tpu.memory_space<vmem>> -> memref<64x384xf32, #tpu.memory_space<vmem>>
      %dma_wait3A_1089 = arith.constant 0 : i32
      %dma_wait3A_1090 = tpu.memref_slice %arg2[%select_n3A_934, %select_n3A_950, %multiple_of3A_13, %dma_wait3A_1089] : memref<4x96x384x384xf32, #tpu.memory_space<hbm>> -> memref<1x1x64x384xf32, #tpu.memory_space<hbm>>
      %dma_wait3A_1091 = tpu.memref_squeeze %dma_wait3A_1090 : memref<1x1x64x384xf32, #tpu.memory_space<hbm>> -> memref<64x384xf32, #tpu.memory_space<hbm>>
      %dma_wait3A_1092 = arith.constant 0 : i32
      %dma_wait3A_1093 = arith.constant 0 : i32
      %dma_wait3A_1094 = tpu.memref_slice %arg6[%dma_wait3A_1092, %dma_wait3A_1093] : memref<64x512xf32, #tpu.memory_space<vmem>> -> memref<64x384xf32, #tpu.memory_space<vmem>>
      %dma_wait3A_1095 = arith.constant 0 : i32
      %dma_wait3A_1096 = tpu.memref_slice %arg2[%select_n3A_934, %select_n3A_950, %multiple_of3A_13, %dma_wait3A_1095] : memref<4x96x384x384xf32, #tpu.memory_space<hbm>> -> memref<1x1x64x384xf32, #tpu.memory_space<hbm>>
      %dma_wait3A_1097 = tpu.memref_squeeze %dma_wait3A_1096 : memref<1x1x64x384xf32, #tpu.memory_space<hbm>> -> memref<64x384xf32, #tpu.memory_space<hbm>>
      tpu.wait_dma2 semaphore(%arg10 : memref<!tpu.dma_semaphore, #tpu.memory_space<semaphore_mem>>) src(%dma_wait3A_1097 : memref<64x384xf32, #tpu.memory_space<hbm>>) dst(%dma_wait3A_1094 : memref<64x384xf32, #tpu.memory_space<vmem>>)
      %dma_wait3A_1098 = arith.constant 0 : i32
      %dma_wait3A_1099 = tpu.memref_slice %arg4[%select_n3A_886, %select_n3A_902, %multiple_of3A, %dma_wait3A_1098] : memref<4x96x384x384xf32, #tpu.memory_space<hbm>> -> memref<1x1x48x384xf32, #tpu.memory_space<hbm>>
      %dma_wait3A_1100 = tpu.memref_squeeze %dma_wait3A_1099 : memref<1x1x48x384xf32, #tpu.memory_space<hbm>> -> memref<48x384xf32, #tpu.memory_space<hbm>>
      %dma_wait3A_1101 = arith.constant 0 : i32
      %dma_wait3A_1102 = tpu.memref_slice %arg4[%select_n3A_886, %select_n3A_902, %multiple_of3A, %dma_wait3A_1101] : memref<4x96x384x384xf32, #tpu.memory_space<hbm>> -> memref<1x1x48x384xf32, #tpu.memory_space<hbm>>
      %dma_wait3A_1103 = tpu.memref_squeeze %dma_wait3A_1102 : memref<1x1x48x384xf32, #tpu.memory_space<hbm>> -> memref<48x384xf32, #tpu.memory_space<hbm>>
      tpu.wait_dma2 semaphore(%arg12 : memref<!tpu.dma_semaphore, #tpu.memory_space<semaphore_mem>>) src(%arg8 : memref<48x384xf32, #tpu.memory_space<vmem>>) dst(%dma_wait3A_1103 : memref<48x384xf32, #tpu.memory_space<hbm>>)
      %parallel_loop3A_1104 = arith.constant 0 : i32
      %parallel_loop3A_1105 = arith.constant 24 : i32
      %parallel_loop3A_1106 = arith.constant 1 : i32
      scf.for %parallel_loop3A_1482 = %parallel_loop3A_1104 to %parallel_loop3A_1105 step %parallel_loop3A_1106  : i32 {
        %parallel_loop3A_1483 = arith.constant 768 : i32
        %parallel_loop3A_1484 = arith.muli %parallel_loop3A_1482, %parallel_loop3A_1483 : i32
        %parallel_loop3A_1485 = arith.constant 16 : i32
        %parallel_loop3A_1486 = arith.muli %parallel_loop3A_1482, %parallel_loop3A_1485 : i32
        %parallel_loop3A_1487 = arith.constant 0 : i32
        %parallel_loop3A_1488 = arith.constant 48 : i32
        %parallel_loop3A_1489 = arith.constant 1 : i32
        scf.for %parallel_loop3A_1490 = %parallel_loop3A_1487 to %parallel_loop3A_1488 step %parallel_loop3A_1489  : i32 {
          %parallel_loop3A_1491 = arith.constant 16 : i32
          %parallel_loop3A_1492 = arith.muli %parallel_loop3A_1490, %parallel_loop3A_1491 : i32
          %parallel_loop3A_1493 = arith.addi %parallel_loop3A_1484, %parallel_loop3A_1492 : i32
          %parallel_loop3A_1494 = arith.index_cast %parallel_loop3A_1493 : i32 to index
          %parallel_loop3A_1495 = tpu.vector_load %arg5[%parallel_loop3A_1494] {strides = array<i32>} : memref<18432xi32, #tpu.memory_space<vmem>>, vector<16xi32>,
          %parallel_loop3A_1496 = arith.constant 9 : i32
          %parallel_loop3A_1497 = vector.broadcast %parallel_loop3A_1496 : i32 to vector<16xi32>
          %parallel_loop3A_1498 = arith.shrsi %parallel_loop3A_1495, %parallel_loop3A_1497 : vector<16xi32>
          %parallel_loop3A_1499 = arith.constant 511 : i32
          %parallel_loop3A_1500 = vector.broadcast %parallel_loop3A_1499 : i32 to vector<16xi32>
          %parallel_loop3A_1501 = arith.andi %parallel_loop3A_1495, %parallel_loop3A_1500 : vector<16xi32>
          %parallel_loop3A_1502 = tpu.vector_load_idx %arg6[%parallel_loop3A_1498, %parallel_loop3A_1501] : memref<64x512xf32, #tpu.memory_space<vmem>>[vector<16xi32>, vector<16xi32>], vector<16xf32>,
          %parallel_loop3A_1503 = arith.index_cast %parallel_loop3A_1490 : i32 to index
          %parallel_loop3A_1504 = arith.index_cast %parallel_loop3A_1486 : i32 to index
          %parallel_loop3A_1505 = tpu.vector_load %arg8[%parallel_loop3A_1503, %parallel_loop3A_1504] {strides = array<i32>} : memref<48x384xf32, #tpu.memory_space<vmem>>, vector<16xf32>,
          tpu.vector_store %arg8[%parallel_loop3A_1503, %parallel_loop3A_1504], %parallel_loop3A_1502 {strides = array<i32>} : memref<48x384xf32, #tpu.memory_space<vmem>>, vector<16xf32>,
        } {sc.loop_unroll_factor = 8 : i64, sc.parallel_access}
      } {sc.loop_unroll_factor = 1 : i64, sc.parallel_access}
      %add3A_1107 = arith.constant 8 : i32
      %add3A_1108 = arith.addi %mul3A_2, %add3A_1107 : i32
      %jit3A_1109 = arith.constant 96 : i32
      %div3A_1110 = arith.divsi %add3A_1108, %jit3A_1109 : i32
      %sign3A_1111 = arith.constant 0 : i32
      %sign3A_1112 = arith.cmpi sgt, %add3A_1108, %sign3A_1111 : i32
      %sign3A_1113 = arith.extui %sign3A_1112 : i1 to i32
      %sign3A_1114 = arith.constant 0 : i32
      %sign3A_1115 = arith.cmpi slt, %add3A_1108, %sign3A_1114 : i32
      %sign3A_1116 = arith.extui %sign3A_1115 : i1 to i32
      %sign3A_1117 = arith.subi %sign3A_1113, %sign3A_1116 : i32
      %sign3A_1118 = arith.constant 0 : i32
      %sign3A_1119 = arith.cmpi sgt, %jit3A_1109, %sign3A_1118 : i32
      %sign3A_1120 = arith.extui %sign3A_1119 : i1 to i32
      %sign3A_1121 = arith.constant 0 : i32
      %sign3A_1122 = arith.cmpi slt, %jit3A_1109, %sign3A_1121 : i32
      %sign3A_1123 = arith.extui %sign3A_1122 : i1 to i32
      %sign3A_1124 = arith.subi %sign3A_1120, %sign3A_1123 : i32
      %ne3A_1125 = arith.cmpi ne, %sign3A_1117, %sign3A_1124 : i32
      %rem3A_1126 = arith.remsi %add3A_1108, %jit3A_1109 : i32
      %ne3A_1127 = arith.constant 0 : i32
      %ne3A_1128 = arith.cmpi ne, %rem3A_1126, %ne3A_1127 : i32
      %and3A_1129 = arith.andi %ne3A_1125, %ne3A_1128 : i1
      %sub3A_1130 = arith.constant 1 : i32
      %sub3A_1131 = arith.subi %div3A_1110, %sub3A_1130 : i32
      %select_n3A_1132 = arith.select %and3A_1129, %sub3A_1131, %div3A_1110 : i32
      %jit3A_1133 = arith.constant 96 : i32
      %eq3A_1134 = arith.constant 0 : i32
      %eq3A_1135 = arith.cmpi eq, %jit3A_1133, %eq3A_1134 : i32
      %jit3A_1136 = arith.constant 1 : i32
      %select_n3A_1137 = arith.select %eq3A_1135, %jit3A_1136, %jit3A_1133 : i32
      %rem3A_1138 = arith.remsi %add3A_1108, %select_n3A_1137 : i32
      %ne3A_1139 = arith.constant 0 : i32
      %ne3A_1140 = arith.cmpi ne, %rem3A_1138, %ne3A_1139 : i32
      %lt3A_1141 = arith.constant 0 : i32
      %lt3A_1142 = arith.cmpi slt, %rem3A_1138, %lt3A_1141 : i32
      %lt3A_1143 = arith.constant 0 : i32
      %lt3A_1144 = arith.cmpi slt, %select_n3A_1137, %lt3A_1143 : i32
      %ne3A_1145 = arith.xori %lt3A_1142, %lt3A_1144 : i1
      %and3A_1146 = arith.andi %ne3A_1145, %ne3A_1140 : i1
      %add3A_1147 = arith.addi %rem3A_1138, %select_n3A_1137 : i32
      %select_n3A_1148 = arith.select %and3A_1146, %add3A_1147, %rem3A_1138 : i32
      %dma_start3A_1149 = arith.constant 0 : i32
      %dma_start3A_1150 = tpu.memref_slice %arg4[%select_n3A_1132, %select_n3A_1148, %multiple_of3A, %dma_start3A_1149] : memref<4x96x384x384xf32, #tpu.memory_space<hbm>> -> memref<1x1x48x384xf32, #tpu.memory_space<hbm>>
      %dma_start3A_1151 = tpu.memref_squeeze %dma_start3A_1150 : memref<1x1x48x384xf32, #tpu.memory_space<hbm>> -> memref<48x384xf32, #tpu.memory_space<hbm>>
      %dma_start3A_1152 = arith.constant 0 : i32
      %dma_start3A_1153 = tpu.memref_slice %arg4[%select_n3A_1132, %select_n3A_1148, %multiple_of3A, %dma_start3A_1152] : memref<4x96x384x384xf32, #tpu.memory_space<hbm>> -> memref<1x1x48x384xf32, #tpu.memory_space<hbm>>
      %dma_start3A_1154 = tpu.memref_squeeze %dma_start3A_1153 : memref<1x1x48x384xf32, #tpu.memory_space<hbm>> -> memref<48x384xf32, #tpu.memory_space<hbm>>
      tpu.enqueue_dma source(%arg8 : memref<48x384xf32, #tpu.memory_space<vmem>>) target(%dma_start3A_1154 : memref<48x384xf32, #tpu.memory_space<hbm>>) target_semaphore(%arg12 : memref<!tpu.dma_semaphore, #tpu.memory_space<semaphore_mem>>)
      %add3A_1155 = arith.constant 10 : i32
      %add3A_1156 = arith.addi %mul3A_2, %add3A_1155 : i32
      %jit3A_1157 = arith.constant 96 : i32
      %div3A_1158 = arith.divsi %add3A_1156, %jit3A_1157 : i32
      %sign3A_1159 = arith.constant 0 : i32
      %sign3A_1160 = arith.cmpi sgt, %add3A_1156, %sign3A_1159 : i32
      %sign3A_1161 = arith.extui %sign3A_1160 : i1 to i32
      %sign3A_1162 = arith.constant 0 : i32
      %sign3A_1163 = arith.cmpi slt, %add3A_1156, %sign3A_1162 : i32
      %sign3A_1164 = arith.extui %sign3A_1163 : i1 to i32
      %sign3A_1165 = arith.subi %sign3A_1161, %sign3A_1164 : i32
      %sign3A_1166 = arith.constant 0 : i32
      %sign3A_1167 = arith.cmpi sgt, %jit3A_1157, %sign3A_1166 : i32
      %sign3A_1168 = arith.extui %sign3A_1167 : i1 to i32
      %sign3A_1169 = arith.constant 0 : i32
      %sign3A_1170 = arith.cmpi slt, %jit3A_1157, %sign3A_1169 : i32
      %sign3A_1171 = arith.extui %sign3A_1170 : i1 to i32
      %sign3A_1172 = arith.subi %sign3A_1168, %sign3A_1171 : i32
      %ne3A_1173 = arith.cmpi ne, %sign3A_1165, %sign3A_1172 : i32
      %rem3A_1174 = arith.remsi %add3A_1156, %jit3A_1157 : i32
      %ne3A_1175 = arith.constant 0 : i32
      %ne3A_1176 = arith.cmpi ne, %rem3A_1174, %ne3A_1175 : i32
      %and3A_1177 = arith.andi %ne3A_1173, %ne3A_1176 : i1
      %sub3A_1178 = arith.constant 1 : i32
      %sub3A_1179 = arith.subi %div3A_1158, %sub3A_1178 : i32
      %select_n3A_1180 = arith.select %and3A_1177, %sub3A_1179, %div3A_1158 : i32
      %jit3A_1181 = arith.constant 96 : i32
      %eq3A_1182 = arith.constant 0 : i32
      %eq3A_1183 = arith.cmpi eq, %jit3A_1181, %eq3A_1182 : i32
      %jit3A_1184 = arith.constant 1 : i32
      %select_n3A_1185 = arith.select %eq3A_1183, %jit3A_1184, %jit3A_1181 : i32
      %rem3A_1186 = arith.remsi %add3A_1156, %select_n3A_1185 : i32
      %ne3A_1187 = arith.constant 0 : i32
      %ne3A_1188 = arith.cmpi ne, %rem3A_1186, %ne3A_1187 : i32
      %lt3A_1189 = arith.constant 0 : i32
      %lt3A_1190 = arith.cmpi slt, %rem3A_1186, %lt3A_1189 : i32
      %lt3A_1191 = arith.constant 0 : i32
      %lt3A_1192 = arith.cmpi slt, %select_n3A_1185, %lt3A_1191 : i32
      %ne3A_1193 = arith.xori %lt3A_1190, %lt3A_1192 : i1
      %and3A_1194 = arith.andi %ne3A_1193, %ne3A_1188 : i1
      %add3A_1195 = arith.addi %rem3A_1186, %select_n3A_1185 : i32
      %select_n3A_1196 = arith.select %and3A_1194, %add3A_1195, %rem3A_1186 : i32
      %dma_start3A_1197 = arith.constant 0 : i32
      %dma_start3A_1198 = arith.constant 0 : i32
      %dma_start3A_1199 = tpu.memref_slice %arg6[%dma_start3A_1197, %dma_start3A_1198] : memref<64x512xf32, #tpu.memory_space<vmem>> -> memref<64x384xf32, #tpu.memory_space<vmem>>
      %dma_start3A_1200 = arith.constant 0 : i32
      %dma_start3A_1201 = tpu.memref_slice %arg2[%select_n3A_1180, %select_n3A_1196, %multiple_of3A_13, %dma_start3A_1200] : memref<4x96x384x384xf32, #tpu.memory_space<hbm>> -> memref<1x1x64x384xf32, #tpu.memory_space<hbm>>
      %dma_start3A_1202 = tpu.memref_squeeze %dma_start3A_1201 : memref<1x1x64x384xf32, #tpu.memory_space<hbm>> -> memref<64x384xf32, #tpu.memory_space<hbm>>
      %dma_start3A_1203 = arith.constant 0 : i32
      %dma_start3A_1204 = arith.constant 0 : i32
      %dma_start3A_1205 = tpu.memref_slice %arg6[%dma_start3A_1203, %dma_start3A_1204] : memref<64x512xf32, #tpu.memory_space<vmem>> -> memref<64x384xf32, #tpu.memory_space<vmem>>
      %dma_start3A_1206 = arith.constant 0 : i32
      %dma_start3A_1207 = tpu.memref_slice %arg2[%select_n3A_1180, %select_n3A_1196, %multiple_of3A_13, %dma_start3A_1206] : memref<4x96x384x384xf32, #tpu.memory_space<hbm>> -> memref<1x1x64x384xf32, #tpu.memory_space<hbm>>
      %dma_start3A_1208 = tpu.memref_squeeze %dma_start3A_1207 : memref<1x1x64x384xf32, #tpu.memory_space<hbm>> -> memref<64x384xf32, #tpu.memory_space<hbm>>
      tpu.enqueue_dma source(%dma_start3A_1208 : memref<64x384xf32, #tpu.memory_space<hbm>>) target(%dma_start3A_1205 : memref<64x384xf32, #tpu.memory_space<vmem>>) target_semaphore(%arg10 : memref<!tpu.dma_semaphore, #tpu.memory_space<semaphore_mem>>)
      %dma_wait3A_1209 = arith.constant 0 : i32
      %dma_wait3A_1210 = arith.constant 0 : i32
      %dma_wait3A_1211 = tpu.memref_slice %arg7[%dma_wait3A_1209, %dma_wait3A_1210] : memref<64x512xf32, #tpu.memory_space<vmem>> -> memref<64x384xf32, #tpu.memory_space<vmem>>
      %dma_wait3A_1212 = arith.constant 0 : i32
      %dma_wait3A_1213 = tpu.memref_slice %arg2[%select_n3A_1057, %select_n3A_1073, %multiple_of3A_13, %dma_wait3A_1212] : memref<4x96x384x384xf32, #tpu.memory_space<hbm>> -> memref<1x1x64x384xf32, #tpu.memory_space<hbm>>
      %dma_wait3A_1214 = tpu.memref_squeeze %dma_wait3A_1213 : memref<1x1x64x384xf32, #tpu.memory_space<hbm>> -> memref<64x384xf32, #tpu.memory_space<hbm>>
      %dma_wait3A_1215 = arith.constant 0 : i32
      %dma_wait3A_1216 = arith.constant 0 : i32
      %dma_wait3A_1217 = tpu.memref_slice %arg7[%dma_wait3A_1215, %dma_wait3A_1216] : memref<64x512xf32, #tpu.memory_space<vmem>> -> memref<64x384xf32, #tpu.memory_space<vmem>>
      %dma_wait3A_1218 = arith.constant 0 : i32
      %dma_wait3A_1219 = tpu.memref_slice %arg2[%select_n3A_1057, %select_n3A_1073, %multiple_of3A_13, %dma_wait3A_1218] : memref<4x96x384x384xf32, #tpu.memory_space<hbm>> -> memref<1x1x64x384xf32, #tpu.memory_space<hbm>>
      %dma_wait3A_1220 = tpu.memref_squeeze %dma_wait3A_1219 : memref<1x1x64x384xf32, #tpu.memory_space<hbm>> -> memref<64x384xf32, #tpu.memory_space<hbm>>
      tpu.wait_dma2 semaphore(%arg11 : memref<!tpu.dma_semaphore, #tpu.memory_space<semaphore_mem>>) src(%dma_wait3A_1220 : memref<64x384xf32, #tpu.memory_space<hbm>>) dst(%dma_wait3A_1217 : memref<64x384xf32, #tpu.memory_space<vmem>>)
      %dma_wait3A_1221 = arith.constant 0 : i32
      %dma_wait3A_1222 = tpu.memref_slice %arg4[%select_n3A_1009, %select_n3A_1025, %multiple_of3A, %dma_wait3A_1221] : memref<4x96x384x384xf32, #tpu.memory_space<hbm>> -> memref<1x1x48x384xf32, #tpu.memory_space<hbm>>
      %dma_wait3A_1223 = tpu.memref_squeeze %dma_wait3A_1222 : memref<1x1x48x384xf32, #tpu.memory_space<hbm>> -> memref<48x384xf32, #tpu.memory_space<hbm>>
      %dma_wait3A_1224 = arith.constant 0 : i32
      %dma_wait3A_1225 = tpu.memref_slice %arg4[%select_n3A_1009, %select_n3A_1025, %multiple_of3A, %dma_wait3A_1224] : memref<4x96x384x384xf32, #tpu.memory_space<hbm>> -> memref<1x1x48x384xf32, #tpu.memory_space<hbm>>
      %dma_wait3A_1226 = tpu.memref_squeeze %dma_wait3A_1225 : memref<1x1x48x384xf32, #tpu.memory_space<hbm>> -> memref<48x384xf32, #tpu.memory_space<hbm>>
      tpu.wait_dma2 semaphore(%arg13 : memref<!tpu.dma_semaphore, #tpu.memory_space<semaphore_mem>>) src(%arg9 : memref<48x384xf32, #tpu.memory_space<vmem>>) dst(%dma_wait3A_1226 : memref<48x384xf32, #tpu.memory_space<hbm>>)
      %parallel_loop3A_1227 = arith.constant 0 : i32
      %parallel_loop3A_1228 = arith.constant 24 : i32
      %parallel_loop3A_1229 = arith.constant 1 : i32
      scf.for %parallel_loop3A_1482 = %parallel_loop3A_1227 to %parallel_loop3A_1228 step %parallel_loop3A_1229  : i32 {
        %parallel_loop3A_1483 = arith.constant 768 : i32
        %parallel_loop3A_1484 = arith.muli %parallel_loop3A_1482, %parallel_loop3A_1483 : i32
        %parallel_loop3A_1485 = arith.constant 16 : i32
        %parallel_loop3A_1486 = arith.muli %parallel_loop3A_1482, %parallel_loop3A_1485 : i32
        %parallel_loop3A_1487 = arith.constant 0 : i32
        %parallel_loop3A_1488 = arith.constant 48 : i32
        %parallel_loop3A_1489 = arith.constant 1 : i32
        scf.for %parallel_loop3A_1490 = %parallel_loop3A_1487 to %parallel_loop3A_1488 step %parallel_loop3A_1489  : i32 {
          %parallel_loop3A_1491 = arith.constant 16 : i32
          %parallel_loop3A_1492 = arith.muli %parallel_loop3A_1490, %parallel_loop3A_1491 : i32
          %parallel_loop3A_1493 = arith.addi %parallel_loop3A_1484, %parallel_loop3A_1492 : i32
          %parallel_loop3A_1494 = arith.index_cast %parallel_loop3A_1493 : i32 to index
          %parallel_loop3A_1495 = tpu.vector_load %arg5[%parallel_loop3A_1494] {strides = array<i32>} : memref<18432xi32, #tpu.memory_space<vmem>>, vector<16xi32>,
          %parallel_loop3A_1496 = arith.constant 9 : i32
          %parallel_loop3A_1497 = vector.broadcast %parallel_loop3A_1496 : i32 to vector<16xi32>
          %parallel_loop3A_1498 = arith.shrsi %parallel_loop3A_1495, %parallel_loop3A_1497 : vector<16xi32>
          %parallel_loop3A_1499 = arith.constant 511 : i32
          %parallel_loop3A_1500 = vector.broadcast %parallel_loop3A_1499 : i32 to vector<16xi32>
          %parallel_loop3A_1501 = arith.andi %parallel_loop3A_1495, %parallel_loop3A_1500 : vector<16xi32>
          %parallel_loop3A_1502 = tpu.vector_load_idx %arg7[%parallel_loop3A_1498, %parallel_loop3A_1501] : memref<64x512xf32, #tpu.memory_space<vmem>>[vector<16xi32>, vector<16xi32>], vector<16xf32>,
          %parallel_loop3A_1503 = arith.index_cast %parallel_loop3A_1490 : i32 to index
          %parallel_loop3A_1504 = arith.index_cast %parallel_loop3A_1486 : i32 to index
          %parallel_loop3A_1505 = tpu.vector_load %arg9[%parallel_loop3A_1503, %parallel_loop3A_1504] {strides = array<i32>} : memref<48x384xf32, #tpu.memory_space<vmem>>, vector<16xf32>,
          tpu.vector_store %arg9[%parallel_loop3A_1503, %parallel_loop3A_1504], %parallel_loop3A_1502 {strides = array<i32>} : memref<48x384xf32, #tpu.memory_space<vmem>>, vector<16xf32>,
        } {sc.loop_unroll_factor = 8 : i64, sc.parallel_access}
      } {sc.loop_unroll_factor = 1 : i64, sc.parallel_access}
      %add3A_1230 = arith.constant 9 : i32
      %add3A_1231 = arith.addi %mul3A_2, %add3A_1230 : i32
      %jit3A_1232 = arith.constant 96 : i32
      %div3A_1233 = arith.divsi %add3A_1231, %jit3A_1232 : i32
      %sign3A_1234 = arith.constant 0 : i32
      %sign3A_1235 = arith.cmpi sgt, %add3A_1231, %sign3A_1234 : i32
      %sign3A_1236 = arith.extui %sign3A_1235 : i1 to i32
      %sign3A_1237 = arith.constant 0 : i32
      %sign3A_1238 = arith.cmpi slt, %add3A_1231, %sign3A_1237 : i32
      %sign3A_1239 = arith.extui %sign3A_1238 : i1 to i32
      %sign3A_1240 = arith.subi %sign3A_1236, %sign3A_1239 : i32
      %sign3A_1241 = arith.constant 0 : i32
      %sign3A_1242 = arith.cmpi sgt, %jit3A_1232, %sign3A_1241 : i32
      %sign3A_1243 = arith.extui %sign3A_1242 : i1 to i32
      %sign3A_1244 = arith.constant 0 : i32
      %sign3A_1245 = arith.cmpi slt, %jit3A_1232, %sign3A_1244 : i32
      %sign3A_1246 = arith.extui %sign3A_1245 : i1 to i32
      %sign3A_1247 = arith.subi %sign3A_1243, %sign3A_1246 : i32
      %ne3A_1248 = arith.cmpi ne, %sign3A_1240, %sign3A_1247 : i32
      %rem3A_1249 = arith.remsi %add3A_1231, %jit3A_1232 : i32
      %ne3A_1250 = arith.constant 0 : i32
      %ne3A_1251 = arith.cmpi ne, %rem3A_1249, %ne3A_1250 : i32
      %and3A_1252 = arith.andi %ne3A_1248, %ne3A_1251 : i1
      %sub3A_1253 = arith.constant 1 : i32
      %sub3A_1254 = arith.subi %div3A_1233, %sub3A_1253 : i32
      %select_n3A_1255 = arith.select %and3A_1252, %sub3A_1254, %div3A_1233 : i32
      %jit3A_1256 = arith.constant 96 : i32
      %eq3A_1257 = arith.constant 0 : i32
      %eq3A_1258 = arith.cmpi eq, %jit3A_1256, %eq3A_1257 : i32
      %jit3A_1259 = arith.constant 1 : i32
      %select_n3A_1260 = arith.select %eq3A_1258, %jit3A_1259, %jit3A_1256 : i32
      %rem3A_1261 = arith.remsi %add3A_1231, %select_n3A_1260 : i32
      %ne3A_1262 = arith.constant 0 : i32
      %ne3A_1263 = arith.cmpi ne, %rem3A_1261, %ne3A_1262 : i32
      %lt3A_1264 = arith.constant 0 : i32
      %lt3A_1265 = arith.cmpi slt, %rem3A_1261, %lt3A_1264 : i32
      %lt3A_1266 = arith.constant 0 : i32
      %lt3A_1267 = arith.cmpi slt, %select_n3A_1260, %lt3A_1266 : i32
      %ne3A_1268 = arith.xori %lt3A_1265, %lt3A_1267 : i1
      %and3A_1269 = arith.andi %ne3A_1268, %ne3A_1263 : i1
      %add3A_1270 = arith.addi %rem3A_1261, %select_n3A_1260 : i32
      %select_n3A_1271 = arith.select %and3A_1269, %add3A_1270, %rem3A_1261 : i32
      %dma_start3A_1272 = arith.constant 0 : i32
      %dma_start3A_1273 = tpu.memref_slice %arg4[%select_n3A_1255, %select_n3A_1271, %multiple_of3A, %dma_start3A_1272] : memref<4x96x384x384xf32, #tpu.memory_space<hbm>> -> memref<1x1x48x384xf32, #tpu.memory_space<hbm>>
      %dma_start3A_1274 = tpu.memref_squeeze %dma_start3A_1273 : memref<1x1x48x384xf32, #tpu.memory_space<hbm>> -> memref<48x384xf32, #tpu.memory_space<hbm>>
      %dma_start3A_1275 = arith.constant 0 : i32
      %dma_start3A_1276 = tpu.memref_slice %arg4[%select_n3A_1255, %select_n3A_1271, %multiple_of3A, %dma_start3A_1275] : memref<4x96x384x384xf32, #tpu.memory_space<hbm>> -> memref<1x1x48x384xf32, #tpu.memory_space<hbm>>
      %dma_start3A_1277 = tpu.memref_squeeze %dma_start3A_1276 : memref<1x1x48x384xf32, #tpu.memory_space<hbm>> -> memref<48x384xf32, #tpu.memory_space<hbm>>
      tpu.enqueue_dma source(%arg9 : memref<48x384xf32, #tpu.memory_space<vmem>>) target(%dma_start3A_1277 : memref<48x384xf32, #tpu.memory_space<hbm>>) target_semaphore(%arg13 : memref<!tpu.dma_semaphore, #tpu.memory_space<semaphore_mem>>)
      %add3A_1278 = arith.constant 11 : i32
      %add3A_1279 = arith.addi %mul3A_2, %add3A_1278 : i32
      %jit3A_1280 = arith.constant 96 : i32
      %div3A_1281 = arith.divsi %add3A_1279, %jit3A_1280 : i32
      %sign3A_1282 = arith.constant 0 : i32
      %sign3A_1283 = arith.cmpi sgt, %add3A_1279, %sign3A_1282 : i32
      %sign3A_1284 = arith.extui %sign3A_1283 : i1 to i32
      %sign3A_1285 = arith.constant 0 : i32
      %sign3A_1286 = arith.cmpi slt, %add3A_1279, %sign3A_1285 : i32
      %sign3A_1287 = arith.extui %sign3A_1286 : i1 to i32
      %sign3A_1288 = arith.subi %sign3A_1284, %sign3A_1287 : i32
      %sign3A_1289 = arith.constant 0 : i32
      %sign3A_1290 = arith.cmpi sgt, %jit3A_1280, %sign3A_1289 : i32
      %sign3A_1291 = arith.extui %sign3A_1290 : i1 to i32
      %sign3A_1292 = arith.constant 0 : i32
      %sign3A_1293 = arith.cmpi slt, %jit3A_1280, %sign3A_1292 : i32
      %sign3A_1294 = arith.extui %sign3A_1293 : i1 to i32
      %sign3A_1295 = arith.subi %sign3A_1291, %sign3A_1294 : i32
      %ne3A_1296 = arith.cmpi ne, %sign3A_1288, %sign3A_1295 : i32
      %rem3A_1297 = arith.remsi %add3A_1279, %jit3A_1280 : i32
      %ne3A_1298 = arith.constant 0 : i32
      %ne3A_1299 = arith.cmpi ne, %rem3A_1297, %ne3A_1298 : i32
      %and3A_1300 = arith.andi %ne3A_1296, %ne3A_1299 : i1
      %sub3A_1301 = arith.constant 1 : i32
      %sub3A_1302 = arith.subi %div3A_1281, %sub3A_1301 : i32
      %select_n3A_1303 = arith.select %and3A_1300, %sub3A_1302, %div3A_1281 : i32
      %jit3A_1304 = arith.constant 96 : i32
      %eq3A_1305 = arith.constant 0 : i32
      %eq3A_1306 = arith.cmpi eq, %jit3A_1304, %eq3A_1305 : i32
      %jit3A_1307 = arith.constant 1 : i32
      %select_n3A_1308 = arith.select %eq3A_1306, %jit3A_1307, %jit3A_1304 : i32
      %rem3A_1309 = arith.remsi %add3A_1279, %select_n3A_1308 : i32
      %ne3A_1310 = arith.constant 0 : i32
      %ne3A_1311 = arith.cmpi ne, %rem3A_1309, %ne3A_1310 : i32
      %lt3A_1312 = arith.constant 0 : i32
      %lt3A_1313 = arith.cmpi slt, %rem3A_1309, %lt3A_1312 : i32
      %lt3A_1314 = arith.constant 0 : i32
      %lt3A_1315 = arith.cmpi slt, %select_n3A_1308, %lt3A_1314 : i32
      %ne3A_1316 = arith.xori %lt3A_1313, %lt3A_1315 : i1
      %and3A_1317 = arith.andi %ne3A_1316, %ne3A_1311 : i1
      %add3A_1318 = arith.addi %rem3A_1309, %select_n3A_1308 : i32
      %select_n3A_1319 = arith.select %and3A_1317, %add3A_1318, %rem3A_1309 : i32
      %dma_start3A_1320 = arith.constant 0 : i32
      %dma_start3A_1321 = arith.constant 0 : i32
      %dma_start3A_1322 = tpu.memref_slice %arg7[%dma_start3A_1320, %dma_start3A_1321] : memref<64x512xf32, #tpu.memory_space<vmem>> -> memref<64x384xf32, #tpu.memory_space<vmem>>
      %dma_start3A_1323 = arith.constant 0 : i32
      %dma_start3A_1324 = tpu.memref_slice %arg2[%select_n3A_1303, %select_n3A_1319, %multiple_of3A_13, %dma_start3A_1323] : memref<4x96x384x384xf32, #tpu.memory_space<hbm>> -> memref<1x1x64x384xf32, #tpu.memory_space<hbm>>
      %dma_start3A_1325 = tpu.memref_squeeze %dma_start3A_1324 : memref<1x1x64x384xf32, #tpu.memory_space<hbm>> -> memref<64x384xf32, #tpu.memory_space<hbm>>
      %dma_start3A_1326 = arith.constant 0 : i32
      %dma_start3A_1327 = arith.constant 0 : i32
      %dma_start3A_1328 = tpu.memref_slice %arg7[%dma_start3A_1326, %dma_start3A_1327] : memref<64x512xf32, #tpu.memory_space<vmem>> -> memref<64x384xf32, #tpu.memory_space<vmem>>
      %dma_start3A_1329 = arith.constant 0 : i32
      %dma_start3A_1330 = tpu.memref_slice %arg2[%select_n3A_1303, %select_n3A_1319, %multiple_of3A_13, %dma_start3A_1329] : memref<4x96x384x384xf32, #tpu.memory_space<hbm>> -> memref<1x1x64x384xf32, #tpu.memory_space<hbm>>
      %dma_start3A_1331 = tpu.memref_squeeze %dma_start3A_1330 : memref<1x1x64x384xf32, #tpu.memory_space<hbm>> -> memref<64x384xf32, #tpu.memory_space<hbm>>
      tpu.enqueue_dma source(%dma_start3A_1331 : memref<64x384xf32, #tpu.memory_space<hbm>>) target(%dma_start3A_1328 : memref<64x384xf32, #tpu.memory_space<vmem>>) target_semaphore(%arg11 : memref<!tpu.dma_semaphore, #tpu.memory_space<semaphore_mem>>)
      %dma_wait3A_1332 = arith.constant 0 : i32
      %dma_wait3A_1333 = arith.constant 0 : i32
      %dma_wait3A_1334 = tpu.memref_slice %arg6[%dma_wait3A_1332, %dma_wait3A_1333] : memref<64x512xf32, #tpu.memory_space<vmem>> -> memref<64x384xf32, #tpu.memory_space<vmem>>
      %dma_wait3A_1335 = arith.constant 0 : i32
      %dma_wait3A_1336 = tpu.memref_slice %arg2[%select_n3A_1180, %select_n3A_1196, %multiple_of3A_13, %dma_wait3A_1335] : memref<4x96x384x384xf32, #tpu.memory_space<hbm>> -> memref<1x1x64x384xf32, #tpu.memory_space<hbm>>
      %dma_wait3A_1337 = tpu.memref_squeeze %dma_wait3A_1336 : memref<1x1x64x384xf32, #tpu.memory_space<hbm>> -> memref<64x384xf32, #tpu.memory_space<hbm>>
      %dma_wait3A_1338 = arith.constant 0 : i32
      %dma_wait3A_1339 = arith.constant 0 : i32
      %dma_wait3A_1340 = tpu.memref_slice %arg6[%dma_wait3A_1338, %dma_wait3A_1339] : memref<64x512xf32, #tpu.memory_space<vmem>> -> memref<64x384xf32, #tpu.memory_space<vmem>>
      %dma_wait3A_1341 = arith.constant 0 : i32
      %dma_wait3A_1342 = tpu.memref_slice %arg2[%select_n3A_1180, %select_n3A_1196, %multiple_of3A_13, %dma_wait3A_1341] : memref<4x96x384x384xf32, #tpu.memory_space<hbm>> -> memref<1x1x64x384xf32, #tpu.memory_space<hbm>>
      %dma_wait3A_1343 = tpu.memref_squeeze %dma_wait3A_1342 : memref<1x1x64x384xf32, #tpu.memory_space<hbm>> -> memref<64x384xf32, #tpu.memory_space<hbm>>
      tpu.wait_dma2 semaphore(%arg10 : memref<!tpu.dma_semaphore, #tpu.memory_space<semaphore_mem>>) src(%dma_wait3A_1343 : memref<64x384xf32, #tpu.memory_space<hbm>>) dst(%dma_wait3A_1340 : memref<64x384xf32, #tpu.memory_space<vmem>>)
      %dma_wait3A_1344 = arith.constant 0 : i32
      %dma_wait3A_1345 = tpu.memref_slice %arg4[%select_n3A_1132, %select_n3A_1148, %multiple_of3A, %dma_wait3A_1344] : memref<4x96x384x384xf32, #tpu.memory_space<hbm>> -> memref<1x1x48x384xf32, #tpu.memory_space<hbm>>
      %dma_wait3A_1346 = tpu.memref_squeeze %dma_wait3A_1345 : memref<1x1x48x384xf32, #tpu.memory_space<hbm>> -> memref<48x384xf32, #tpu.memory_space<hbm>>
      %dma_wait3A_1347 = arith.constant 0 : i32
      %dma_wait3A_1348 = tpu.memref_slice %arg4[%select_n3A_1132, %select_n3A_1148, %multiple_of3A, %dma_wait3A_1347] : memref<4x96x384x384xf32, #tpu.memory_space<hbm>> -> memref<1x1x48x384xf32, #tpu.memory_space<hbm>>
      %dma_wait3A_1349 = tpu.memref_squeeze %dma_wait3A_1348 : memref<1x1x48x384xf32, #tpu.memory_space<hbm>> -> memref<48x384xf32, #tpu.memory_space<hbm>>
      tpu.wait_dma2 semaphore(%arg12 : memref<!tpu.dma_semaphore, #tpu.memory_space<semaphore_mem>>) src(%arg8 : memref<48x384xf32, #tpu.memory_space<vmem>>) dst(%dma_wait3A_1349 : memref<48x384xf32, #tpu.memory_space<hbm>>)
      %parallel_loop3A_1350 = arith.constant 0 : i32
      %parallel_loop3A_1351 = arith.constant 24 : i32
      %parallel_loop3A_1352 = arith.constant 1 : i32
      scf.for %parallel_loop3A_1482 = %parallel_loop3A_1350 to %parallel_loop3A_1351 step %parallel_loop3A_1352  : i32 {
        %parallel_loop3A_1483 = arith.constant 768 : i32
        %parallel_loop3A_1484 = arith.muli %parallel_loop3A_1482, %parallel_loop3A_1483 : i32
        %parallel_loop3A_1485 = arith.constant 16 : i32
        %parallel_loop3A_1486 = arith.muli %parallel_loop3A_1482, %parallel_loop3A_1485 : i32
        %parallel_loop3A_1487 = arith.constant 0 : i32
        %parallel_loop3A_1488 = arith.constant 48 : i32
        %parallel_loop3A_1489 = arith.constant 1 : i32
        scf.for %parallel_loop3A_1490 = %parallel_loop3A_1487 to %parallel_loop3A_1488 step %parallel_loop3A_1489  : i32 {
          %parallel_loop3A_1491 = arith.constant 16 : i32
          %parallel_loop3A_1492 = arith.muli %parallel_loop3A_1490, %parallel_loop3A_1491 : i32
          %parallel_loop3A_1493 = arith.addi %parallel_loop3A_1484, %parallel_loop3A_1492 : i32
          %parallel_loop3A_1494 = arith.index_cast %parallel_loop3A_1493 : i32 to index
          %parallel_loop3A_1495 = tpu.vector_load %arg5[%parallel_loop3A_1494] {strides = array<i32>} : memref<18432xi32, #tpu.memory_space<vmem>>, vector<16xi32>,
          %parallel_loop3A_1496 = arith.constant 9 : i32
          %parallel_loop3A_1497 = vector.broadcast %parallel_loop3A_1496 : i32 to vector<16xi32>
          %parallel_loop3A_1498 = arith.shrsi %parallel_loop3A_1495, %parallel_loop3A_1497 : vector<16xi32>
          %parallel_loop3A_1499 = arith.constant 511 : i32
          %parallel_loop3A_1500 = vector.broadcast %parallel_loop3A_1499 : i32 to vector<16xi32>
          %parallel_loop3A_1501 = arith.andi %parallel_loop3A_1495, %parallel_loop3A_1500 : vector<16xi32>
          %parallel_loop3A_1502 = tpu.vector_load_idx %arg6[%parallel_loop3A_1498, %parallel_loop3A_1501] : memref<64x512xf32, #tpu.memory_space<vmem>>[vector<16xi32>, vector<16xi32>], vector<16xf32>,
          %parallel_loop3A_1503 = arith.index_cast %parallel_loop3A_1490 : i32 to index
          %parallel_loop3A_1504 = arith.index_cast %parallel_loop3A_1486 : i32 to index
          %parallel_loop3A_1505 = tpu.vector_load %arg8[%parallel_loop3A_1503, %parallel_loop3A_1504] {strides = array<i32>} : memref<48x384xf32, #tpu.memory_space<vmem>>, vector<16xf32>,
          tpu.vector_store %arg8[%parallel_loop3A_1503, %parallel_loop3A_1504], %parallel_loop3A_1502 {strides = array<i32>} : memref<48x384xf32, #tpu.memory_space<vmem>>, vector<16xf32>,
        } {sc.loop_unroll_factor = 8 : i64, sc.parallel_access}
      } {sc.loop_unroll_factor = 1 : i64, sc.parallel_access}
      %add3A_1353 = arith.constant 10 : i32
      %add3A_1354 = arith.addi %mul3A_2, %add3A_1353 : i32
      %jit3A_1355 = arith.constant 96 : i32
      %div3A_1356 = arith.divsi %add3A_1354, %jit3A_1355 : i32
      %sign3A_1357 = arith.constant 0 : i32
      %sign3A_1358 = arith.cmpi sgt, %add3A_1354, %sign3A_1357 : i32
      %sign3A_1359 = arith.extui %sign3A_1358 : i1 to i32
      %sign3A_1360 = arith.constant 0 : i32
      %sign3A_1361 = arith.cmpi slt, %add3A_1354, %sign3A_1360 : i32
      %sign3A_1362 = arith.extui %sign3A_1361 : i1 to i32
      %sign3A_1363 = arith.subi %sign3A_1359, %sign3A_1362 : i32
      %sign3A_1364 = arith.constant 0 : i32
      %sign3A_1365 = arith.cmpi sgt, %jit3A_1355, %sign3A_1364 : i32
      %sign3A_1366 = arith.extui %sign3A_1365 : i1 to i32
      %sign3A_1367 = arith.constant 0 : i32
      %sign3A_1368 = arith.cmpi slt, %jit3A_1355, %sign3A_1367 : i32
      %sign3A_1369 = arith.extui %sign3A_1368 : i1 to i32
      %sign3A_1370 = arith.subi %sign3A_1366, %sign3A_1369 : i32
      %ne3A_1371 = arith.cmpi ne, %sign3A_1363, %sign3A_1370 : i32
      %rem3A_1372 = arith.remsi %add3A_1354, %jit3A_1355 : i32
      %ne3A_1373 = arith.constant 0 : i32
      %ne3A_1374 = arith.cmpi ne, %rem3A_1372, %ne3A_1373 : i32
      %and3A_1375 = arith.andi %ne3A_1371, %ne3A_1374 : i1
      %sub3A_1376 = arith.constant 1 : i32
      %sub3A_1377 = arith.subi %div3A_1356, %sub3A_1376 : i32
      %select_n3A_1378 = arith.select %and3A_1375, %sub3A_1377, %div3A_1356 : i32
      %jit3A_1379 = arith.constant 96 : i32
      %eq3A_1380 = arith.constant 0 : i32
      %eq3A_1381 = arith.cmpi eq, %jit3A_1379, %eq3A_1380 : i32
      %jit3A_1382 = arith.constant 1 : i32
      %select_n3A_1383 = arith.select %eq3A_1381, %jit3A_1382, %jit3A_1379 : i32
      %rem3A_1384 = arith.remsi %add3A_1354, %select_n3A_1383 : i32
      %ne3A_1385 = arith.constant 0 : i32
      %ne3A_1386 = arith.cmpi ne, %rem3A_1384, %ne3A_1385 : i32
      %lt3A_1387 = arith.constant 0 : i32
      %lt3A_1388 = arith.cmpi slt, %rem3A_1384, %lt3A_1387 : i32
      %lt3A_1389 = arith.constant 0 : i32
      %lt3A_1390 = arith.cmpi slt, %select_n3A_1383, %lt3A_1389 : i32
      %ne3A_1391 = arith.xori %lt3A_1388, %lt3A_1390 : i1
      %and3A_1392 = arith.andi %ne3A_1391, %ne3A_1386 : i1
      %add3A_1393 = arith.addi %rem3A_1384, %select_n3A_1383 : i32
      %select_n3A_1394 = arith.select %and3A_1392, %add3A_1393, %rem3A_1384 : i32
      %dma_start3A_1395 = arith.constant 0 : i32
      %dma_start3A_1396 = tpu.memref_slice %arg4[%select_n3A_1378, %select_n3A_1394, %multiple_of3A, %dma_start3A_1395] : memref<4x96x384x384xf32, #tpu.memory_space<hbm>> -> memref<1x1x48x384xf32, #tpu.memory_space<hbm>>
      %dma_start3A_1397 = tpu.memref_squeeze %dma_start3A_1396 : memref<1x1x48x384xf32, #tpu.memory_space<hbm>> -> memref<48x384xf32, #tpu.memory_space<hbm>>
      %dma_start3A_1398 = arith.constant 0 : i32
      %dma_start3A_1399 = tpu.memref_slice %arg4[%select_n3A_1378, %select_n3A_1394, %multiple_of3A, %dma_start3A_1398] : memref<4x96x384x384xf32, #tpu.memory_space<hbm>> -> memref<1x1x48x384xf32, #tpu.memory_space<hbm>>
      %dma_start3A_1400 = tpu.memref_squeeze %dma_start3A_1399 : memref<1x1x48x384xf32, #tpu.memory_space<hbm>> -> memref<48x384xf32, #tpu.memory_space<hbm>>
      tpu.enqueue_dma source(%arg8 : memref<48x384xf32, #tpu.memory_space<vmem>>) target(%dma_start3A_1400 : memref<48x384xf32, #tpu.memory_space<hbm>>) target_semaphore(%arg12 : memref<!tpu.dma_semaphore, #tpu.memory_space<semaphore_mem>>)
      %dma_wait3A_1401 = arith.constant 0 : i32
      %dma_wait3A_1402 = arith.constant 0 : i32
      %dma_wait3A_1403 = tpu.memref_slice %arg7[%dma_wait3A_1401, %dma_wait3A_1402] : memref<64x512xf32, #tpu.memory_space<vmem>> -> memref<64x384xf32, #tpu.memory_space<vmem>>
      %dma_wait3A_1404 = arith.constant 0 : i32
      %dma_wait3A_1405 = tpu.memref_slice %arg2[%select_n3A_1303, %select_n3A_1319, %multiple_of3A_13, %dma_wait3A_1404] : memref<4x96x384x384xf32, #tpu.memory_space<hbm>> -> memref<1x1x64x384xf32, #tpu.memory_space<hbm>>
      %dma_wait3A_1406 = tpu.memref_squeeze %dma_wait3A_1405 : memref<1x1x64x384xf32, #tpu.memory_space<hbm>> -> memref<64x384xf32, #tpu.memory_space<hbm>>
      %dma_wait3A_1407 = arith.constant 0 : i32
      %dma_wait3A_1408 = arith.constant 0 : i32
      %dma_wait3A_1409 = tpu.memref_slice %arg7[%dma_wait3A_1407, %dma_wait3A_1408] : memref<64x512xf32, #tpu.memory_space<vmem>> -> memref<64x384xf32, #tpu.memory_space<vmem>>
      %dma_wait3A_1410 = arith.constant 0 : i32
      %dma_wait3A_1411 = tpu.memref_slice %arg2[%select_n3A_1303, %select_n3A_1319, %multiple_of3A_13, %dma_wait3A_1410] : memref<4x96x384x384xf32, #tpu.memory_space<hbm>> -> memref<1x1x64x384xf32, #tpu.memory_space<hbm>>
      %dma_wait3A_1412 = tpu.memref_squeeze %dma_wait3A_1411 : memref<1x1x64x384xf32, #tpu.memory_space<hbm>> -> memref<64x384xf32, #tpu.memory_space<hbm>>
      tpu.wait_dma2 semaphore(%arg11 : memref<!tpu.dma_semaphore, #tpu.memory_space<semaphore_mem>>) src(%dma_wait3A_1412 : memref<64x384xf32, #tpu.memory_space<hbm>>) dst(%dma_wait3A_1409 : memref<64x384xf32, #tpu.memory_space<vmem>>)
      %dma_wait3A_1413 = arith.constant 0 : i32
      %dma_wait3A_1414 = tpu.memref_slice %arg4[%select_n3A_1255, %select_n3A_1271, %multiple_of3A, %dma_wait3A_1413] : memref<4x96x384x384xf32, #tpu.memory_space<hbm>> -> memref<1x1x48x384xf32, #tpu.memory_space<hbm>>
      %dma_wait3A_1415 = tpu.memref_squeeze %dma_wait3A_1414 : memref<1x1x48x384xf32, #tpu.memory_space<hbm>> -> memref<48x384xf32, #tpu.memory_space<hbm>>
      %dma_wait3A_1416 = arith.constant 0 : i32
      %dma_wait3A_1417 = tpu.memref_slice %arg4[%select_n3A_1255, %select_n3A_1271, %multiple_of3A, %dma_wait3A_1416] : memref<4x96x384x384xf32, #tpu.memory_space<hbm>> -> memref<1x1x48x384xf32, #tpu.memory_space<hbm>>
      %dma_wait3A_1418 = tpu.memref_squeeze %dma_wait3A_1417 : memref<1x1x48x384xf32, #tpu.memory_space<hbm>> -> memref<48x384xf32, #tpu.memory_space<hbm>>
      tpu.wait_dma2 semaphore(%arg13 : memref<!tpu.dma_semaphore, #tpu.memory_space<semaphore_mem>>) src(%arg9 : memref<48x384xf32, #tpu.memory_space<vmem>>) dst(%dma_wait3A_1418 : memref<48x384xf32, #tpu.memory_space<hbm>>)
      %parallel_loop3A_1419 = arith.constant 0 : i32
      %parallel_loop3A_1420 = arith.constant 24 : i32
      %parallel_loop3A_1421 = arith.constant 1 : i32
      scf.for %parallel_loop3A_1482 = %parallel_loop3A_1419 to %parallel_loop3A_1420 step %parallel_loop3A_1421  : i32 {
        %parallel_loop3A_1483 = arith.constant 768 : i32
        %parallel_loop3A_1484 = arith.muli %parallel_loop3A_1482, %parallel_loop3A_1483 : i32
        %parallel_loop3A_1485 = arith.constant 16 : i32
        %parallel_loop3A_1486 = arith.muli %parallel_loop3A_1482, %parallel_loop3A_1485 : i32
        %parallel_loop3A_1487 = arith.constant 0 : i32
        %parallel_loop3A_1488 = arith.constant 48 : i32
        %parallel_loop3A_1489 = arith.constant 1 : i32
        scf.for %parallel_loop3A_1490 = %parallel_loop3A_1487 to %parallel_loop3A_1488 step %parallel_loop3A_1489  : i32 {
          %parallel_loop3A_1491 = arith.constant 16 : i32
          %parallel_loop3A_1492 = arith.muli %parallel_loop3A_1490, %parallel_loop3A_1491 : i32
          %parallel_loop3A_1493 = arith.addi %parallel_loop3A_1484, %parallel_loop3A_1492 : i32
          %parallel_loop3A_1494 = arith.index_cast %parallel_loop3A_1493 : i32 to index
          %parallel_loop3A_1495 = tpu.vector_load %arg5[%parallel_loop3A_1494] {strides = array<i32>} : memref<18432xi32, #tpu.memory_space<vmem>>, vector<16xi32>,
          %parallel_loop3A_1496 = arith.constant 9 : i32
          %parallel_loop3A_1497 = vector.broadcast %parallel_loop3A_1496 : i32 to vector<16xi32>
          %parallel_loop3A_1498 = arith.shrsi %parallel_loop3A_1495, %parallel_loop3A_1497 : vector<16xi32>
          %parallel_loop3A_1499 = arith.constant 511 : i32
          %parallel_loop3A_1500 = vector.broadcast %parallel_loop3A_1499 : i32 to vector<16xi32>
          %parallel_loop3A_1501 = arith.andi %parallel_loop3A_1495, %parallel_loop3A_1500 : vector<16xi32>
          %parallel_loop3A_1502 = tpu.vector_load_idx %arg7[%parallel_loop3A_1498, %parallel_loop3A_1501] : memref<64x512xf32, #tpu.memory_space<vmem>>[vector<16xi32>, vector<16xi32>], vector<16xf32>,
          %parallel_loop3A_1503 = arith.index_cast %parallel_loop3A_1490 : i32 to index
          %parallel_loop3A_1504 = arith.index_cast %parallel_loop3A_1486 : i32 to index
          %parallel_loop3A_1505 = tpu.vector_load %arg9[%parallel_loop3A_1503, %parallel_loop3A_1504] {strides = array<i32>} : memref<48x384xf32, #tpu.memory_space<vmem>>, vector<16xf32>,
          tpu.vector_store %arg9[%parallel_loop3A_1503, %parallel_loop3A_1504], %parallel_loop3A_1502 {strides = array<i32>} : memref<48x384xf32, #tpu.memory_space<vmem>>, vector<16xf32>,
        } {sc.loop_unroll_factor = 8 : i64, sc.parallel_access}
      } {sc.loop_unroll_factor = 1 : i64, sc.parallel_access}
      %add3A_1422 = arith.constant 11 : i32
      %add3A_1423 = arith.addi %mul3A_2, %add3A_1422 : i32
      %jit3A_1424 = arith.constant 96 : i32
      %div3A_1425 = arith.divsi %add3A_1423, %jit3A_1424 : i32
      %sign3A_1426 = arith.constant 0 : i32
      %sign3A_1427 = arith.cmpi sgt, %add3A_1423, %sign3A_1426 : i32
      %sign3A_1428 = arith.extui %sign3A_1427 : i1 to i32
      %sign3A_1429 = arith.constant 0 : i32
      %sign3A_1430 = arith.cmpi slt, %add3A_1423, %sign3A_1429 : i32
      %sign3A_1431 = arith.extui %sign3A_1430 : i1 to i32
      %sign3A_1432 = arith.subi %sign3A_1428, %sign3A_1431 : i32
      %sign3A_1433 = arith.constant 0 : i32
      %sign3A_1434 = arith.cmpi sgt, %jit3A_1424, %sign3A_1433 : i32
      %sign3A_1435 = arith.extui %sign3A_1434 : i1 to i32
      %sign3A_1436 = arith.constant 0 : i32
      %sign3A_1437 = arith.cmpi slt, %jit3A_1424, %sign3A_1436 : i32
      %sign3A_1438 = arith.extui %sign3A_1437 : i1 to i32
      %sign3A_1439 = arith.subi %sign3A_1435, %sign3A_1438 : i32
      %ne3A_1440 = arith.cmpi ne, %sign3A_1432, %sign3A_1439 : i32
      %rem3A_1441 = arith.remsi %add3A_1423, %jit3A_1424 : i32
      %ne3A_1442 = arith.constant 0 : i32
      %ne3A_1443 = arith.cmpi ne, %rem3A_1441, %ne3A_1442 : i32
      %and3A_1444 = arith.andi %ne3A_1440, %ne3A_1443 : i1
      %sub3A_1445 = arith.constant 1 : i32
      %sub3A_1446 = arith.subi %div3A_1425, %sub3A_1445 : i32
      %select_n3A_1447 = arith.select %and3A_1444, %sub3A_1446, %div3A_1425 : i32
      %jit3A_1448 = arith.constant 96 : i32
      %eq3A_1449 = arith.constant 0 : i32
      %eq3A_1450 = arith.cmpi eq, %jit3A_1448, %eq3A_1449 : i32
      %jit3A_1451 = arith.constant 1 : i32
      %select_n3A_1452 = arith.select %eq3A_1450, %jit3A_1451, %jit3A_1448 : i32
      %rem3A_1453 = arith.remsi %add3A_1423, %select_n3A_1452 : i32
      %ne3A_1454 = arith.constant 0 : i32
      %ne3A_1455 = arith.cmpi ne, %rem3A_1453, %ne3A_1454 : i32
      %lt3A_1456 = arith.constant 0 : i32
      %lt3A_1457 = arith.cmpi slt, %rem3A_1453, %lt3A_1456 : i32
      %lt3A_1458 = arith.constant 0 : i32
      %lt3A_1459 = arith.cmpi slt, %select_n3A_1452, %lt3A_1458 : i32
      %ne3A_1460 = arith.xori %lt3A_1457, %lt3A_1459 : i1
      %and3A_1461 = arith.andi %ne3A_1460, %ne3A_1455 : i1
      %add3A_1462 = arith.addi %rem3A_1453, %select_n3A_1452 : i32
      %select_n3A_1463 = arith.select %and3A_1461, %add3A_1462, %rem3A_1453 : i32
      %dma_start3A_1464 = arith.constant 0 : i32
      %dma_start3A_1465 = tpu.memref_slice %arg4[%select_n3A_1447, %select_n3A_1463, %multiple_of3A, %dma_start3A_1464] : memref<4x96x384x384xf32, #tpu.memory_space<hbm>> -> memref<1x1x48x384xf32, #tpu.memory_space<hbm>>
      %dma_start3A_1466 = tpu.memref_squeeze %dma_start3A_1465 : memref<1x1x48x384xf32, #tpu.memory_space<hbm>> -> memref<48x384xf32, #tpu.memory_space<hbm>>
      %dma_start3A_1467 = arith.constant 0 : i32
      %dma_start3A_1468 = tpu.memref_slice %arg4[%select_n3A_1447, %select_n3A_1463, %multiple_of3A, %dma_start3A_1467] : memref<4x96x384x384xf32, #tpu.memory_space<hbm>> -> memref<1x1x48x384xf32, #tpu.memory_space<hbm>>
      %dma_start3A_1469 = tpu.memref_squeeze %dma_start3A_1468 : memref<1x1x48x384xf32, #tpu.memory_space<hbm>> -> memref<48x384xf32, #tpu.memory_space<hbm>>
      tpu.enqueue_dma source(%arg9 : memref<48x384xf32, #tpu.memory_space<vmem>>) target(%dma_start3A_1469 : memref<48x384xf32, #tpu.memory_space<hbm>>) target_semaphore(%arg13 : memref<!tpu.dma_semaphore, #tpu.memory_space<semaphore_mem>>)
      %dma_wait3A_1470 = arith.constant 0 : i32
      %dma_wait3A_1471 = tpu.memref_slice %arg4[%select_n3A_1378, %select_n3A_1394, %multiple_of3A, %dma_wait3A_1470] : memref<4x96x384x384xf32, #tpu.memory_space<hbm>> -> memref<1x1x48x384xf32, #tpu.memory_space<hbm>>
      %dma_wait3A_1472 = tpu.memref_squeeze %dma_wait3A_1471 : memref<1x1x48x384xf32, #tpu.memory_space<hbm>> -> memref<48x384xf32, #tpu.memory_space<hbm>>
      %dma_wait3A_1473 = arith.constant 0 : i32
      %dma_wait3A_1474 = tpu.memref_slice %arg4[%select_n3A_1378, %select_n3A_1394, %multiple_of3A, %dma_wait3A_1473] : memref<4x96x384x384xf32, #tpu.memory_space<hbm>> -> memref<1x1x48x384xf32, #tpu.memory_space<hbm>>
      %dma_wait3A_1475 = tpu.memref_squeeze %dma_wait3A_1474 : memref<1x1x48x384xf32, #tpu.memory_space<hbm>> -> memref<48x384xf32, #tpu.memory_space<hbm>>
      tpu.wait_dma2 semaphore(%arg12 : memref<!tpu.dma_semaphore, #tpu.memory_space<semaphore_mem>>) src(%arg8 : memref<48x384xf32, #tpu.memory_space<vmem>>) dst(%dma_wait3A_1475 : memref<48x384xf32, #tpu.memory_space<hbm>>)
      %dma_wait3A_1476 = arith.constant 0 : i32
      %dma_wait3A_1477 = tpu.memref_slice %arg4[%select_n3A_1447, %select_n3A_1463, %multiple_of3A, %dma_wait3A_1476] : memref<4x96x384x384xf32, #tpu.memory_space<hbm>> -> memref<1x1x48x384xf32, #tpu.memory_space<hbm>>
      %dma_wait3A_1478 = tpu.memref_squeeze %dma_wait3A_1477 : memref<1x1x48x384xf32, #tpu.memory_space<hbm>> -> memref<48x384xf32, #tpu.memory_space<hbm>>
      %dma_wait3A_1479 = arith.constant 0 : i32
      %dma_wait3A_1480 = tpu.memref_slice %arg4[%select_n3A_1447, %select_n3A_1463, %multiple_of3A, %dma_wait3A_1479] : memref<4x96x384x384xf32, #tpu.memory_space<hbm>> -> memref<1x1x48x384xf32, #tpu.memory_space<hbm>>
      %dma_wait3A_1481 = tpu.memref_squeeze %dma_wait3A_1480 : memref<1x1x48x384xf32, #tpu.memory_space<hbm>> -> memref<48x384xf32, #tpu.memory_space<hbm>>
      tpu.wait_dma2 semaphore(%arg13 : memref<!tpu.dma_semaphore, #tpu.memory_space<semaphore_mem>>) src(%arg9 : memref<48x384xf32, #tpu.memory_space<vmem>>) dst(%dma_wait3A_1481 : memref<48x384xf32, #tpu.memory_space<hbm>>)
    }
    %scan3A_7 = arith.constant 8 : i32
    return
  }
}

</mosaic_0001>

<sc_bundles>
// kernel: _run.3.cloned.1.call-start
scs
__scs_entry_jumppad:
0x0: {  	(pc) =	sbr.rel $0x88, $3  }
0x1: {  	(tag) =	ssettag $0x0;
	lr =	simm.s32 $0x1  }
0x2: {  	[smem:$0x3F9F] =	sst lr;
	_ =	strace $0xD0000000  }
0x3: {  	_ = 	snop  }
0x4: {  	_ = 	snop  }
0x5: {  	_ = 	snop  }
0x6: {  	_ = 	snop  }
0x7: {  	_ = 	snop  }
__scs_overlays_trampoline_lowered:
0x8: {  	[smem:$0x3FAE] =	sst s0  }
0x9: {  	[smem:$0x3FAF] =	sst s1  }
0xa: {  	[smem:$0x3FB0] =	sst s2  }
0xb: {  	[smem:$0x3FB1] =	sst s3  }
0xc: {  	[smem:$0x3FB2] =	sst s4  }
0xd: {  	[smem:$0x3FB3] =	sst s5  }
0xe: {  	[smem:$0x3FB4] =	sst s6  }
0xf: {  	[smem:$0x3FB5] =	sst s7  }
0x10: {  	[smem:$0x3FB6] =	sst s8  }
0x11: {  	[smem:$0x3FB7] =	sst s9;
	s0 =	simm.s32 @!p0 $0x0  }
0x12: {  	s1 =	sld [smem:$0x3F9D];
	s0 =	simm.s32 @p0 $0x1  }
0x13: {  	[smem:$0x3FB8] =	sst s0;
	s0 =	simm.s32 @!p1 $0x0  }
0x14: {  	s2 =	sld [smem:$0x3F9C];
	s0 =	simm.s32 @p1 $0x1  }
0x15: {  	[smem:$0x3FB9] =	sst s0;
	s0 =	simm.s32 @!p2 $0x0  }
0x16: {  	s3 =	sld [smem:$0x3FDB];
	s0 =	simm.s32 @p2 $0x1  }
0x17: {  	s4 =	simm.s32 $0x1BF5;
	[smem:$0x3FBB] =	sst s0  }
0x18: {  	s0 =	sld [smem:$0x3F9E];
	_ =	swait.ge [sflag:s4], $0x0  }
0x19: {  	s7 =	sld [smem:$0x3F9F]  }
0x1a: {  	s8 =	sadd.s32 $0xFFFFE003, lr  }
0x1b: {  	s9 =	sadd.s32 $0xFFFFFEF7, lr;
	s5 =	simm.s32 $0xFFFFFFFF;
	p2 =	slt.u32 s8, $0xFFFFF086  }
0x1c: {  	p1 =	slt.u32 s9, $0xF7A;
	s5 =	simm.s32 @!p2 $0x0  }
0x1d: {  	s5 =	simm.s32 @p1 $0x1;
	p0 =	seq.s32 s7, s2  }
0x1e: {  	s7 =	smul.u32 @!p0 $0xF7A, s2;
	p2 =	seq.s32 @!p0 s5, $0x0  }
0x1f: {  	s9 =	smul.u32 $0xF7A, s1;
	s8 =	simm.s32 @!p0 $0x1BF5;
	p2 =	por !p2, p0  }
0x20: {  	[sflag:s8] =	ssyncset.s32 @!p0 $0xFFFFF086;
	s6 =	sadd.s32 @!p0 s3, s7;
	s7 =	simm.s32 @!p0 $0x108  }
0x21: {  	s3 =	sadd.s32 s3, s9;
	s6 =	sadd.s32 @!p0 $0x88, s6;
	s7 =	simm.s32 @p2 $0x1082  }
0x22: {  	[simem:s7], [sflag:s8] =	dma.local @!p0 [hbm:s6], $0xF7A  }
0x23: {  	s9 =	sor.u32 $0xD0000000, s2;
	s6 =	simm.s32 $0x108;
	_ =	swait.ge @!p0 [sflag:s8], $0x0  }
0x24: {  	s3 =	sadd.s32 $0x88, s3;
	s6 =	simm.s32 @!p1 $0x1082;
	[sflag:s4] =	ssyncset.s32 $0xFFFFF086  }
0x25: {  	[simem:s6], [sflag:s4] =	dma.local [hbm:s3], $0xF7A  }
0x26: {  	[smem:$0x3F9F] =	sst s1;
	(tag) =	ssettag s2;
	_ =	strace s9  }
0x27: {  	s1 =	sld [smem:$0x3FAF]  }
0x28: {  	s2 =	sld [smem:$0x3FB0]  }
0x29: {  	s4 =	sld [smem:$0x3FB2]  }
0x2a: {  	p0 =	seq.s32 s5, $0x0;
	s5 =	sld [smem:$0x3FB3]  }
0x2b: {  	s6 =	sld [smem:$0x3FB4]  }
0x2c: {  	s7 =	sld [smem:$0x3FB5]  }
0x2d: {  	s3 =	simm.s32 $0x108;
	s8 =	sld [smem:$0x3FB6]  }
0x2e: {  	s3 =	simm.s32 @!p0 $0x1082;
	s9 =	sld [smem:$0x3FB7]  }
0x2f: {  	lr =	sadd.s32 s0, s3;
	s0 =	sld [smem:$0x3FAE]  }
0x30: {  	s3 =	sld [smem:$0x3FB1]  }
0x31: {  	[smem:$0x3FBA] =	sst s10  }
0x32: {  	s10 =	sld [smem:$0x3FB8];
	_ =	sdelay $0x3  }
0x33: {  	p0 =	seq.s32 s10, $0x1;
	s10 =	sld [smem:$0x3FBA];
	_ =	sdelay $0x3  }
0x34: {  	[smem:$0x3FBA] =	sst s10  }
0x35: {  	s10 =	sld [smem:$0x3FB9];
	_ =	sdelay $0x3  }
0x36: {  	p1 =	seq.s32 s10, $0x1;
	s10 =	sld [smem:$0x3FBA];
	_ =	sdelay $0x3  }
0x37: {  	[smem:$0x3FBA] =	sst s10  }
0x38: {  	s10 =	sld [smem:$0x3FBB]  }
0x39: {  	_ = 	snop;
	(pc) =	sbr.ind lr, $3  }
0x3a: {  	_ = 	snop  }
0x3b: {  	_ = 	snop  }
0x3c: {  	p2 =	seq.s32 s10, $0x1;
	s10 =	sld [smem:$0x3FBA]  }
0x3d: {  	_ =	shalt  }
0x3e: {  	_ =	shalt  }
0x3f: {  	_ =	shalt  }
0x40: {  	_ =	shalt  }
0x41: {  	_ =	shalt  }
0x42: {  	_ =	shalt  }
0x43: {  	_ =	shalt  }
0x44: {  	_ =	shalt  }
0x45: {  	_ =	shalt  }
0x46: {  	_ =	shalt  }
0x47: {  	_ =	shalt  }
0x48: {  	_ =	shalt  }
0x49: {  	_ =	shalt  }
0x4a: {  	_ =	shalt  }
0x4b: {  	_ =	shalt  }
0x4c: {  	_ =	shalt  }
0x4d: {  	_ =	shalt  }
0x4e: {  	_ =	shalt  }
0x4f: {  	_ =	shalt  }
0x50: {  	_ =	shalt  }
0x51: {  	_ =	shalt  }
0x52: {  	_ =	shalt  }
0x53: {  	_ =	shalt  }
0x54: {  	_ =	shalt  }
0x55: {  	_ =	shalt  }
0x56: {  	_ =	shalt  }
0x57: {  	_ =	shalt  }
0x58: {  	_ =	shalt  }
0x59: {  	_ =	shalt  }
0x5a: {  	_ =	shalt  }
0x5b: {  	_ =	shalt  }
0x5c: {  	_ =	shalt  }
0x5d: {  	_ =	shalt  }
0x5e: {  	_ =	shalt  }
0x5f: {  	_ =	shalt  }
0x60: {  	_ =	shalt  }
0x61: {  	_ =	shalt  }
0x62: {  	_ =	shalt  }
0x63: {  	_ =	shalt  }
0x64: {  	_ =	shalt  }
0x65: {  	_ =	shalt  }
0x66: {  	_ =	shalt  }
0x67: {  	_ =	shalt  }
0x68: {  	_ =	shalt  }
0x69: {  	_ =	shalt  }
0x6a: {  	_ =	shalt  }
0x6b: {  	_ =	shalt  }
0x6c: {  	_ =	shalt  }
0x6d: {  	_ =	shalt  }
0x6e: {  	_ =	shalt  }
0x6f: {  	_ =	shalt  }
0x70: {  	_ =	shalt  }
0x71: {  	_ =	shalt  }
0x72: {  	_ =	shalt  }
0x73: {  	_ =	shalt  }
0x74: {  	_ =	shalt  }
0x75: {  	_ =	shalt  }
0x76: {  	_ =	shalt  }
0x77: {  	_ =	shalt  }
0x78: {  	_ =	shalt  }
0x79: {  	_ =	shalt  }
0x7a: {  	_ =	shalt  }
0x7b: {  	_ =	shalt  }
0x7c: {  	_ =	shalt  }
0x7d: {  	_ =	shalt  }
0x7e: {  	_ =	shalt  }
0x7f: {  	_ =	shalt  }
0x80: {  	_ =	shalt  }
0x81: {  	_ =	shalt  }
0x82: {  	_ =	shalt  }
0x83: {  	_ =	shalt  }
0x84: {  	_ =	shalt  }
0x85: {  	_ =	shalt  }
0x86: {  	_ =	shalt  }
0x87: {  	_ =	shalt  }
.Lfunc_end0:
.L_simem_size_0:
called_computation_lowered:
.L_overlay_start_0:
0x88: {  	s2 =	sld [smem:$0x3FD9]  }
0x89: {  	s3 =	sld [smem:$0x3FFE];
	_ =	sdelay $0x1  }
0x8a: {  	s1 =	srdreg.scid  }
0x8b: {  	s0 =	sand.u32 $0x1, s1  }
0x8c: {  	s18 =	sshll.u32 s0, $0xA;
	s2 =	sadd.s32 s3, s2  }
0x8d: {  	s2 =	sadd.s32 s2, s18  }
0x8e: {  	[smem:$0x3FC6] =	sst s2  }
0x8f: {  	_ = 	snop  }
0x90: {  	s2 =	sld [smem:$0x3FC9]  }
0x91: {  	s19 =	sld [smem:$0x3FC8]  }
0x92: {  	s4 =	sld [smem:$0x3FD0];
	(tm) =	ssettm $0x1  }
0x93: {  	s5 =	sld [smem:$0x3FFB];
	_ =	sdelay $0x3  }
0x94: {  	_ =	strace s5  }
0x95: {  	s5 =	sld [smem:$0x3FFC];
	_ =	sdelay $0x3  }
0x96: {  	_ =	strace s5  }
0x97: {  	s5 =	sld [smem:$0x3FFD];
	_ =	sdelay $0x3  }
0x98: {  	_ =	strace s5  }
0x99: {  	_ =	strace $0x8FFFFFFF  }
0x9a: {  	s20 =	sld [smem:$0x3FDB];
	_ =	sdelay $0x1  }
0x9b: {  	s6 =	simm.s32 $_scs_section_size  }
0x9c: {  	s7 =	simm.s32 $_size__tile_overlayer_lowered;
	s8 =	simm.s32 $_tile_overlayer_lowered  }
0x9d: {  	s23 =	simm.s32 $0x1BFF;
	s22 =	sshll.u32 s8, $0x1;
	s5 =	sadd.s32 s6, s20  }
0x9e: {  	s9 =	simm.s32 $0x0;
	s21 =	sshll.u32 s7, $0x1;
	s7 =	sadd.s32 s22, s5  }
0x9f: {  	[timem:s9], [sflag:s23] =	dma.local [hbm:s7], s21  }
0xa0: {  	_ =	swait.ge [sflag:s23], s21  }
0xa1: {  	s6 =	ssub.s32 $0x0, s21;
	[sflag:s23] =	ssyncset.done $0x0  }
0xa2: {  	[sflag:s23] =	ssyncadd.s32 s6;
	_ =	sdelay $0x1  }
0xa3: {  	s24 =	simm.s32 $0x1B8B  }
0xa4: {  	_ =	swait.ge [sflag:s24], $0x1  }
0xa5: {  	[sflag:s24] =	ssyncset.done $0x0  }
0xa6: {  	s25 =	simm.s32 $0x1B8E;
	[sflag:s24] =	ssyncadd.s32 $0xFFFFFFFF  }
0xa7: {  	s26 =	simm.s32 $execute0_lowered;
	[smem:$0x3FD2] =	sst s25  }
0xa8: {  	s6 =	sshll.u32 s26, $0x1;
	_ =	strace $0x80000046;
	[dreg:$0x1] =	wrdreg $0xFFFFFFFF  }
0xa9: {  	s28 =	simm.s32 $_size_execute0_lowered;
	s5 =	sadd.s32 s5, s6;
	[dreg:$0x0] =	wrdreg $0x0  }
0xaa: {  	s6 =	sshll.u32 s28, $0x1;
	[dreg:$0x2] =	wrdreg s5  }
0xab: {  	[dreg:$0x3] =	wrdreg s6  }
0xac: {  	[dreg:$0x4] =	wrdreg $0xC0  }
0xad: {  	_ =	task [dreg:s9], $0x5FFFF  }
0xae: {  	[dreg:$0x1] =	wrdreg $0xFFFFFFFF  }
0xaf: {  	[dreg:$0x0] =	wrdreg $0x60  }
0xb0: {  	[dreg:$0x2] =	wrdreg s2  }
0xb1: {  	[dreg:$0x3] =	wrdreg s19  }
0xb2: {  	[dreg:$0x4] =	wrdreg s4  }
0xb3: {  	[dreg:$0x5] =	wrdreg $0x9  }
0xb4: {  	_ =	task.clear_ibuf [dreg:s9], $0x6FFFF;
	_ =	strace $0x90000046  }
0xb5: {  	s29 =	simm.s32 $0x9;
	_ =	strace $0x80000048  }
0xb6: {  	_ =	swait.ge [sflag:s29], $0x1  }
0xb7: {  	[sflag:s29] =	ssyncadd.s32 $0xFFFFFFFF  }
0xb8: {  	_ =	strace $0x90000048  }
0xb9: {  	_ =	sfence  }
0xba: {  	s30 =	sld [smem:$0x0];
	_ =	sdelay $0x2  }
0xbb: {  	s31 =	sshll.u32 s1, $0xD;
	s1 =	sshrl.u32 s1, $0x2  }
0xbc: {  	s3 =	sand.u32 $0x4000, s31;
	s1 =	sadd.s32 s1, s30  }
0xbd: {  	s0 =	sor.u32 s3, s0;
	s1 =	sshll.u32 s1, $0x11  }
0xbe: {  	s0 =	sor.u32 s1, s0  }
0xbf: {  	s0 =	sadd.s32 $0x8F2B, s0  }
0xc0: {  	[sflag:s0] =	ssyncadd.remote.s32 $0x1  }
0xc1: {  	_ =	sfence.sel $0xFFFF  }
0xc2: {  	[dreg:$0x0] =	wrdreg $0xFFFFFFFF;
	(pc) =	sbr.abs _section_cstart, $3  }
0xc3: {  	[dreg:$0x1] =	wrdreg $0xFFFFFFFF  }
0xc4: {  	_ =	task.clear_ibuf [dreg:s9], $0x2FFFF;
	_ =	strace $0x9FFFFFFF  }
0xc5: {  	(tm) =	ssettm $0x7FFFFFFF  }
tec
execute0_lowered:
.L_overlay_start_1:
0x0: {  	(tag) =	ssettag $0x1  }
0x1: {  	s0 =	srdreg.scid;
	s2 =	stileid.u32  }
0x2: {  	s5 =	sand.u32 $0x1, s0;
	s11 =	sshll.u32 s2, $0x1  }
0x3: {  	s1 =	sor.u32 s5, s11  }
0x4: {  	s0 =	smul.u32 $0xC, s1  }
0x5: {  	s2 =	sshrl.u32 s2, $0x2;
	s4 =	smul.u32 $0x2004, s1  }
0x6: {  	s28 =	simm.s32 $0xB800;
	s2 =	smul.u32 $0xD80000, s2;
	s6 =	sor.u32 $0x1, s0  }
0x7: {  	s29 =	simm.s32 $0xC800;
	s1 =	sshrl.u32 s4, $0x10;
	s3 =	smul.u32 $0x2AB, s6  }
0x8: {  	s9 =	sor.u32 $0x2, s0;
	s15 =	sadd.s32 $0xAAC, s4;
	s7 =	smul.u32 $0x60, s1  }
0x9: {  	s30 =	simm.s32 $0xD800;
	s13 =	smul.u32 $0x2AB, s9;
	s16 =	sshrl.u32 s15, $0x10  }
0xa: {  	s31 =	simm.s32 $0xE800;
	s17 =	smul.u32 $0x60, s16;
	s3 =	sshrl.u32 s3, $0x10  }
0xb: {  	s10 =	sor.u32 $0x3, s0;
	s12 =	ssub.s32 s0, s7;
	s8 =	smul.u32 $0x60, s3  }
0xc: {  	s7 =	sshrl.u32 s13, $0x10;
	s11 =	sand.u32 $0xFFFC, s12;
	s12 =	smul.u32 $0x2AB, s10  }
0xd: {  	s5 =	ssub.s32 $0x2, s5;
	s18 =	sadd.s32 $0xD57, s4;
	s7 =	smul.u32 $0x60, s7  }
0xe: {  	s24 =	sadd.s32 $0x1803, s4;
	s15 =	sshrl.u32 s5, $0x1;
	s11 =	smul.u32 $0x24000, s11  }
0xf: {  	s14 =	sshrl.u32 s12, $0x10;
	s7 =	ssub.s32 s9, s7;
	s9 =	smul.u32 $0xD80000, s16  }
0x10: {  	s6 =	ssub.s32 s6, s8;
	s12 =	sshrl.u32 s18, $0x10;
	s8 =	smul.u32 $0x60, s14  }
0x11: {  	s1 =	rddreg [dreg:$0x0];
	s5 =	ssub.s32 s5, s15;
	s13 =	smul.u32 $0x60, s12  }
0x12: {  	s3 =	rddreg [dreg:$0x2];
	s6 =	sand.u32 $0xFFFD, s6;
	s12 =	smul.u32 $0xD80000, s12  }
0x13: {  	s18 =	sadd.s32 $0x1558, s4;
	s7 =	sand.u32 $0xFFFE, s7;
	s6 =	smul.u32 $0x24000, s6  }
0x14: {  	s14 =	sadd.s32 $0x1002, s4;
	s18 =	sshrl.u32 s18, $0x10;
	s7 =	smul.u32 $0x24000, s7  }
0x15: {  	s11 =	sadd.s32 s2, s11;
	s14 =	sshrl.u32 s14, $0x10;
	s22 =	smul.u32 $0x60, s18  }
0x16: {  	[dreg:$0x4] =	wrdreg s11;
	s18 =	smul.u32 $0xD80000, s18;
	s8 =	ssub.s32 s10, s8  }
0x17: {  	s10 =	ssub.s32 s0, s17;
	s13 =	ssub.s32 s0, s13;
	s16 =	smul.u32 $0x60, s14  }
0x18: {  	s17 =	sadd.s32 $0x12AD, s4;
	s14 =	smul.u32 $0xD80000, s14;
	s8 =	sand.u32 $0xFFFF, s8  }
0x19: {  	s4 =	sadd.s32 $0x1AAE, s4;
	s17 =	sshrl.u32 s17, $0x10;
	s8 =	smul.u32 $0x24000, s8  }
0x1a: {  	s10 =	sadd.s32 $0x4, s10;
	s13 =	sadd.s32 $0x5, s13;
	s20 =	smul.u32 $0x60, s17  }
0x1b: {  	s6 =	sadd.s32 s2, s6;
	s4 =	sshrl.u32 s4, $0x10;
	s11 =	smul.u32 $0xD80000, s17  }
0x1c: {  	s7 =	sadd.s32 s2, s7;
	s10 =	sand.u32 $0xFFFC, s10;
	s26 =	smul.u32 $0x60, s4  }
0x1d: {  	s13 =	sand.u32 $0xFFFD, s13;
	s16 =	ssub.s32 s0, s16;
	s4 =	smul.u32 $0xD80000, s4  }
0x1e: {  	[dreg:$0x5] =	wrdreg s6;
	s17 =	sshrl.u32 s24, $0x10;
	s10 =	smul.u32 $0x24000, s10  }
0x1f: {  	[dreg:$0x6] =	wrdreg s7;
	s13 =	smul.u32 $0x24000, s13;
	s19 =	sadd.s32 $0x6, s16  }
0x20: {  	s15 =	sand.u32 $0xFFFE, s19;
	s16 =	ssub.s32 s0, s20;
	s19 =	smul.u32 $0x60, s17  }
0x21: {  	s20 =	sadd.s32 $0xB, s0;
	s2 =	sadd.s32 s2, s8;
	s17 =	smul.u32 $0xD80000, s17  }
0x22: {  	s15 =	smul.u32 $0x24000, s15;
	s21 =	sadd.s32 $0x7, s16;
	s16 =	ssub.s32 s0, s22  }
0x23: {  	[dreg:$0x7] =	wrdreg s2;
	s9 =	sadd.s32 s10, s9;
	s22 =	simm.s32 $0x0  }
0x24: {  	s10 =	simm.s32 $0x13800;
	s23 =	sand.u32 $0xFFFF, s21;
	s16 =	sadd.s32 $0x8, s16  }
0x25: {  	s25 =	ssub.s32 s0, s19;
	s0 =	ssub.s32 s0, s26;
	[dreg:$0x8] =	wrdreg s9  }
0x26: {  	[smem:$0x7FF] =	sst s22;
	s26 =	smax.u32 s5, $0x1;
	s19 =	simm.s32 $0x1  }
0x27: {  	s5 =	simm.s32 $0x2;
	s6 =	smul.u32 $0x24000, s23;
	s16 =	sand.u32 $0xFFFC, s16  }
0x28: {  	s8 =	sadd.s32 $0x9, s25;
	s0 =	sadd.s32 $0xA, s0;
	_ =	strace $0x80000047  }
0x29: {  	s23 =	sadd.s32 s13, s12;
	s24 =	sadd.s32 s15, s14;
	[dreg:$0x10] =	wrdreg s26  }
0x2a: {  	s26 =	simm.s32 $0xA800;
	s12 =	simm.s32 $0x0;
	s7 =	smul.u32 $0x24000, s16  }
0x2b: {  	s16 =	smul.u32 $0x2AB, s20;
	s2 =	sand.u32 $0xFFFD, s8;
	[dreg:$0x9] =	wrdreg s23  }
0x2c: {  	s0 =	sand.u32 $0xFFFE, s0;
	[dreg:$0xa] =	wrdreg s24;
	s2 =	smul.u32 $0x24000, s2  }
0x2d: {  	s0 =	smul.u32 $0x24000, s0;
	s6 =	sadd.s32 s6, s11;
	s8 =	sshrl.u32 s16, $0x10  }
0x2e: {  	[dreg:$0xb] =	wrdreg s6;
	s25 =	sadd.s32 s7, s18;
	s21 =	smul.u32 $0x60, s8  }
0x2f: {  	s7 =	simm.s32 $0xF800;
	s18 =	simm.s32 $0x11800;
	s6 =	simm.s32 $0x19000  }
0x30: {  	s8 =	smul.u32 $0xD80000, s8;
	[dreg:$0xc] =	wrdreg s25;
	s9 =	ssub.s32 s20, s21  }
0x31: {  	s2 =	sadd.s32 s2, s17;
	s0 =	sadd.s32 s0, s4;
	s9 =	sand.u32 $0xFFFF, s9  }
0x32: {  	s25 =	simm.s32 $0x9800;
	[dreg:$0xd] =	wrdreg s2;
	s9 =	smul.u32 $0x24000, s9  }
0x33: {  	s4 =	simm.s32 $0x14800;
	[dreg:$0xe] =	wrdreg s0;
	s0 =	simm.s32 $0x10800  }
0x34: {  	s2 =	simm.s32 $0x12800;
	s20 =	simm.s32 $0x4800;
	s24 =	sadd.s32 s9, s8  }
0x35: {  	s8 =	simm.s32 $0x3;
	s9 =	simm.s32 $0x4;
	[dreg:$0xf] =	wrdreg s24  }
.LBB2_1:
0x36: {  	[dreg:$0x11] =	wrdreg s12;
	s11 =	simm.s32 $0x0  }
.LBB2_2:
0x37: {  	s12 =	smul.u32 $0x30, s11  }
0x38: {  	s14 =	smul.u32 $0x900, s11  }
0x39: {  	s15 =	rddreg [dreg:$0x1];
	s13 =	smax.u32 s12, $0x8  }
0x3a: {  	s15 =	sadd.s32 s15, s14;
	s14 =	simm.s32 $0x0;
	s13 =	smin.u32 s13, $0x148  }
0x3b: {  	[tilespmem:s14], [sflag:$0x5] =	stream.linear.gather [hbm4b:s15+s14], $0x4800, $0x38;
	[tilespmem:$0x1D800] =	vst v63  }
0x3c: {  	s13 =	sadd.s32 $0xFFFFFFF8, s13  }
0x3d: {  	s16 =	simm.s32 $0x5;
	s13 =	sshrl.u32 s13, $0x3  }
0x3e: {  	_ =	swait.ge [sflag:s16], $0x4800;
	s13 =	smul.u32 $0xC00, s13  }
0x3f: {  	s21 =	rddreg [dreg:$0x4]  }
0x40: {  	s15 =	sadd.s32 s21, s13  }
0x41: {  	[sflag:s16] =	ssyncset.done $0x0;
	s15 =	sshrl.u32 s15, $0x3  }
0x42: {  	[sflag:s16] =	ssyncadd.s32 $0xFFFFB800;
	s15 =	sadd.s32 s1, s15  }
0x43: {  	[tilespmem:s20], [sflag:$0x1] =	stream.linear.gather [hbm4b:s15+s14], $0xC00, $0x38;
	[tilespmem:$0x1D800] =	vst v63  }
0x44: {  	s17 =	simm.s32 $0x5800;
	s22 =	sadd.s32 $0x180, s15  }
0x45: {  	[tilespmem:s17], [sflag:$0x1] =	stream.linear.gather [hbm4b:s22+s14], $0xC00, $0x38;
	[tilespmem:$0x1D800] =	vst v63  }
0x46: {  	s24 =	simm.s32 $0x6800;
	s23 =	sadd.s32 $0x300, s15  }
0x47: {  	[tilespmem:s24], [sflag:$0x1] =	stream.linear.gather [hbm4b:s23+s14], $0xC00, $0x38;
	[tilespmem:$0x1D800] =	vst v63  }
0x48: {  	s21 =	sadd.s32 $0x480, s15;
	s22 =	simm.s32 $0x7800  }
0x49: {  	[tilespmem:s22], [sflag:$0x1] =	stream.linear.gather [hbm4b:s21+s14], $0xC00, $0x38;
	[tilespmem:$0x1D800] =	vst v63  }
0x4a: {  	s23 =	sadd.s32 $0x600, s15;
	s24 =	simm.s32 $0x8800  }
0x4b: {  	[tilespmem:s24], [sflag:$0x1] =	stream.linear.gather [hbm4b:s23+s14], $0xC00, $0x38;
	[tilespmem:$0x1D800] =	vst v63  }
0x4c: {  	s21 =	sadd.s32 $0x780, s15  }
0x4d: {  	[tilespmem:s25], [sflag:$0x1] =	stream.linear.gather [hbm4b:s21+s14], $0xC00, $0x38;
	[tilespmem:$0x1D800] =	vst v63  }
0x4e: {  	s22 =	sadd.s32 $0x900, s15  }
0x4f: {  	[tilespmem:s26], [sflag:$0x1] =	stream.linear.gather [hbm4b:s22+s14], $0xC00, $0x38;
	[tilespmem:$0x1D800] =	vst v63  }
0x50: {  	s15 =	sadd.s32 $0xA80, s15;
	s23 =	rddreg [dreg:$0x5]  }
0x51: {  	[tilespmem:s28], [sflag:$0x1] =	stream.linear.gather [hbm4b:s15+s14], $0xC00, $0x38;
	[tilespmem:$0x1D800] =	vst v63  }
0x52: {  	s15 =	sadd.s32 s23, s13  }
0x53: {  	s15 =	sshrl.u32 s15, $0x3  }
0x54: {  	s15 =	sadd.s32 s1, s15  }
0x55: {  	[tilespmem:s29], [sflag:$0x2] =	stream.linear.gather [hbm4b:s15+s14], $0xC00, $0x38;
	[tilespmem:$0x1D800] =	vst v63  }
0x56: {  	s24 =	sadd.s32 $0x180, s15  }
0x57: {  	[tilespmem:s30], [sflag:$0x2] =	stream.linear.gather [hbm4b:s24+s14], $0xC00, $0x38;
	[tilespmem:$0x1D800] =	vst v63  }
0x58: {  	s17 =	sadd.s32 $0x300, s15  }
0x59: {  	[tilespmem:s31], [sflag:$0x2] =	stream.linear.gather [hbm4b:s17+s14], $0xC00, $0x38;
	[tilespmem:$0x1D800] =	vst v63  }
0x5a: {  	s21 =	sadd.s32 $0x480, s15  }
0x5b: {  	[tilespmem:s7], [sflag:$0x2] =	stream.linear.gather [hbm4b:s21+s14], $0xC00, $0x38;
	[tilespmem:$0x1D800] =	vst v63  }
0x5c: {  	s22 =	sadd.s32 $0x600, s15  }
0x5d: {  	[tilespmem:s0], [sflag:$0x2] =	stream.linear.gather [hbm4b:s22+s14], $0xC00, $0x38;
	[tilespmem:$0x1D800] =	vst v63  }
0x5e: {  	s23 =	sadd.s32 $0x780, s15  }
0x5f: {  	[tilespmem:s18], [sflag:$0x2] =	stream.linear.gather [hbm4b:s23+s14], $0xC00, $0x38;
	[tilespmem:$0x1D800] =	vst v63  }
0x60: {  	s24 =	sadd.s32 $0x900, s15  }
0x61: {  	[tilespmem:s2], [sflag:$0x2] =	stream.linear.gather [hbm4b:s24+s14], $0xC00, $0x38;
	[tilespmem:$0x1D800] =	vst v63  }
0x62: {  	s15 =	sadd.s32 $0xA80, s15  }
0x63: {  	[tilespmem:s10], [sflag:$0x2] =	stream.linear.gather [hbm4b:s15+s14], $0xC00, $0x38;
	[tilespmem:$0x1D800] =	vst v63  }
0x64: {  	_ =	swait.ge [sflag:s19], $0x6000  }
0x65: {  	s16 =	simm.s32 $0x0;
	[sflag:s19] =	ssyncset.done $0x0  }
0x66: {  	s17 =	simm.s32 $0x0;
	s15 =	simm.s32 $0x40;
	[sflag:s19] =	ssyncadd.s32 $0xFFFFA000  }
.LBB2_3:
0x67: {  	v0 =	vld [tilespmem:s15+$0x30]  }
0x68: {  	v1 =	vld [tilespmem:s15+$0xFFFFFFD0]  }
0x69: {  	v3 =	vld [tilespmem:s15+$0xFFFFFFF0]  }
0x6a: {  	v5 =	vld [tilespmem:s15+$0x10]  }
0x6b: {  	v7 =	vld [tilespmem:s15+$0x20]  }
0x6c: {  	v9 =	vld [tilespmem:s15+$0xFFFFFFC0];
	_ =	sdelay $0x1  }
0x6d: {  	v2 =	vld [tilespmem:s15+$0xFFFFFFE0]  }
0x6e: {  	v4 =	vld [tilespmem:s15+$0x0];
	v6 =	vshll.u32 v0, $0x3;
	v8 =	vshrl.u32 v0, $0x2;
	v0 =	vand.u32 $0xFFFFF07F, v0  }
0x6f: {  	v10 =	vshll.u32 v1, $0x3;
	v11 =	vshll.u32 v3, $0x3;
	v12 =	vshll.u32 v5, $0x3  }
0x70: {  	v13 =	vshrl.u32 v1, $0x2;
	v14 =	vshll.u32 v7, $0x3;
	v15 =	vshll.u32 v9, $0x3  }
0x71: {  	v16 =	vshrl.u32 v9, $0x2;
	v9 =	vand.u32 $0xFFFFF07F, v9;
	v1 =	vand.u32 $0xFFFFF07F, v1  }
0x72: {  	v17 =	vshrl.u32 v2, $0x2;
	v18 =	vshrl.u32 v3, $0x2;
	v3 =	vand.u32 $0xFFFFF07F, v3  }
0x73: {  	v19 =	vshrl.u32 v4, $0x2;
	v20 =	vshrl.u32 v5, $0x2;
	v5 =	vand.u32 $0xFFFFF07F, v5  }
0x74: {  	v21 =	vshrl.u32 v7, $0x2;
	v7 =	vand.u32 $0xFFFFF07F, v7;
	v6 =	vand.u32 $0xC00, v6  }
0x75: {  	v8 =	vand.u32 $0x380, v8;
	v11 =	vand.u32 $0xC00, v11;
	v12 =	vand.u32 $0xC00, v12  }
0x76: {  	v14 =	vand.u32 $0xC00, v14;
	v15 =	vand.u32 $0xC00, v15;
	v0 =	vor.u32 v6, v0  }
0x77: {  	v6 =	vshll.u32 v2, $0x3;
	v2 =	vand.u32 $0xFFFFF07F, v2;
	v9 =	vor.u32 v15, v9  }
0x78: {  	v3 =	vor.u32 v11, v3;
	v5 =	vor.u32 v12, v5;
	v7 =	vor.u32 v14, v7  }
0x79: {  	s22 =	sadd.s32 $0x80, s15;
	v11 =	vand.u32 $0x380, v13;
	v12 =	vand.u32 $0x380, v17;
	v13 =	vand.u32 $0x380, v18  }
0x7a: {  	v14 =	vld [tilespmem:s22+$0xFFFFFFE0];
	v15 =	vand.u32 $0x380, v19;
	v17 =	vand.u32 $0x380, v21;
	v0 =	vor.u32 v8, v0  }
0x7b: {  	v18 =	vld [tilespmem:s22+$0xFFFFFFF0];
	v8 =	vand.u32 $0xC00, v10;
	v6 =	vand.u32 $0xC00, v6;
	v10 =	vshll.u32 v4, $0x3  }
0x7c: {  	v4 =	vand.u32 $0xFFFFF07F, v4;
	v3 =	vor.u32 v13, v3;
	v2 =	vor.u32 v6, v2;
	v6 =	vld [tilespmem:s22+$0x30]  }
0x7d: {  	v13 =	vld [tilespmem:s22+$0x10];
	v10 =	vand.u32 $0xC00, v10;
	v1 =	vor.u32 v8, v1;
	v8 =	vand.u32 $0x380, v16  }
0x7e: {  	v16 =	vand.u32 $0x380, v20;
	v4 =	vor.u32 v10, v4;
	v10 =	vld [tilespmem:s22+$0xFFFFFFD0];
	v8 =	vor.u32 v8, v9  }
0x7f: {  	v1 =	vor.u32 v11, v1;
	v2 =	vor.u32 v12, v2;
	v12 =	vor.u32 v16, v5;
	v9 =	vld [tilespmem:s22+$0xFFFFFFC0]  }
0x80: {  	v11 =	vld [tilespmem:s22+$0x0];
	v4 =	vor.u32 v15, v4;
	v15 =	vor.u32 v17, v7;
	v19 =	vshll.u32 v18, $0x3  }
0x81: {  	v17 =	vld [tilespmem:s22+$0x20];
	v31 =	vand.u32 $0xFFFFF07F, v14;
	v19 =	vand.u32 $0xC00, v19;
	v5 =	vshll.u32 v6, $0x3  }
0x82: {  	v26 =	vld.idx.msk [tilespmem:v3+s20+$0x0], $0xffff;
	v7 =	vshrl.u32 v6, $0x2;
	v6 =	vand.u32 $0xFFFFF07F, v6;
	v5 =	vand.u32 $0xC00, v5  }
0x83: {  	s21 =	sshll.u32 s16, $0x2;
	s23 =	sand.u32 $0x7, s14;
	v16 =	vshll.u32 v10, $0x3;
	v7 =	vand.u32 $0x380, v7;
	v62 =	vld.idx.msk [tilespmem:v8+s20+$0x0], $0xffff;
	v5 =	vor.u32 v5, v6  }
0x84: {  	s21 =	sand.u32 $0xFFFFF000, s21;
	s23 =	sshll.u32 s23, $0x6;
	v25 =	vld.idx.msk [tilespmem:v2+s20+$0x0], $0xffff;
	v3 =	vshll.u32 v9, $0x3;
	v29 =	vand.u32 $0xFFFFF07F, v9;
	v20 =	vor.u32 v7, v5  }
0x85: {  	s21 =	sor.u32 s23, s21;
	v30 =	vand.u32 $0xFFFFF07F, v10;
	v8 =	vshrl.u32 v18, $0x2;
	v63 =	vand.u32 $0xFFFFF07F, v11;
	v6 =	vld.idx.msk [tilespmem:v0+s20+$0x0], $0xffff  }
0x86: {  	s21 =	sshrl.u32 s21, $0x2;
	v0 =	vshll.u32 v14, $0x3;
	v22 =	vand.u32 $0xC00, v16;
	v16 =	vld.idx.msk [tilespmem:v1+s20+$0x0], $0xffff;
	v1 =	vshrl.u32 v10, $0x2  }
0x87: {  	s21 =	sadd.s32 $0x14A00, s21;
	v2 =	vshll.u32 v17, $0x3;
	v28 =	vand.u32 $0xC00, v3;
	v10 =	vshrl.u32 v13, $0x2  }
0x88: {  	v27 =	vld.idx.msk [tilespmem:v4+s20+$0x0], $0xffff;
	v23 =	vand.u32 $0xC00, v0;
	v0 =	vshll.u32 v11, $0x3;
	v5 =	vshrl.u32 v9, $0x2;
	[tilespmem:s21+$0xFFFFFF80] =	vst v26  }
0x89: {  	v2 =	vand.u32 $0xC00, v2;
	v7 =	vshrl.u32 v14, $0x2;
	v9 =	vshrl.u32 v11, $0x2;
	[tilespmem:s21+$0xFFFFFE00] =	vst v62;
	v3 =	vld.idx.msk [tilespmem:v20+s20+$0x0], $0xffff  }
0x8a: {  	v4 =	vld.idx.msk [tilespmem:v12+s20+$0x0], $0xffff;
	v11 =	vshrl.u32 v17, $0x2;
	v24 =	vand.u32 $0xC00, v0;
	v0 =	vshll.u32 v13, $0x3;
	[tilespmem:s21+$0xFFFFFF00] =	vst v25  }
0x8b: {  	v14 =	vor.u32 v28, v29;
	v12 =	vor.u32 v22, v30;
	v0 =	vand.u32 $0xC00, v0;
	[tilespmem:s21+$0x180] =	vst v6;
	v6 =	vld.idx.msk [tilespmem:v15+s20+$0x0], $0xffff  }
0x8c: {  	[tilespmem:s21+$0xFFFFFE80] =	vst v16;
	v16 =	vand.u32 $0xFFFFF07F, v13;
	v13 =	vor.u32 v24, v63;
	v20 =	vand.u32 $0xFFFFF07F, v18  }
0x8d: {  	s24 =	sadd.s32 $0x80, s22;
	s23 =	simm.s32 $0x8;
	s22 =	sadd.s32 $0xC00, s21;
	[tilespmem:s21+$0x0] =	vst v27;
	v18 =	vand.u32 $0xFFFFF07F, v17;
	v17 =	vor.u32 v23, v31;
	v15 =	vor.u32 v19, v20  }
.LBB2_4:
0x8e: {  	v19 =	vld [tilespmem:s24+$0x30];
	s23 =	sadd.s32 $0x8, s23;
	v5 =	vand.u32 $0x380, v5;
	v0 =	vor.u32 v0, v16;
	v2 =	vor.u32 v2, v18;
	[tilespmem:s22+$0x180] =	vst v3  }
0x8f: {  	v1 =	vand.u32 $0x380, v1;
	v7 =	vand.u32 $0x380, v7;
	v8 =	vand.u32 $0x380, v8;
	v3 =	vld [tilespmem:s24+$0xFFFFFFD0];
	p0 =	slt.u32 s23, $0x28;
	[tilespmem:s21+$0x80] =	vst v4  }
0x90: {  	v9 =	vand.u32 $0x380, v9;
	v10 =	vand.u32 $0x380, v10;
	v11 =	vand.u32 $0x380, v11;
	v4 =	vld [tilespmem:s24+$0xFFFFFFE0];
	[tilespmem:s21+$0x100] =	vst v6;
	s21 =	smov.u32 s22  }
0x91: {  	v5 =	vor.u32 v5, v14;
	v1 =	vor.u32 v1, v12;
	v7 =	vor.u32 v7, v17;
	v6 =	vld [tilespmem:s24+$0xFFFFFFF0]  }
0x92: {  	v8 =	vor.u32 v8, v15;
	v9 =	vor.u32 v9, v13;
	v10 =	vor.u32 v10, v0;
	v12 =	vld [tilespmem:s24+$0x0]  }
0x93: {  	v11 =	vor.u32 v11, v2;
	v13 =	vld [tilespmem:s24+$0x10];
	v0 =	vshll.u32 v19, $0x3  }
0x94: {  	v2 =	vshrl.u32 v19, $0x2;
	v14 =	vand.u32 $0xFFFFF07F, v19;
	v15 =	vld [tilespmem:s24+$0x20];
	v0 =	vand.u32 $0xC00, v0  }
0x95: {  	v17 =	vshll.u32 v3, $0x3;
	v2 =	vand.u32 $0x380, v2;
	v16 =	vld [tilespmem:s24+$0xFFFFFFC0];
	v0 =	vor.u32 v0, v14  }
0x96: {  	v14 =	vshll.u32 v4, $0x3;
	v18 =	vshll.u32 v6, $0x3;
	v19 =	vor.u32 v2, v0;
	v20 =	vld.idx.msk [tilespmem:v5+s20+$0x0], $0xffff  }
0x97: {  	v17 =	vand.u32 $0xC00, v17;
	v21 =	vand.u32 $0xC00, v14;
	v0 =	vshll.u32 v12, $0x3;
	v14 =	vld.idx.msk [tilespmem:v1+s20+$0x0], $0xffff  }
0x98: {  	v22 =	vand.u32 $0xC00, v18;
	v23 =	vand.u32 $0xC00, v0;
	v0 =	vshll.u32 v13, $0x3;
	v18 =	vld.idx.msk [tilespmem:v7+s20+$0x0], $0xffff  }
0x99: {  	v1 =	vshrl.u32 v3, $0x2;
	v0 =	vand.u32 $0xC00, v0;
	v2 =	vshll.u32 v15, $0x3;
	v24 =	vld.idx.msk [tilespmem:v8+s20+$0x0], $0xffff  }
0x9a: {  	v7 =	vshll.u32 v16, $0x3;
	v5 =	vshrl.u32 v16, $0x2;
	v2 =	vand.u32 $0xC00, v2;
	v25 =	vld.idx.msk [tilespmem:v9+s20+$0x0], $0xffff  }
0x9b: {  	v28 =	vand.u32 $0xFFFFF07F, v3;
	v27 =	vand.u32 $0xFFFFF07F, v16;
	v26 =	vand.u32 $0xC00, v7;
	v3 =	vld.idx.msk [tilespmem:v19+s20+$0x0], $0xffff  }
.Ltmp0:
0x9c: {  	v8 =	vshrl.u32 v6, $0x2;
	v7 =	vshrl.u32 v4, $0x2;
	v19 =	vand.u32 $0xFFFFF07F, v4;
	[tilespmem:s22+$0xFFFFFE00] =	vst v20;
	v4 =	vld.idx.msk [tilespmem:v10+s20+$0x0], $0xffff;
	(pc) =	sbr.rel @p0 .LBB2_4-.Ltmp0, $4  }
0x9d: {  	v29 =	vand.u32 $0xFFFFF07F, v12;
	v9 =	vshrl.u32 v12, $0x2;
	v20 =	vand.u32 $0xFFFFF07F, v6;
	[tilespmem:s22+$0xFFFFFE80] =	vst v14;
	v6 =	vld.idx.msk [tilespmem:v11+s20+$0x0], $0xffff  }
0x9e: {  	v16 =	vand.u32 $0xFFFFF07F, v13;
	v10 =	vshrl.u32 v13, $0x2;
	v11 =	vshrl.u32 v15, $0x2;
	[tilespmem:s22+$0xFFFFFF00] =	vst v18  }
0x9f: {  	v12 =	vor.u32 v17, v28;
	v14 =	vor.u32 v26, v27;
	v18 =	vand.u32 $0xFFFFF07F, v15;
	[tilespmem:s22+$0xFFFFFF80] =	vst v24  }
0xa0: {  	s24 =	sadd.s32 $0x80, s24;
	v17 =	vor.u32 v21, v19;
	v13 =	vor.u32 v23, v29;
	v15 =	vor.u32 v22, v20;
	s22 =	sadd.s32 $0xC00, s22;
	[tilespmem:s21+$0x0] =	vst v25  }
0xa1: {  	v5 =	vand.u32 $0x380, v5  }
0xa2: {  	v1 =	vand.u32 $0x380, v1;
	v5 =	vor.u32 v5, v14  }
0xa3: {  	v7 =	vand.u32 $0x380, v7;
	v1 =	vor.u32 v1, v12  }
0xa4: {  	v8 =	vand.u32 $0x380, v8;
	v7 =	vor.u32 v7, v17  }
0xa5: {  	v9 =	vand.u32 $0x380, v9;
	v8 =	vor.u32 v8, v15  }
0xa6: {  	v0 =	vor.u32 v0, v16;
	v10 =	vand.u32 $0x380, v10;
	v9 =	vor.u32 v9, v13  }
0xa7: {  	v2 =	vor.u32 v2, v18;
	v11 =	vand.u32 $0x380, v11;
	v0 =	vor.u32 v10, v0;
	v5 =	vld.idx.msk [tilespmem:v5+s20+$0x0], $0xffff  }
0xa8: {  	v2 =	vor.u32 v11, v2;
	v1 =	vld.idx.msk [tilespmem:v1+s20+$0x0], $0xffff  }
0xa9: {  	[tilespmem:s22+$0x180] =	vst v3;
	v60 =	vld.idx.msk [tilespmem:v7+s20+$0x0], $0xffff  }
0xaa: {  	[tilespmem:s21+$0x80] =	vst v4;
	v61 =	vld.idx.msk [tilespmem:v8+s20+$0x0], $0xffff  }
0xab: {  	[tilespmem:s21+$0x100] =	vst v6;
	v62 =	vld.idx.msk [tilespmem:v9+s20+$0x0], $0xffff  }
0xac: {  	s17 =	sadd.s32 $0x1, s17;
	v0 =	vld.idx.msk [tilespmem:v0+s20+$0x0], $0xffff;
	[tilespmem:s22+$0xFFFFFE00] =	vst v5  }
0xad: {  	p0 =	sne.s32 s17, $0x18;
	v63 =	vld.idx.msk [tilespmem:v2+s20+$0x0], $0xffff;
	[tilespmem:s22+$0xFFFFFE80] =	vst v1  }
.Ltmp1:
0xae: {  	[tilespmem:s22+$0xFFFFFF00] =	vst v60;
	(pc) =	sbr.rel @p0 .LBB2_3-.Ltmp1, $4  }
0xaf: {  	[tilespmem:s22+$0xFFFFFF80] =	vst v61  }
0xb0: {  	[tilespmem:s22+$0x0] =	vst v62  }
0xb1: {  	[tilespmem:s22+$0x80] =	vst v0  }
0xb2: {  	s15 =	sadd.s32 $0x300, s15;
	s16 =	sadd.s32 $0x80, s16;
	s14 =	sadd.s32 $0x1, s14;
	[tilespmem:s22+$0x100] =	vst v63  }
0xb3: {  	s12 =	sshrl.u32 s12, $0x3  }
0xb4: {  	s12 =	smul.u32 $0xC00, s12  }
0xb5: {  	s14 =	rddreg [dreg:$0x4]  }
0xb6: {  	s14 =	sadd.s32 s14, s12  }
0xb7: {  	s14 =	sshrl.u32 s14, $0x3  }
0xb8: {  	s17 =	rddreg [dreg:$0x6];
	s15 =	sadd.s32 s3, s14;
	s14 =	simm.s32 $0x0  }
0xb9: {  	[hbm4b:s15+s14] =	stream.linear.scatter [tilespmem:s4], [sflag:$0x3], $0x4800, $0x38;
	[tilespmem:$0x1D800] =	vst v63  }
0xba: {  	s15 =	sadd.s32 s17, s13  }
0xbb: {  	s15 =	sshrl.u32 s15, $0x3  }
0xbc: {  	s15 =	sadd.s32 s1, s15  }
0xbd: {  	[tilespmem:s20], [sflag:$0x1] =	stream.linear.gather [hbm4b:s15+s14], $0xC00, $0x38;
	[tilespmem:$0x1D800] =	vst v63  }
0xbe: {  	s17 =	simm.s32 $0x5800;
	s16 =	sadd.s32 $0x180, s15  }
0xbf: {  	[tilespmem:s17], [sflag:$0x1] =	stream.linear.gather [hbm4b:s16+s14], $0xC00, $0x38;
	[tilespmem:$0x1D800] =	vst v63  }
0xc0: {  	s22 =	simm.s32 $0x6800;
	s21 =	sadd.s32 $0x300, s15  }
0xc1: {  	[tilespmem:s22], [sflag:$0x1] =	stream.linear.gather [hbm4b:s21+s14], $0xC00, $0x38;
	[tilespmem:$0x1D800] =	vst v63  }
0xc2: {  	s24 =	simm.s32 $0x7800;
	s23 =	sadd.s32 $0x480, s15  }
0xc3: {  	[tilespmem:s24], [sflag:$0x1] =	stream.linear.gather [hbm4b:s23+s14], $0xC00, $0x38;
	[tilespmem:$0x1D800] =	vst v63  }
0xc4: {  	s21 =	sadd.s32 $0x600, s15;
	s22 =	simm.s32 $0x8800  }
0xc5: {  	[tilespmem:s22], [sflag:$0x1] =	stream.linear.gather [hbm4b:s21+s14], $0xC00, $0x38;
	[tilespmem:$0x1D800] =	vst v63  }
0xc6: {  	s23 =	sadd.s32 $0x780, s15  }
0xc7: {  	[tilespmem:s25], [sflag:$0x1] =	stream.linear.gather [hbm4b:s23+s14], $0xC00, $0x38;
	[tilespmem:$0x1D800] =	vst v63  }
0xc8: {  	s24 =	sadd.s32 $0x900, s15  }
0xc9: {  	[tilespmem:s26], [sflag:$0x1] =	stream.linear.gather [hbm4b:s24+s14], $0xC00, $0x38;
	[tilespmem:$0x1D800] =	vst v63  }
0xca: {  	s15 =	sadd.s32 $0xA80, s15  }
0xcb: {  	[tilespmem:s28], [sflag:$0x1] =	stream.linear.gather [hbm4b:s15+s14], $0xC00, $0x38;
	[tilespmem:$0x1D800] =	vst v63  }
0xcc: {  	_ =	swait.ge [sflag:s5], $0x6000  }
0xcd: {  	s16 =	simm.s32 $0x0;
	[sflag:s5] =	ssyncset.done $0x0  }
0xce: {  	s17 =	simm.s32 $0x0;
	s15 =	simm.s32 $0x40;
	[sflag:s5] =	ssyncadd.s32 $0xFFFFA000  }
.LBB2_7:
0xcf: {  	v0 =	vld [tilespmem:s15+$0x30]  }
0xd0: {  	v1 =	vld [tilespmem:s15+$0xFFFFFFD0]  }
0xd1: {  	v3 =	vld [tilespmem:s15+$0xFFFFFFF0]  }
0xd2: {  	v5 =	vld [tilespmem:s15+$0x10]  }
0xd3: {  	v7 =	vld [tilespmem:s15+$0x20]  }
0xd4: {  	v9 =	vld [tilespmem:s15+$0xFFFFFFC0];
	_ =	sdelay $0x1  }
0xd5: {  	v2 =	vld [tilespmem:s15+$0xFFFFFFE0]  }
0xd6: {  	v4 =	vld [tilespmem:s15+$0x0];
	v6 =	vshll.u32 v0, $0x3;
	v8 =	vshrl.u32 v0, $0x2;
	v0 =	vand.u32 $0xFFFFF07F, v0  }
0xd7: {  	v10 =	vshll.u32 v1, $0x3;
	v11 =	vshll.u32 v3, $0x3;
	v12 =	vshll.u32 v5, $0x3  }
0xd8: {  	v13 =	vshrl.u32 v1, $0x2;
	v14 =	vshll.u32 v7, $0x3;
	v15 =	vshll.u32 v9, $0x3  }
0xd9: {  	v16 =	vshrl.u32 v9, $0x2;
	v9 =	vand.u32 $0xFFFFF07F, v9;
	v1 =	vand.u32 $0xFFFFF07F, v1  }
0xda: {  	v17 =	vshrl.u32 v2, $0x2;
	v18 =	vshrl.u32 v3, $0x2;
	v3 =	vand.u32 $0xFFFFF07F, v3  }
0xdb: {  	v19 =	vshrl.u32 v4, $0x2;
	v20 =	vshrl.u32 v5, $0x2;
	v5 =	vand.u32 $0xFFFFF07F, v5  }
0xdc: {  	v21 =	vshrl.u32 v7, $0x2;
	v7 =	vand.u32 $0xFFFFF07F, v7;
	v6 =	vand.u32 $0xC00, v6  }
0xdd: {  	v8 =	vand.u32 $0x380, v8;
	v11 =	vand.u32 $0xC00, v11;
	v12 =	vand.u32 $0xC00, v12  }
0xde: {  	v14 =	vand.u32 $0xC00, v14;
	v15 =	vand.u32 $0xC00, v15;
	v0 =	vor.u32 v6, v0  }
0xdf: {  	v6 =	vshll.u32 v2, $0x3;
	v2 =	vand.u32 $0xFFFFF07F, v2;
	v9 =	vor.u32 v15, v9  }
0xe0: {  	v3 =	vor.u32 v11, v3;
	v5 =	vor.u32 v12, v5;
	v7 =	vor.u32 v14, v7  }
0xe1: {  	s22 =	sadd.s32 $0x80, s15;
	v11 =	vand.u32 $0x380, v13;
	v12 =	vand.u32 $0x380, v17;
	v13 =	vand.u32 $0x380, v18  }
0xe2: {  	v14 =	vld [tilespmem:s22+$0xFFFFFFE0];
	v15 =	vand.u32 $0x380, v19;
	v17 =	vand.u32 $0x380, v21;
	v0 =	vor.u32 v8, v0  }
0xe3: {  	v18 =	vld [tilespmem:s22+$0xFFFFFFF0];
	v8 =	vand.u32 $0xC00, v10;
	v6 =	vand.u32 $0xC00, v6;
	v10 =	vshll.u32 v4, $0x3  }
0xe4: {  	v4 =	vand.u32 $0xFFFFF07F, v4;
	v3 =	vor.u32 v13, v3;
	v2 =	vor.u32 v6, v2;
	v6 =	vld [tilespmem:s22+$0x30]  }
0xe5: {  	v13 =	vld [tilespmem:s22+$0x10];
	v10 =	vand.u32 $0xC00, v10;
	v1 =	vor.u32 v8, v1;
	v8 =	vand.u32 $0x380, v16  }
0xe6: {  	v16 =	vand.u32 $0x380, v20;
	v4 =	vor.u32 v10, v4;
	v10 =	vld [tilespmem:s22+$0xFFFFFFD0];
	v8 =	vor.u32 v8, v9  }
0xe7: {  	v1 =	vor.u32 v11, v1;
	v2 =	vor.u32 v12, v2;
	v12 =	vor.u32 v16, v5;
	v9 =	vld [tilespmem:s22+$0xFFFFFFC0]  }
0xe8: {  	v11 =	vld [tilespmem:s22+$0x0];
	v4 =	vor.u32 v15, v4;
	v15 =	vor.u32 v17, v7;
	v19 =	vshll.u32 v18, $0x3  }
0xe9: {  	v17 =	vld [tilespmem:s22+$0x20];
	v31 =	vand.u32 $0xFFFFF07F, v14;
	v19 =	vand.u32 $0xC00, v19;
	v5 =	vshll.u32 v6, $0x3  }
0xea: {  	v26 =	vld.idx.msk [tilespmem:v3+s29+$0x0], $0xffff;
	v7 =	vshrl.u32 v6, $0x2;
	v6 =	vand.u32 $0xFFFFF07F, v6;
	v5 =	vand.u32 $0xC00, v5  }
0xeb: {  	s21 =	sshll.u32 s16, $0x2;
	s23 =	sand.u32 $0x7, s14;
	v16 =	vshll.u32 v10, $0x3;
	v7 =	vand.u32 $0x380, v7;
	v62 =	vld.idx.msk [tilespmem:v8+s29+$0x0], $0xffff;
	v5 =	vor.u32 v5, v6  }
0xec: {  	s21 =	sand.u32 $0xFFFFF000, s21;
	s23 =	sshll.u32 s23, $0x6;
	v25 =	vld.idx.msk [tilespmem:v2+s29+$0x0], $0xffff;
	v3 =	vshll.u32 v9, $0x3;
	v29 =	vand.u32 $0xFFFFF07F, v9;
	v20 =	vor.u32 v7, v5  }
0xed: {  	s21 =	sor.u32 s23, s21;
	v30 =	vand.u32 $0xFFFFF07F, v10;
	v8 =	vshrl.u32 v18, $0x2;
	v63 =	vand.u32 $0xFFFFF07F, v11;
	v6 =	vld.idx.msk [tilespmem:v0+s29+$0x0], $0xffff  }
0xee: {  	s21 =	sshrl.u32 s21, $0x2;
	v0 =	vshll.u32 v14, $0x3;
	v22 =	vand.u32 $0xC00, v16;
	v16 =	vld.idx.msk [tilespmem:v1+s29+$0x0], $0xffff;
	v1 =	vshrl.u32 v10, $0x2  }
0xef: {  	s21 =	sadd.s32 $0x19200, s21;
	v2 =	vshll.u32 v17, $0x3;
	v28 =	vand.u32 $0xC00, v3;
	v10 =	vshrl.u32 v13, $0x2  }
0xf0: {  	v27 =	vld.idx.msk [tilespmem:v4+s29+$0x0], $0xffff;
	v23 =	vand.u32 $0xC00, v0;
	v0 =	vshll.u32 v11, $0x3;
	v5 =	vshrl.u32 v9, $0x2;
	[tilespmem:s21+$0xFFFFFF80] =	vst v26  }
0xf1: {  	v2 =	vand.u32 $0xC00, v2;
	v7 =	vshrl.u32 v14, $0x2;
	v9 =	vshrl.u32 v11, $0x2;
	[tilespmem:s21+$0xFFFFFE00] =	vst v62;
	v3 =	vld.idx.msk [tilespmem:v20+s29+$0x0], $0xffff  }
0xf2: {  	v4 =	vld.idx.msk [tilespmem:v12+s29+$0x0], $0xffff;
	v11 =	vshrl.u32 v17, $0x2;
	v24 =	vand.u32 $0xC00, v0;
	v0 =	vshll.u32 v13, $0x3;
	[tilespmem:s21+$0xFFFFFF00] =	vst v25  }
0xf3: {  	v14 =	vor.u32 v28, v29;
	v12 =	vor.u32 v22, v30;
	v0 =	vand.u32 $0xC00, v0;
	[tilespmem:s21+$0x180] =	vst v6;
	v6 =	vld.idx.msk [tilespmem:v15+s29+$0x0], $0xffff  }
0xf4: {  	[tilespmem:s21+$0xFFFFFE80] =	vst v16;
	v16 =	vand.u32 $0xFFFFF07F, v13;
	v13 =	vor.u32 v24, v63;
	v20 =	vand.u32 $0xFFFFF07F, v18  }
0xf5: {  	s24 =	sadd.s32 $0x80, s22;
	s23 =	simm.s32 $0x8;
	s22 =	sadd.s32 $0xC00, s21;
	[tilespmem:s21+$0x0] =	vst v27;
	v18 =	vand.u32 $0xFFFFF07F, v17;
	v17 =	vor.u32 v23, v31;
	v15 =	vor.u32 v19, v20  }
.LBB2_8:
0xf6: {  	v19 =	vld [tilespmem:s24+$0x30];
	s23 =	sadd.s32 $0x8, s23;
	v5 =	vand.u32 $0x380, v5;
	v0 =	vor.u32 v0, v16;
	v2 =	vor.u32 v2, v18;
	[tilespmem:s22+$0x180] =	vst v3  }
0xf7: {  	v1 =	vand.u32 $0x380, v1;
	v7 =	vand.u32 $0x380, v7;
	v8 =	vand.u32 $0x380, v8;
	v3 =	vld [tilespmem:s24+$0xFFFFFFD0];
	p0 =	slt.u32 s23, $0x28;
	[tilespmem:s21+$0x80] =	vst v4  }
0xf8: {  	v9 =	vand.u32 $0x380, v9;
	v10 =	vand.u32 $0x380, v10;
	v11 =	vand.u32 $0x380, v11;
	v4 =	vld [tilespmem:s24+$0xFFFFFFE0];
	[tilespmem:s21+$0x100] =	vst v6;
	s21 =	smov.u32 s22  }
0xf9: {  	v5 =	vor.u32 v5, v14;
	v1 =	vor.u32 v1, v12;
	v7 =	vor.u32 v7, v17;
	v6 =	vld [tilespmem:s24+$0xFFFFFFF0]  }
0xfa: {  	v8 =	vor.u32 v8, v15;
	v9 =	vor.u32 v9, v13;
	v10 =	vor.u32 v10, v0;
	v12 =	vld [tilespmem:s24+$0x0]  }
0xfb: {  	v11 =	vor.u32 v11, v2;
	v13 =	vld [tilespmem:s24+$0x10];
	v0 =	vshll.u32 v19, $0x3  }
0xfc: {  	v2 =	vshrl.u32 v19, $0x2;
	v14 =	vand.u32 $0xFFFFF07F, v19;
	v15 =	vld [tilespmem:s24+$0x20];
	v0 =	vand.u32 $0xC00, v0  }
0xfd: {  	v17 =	vshll.u32 v3, $0x3;
	v2 =	vand.u32 $0x380, v2;
	v16 =	vld [tilespmem:s24+$0xFFFFFFC0];
	v0 =	vor.u32 v0, v14  }
0xfe: {  	v14 =	vshll.u32 v4, $0x3;
	v18 =	vshll.u32 v6, $0x3;
	v19 =	vor.u32 v2, v0;
	v20 =	vld.idx.msk [tilespmem:v5+s29+$0x0], $0xffff  }
0xff: {  	v17 =	vand.u32 $0xC00, v17;
	v21 =	vand.u32 $0xC00, v14;
	v0 =	vshll.u32 v12, $0x3;
	v14 =	vld.idx.msk [tilespmem:v1+s29+$0x0], $0xffff  }
0x100: {  	v22 =	vand.u32 $0xC00, v18;
	v23 =	vand.u32 $0xC00, v0;
	v0 =	vshll.u32 v13, $0x3;
	v18 =	vld.idx.msk [tilespmem:v7+s29+$0x0], $0xffff  }
0x101: {  	v1 =	vshrl.u32 v3, $0x2;
	v0 =	vand.u32 $0xC00, v0;
	v2 =	vshll.u32 v15, $0x3;
	v24 =	vld.idx.msk [tilespmem:v8+s29+$0x0], $0xffff  }
0x102: {  	v7 =	vshll.u32 v16, $0x3;
	v5 =	vshrl.u32 v16, $0x2;
	v2 =	vand.u32 $0xC00, v2;
	v25 =	vld.idx.msk [tilespmem:v9+s29+$0x0], $0xffff  }
0x103: {  	v28 =	vand.u32 $0xFFFFF07F, v3;
	v27 =	vand.u32 $0xFFFFF07F, v16;
	v26 =	vand.u32 $0xC00, v7;
	v3 =	vld.idx.msk [tilespmem:v19+s29+$0x0], $0xffff  }
.Ltmp2:
0x104: {  	v8 =	vshrl.u32 v6, $0x2;
	v7 =	vshrl.u32 v4, $0x2;
	v19 =	vand.u32 $0xFFFFF07F, v4;
	[tilespmem:s22+$0xFFFFFE00] =	vst v20;
	v4 =	vld.idx.msk [tilespmem:v10+s29+$0x0], $0xffff;
	(pc) =	sbr.rel @p0 .LBB2_8-.Ltmp2, $4  }
0x105: {  	v29 =	vand.u32 $0xFFFFF07F, v12;
	v9 =	vshrl.u32 v12, $0x2;
	v20 =	vand.u32 $0xFFFFF07F, v6;
	[tilespmem:s22+$0xFFFFFE80] =	vst v14;
	v6 =	vld.idx.msk [tilespmem:v11+s29+$0x0], $0xffff  }
0x106: {  	v16 =	vand.u32 $0xFFFFF07F, v13;
	v10 =	vshrl.u32 v13, $0x2;
	v11 =	vshrl.u32 v15, $0x2;
	[tilespmem:s22+$0xFFFFFF00] =	vst v18  }
0x107: {  	v12 =	vor.u32 v17, v28;
	v14 =	vor.u32 v26, v27;
	v18 =	vand.u32 $0xFFFFF07F, v15;
	[tilespmem:s22+$0xFFFFFF80] =	vst v24  }
0x108: {  	s24 =	sadd.s32 $0x80, s24;
	v17 =	vor.u32 v21, v19;
	v13 =	vor.u32 v23, v29;
	v15 =	vor.u32 v22, v20;
	s22 =	sadd.s32 $0xC00, s22;
	[tilespmem:s21+$0x0] =	vst v25  }
0x109: {  	v5 =	vand.u32 $0x380, v5  }
0x10a: {  	v1 =	vand.u32 $0x380, v1;
	v5 =	vor.u32 v5, v14  }
0x10b: {  	v7 =	vand.u32 $0x380, v7;
	v1 =	vor.u32 v1, v12  }
0x10c: {  	v8 =	vand.u32 $0x380, v8;
	v7 =	vor.u32 v7, v17  }
0x10d: {  	v9 =	vand.u32 $0x380, v9;
	v8 =	vor.u32 v8, v15  }
0x10e: {  	v0 =	vor.u32 v0, v16;
	v10 =	vand.u32 $0x380, v10;
	v9 =	vor.u32 v9, v13  }
0x10f: {  	v2 =	vor.u32 v2, v18;
	v11 =	vand.u32 $0x380, v11;
	v0 =	vor.u32 v10, v0;
	v5 =	vld.idx.msk [tilespmem:v5+s29+$0x0], $0xffff  }
0x110: {  	v2 =	vor.u32 v11, v2;
	v1 =	vld.idx.msk [tilespmem:v1+s29+$0x0], $0xffff  }
0x111: {  	[tilespmem:s22+$0x180] =	vst v3;
	v60 =	vld.idx.msk [tilespmem:v7+s29+$0x0], $0xffff  }
0x112: {  	[tilespmem:s21+$0x80] =	vst v4;
	v61 =	vld.idx.msk [tilespmem:v8+s29+$0x0], $0xffff  }
0x113: {  	[tilespmem:s21+$0x100] =	vst v6;
	v62 =	vld.idx.msk [tilespmem:v9+s29+$0x0], $0xffff  }
0x114: {  	s17 =	sadd.s32 $0x1, s17;
	v0 =	vld.idx.msk [tilespmem:v0+s29+$0x0], $0xffff;
	[tilespmem:s22+$0xFFFFFE00] =	vst v5  }
0x115: {  	p0 =	sne.s32 s17, $0x18;
	v63 =	vld.idx.msk [tilespmem:v2+s29+$0x0], $0xffff;
	[tilespmem:s22+$0xFFFFFE80] =	vst v1  }
.Ltmp3:
0x116: {  	[tilespmem:s22+$0xFFFFFF00] =	vst v60;
	(pc) =	sbr.rel @p0 .LBB2_7-.Ltmp3, $4  }
0x117: {  	[tilespmem:s22+$0xFFFFFF80] =	vst v61  }
0x118: {  	[tilespmem:s22+$0x0] =	vst v62  }
0x119: {  	[tilespmem:s22+$0x80] =	vst v0  }
0x11a: {  	s15 =	sadd.s32 $0x300, s15;
	s16 =	sadd.s32 $0x80, s16;
	s14 =	sadd.s32 $0x1, s14;
	[tilespmem:s22+$0x100] =	vst v63  }
0x11b: {  	s14 =	rddreg [dreg:$0x5]  }
0x11c: {  	s14 =	sadd.s32 s14, s12  }
0x11d: {  	s14 =	sshrl.u32 s14, $0x3  }
0x11e: {  	s16 =	rddreg [dreg:$0x7];
	s15 =	sadd.s32 s3, s14;
	s14 =	simm.s32 $0x0  }
0x11f: {  	[hbm4b:s15+s14] =	stream.linear.scatter [tilespmem:s6], [sflag:$0x4], $0x4800, $0x38;
	[tilespmem:$0x1D800] =	vst v63  }
0x120: {  	s15 =	sadd.s32 s16, s13  }
0x121: {  	s15 =	sshrl.u32 s15, $0x3  }
0x122: {  	s15 =	sadd.s32 s1, s15  }
0x123: {  	[tilespmem:s29], [sflag:$0x2] =	stream.linear.gather [hbm4b:s15+s14], $0xC00, $0x38;
	[tilespmem:$0x1D800] =	vst v63  }
0x124: {  	s16 =	sadd.s32 $0x180, s15  }
0x125: {  	[tilespmem:s30], [sflag:$0x2] =	stream.linear.gather [hbm4b:s16+s14], $0xC00, $0x38;
	[tilespmem:$0x1D800] =	vst v63  }
0x126: {  	s17 =	sadd.s32 $0x300, s15  }
0x127: {  	[tilespmem:s31], [sflag:$0x2] =	stream.linear.gather [hbm4b:s17+s14], $0xC00, $0x38;
	[tilespmem:$0x1D800] =	vst v63  }
0x128: {  	s21 =	sadd.s32 $0x480, s15  }
0x129: {  	[tilespmem:s7], [sflag:$0x2] =	stream.linear.gather [hbm4b:s21+s14], $0xC00, $0x38;
	[tilespmem:$0x1D800] =	vst v63  }
0x12a: {  	s22 =	sadd.s32 $0x600, s15  }
0x12b: {  	[tilespmem:s0], [sflag:$0x2] =	stream.linear.gather [hbm4b:s22+s14], $0xC00, $0x38;
	[tilespmem:$0x1D800] =	vst v63  }
0x12c: {  	s23 =	sadd.s32 $0x780, s15  }
0x12d: {  	[tilespmem:s18], [sflag:$0x2] =	stream.linear.gather [hbm4b:s23+s14], $0xC00, $0x38;
	[tilespmem:$0x1D800] =	vst v63  }
0x12e: {  	s24 =	sadd.s32 $0x900, s15  }
0x12f: {  	[tilespmem:s2], [sflag:$0x2] =	stream.linear.gather [hbm4b:s24+s14], $0xC00, $0x38;
	[tilespmem:$0x1D800] =	vst v63  }
0x130: {  	s15 =	sadd.s32 $0xA80, s15  }
0x131: {  	[tilespmem:s10], [sflag:$0x2] =	stream.linear.gather [hbm4b:s15+s14], $0xC00, $0x38;
	[tilespmem:$0x1D800] =	vst v63  }
0x132: {  	_ =	swait.ge [sflag:s19], $0x6000  }
0x133: {  	[sflag:s19] =	ssyncset.done $0x0  }
0x134: {  	[sflag:s19] =	ssyncadd.s32 $0xFFFFA000  }
0x135: {  	_ =	swait.ge [sflag:s8], $0x4800  }
0x136: {  	s16 =	simm.s32 $0x0;
	[sflag:s8] =	ssyncset.done $0x0  }
0x137: {  	s17 =	simm.s32 $0x0;
	s15 =	simm.s32 $0x40;
	[sflag:s8] =	ssyncadd.s32 $0xFFFFB800  }
.LBB2_11:
0x138: {  	v0 =	vld [tilespmem:s15+$0x30]  }
0x139: {  	v1 =	vld [tilespmem:s15+$0xFFFFFFD0]  }
0x13a: {  	v3 =	vld [tilespmem:s15+$0xFFFFFFF0]  }
0x13b: {  	v5 =	vld [tilespmem:s15+$0x10]  }
0x13c: {  	v7 =	vld [tilespmem:s15+$0x20]  }
0x13d: {  	v9 =	vld [tilespmem:s15+$0xFFFFFFC0];
	_ =	sdelay $0x1  }
0x13e: {  	v2 =	vld [tilespmem:s15+$0xFFFFFFE0]  }
0x13f: {  	v4 =	vld [tilespmem:s15+$0x0];
	v6 =	vshll.u32 v0, $0x3;
	v8 =	vshrl.u32 v0, $0x2;
	v0 =	vand.u32 $0xFFFFF07F, v0  }
0x140: {  	v10 =	vshll.u32 v1, $0x3;
	v11 =	vshll.u32 v3, $0x3;
	v12 =	vshll.u32 v5, $0x3  }
0x141: {  	v13 =	vshrl.u32 v1, $0x2;
	v14 =	vshll.u32 v7, $0x3;
	v15 =	vshll.u32 v9, $0x3  }
0x142: {  	v16 =	vshrl.u32 v9, $0x2;
	v9 =	vand.u32 $0xFFFFF07F, v9;
	v1 =	vand.u32 $0xFFFFF07F, v1  }
0x143: {  	v17 =	vshrl.u32 v2, $0x2;
	v18 =	vshrl.u32 v3, $0x2;
	v3 =	vand.u32 $0xFFFFF07F, v3  }
0x144: {  	v19 =	vshrl.u32 v4, $0x2;
	v20 =	vshrl.u32 v5, $0x2;
	v5 =	vand.u32 $0xFFFFF07F, v5  }
0x145: {  	v21 =	vshrl.u32 v7, $0x2;
	v7 =	vand.u32 $0xFFFFF07F, v7;
	v6 =	vand.u32 $0xC00, v6  }
0x146: {  	v8 =	vand.u32 $0x380, v8;
	v11 =	vand.u32 $0xC00, v11;
	v12 =	vand.u32 $0xC00, v12  }
0x147: {  	v14 =	vand.u32 $0xC00, v14;
	v15 =	vand.u32 $0xC00, v15;
	v0 =	vor.u32 v6, v0  }
0x148: {  	v6 =	vshll.u32 v2, $0x3;
	v2 =	vand.u32 $0xFFFFF07F, v2;
	v9 =	vor.u32 v15, v9  }
0x149: {  	v3 =	vor.u32 v11, v3;
	v5 =	vor.u32 v12, v5;
	v7 =	vor.u32 v14, v7  }
0x14a: {  	s22 =	sadd.s32 $0x80, s15;
	v11 =	vand.u32 $0x380, v13;
	v12 =	vand.u32 $0x380, v17;
	v13 =	vand.u32 $0x380, v18  }
0x14b: {  	v14 =	vld [tilespmem:s22+$0xFFFFFFE0];
	v15 =	vand.u32 $0x380, v19;
	v17 =	vand.u32 $0x380, v21;
	v0 =	vor.u32 v8, v0  }
0x14c: {  	v18 =	vld [tilespmem:s22+$0xFFFFFFF0];
	v8 =	vand.u32 $0xC00, v10;
	v6 =	vand.u32 $0xC00, v6;
	v10 =	vshll.u32 v4, $0x3  }
0x14d: {  	v4 =	vand.u32 $0xFFFFF07F, v4;
	v3 =	vor.u32 v13, v3;
	v2 =	vor.u32 v6, v2;
	v6 =	vld [tilespmem:s22+$0x30]  }
0x14e: {  	v13 =	vld [tilespmem:s22+$0x10];
	v10 =	vand.u32 $0xC00, v10;
	v1 =	vor.u32 v8, v1;
	v8 =	vand.u32 $0x380, v16  }
0x14f: {  	v16 =	vand.u32 $0x380, v20;
	v4 =	vor.u32 v10, v4;
	v10 =	vld [tilespmem:s22+$0xFFFFFFD0];
	v8 =	vor.u32 v8, v9  }
0x150: {  	v1 =	vor.u32 v11, v1;
	v2 =	vor.u32 v12, v2;
	v12 =	vor.u32 v16, v5;
	v9 =	vld [tilespmem:s22+$0xFFFFFFC0]  }
0x151: {  	v11 =	vld [tilespmem:s22+$0x0];
	v4 =	vor.u32 v15, v4;
	v15 =	vor.u32 v17, v7;
	v19 =	vshll.u32 v18, $0x3  }
0x152: {  	v17 =	vld [tilespmem:s22+$0x20];
	v31 =	vand.u32 $0xFFFFF07F, v14;
	v19 =	vand.u32 $0xC00, v19;
	v5 =	vshll.u32 v6, $0x3  }
0x153: {  	v26 =	vld.idx.msk [tilespmem:v3+s20+$0x0], $0xffff;
	v7 =	vshrl.u32 v6, $0x2;
	v6 =	vand.u32 $0xFFFFF07F, v6;
	v5 =	vand.u32 $0xC00, v5  }
0x154: {  	s21 =	sshll.u32 s16, $0x2;
	s23 =	sand.u32 $0x7, s14;
	v16 =	vshll.u32 v10, $0x3;
	v7 =	vand.u32 $0x380, v7;
	v62 =	vld.idx.msk [tilespmem:v8+s20+$0x0], $0xffff;
	v5 =	vor.u32 v5, v6  }
0x155: {  	s21 =	sand.u32 $0xFFFFF000, s21;
	s23 =	sshll.u32 s23, $0x6;
	v25 =	vld.idx.msk [tilespmem:v2+s20+$0x0], $0xffff;
	v3 =	vshll.u32 v9, $0x3;
	v29 =	vand.u32 $0xFFFFF07F, v9;
	v20 =	vor.u32 v7, v5  }
0x156: {  	s21 =	sor.u32 s23, s21;
	v30 =	vand.u32 $0xFFFFF07F, v10;
	v8 =	vshrl.u32 v18, $0x2;
	v63 =	vand.u32 $0xFFFFF07F, v11;
	v6 =	vld.idx.msk [tilespmem:v0+s20+$0x0], $0xffff  }
0x157: {  	s21 =	sshrl.u32 s21, $0x2;
	v0 =	vshll.u32 v14, $0x3;
	v22 =	vand.u32 $0xC00, v16;
	v16 =	vld.idx.msk [tilespmem:v1+s20+$0x0], $0xffff;
	v1 =	vshrl.u32 v10, $0x2  }
0x158: {  	s21 =	sadd.s32 $0x14A00, s21;
	v2 =	vshll.u32 v17, $0x3;
	v28 =	vand.u32 $0xC00, v3;
	v10 =	vshrl.u32 v13, $0x2  }
0x159: {  	v27 =	vld.idx.msk [tilespmem:v4+s20+$0x0], $0xffff;
	v23 =	vand.u32 $0xC00, v0;
	v0 =	vshll.u32 v11, $0x3;
	v5 =	vshrl.u32 v9, $0x2;
	[tilespmem:s21+$0xFFFFFF80] =	vst v26  }
0x15a: {  	v2 =	vand.u32 $0xC00, v2;
	v7 =	vshrl.u32 v14, $0x2;
	v9 =	vshrl.u32 v11, $0x2;
	[tilespmem:s21+$0xFFFFFE00] =	vst v62;
	v3 =	vld.idx.msk [tilespmem:v20+s20+$0x0], $0xffff  }
0x15b: {  	v4 =	vld.idx.msk [tilespmem:v12+s20+$0x0], $0xffff;
	v11 =	vshrl.u32 v17, $0x2;
	v24 =	vand.u32 $0xC00, v0;
	v0 =	vshll.u32 v13, $0x3;
	[tilespmem:s21+$0xFFFFFF00] =	vst v25  }
0x15c: {  	v14 =	vor.u32 v28, v29;
	v12 =	vor.u32 v22, v30;
	v0 =	vand.u32 $0xC00, v0;
	[tilespmem:s21+$0x180] =	vst v6;
	v6 =	vld.idx.msk [tilespmem:v15+s20+$0x0], $0xffff  }
0x15d: {  	[tilespmem:s21+$0xFFFFFE80] =	vst v16;
	v16 =	vand.u32 $0xFFFFF07F, v13;
	v13 =	vor.u32 v24, v63;
	v20 =	vand.u32 $0xFFFFF07F, v18  }
0x15e: {  	s24 =	sadd.s32 $0x80, s22;
	s23 =	simm.s32 $0x8;
	s22 =	sadd.s32 $0xC00, s21;
	[tilespmem:s21+$0x0] =	vst v27;
	v18 =	vand.u32 $0xFFFFF07F, v17;
	v17 =	vor.u32 v23, v31;
	v15 =	vor.u32 v19, v20  }
.LBB2_12:
0x15f: {  	v19 =	vld [tilespmem:s24+$0x30];
	s23 =	sadd.s32 $0x8, s23;
	v5 =	vand.u32 $0x380, v5;
	v0 =	vor.u32 v0, v16;
	v2 =	vor.u32 v2, v18;
	[tilespmem:s22+$0x180] =	vst v3  }
0x160: {  	v1 =	vand.u32 $0x380, v1;
	v7 =	vand.u32 $0x380, v7;
	v8 =	vand.u32 $0x380, v8;
	v3 =	vld [tilespmem:s24+$0xFFFFFFD0];
	p0 =	slt.u32 s23, $0x28;
	[tilespmem:s21+$0x80] =	vst v4  }
0x161: {  	v9 =	vand.u32 $0x380, v9;
	v10 =	vand.u32 $0x380, v10;
	v11 =	vand.u32 $0x380, v11;
	v4 =	vld [tilespmem:s24+$0xFFFFFFE0];
	[tilespmem:s21+$0x100] =	vst v6;
	s21 =	smov.u32 s22  }
0x162: {  	v5 =	vor.u32 v5, v14;
	v1 =	vor.u32 v1, v12;
	v7 =	vor.u32 v7, v17;
	v6 =	vld [tilespmem:s24+$0xFFFFFFF0]  }
0x163: {  	v8 =	vor.u32 v8, v15;
	v9 =	vor.u32 v9, v13;
	v10 =	vor.u32 v10, v0;
	v12 =	vld [tilespmem:s24+$0x0]  }
0x164: {  	v11 =	vor.u32 v11, v2;
	v13 =	vld [tilespmem:s24+$0x10];
	v0 =	vshll.u32 v19, $0x3  }
0x165: {  	v2 =	vshrl.u32 v19, $0x2;
	v14 =	vand.u32 $0xFFFFF07F, v19;
	v15 =	vld [tilespmem:s24+$0x20];
	v0 =	vand.u32 $0xC00, v0  }
0x166: {  	v17 =	vshll.u32 v3, $0x3;
	v2 =	vand.u32 $0x380, v2;
	v16 =	vld [tilespmem:s24+$0xFFFFFFC0];
	v0 =	vor.u32 v0, v14  }
0x167: {  	v14 =	vshll.u32 v4, $0x3;
	v18 =	vshll.u32 v6, $0x3;
	v19 =	vor.u32 v2, v0;
	v20 =	vld.idx.msk [tilespmem:v5+s20+$0x0], $0xffff  }
0x168: {  	v17 =	vand.u32 $0xC00, v17;
	v21 =	vand.u32 $0xC00, v14;
	v0 =	vshll.u32 v12, $0x3;
	v14 =	vld.idx.msk [tilespmem:v1+s20+$0x0], $0xffff  }
0x169: {  	v22 =	vand.u32 $0xC00, v18;
	v23 =	vand.u32 $0xC00, v0;
	v0 =	vshll.u32 v13, $0x3;
	v18 =	vld.idx.msk [tilespmem:v7+s20+$0x0], $0xffff  }
0x16a: {  	v1 =	vshrl.u32 v3, $0x2;
	v0 =	vand.u32 $0xC00, v0;
	v2 =	vshll.u32 v15, $0x3;
	v24 =	vld.idx.msk [tilespmem:v8+s20+$0x0], $0xffff  }
0x16b: {  	v7 =	vshll.u32 v16, $0x3;
	v5 =	vshrl.u32 v16, $0x2;
	v2 =	vand.u32 $0xC00, v2;
	v25 =	vld.idx.msk [tilespmem:v9+s20+$0x0], $0xffff  }
0x16c: {  	v28 =	vand.u32 $0xFFFFF07F, v3;
	v27 =	vand.u32 $0xFFFFF07F, v16;
	v26 =	vand.u32 $0xC00, v7;
	v3 =	vld.idx.msk [tilespmem:v19+s20+$0x0], $0xffff  }
.Ltmp4:
0x16d: {  	v8 =	vshrl.u32 v6, $0x2;
	v7 =	vshrl.u32 v4, $0x2;
	v19 =	vand.u32 $0xFFFFF07F, v4;
	[tilespmem:s22+$0xFFFFFE00] =	vst v20;
	v4 =	vld.idx.msk [tilespmem:v10+s20+$0x0], $0xffff;
	(pc) =	sbr.rel @p0 .LBB2_12-.Ltmp4, $4  }
0x16e: {  	v29 =	vand.u32 $0xFFFFF07F, v12;
	v9 =	vshrl.u32 v12, $0x2;
	v20 =	vand.u32 $0xFFFFF07F, v6;
	[tilespmem:s22+$0xFFFFFE80] =	vst v14;
	v6 =	vld.idx.msk [tilespmem:v11+s20+$0x0], $0xffff  }
0x16f: {  	v16 =	vand.u32 $0xFFFFF07F, v13;
	v10 =	vshrl.u32 v13, $0x2;
	v11 =	vshrl.u32 v15, $0x2;
	[tilespmem:s22+$0xFFFFFF00] =	vst v18  }
0x170: {  	v12 =	vor.u32 v17, v28;
	v14 =	vor.u32 v26, v27;
	v18 =	vand.u32 $0xFFFFF07F, v15;
	[tilespmem:s22+$0xFFFFFF80] =	vst v24  }
0x171: {  	s24 =	sadd.s32 $0x80, s24;
	v17 =	vor.u32 v21, v19;
	v13 =	vor.u32 v23, v29;
	v15 =	vor.u32 v22, v20;
	s22 =	sadd.s32 $0xC00, s22;
	[tilespmem:s21+$0x0] =	vst v25  }
0x172: {  	v5 =	vand.u32 $0x380, v5  }
0x173: {  	v1 =	vand.u32 $0x380, v1;
	v5 =	vor.u32 v5, v14  }
0x174: {  	v7 =	vand.u32 $0x380, v7;
	v1 =	vor.u32 v1, v12  }
0x175: {  	v8 =	vand.u32 $0x380, v8;
	v7 =	vor.u32 v7, v17  }
0x176: {  	v9 =	vand.u32 $0x380, v9;
	v8 =	vor.u32 v8, v15  }
0x177: {  	v0 =	vor.u32 v0, v16;
	v10 =	vand.u32 $0x380, v10;
	v9 =	vor.u32 v9, v13  }
0x178: {  	v2 =	vor.u32 v2, v18;
	v11 =	vand.u32 $0x380, v11;
	v0 =	vor.u32 v10, v0;
	v5 =	vld.idx.msk [tilespmem:v5+s20+$0x0], $0xffff  }
0x179: {  	v2 =	vor.u32 v11, v2;
	v1 =	vld.idx.msk [tilespmem:v1+s20+$0x0], $0xffff  }
0x17a: {  	[tilespmem:s22+$0x180] =	vst v3;
	v60 =	vld.idx.msk [tilespmem:v7+s20+$0x0], $0xffff  }
0x17b: {  	[tilespmem:s21+$0x80] =	vst v4;
	v61 =	vld.idx.msk [tilespmem:v8+s20+$0x0], $0xffff  }
0x17c: {  	[tilespmem:s21+$0x100] =	vst v6;
	v62 =	vld.idx.msk [tilespmem:v9+s20+$0x0], $0xffff  }
0x17d: {  	s17 =	sadd.s32 $0x1, s17;
	v0 =	vld.idx.msk [tilespmem:v0+s20+$0x0], $0xffff;
	[tilespmem:s22+$0xFFFFFE00] =	vst v5  }
0x17e: {  	p0 =	sne.s32 s17, $0x18;
	v63 =	vld.idx.msk [tilespmem:v2+s20+$0x0], $0xffff;
	[tilespmem:s22+$0xFFFFFE80] =	vst v1  }
.Ltmp5:
0x17f: {  	[tilespmem:s22+$0xFFFFFF00] =	vst v60;
	(pc) =	sbr.rel @p0 .LBB2_11-.Ltmp5, $4  }
0x180: {  	[tilespmem:s22+$0xFFFFFF80] =	vst v61  }
0x181: {  	[tilespmem:s22+$0x0] =	vst v62  }
0x182: {  	[tilespmem:s22+$0x80] =	vst v0  }
0x183: {  	s15 =	sadd.s32 $0x300, s15;
	s16 =	sadd.s32 $0x80, s16;
	s14 =	sadd.s32 $0x1, s14;
	[tilespmem:s22+$0x100] =	vst v63  }
0x184: {  	s14 =	rddreg [dreg:$0x6]  }
0x185: {  	s14 =	sadd.s32 s14, s12  }
0x186: {  	s14 =	sshrl.u32 s14, $0x3  }
0x187: {  	s17 =	rddreg [dreg:$0x8];
	s15 =	sadd.s32 s3, s14;
	s14 =	simm.s32 $0x0  }
0x188: {  	[hbm4b:s15+s14] =	stream.linear.scatter [tilespmem:s4], [sflag:$0x3], $0x4800, $0x38;
	[tilespmem:$0x1D800] =	vst v63  }
0x189: {  	s15 =	sadd.s32 s17, s13  }
0x18a: {  	s15 =	sshrl.u32 s15, $0x3  }
0x18b: {  	s15 =	sadd.s32 s1, s15  }
0x18c: {  	[tilespmem:s20], [sflag:$0x1] =	stream.linear.gather [hbm4b:s15+s14], $0xC00, $0x38;
	[tilespmem:$0x1D800] =	vst v63  }
0x18d: {  	s17 =	simm.s32 $0x5800;
	s16 =	sadd.s32 $0x180, s15  }
0x18e: {  	[tilespmem:s17], [sflag:$0x1] =	stream.linear.gather [hbm4b:s16+s14], $0xC00, $0x38;
	[tilespmem:$0x1D800] =	vst v63  }
0x18f: {  	s22 =	simm.s32 $0x6800;
	s21 =	sadd.s32 $0x300, s15  }
0x190: {  	[tilespmem:s22], [sflag:$0x1] =	stream.linear.gather [hbm4b:s21+s14], $0xC00, $0x38;
	[tilespmem:$0x1D800] =	vst v63  }
0x191: {  	s24 =	simm.s32 $0x7800;
	s23 =	sadd.s32 $0x480, s15  }
0x192: {  	[tilespmem:s24], [sflag:$0x1] =	stream.linear.gather [hbm4b:s23+s14], $0xC00, $0x38;
	[tilespmem:$0x1D800] =	vst v63  }
0x193: {  	s21 =	sadd.s32 $0x600, s15;
	s22 =	simm.s32 $0x8800  }
0x194: {  	[tilespmem:s22], [sflag:$0x1] =	stream.linear.gather [hbm4b:s21+s14], $0xC00, $0x38;
	[tilespmem:$0x1D800] =	vst v63  }
0x195: {  	s23 =	sadd.s32 $0x780, s15  }
0x196: {  	[tilespmem:s25], [sflag:$0x1] =	stream.linear.gather [hbm4b:s23+s14], $0xC00, $0x38;
	[tilespmem:$0x1D800] =	vst v63  }
0x197: {  	s24 =	sadd.s32 $0x900, s15  }
0x198: {  	[tilespmem:s26], [sflag:$0x1] =	stream.linear.gather [hbm4b:s24+s14], $0xC00, $0x38;
	[tilespmem:$0x1D800] =	vst v63  }
0x199: {  	s15 =	sadd.s32 $0xA80, s15  }
0x19a: {  	[tilespmem:s28], [sflag:$0x1] =	stream.linear.gather [hbm4b:s15+s14], $0xC00, $0x38;
	[tilespmem:$0x1D800] =	vst v63  }
0x19b: {  	_ =	swait.ge [sflag:s5], $0x6000  }
0x19c: {  	[sflag:s5] =	ssyncset.done $0x0  }
0x19d: {  	[sflag:s5] =	ssyncadd.s32 $0xFFFFA000  }
0x19e: {  	_ =	swait.ge [sflag:s9], $0x4800  }
0x19f: {  	s16 =	simm.s32 $0x0;
	[sflag:s9] =	ssyncset.done $0x0  }
0x1a0: {  	s17 =	simm.s32 $0x0;
	s15 =	simm.s32 $0x40;
	[sflag:s9] =	ssyncadd.s32 $0xFFFFB800  }
.LBB2_15:
0x1a1: {  	v0 =	vld [tilespmem:s15+$0x30]  }
0x1a2: {  	v1 =	vld [tilespmem:s15+$0xFFFFFFD0]  }
0x1a3: {  	v3 =	vld [tilespmem:s15+$0xFFFFFFF0]  }
0x1a4: {  	v5 =	vld [tilespmem:s15+$0x10]  }
0x1a5: {  	v7 =	vld [tilespmem:s15+$0x20]  }
0x1a6: {  	v9 =	vld [tilespmem:s15+$0xFFFFFFC0];
	_ =	sdelay $0x1  }
0x1a7: {  	v2 =	vld [tilespmem:s15+$0xFFFFFFE0]  }
0x1a8: {  	v4 =	vld [tilespmem:s15+$0x0];
	v6 =	vshll.u32 v0, $0x3;
	v8 =	vshrl.u32 v0, $0x2;
	v0 =	vand.u32 $0xFFFFF07F, v0  }
0x1a9: {  	v10 =	vshll.u32 v1, $0x3;
	v11 =	vshll.u32 v3, $0x3;
	v12 =	vshll.u32 v5, $0x3  }
0x1aa: {  	v13 =	vshrl.u32 v1, $0x2;
	v14 =	vshll.u32 v7, $0x3;
	v15 =	vshll.u32 v9, $0x3  }
0x1ab: {  	v16 =	vshrl.u32 v9, $0x2;
	v9 =	vand.u32 $0xFFFFF07F, v9;
	v1 =	vand.u32 $0xFFFFF07F, v1  }
0x1ac: {  	v17 =	vshrl.u32 v2, $0x2;
	v18 =	vshrl.u32 v3, $0x2;
	v3 =	vand.u32 $0xFFFFF07F, v3  }
0x1ad: {  	v19 =	vshrl.u32 v4, $0x2;
	v20 =	vshrl.u32 v5, $0x2;
	v5 =	vand.u32 $0xFFFFF07F, v5  }
0x1ae: {  	v21 =	vshrl.u32 v7, $0x2;
	v7 =	vand.u32 $0xFFFFF07F, v7;
	v6 =	vand.u32 $0xC00, v6  }
0x1af: {  	v8 =	vand.u32 $0x380, v8;
	v11 =	vand.u32 $0xC00, v11;
	v12 =	vand.u32 $0xC00, v12  }
0x1b0: {  	v14 =	vand.u32 $0xC00, v14;
	v15 =	vand.u32 $0xC00, v15;
	v0 =	vor.u32 v6, v0  }
0x1b1: {  	v6 =	vshll.u32 v2, $0x3;
	v2 =	vand.u32 $0xFFFFF07F, v2;
	v9 =	vor.u32 v15, v9  }
0x1b2: {  	v3 =	vor.u32 v11, v3;
	v5 =	vor.u32 v12, v5;
	v7 =	vor.u32 v14, v7  }
0x1b3: {  	s22 =	sadd.s32 $0x80, s15;
	v11 =	vand.u32 $0x380, v13;
	v12 =	vand.u32 $0x380, v17;
	v13 =	vand.u32 $0x380, v18  }
0x1b4: {  	v14 =	vld [tilespmem:s22+$0xFFFFFFE0];
	v15 =	vand.u32 $0x380, v19;
	v17 =	vand.u32 $0x380, v21;
	v0 =	vor.u32 v8, v0  }
0x1b5: {  	v18 =	vld [tilespmem:s22+$0xFFFFFFF0];
	v8 =	vand.u32 $0xC00, v10;
	v6 =	vand.u32 $0xC00, v6;
	v10 =	vshll.u32 v4, $0x3  }
0x1b6: {  	v4 =	vand.u32 $0xFFFFF07F, v4;
	v3 =	vor.u32 v13, v3;
	v2 =	vor.u32 v6, v2;
	v6 =	vld [tilespmem:s22+$0x30]  }
0x1b7: {  	v13 =	vld [tilespmem:s22+$0x10];
	v10 =	vand.u32 $0xC00, v10;
	v1 =	vor.u32 v8, v1;
	v8 =	vand.u32 $0x380, v16  }
0x1b8: {  	v16 =	vand.u32 $0x380, v20;
	v4 =	vor.u32 v10, v4;
	v10 =	vld [tilespmem:s22+$0xFFFFFFD0];
	v8 =	vor.u32 v8, v9  }
0x1b9: {  	v1 =	vor.u32 v11, v1;
	v2 =	vor.u32 v12, v2;
	v12 =	vor.u32 v16, v5;
	v9 =	vld [tilespmem:s22+$0xFFFFFFC0]  }
0x1ba: {  	v11 =	vld [tilespmem:s22+$0x0];
	v4 =	vor.u32 v15, v4;
	v15 =	vor.u32 v17, v7;
	v19 =	vshll.u32 v18, $0x3  }
0x1bb: {  	v17 =	vld [tilespmem:s22+$0x20];
	v31 =	vand.u32 $0xFFFFF07F, v14;
	v19 =	vand.u32 $0xC00, v19;
	v5 =	vshll.u32 v6, $0x3  }
0x1bc: {  	v26 =	vld.idx.msk [tilespmem:v3+s29+$0x0], $0xffff;
	v7 =	vshrl.u32 v6, $0x2;
	v6 =	vand.u32 $0xFFFFF07F, v6;
	v5 =	vand.u32 $0xC00, v5  }
0x1bd: {  	s21 =	sshll.u32 s16, $0x2;
	s23 =	sand.u32 $0x7, s14;
	v16 =	vshll.u32 v10, $0x3;
	v7 =	vand.u32 $0x380, v7;
	v62 =	vld.idx.msk [tilespmem:v8+s29+$0x0], $0xffff;
	v5 =	vor.u32 v5, v6  }
0x1be: {  	s21 =	sand.u32 $0xFFFFF000, s21;
	s23 =	sshll.u32 s23, $0x6;
	v25 =	vld.idx.msk [tilespmem:v2+s29+$0x0], $0xffff;
	v3 =	vshll.u32 v9, $0x3;
	v29 =	vand.u32 $0xFFFFF07F, v9;
	v20 =	vor.u32 v7, v5  }
0x1bf: {  	s21 =	sor.u32 s23, s21;
	v30 =	vand.u32 $0xFFFFF07F, v10;
	v8 =	vshrl.u32 v18, $0x2;
	v63 =	vand.u32 $0xFFFFF07F, v11;
	v6 =	vld.idx.msk [tilespmem:v0+s29+$0x0], $0xffff  }
0x1c0: {  	s21 =	sshrl.u32 s21, $0x2;
	v0 =	vshll.u32 v14, $0x3;
	v22 =	vand.u32 $0xC00, v16;
	v16 =	vld.idx.msk [tilespmem:v1+s29+$0x0], $0xffff;
	v1 =	vshrl.u32 v10, $0x2  }
0x1c1: {  	s21 =	sadd.s32 $0x19200, s21;
	v2 =	vshll.u32 v17, $0x3;
	v28 =	vand.u32 $0xC00, v3;
	v10 =	vshrl.u32 v13, $0x2  }
0x1c2: {  	v27 =	vld.idx.msk [tilespmem:v4+s29+$0x0], $0xffff;
	v23 =	vand.u32 $0xC00, v0;
	v0 =	vshll.u32 v11, $0x3;
	v5 =	vshrl.u32 v9, $0x2;
	[tilespmem:s21+$0xFFFFFF80] =	vst v26  }
0x1c3: {  	v2 =	vand.u32 $0xC00, v2;
	v7 =	vshrl.u32 v14, $0x2;
	v9 =	vshrl.u32 v11, $0x2;
	[tilespmem:s21+$0xFFFFFE00] =	vst v62;
	v3 =	vld.idx.msk [tilespmem:v20+s29+$0x0], $0xffff  }
0x1c4: {  	v4 =	vld.idx.msk [tilespmem:v12+s29+$0x0], $0xffff;
	v11 =	vshrl.u32 v17, $0x2;
	v24 =	vand.u32 $0xC00, v0;
	v0 =	vshll.u32 v13, $0x3;
	[tilespmem:s21+$0xFFFFFF00] =	vst v25  }
0x1c5: {  	v14 =	vor.u32 v28, v29;
	v12 =	vor.u32 v22, v30;
	v0 =	vand.u32 $0xC00, v0;
	[tilespmem:s21+$0x180] =	vst v6;
	v6 =	vld.idx.msk [tilespmem:v15+s29+$0x0], $0xffff  }
0x1c6: {  	[tilespmem:s21+$0xFFFFFE80] =	vst v16;
	v16 =	vand.u32 $0xFFFFF07F, v13;
	v13 =	vor.u32 v24, v63;
	v20 =	vand.u32 $0xFFFFF07F, v18  }
0x1c7: {  	s24 =	sadd.s32 $0x80, s22;
	s23 =	simm.s32 $0x8;
	s22 =	sadd.s32 $0xC00, s21;
	[tilespmem:s21+$0x0] =	vst v27;
	v18 =	vand.u32 $0xFFFFF07F, v17;
	v17 =	vor.u32 v23, v31;
	v15 =	vor.u32 v19, v20  }
.LBB2_16:
0x1c8: {  	v19 =	vld [tilespmem:s24+$0x30];
	s23 =	sadd.s32 $0x8, s23;
	v5 =	vand.u32 $0x380, v5;
	v0 =	vor.u32 v0, v16;
	v2 =	vor.u32 v2, v18;
	[tilespmem:s22+$0x180] =	vst v3  }
0x1c9: {  	v1 =	vand.u32 $0x380, v1;
	v7 =	vand.u32 $0x380, v7;
	v8 =	vand.u32 $0x380, v8;
	v3 =	vld [tilespmem:s24+$0xFFFFFFD0];
	p0 =	slt.u32 s23, $0x28;
	[tilespmem:s21+$0x80] =	vst v4  }
0x1ca: {  	v9 =	vand.u32 $0x380, v9;
	v10 =	vand.u32 $0x380, v10;
	v11 =	vand.u32 $0x380, v11;
	v4 =	vld [tilespmem:s24+$0xFFFFFFE0];
	[tilespmem:s21+$0x100] =	vst v6;
	s21 =	smov.u32 s22  }
0x1cb: {  	v5 =	vor.u32 v5, v14;
	v1 =	vor.u32 v1, v12;
	v7 =	vor.u32 v7, v17;
	v6 =	vld [tilespmem:s24+$0xFFFFFFF0]  }
0x1cc: {  	v8 =	vor.u32 v8, v15;
	v9 =	vor.u32 v9, v13;
	v10 =	vor.u32 v10, v0;
	v12 =	vld [tilespmem:s24+$0x0]  }
0x1cd: {  	v11 =	vor.u32 v11, v2;
	v13 =	vld [tilespmem:s24+$0x10];
	v0 =	vshll.u32 v19, $0x3  }
0x1ce: {  	v2 =	vshrl.u32 v19, $0x2;
	v14 =	vand.u32 $0xFFFFF07F, v19;
	v15 =	vld [tilespmem:s24+$0x20];
	v0 =	vand.u32 $0xC00, v0  }
0x1cf: {  	v17 =	vshll.u32 v3, $0x3;
	v2 =	vand.u32 $0x380, v2;
	v16 =	vld [tilespmem:s24+$0xFFFFFFC0];
	v0 =	vor.u32 v0, v14  }
0x1d0: {  	v14 =	vshll.u32 v4, $0x3;
	v18 =	vshll.u32 v6, $0x3;
	v19 =	vor.u32 v2, v0;
	v20 =	vld.idx.msk [tilespmem:v5+s29+$0x0], $0xffff  }
0x1d1: {  	v17 =	vand.u32 $0xC00, v17;
	v21 =	vand.u32 $0xC00, v14;
	v0 =	vshll.u32 v12, $0x3;
	v14 =	vld.idx.msk [tilespmem:v1+s29+$0x0], $0xffff  }
0x1d2: {  	v22 =	vand.u32 $0xC00, v18;
	v23 =	vand.u32 $0xC00, v0;
	v0 =	vshll.u32 v13, $0x3;
	v18 =	vld.idx.msk [tilespmem:v7+s29+$0x0], $0xffff  }
0x1d3: {  	v1 =	vshrl.u32 v3, $0x2;
	v0 =	vand.u32 $0xC00, v0;
	v2 =	vshll.u32 v15, $0x3;
	v24 =	vld.idx.msk [tilespmem:v8+s29+$0x0], $0xffff  }
0x1d4: {  	v7 =	vshll.u32 v16, $0x3;
	v5 =	vshrl.u32 v16, $0x2;
	v2 =	vand.u32 $0xC00, v2;
	v25 =	vld.idx.msk [tilespmem:v9+s29+$0x0], $0xffff  }
0x1d5: {  	v28 =	vand.u32 $0xFFFFF07F, v3;
	v27 =	vand.u32 $0xFFFFF07F, v16;
	v26 =	vand.u32 $0xC00, v7;
	v3 =	vld.idx.msk [tilespmem:v19+s29+$0x0], $0xffff  }
.Ltmp6:
0x1d6: {  	v8 =	vshrl.u32 v6, $0x2;
	v7 =	vshrl.u32 v4, $0x2;
	v19 =	vand.u32 $0xFFFFF07F, v4;
	[tilespmem:s22+$0xFFFFFE00] =	vst v20;
	v4 =	vld.idx.msk [tilespmem:v10+s29+$0x0], $0xffff;
	(pc) =	sbr.rel @p0 .LBB2_16-.Ltmp6, $4  }
0x1d7: {  	v29 =	vand.u32 $0xFFFFF07F, v12;
	v9 =	vshrl.u32 v12, $0x2;
	v20 =	vand.u32 $0xFFFFF07F, v6;
	[tilespmem:s22+$0xFFFFFE80] =	vst v14;
	v6 =	vld.idx.msk [tilespmem:v11+s29+$0x0], $0xffff  }
0x1d8: {  	v16 =	vand.u32 $0xFFFFF07F, v13;
	v10 =	vshrl.u32 v13, $0x2;
	v11 =	vshrl.u32 v15, $0x2;
	[tilespmem:s22+$0xFFFFFF00] =	vst v18  }
0x1d9: {  	v12 =	vor.u32 v17, v28;
	v14 =	vor.u32 v26, v27;
	v18 =	vand.u32 $0xFFFFF07F, v15;
	[tilespmem:s22+$0xFFFFFF80] =	vst v24  }
0x1da: {  	s24 =	sadd.s32 $0x80, s24;
	v17 =	vor.u32 v21, v19;
	v13 =	vor.u32 v23, v29;
	v15 =	vor.u32 v22, v20;
	s22 =	sadd.s32 $0xC00, s22;
	[tilespmem:s21+$0x0] =	vst v25  }
0x1db: {  	v5 =	vand.u32 $0x380, v5  }
0x1dc: {  	v1 =	vand.u32 $0x380, v1;
	v5 =	vor.u32 v5, v14  }
0x1dd: {  	v7 =	vand.u32 $0x380, v7;
	v1 =	vor.u32 v1, v12  }
0x1de: {  	v8 =	vand.u32 $0x380, v8;
	v7 =	vor.u32 v7, v17  }
0x1df: {  	v9 =	vand.u32 $0x380, v9;
	v8 =	vor.u32 v8, v15  }
0x1e0: {  	v0 =	vor.u32 v0, v16;
	v10 =	vand.u32 $0x380, v10;
	v9 =	vor.u32 v9, v13  }
0x1e1: {  	v2 =	vor.u32 v2, v18;
	v11 =	vand.u32 $0x380, v11;
	v0 =	vor.u32 v10, v0;
	v5 =	vld.idx.msk [tilespmem:v5+s29+$0x0], $0xffff  }
0x1e2: {  	v2 =	vor.u32 v11, v2;
	v1 =	vld.idx.msk [tilespmem:v1+s29+$0x0], $0xffff  }
0x1e3: {  	[tilespmem:s22+$0x180] =	vst v3;
	v60 =	vld.idx.msk [tilespmem:v7+s29+$0x0], $0xffff  }
0x1e4: {  	[tilespmem:s21+$0x80] =	vst v4;
	v61 =	vld.idx.msk [tilespmem:v8+s29+$0x0], $0xffff  }
0x1e5: {  	[tilespmem:s21+$0x100] =	vst v6;
	v62 =	vld.idx.msk [tilespmem:v9+s29+$0x0], $0xffff  }
0x1e6: {  	s17 =	sadd.s32 $0x1, s17;
	v0 =	vld.idx.msk [tilespmem:v0+s29+$0x0], $0xffff;
	[tilespmem:s22+$0xFFFFFE00] =	vst v5  }
0x1e7: {  	p0 =	sne.s32 s17, $0x18;
	v63 =	vld.idx.msk [tilespmem:v2+s29+$0x0], $0xffff;
	[tilespmem:s22+$0xFFFFFE80] =	vst v1  }
.Ltmp7:
0x1e8: {  	[tilespmem:s22+$0xFFFFFF00] =	vst v60;
	(pc) =	sbr.rel @p0 .LBB2_15-.Ltmp7, $4  }
0x1e9: {  	[tilespmem:s22+$0xFFFFFF80] =	vst v61  }
0x1ea: {  	[tilespmem:s22+$0x0] =	vst v62  }
0x1eb: {  	[tilespmem:s22+$0x80] =	vst v0  }
0x1ec: {  	s15 =	sadd.s32 $0x300, s15;
	s16 =	sadd.s32 $0x80, s16;
	s14 =	sadd.s32 $0x1, s14;
	[tilespmem:s22+$0x100] =	vst v63  }
0x1ed: {  	s14 =	rddreg [dreg:$0x7]  }
0x1ee: {  	s14 =	sadd.s32 s14, s12  }
0x1ef: {  	s14 =	sshrl.u32 s14, $0x3  }
0x1f0: {  	s16 =	rddreg [dreg:$0x9];
	s15 =	sadd.s32 s3, s14;
	s14 =	simm.s32 $0x0  }
0x1f1: {  	[hbm4b:s15+s14] =	stream.linear.scatter [tilespmem:s6], [sflag:$0x4], $0x4800, $0x38;
	[tilespmem:$0x1D800] =	vst v63  }
0x1f2: {  	s15 =	sadd.s32 s16, s13  }
0x1f3: {  	s15 =	sshrl.u32 s15, $0x3  }
0x1f4: {  	s15 =	sadd.s32 s1, s15  }
0x1f5: {  	[tilespmem:s29], [sflag:$0x2] =	stream.linear.gather [hbm4b:s15+s14], $0xC00, $0x38;
	[tilespmem:$0x1D800] =	vst v63  }
0x1f6: {  	s16 =	sadd.s32 $0x180, s15  }
0x1f7: {  	[tilespmem:s30], [sflag:$0x2] =	stream.linear.gather [hbm4b:s16+s14], $0xC00, $0x38;
	[tilespmem:$0x1D800] =	vst v63  }
0x1f8: {  	s17 =	sadd.s32 $0x300, s15  }
0x1f9: {  	[tilespmem:s31], [sflag:$0x2] =	stream.linear.gather [hbm4b:s17+s14], $0xC00, $0x38;
	[tilespmem:$0x1D800] =	vst v63  }
0x1fa: {  	s21 =	sadd.s32 $0x480, s15  }
0x1fb: {  	[tilespmem:s7], [sflag:$0x2] =	stream.linear.gather [hbm4b:s21+s14], $0xC00, $0x38;
	[tilespmem:$0x1D800] =	vst v63  }
0x1fc: {  	s22 =	sadd.s32 $0x600, s15  }
0x1fd: {  	[tilespmem:s0], [sflag:$0x2] =	stream.linear.gather [hbm4b:s22+s14], $0xC00, $0x38;
	[tilespmem:$0x1D800] =	vst v63  }
0x1fe: {  	s23 =	sadd.s32 $0x780, s15  }
0x1ff: {  	[tilespmem:s18], [sflag:$0x2] =	stream.linear.gather [hbm4b:s23+s14], $0xC00, $0x38;
	[tilespmem:$0x1D800] =	vst v63  }
0x200: {  	s24 =	sadd.s32 $0x900, s15  }
0x201: {  	[tilespmem:s2], [sflag:$0x2] =	stream.linear.gather [hbm4b:s24+s14], $0xC00, $0x38;
	[tilespmem:$0x1D800] =	vst v63  }
0x202: {  	s15 =	sadd.s32 $0xA80, s15  }
0x203: {  	[tilespmem:s10], [sflag:$0x2] =	stream.linear.gather [hbm4b:s15+s14], $0xC00, $0x38;
	[tilespmem:$0x1D800] =	vst v63  }
0x204: {  	_ =	swait.ge [sflag:s19], $0x6000  }
0x205: {  	[sflag:s19] =	ssyncset.done $0x0  }
0x206: {  	[sflag:s19] =	ssyncadd.s32 $0xFFFFA000  }
0x207: {  	_ =	swait.ge [sflag:s8], $0x4800  }
0x208: {  	s16 =	simm.s32 $0x0;
	[sflag:s8] =	ssyncset.done $0x0  }
0x209: {  	s17 =	simm.s32 $0x0;
	s15 =	simm.s32 $0x40;
	[sflag:s8] =	ssyncadd.s32 $0xFFFFB800  }
.LBB2_19:
0x20a: {  	v0 =	vld [tilespmem:s15+$0x30]  }
0x20b: {  	v1 =	vld [tilespmem:s15+$0xFFFFFFD0]  }
0x20c: {  	v3 =	vld [tilespmem:s15+$0xFFFFFFF0]  }
0x20d: {  	v5 =	vld [tilespmem:s15+$0x10]  }
0x20e: {  	v7 =	vld [tilespmem:s15+$0x20]  }
0x20f: {  	v9 =	vld [tilespmem:s15+$0xFFFFFFC0];
	_ =	sdelay $0x1  }
0x210: {  	v2 =	vld [tilespmem:s15+$0xFFFFFFE0]  }
0x211: {  	v4 =	vld [tilespmem:s15+$0x0];
	v6 =	vshll.u32 v0, $0x3;
	v8 =	vshrl.u32 v0, $0x2;
	v0 =	vand.u32 $0xFFFFF07F, v0  }
0x212: {  	v10 =	vshll.u32 v1, $0x3;
	v11 =	vshll.u32 v3, $0x3;
	v12 =	vshll.u32 v5, $0x3  }
0x213: {  	v13 =	vshrl.u32 v1, $0x2;
	v14 =	vshll.u32 v7, $0x3;
	v15 =	vshll.u32 v9, $0x3  }
0x214: {  	v16 =	vshrl.u32 v9, $0x2;
	v9 =	vand.u32 $0xFFFFF07F, v9;
	v1 =	vand.u32 $0xFFFFF07F, v1  }
0x215: {  	v17 =	vshrl.u32 v2, $0x2;
	v18 =	vshrl.u32 v3, $0x2;
	v3 =	vand.u32 $0xFFFFF07F, v3  }
0x216: {  	v19 =	vshrl.u32 v4, $0x2;
	v20 =	vshrl.u32 v5, $0x2;
	v5 =	vand.u32 $0xFFFFF07F, v5  }
0x217: {  	v21 =	vshrl.u32 v7, $0x2;
	v7 =	vand.u32 $0xFFFFF07F, v7;
	v6 =	vand.u32 $0xC00, v6  }
0x218: {  	v8 =	vand.u32 $0x380, v8;
	v11 =	vand.u32 $0xC00, v11;
	v12 =	vand.u32 $0xC00, v12  }
0x219: {  	v14 =	vand.u32 $0xC00, v14;
	v15 =	vand.u32 $0xC00, v15;
	v0 =	vor.u32 v6, v0  }
0x21a: {  	v6 =	vshll.u32 v2, $0x3;
	v2 =	vand.u32 $0xFFFFF07F, v2;
	v9 =	vor.u32 v15, v9  }
0x21b: {  	v3 =	vor.u32 v11, v3;
	v5 =	vor.u32 v12, v5;
	v7 =	vor.u32 v14, v7  }
0x21c: {  	s22 =	sadd.s32 $0x80, s15;
	v11 =	vand.u32 $0x380, v13;
	v12 =	vand.u32 $0x380, v17;
	v13 =	vand.u32 $0x380, v18  }
0x21d: {  	v14 =	vld [tilespmem:s22+$0xFFFFFFE0];
	v15 =	vand.u32 $0x380, v19;
	v17 =	vand.u32 $0x380, v21;
	v0 =	vor.u32 v8, v0  }
0x21e: {  	v18 =	vld [tilespmem:s22+$0xFFFFFFF0];
	v8 =	vand.u32 $0xC00, v10;
	v6 =	vand.u32 $0xC00, v6;
	v10 =	vshll.u32 v4, $0x3  }
0x21f: {  	v4 =	vand.u32 $0xFFFFF07F, v4;
	v3 =	vor.u32 v13, v3;
	v2 =	vor.u32 v6, v2;
	v6 =	vld [tilespmem:s22+$0x30]  }
0x220: {  	v13 =	vld [tilespmem:s22+$0x10];
	v10 =	vand.u32 $0xC00, v10;
	v1 =	vor.u32 v8, v1;
	v8 =	vand.u32 $0x380, v16  }
0x221: {  	v16 =	vand.u32 $0x380, v20;
	v4 =	vor.u32 v10, v4;
	v10 =	vld [tilespmem:s22+$0xFFFFFFD0];
	v8 =	vor.u32 v8, v9  }
0x222: {  	v1 =	vor.u32 v11, v1;
	v2 =	vor.u32 v12, v2;
	v12 =	vor.u32 v16, v5;
	v9 =	vld [tilespmem:s22+$0xFFFFFFC0]  }
0x223: {  	v11 =	vld [tilespmem:s22+$0x0];
	v4 =	vor.u32 v15, v4;
	v15 =	vor.u32 v17, v7;
	v19 =	vshll.u32 v18, $0x3  }
0x224: {  	v17 =	vld [tilespmem:s22+$0x20];
	v31 =	vand.u32 $0xFFFFF07F, v14;
	v19 =	vand.u32 $0xC00, v19;
	v5 =	vshll.u32 v6, $0x3  }
0x225: {  	v26 =	vld.idx.msk [tilespmem:v3+s20+$0x0], $0xffff;
	v7 =	vshrl.u32 v6, $0x2;
	v6 =	vand.u32 $0xFFFFF07F, v6;
	v5 =	vand.u32 $0xC00, v5  }
0x226: {  	s21 =	sshll.u32 s16, $0x2;
	s23 =	sand.u32 $0x7, s14;
	v16 =	vshll.u32 v10, $0x3;
	v7 =	vand.u32 $0x380, v7;
	v62 =	vld.idx.msk [tilespmem:v8+s20+$0x0], $0xffff;
	v5 =	vor.u32 v5, v6  }
0x227: {  	s21 =	sand.u32 $0xFFFFF000, s21;
	s23 =	sshll.u32 s23, $0x6;
	v25 =	vld.idx.msk [tilespmem:v2+s20+$0x0], $0xffff;
	v3 =	vshll.u32 v9, $0x3;
	v29 =	vand.u32 $0xFFFFF07F, v9;
	v20 =	vor.u32 v7, v5  }
0x228: {  	s21 =	sor.u32 s23, s21;
	v30 =	vand.u32 $0xFFFFF07F, v10;
	v8 =	vshrl.u32 v18, $0x2;
	v63 =	vand.u32 $0xFFFFF07F, v11;
	v6 =	vld.idx.msk [tilespmem:v0+s20+$0x0], $0xffff  }
0x229: {  	s21 =	sshrl.u32 s21, $0x2;
	v0 =	vshll.u32 v14, $0x3;
	v22 =	vand.u32 $0xC00, v16;
	v16 =	vld.idx.msk [tilespmem:v1+s20+$0x0], $0xffff;
	v1 =	vshrl.u32 v10, $0x2  }
0x22a: {  	s21 =	sadd.s32 $0x14A00, s21;
	v2 =	vshll.u32 v17, $0x3;
	v28 =	vand.u32 $0xC00, v3;
	v10 =	vshrl.u32 v13, $0x2  }
0x22b: {  	v27 =	vld.idx.msk [tilespmem:v4+s20+$0x0], $0xffff;
	v23 =	vand.u32 $0xC00, v0;
	v0 =	vshll.u32 v11, $0x3;
	v5 =	vshrl.u32 v9, $0x2;
	[tilespmem:s21+$0xFFFFFF80] =	vst v26  }
0x22c: {  	v2 =	vand.u32 $0xC00, v2;
	v7 =	vshrl.u32 v14, $0x2;
	v9 =	vshrl.u32 v11, $0x2;
	[tilespmem:s21+$0xFFFFFE00] =	vst v62;
	v3 =	vld.idx.msk [tilespmem:v20+s20+$0x0], $0xffff  }
0x22d: {  	v4 =	vld.idx.msk [tilespmem:v12+s20+$0x0], $0xffff;
	v11 =	vshrl.u32 v17, $0x2;
	v24 =	vand.u32 $0xC00, v0;
	v0 =	vshll.u32 v13, $0x3;
	[tilespmem:s21+$0xFFFFFF00] =	vst v25  }
0x22e: {  	v14 =	vor.u32 v28, v29;
	v12 =	vor.u32 v22, v30;
	v0 =	vand.u32 $0xC00, v0;
	[tilespmem:s21+$0x180] =	vst v6;
	v6 =	vld.idx.msk [tilespmem:v15+s20+$0x0], $0xffff  }
0x22f: {  	[tilespmem:s21+$0xFFFFFE80] =	vst v16;
	v16 =	vand.u32 $0xFFFFF07F, v13;
	v13 =	vor.u32 v24, v63;
	v20 =	vand.u32 $0xFFFFF07F, v18  }
0x230: {  	s24 =	sadd.s32 $0x80, s22;
	s23 =	simm.s32 $0x8;
	s22 =	sadd.s32 $0xC00, s21;
	[tilespmem:s21+$0x0] =	vst v27;
	v18 =	vand.u32 $0xFFFFF07F, v17;
	v17 =	vor.u32 v23, v31;
	v15 =	vor.u32 v19, v20  }
.LBB2_20:
0x231: {  	v19 =	vld [tilespmem:s24+$0x30];
	s23 =	sadd.s32 $0x8, s23;
	v5 =	vand.u32 $0x380, v5;
	v0 =	vor.u32 v0, v16;
	v2 =	vor.u32 v2, v18;
	[tilespmem:s22+$0x180] =	vst v3  }
0x232: {  	v1 =	vand.u32 $0x380, v1;
	v7 =	vand.u32 $0x380, v7;
	v8 =	vand.u32 $0x380, v8;
	v3 =	vld [tilespmem:s24+$0xFFFFFFD0];
	p0 =	slt.u32 s23, $0x28;
	[tilespmem:s21+$0x80] =	vst v4  }
0x233: {  	v9 =	vand.u32 $0x380, v9;
	v10 =	vand.u32 $0x380, v10;
	v11 =	vand.u32 $0x380, v11;
	v4 =	vld [tilespmem:s24+$0xFFFFFFE0];
	[tilespmem:s21+$0x100] =	vst v6;
	s21 =	smov.u32 s22  }
0x234: {  	v5 =	vor.u32 v5, v14;
	v1 =	vor.u32 v1, v12;
	v7 =	vor.u32 v7, v17;
	v6 =	vld [tilespmem:s24+$0xFFFFFFF0]  }
0x235: {  	v8 =	vor.u32 v8, v15;
	v9 =	vor.u32 v9, v13;
	v10 =	vor.u32 v10, v0;
	v12 =	vld [tilespmem:s24+$0x0]  }
0x236: {  	v11 =	vor.u32 v11, v2;
	v13 =	vld [tilespmem:s24+$0x10];
	v0 =	vshll.u32 v19, $0x3  }
0x237: {  	v2 =	vshrl.u32 v19, $0x2;
	v14 =	vand.u32 $0xFFFFF07F, v19;
	v15 =	vld [tilespmem:s24+$0x20];
	v0 =	vand.u32 $0xC00, v0  }
0x238: {  	v17 =	vshll.u32 v3, $0x3;
	v2 =	vand.u32 $0x380, v2;
	v16 =	vld [tilespmem:s24+$0xFFFFFFC0];
	v0 =	vor.u32 v0, v14  }
0x239: {  	v14 =	vshll.u32 v4, $0x3;
	v18 =	vshll.u32 v6, $0x3;
	v19 =	vor.u32 v2, v0;
	v20 =	vld.idx.msk [tilespmem:v5+s20+$0x0], $0xffff  }
0x23a: {  	v17 =	vand.u32 $0xC00, v17;
	v21 =	vand.u32 $0xC00, v14;
	v0 =	vshll.u32 v12, $0x3;
	v14 =	vld.idx.msk [tilespmem:v1+s20+$0x0], $0xffff  }
0x23b: {  	v22 =	vand.u32 $0xC00, v18;
	v23 =	vand.u32 $0xC00, v0;
	v0 =	vshll.u32 v13, $0x3;
	v18 =	vld.idx.msk [tilespmem:v7+s20+$0x0], $0xffff  }
0x23c: {  	v1 =	vshrl.u32 v3, $0x2;
	v0 =	vand.u32 $0xC00, v0;
	v2 =	vshll.u32 v15, $0x3;
	v24 =	vld.idx.msk [tilespmem:v8+s20+$0x0], $0xffff  }
0x23d: {  	v7 =	vshll.u32 v16, $0x3;
	v5 =	vshrl.u32 v16, $0x2;
	v2 =	vand.u32 $0xC00, v2;
	v25 =	vld.idx.msk [tilespmem:v9+s20+$0x0], $0xffff  }
0x23e: {  	v28 =	vand.u32 $0xFFFFF07F, v3;
	v27 =	vand.u32 $0xFFFFF07F, v16;
	v26 =	vand.u32 $0xC00, v7;
	v3 =	vld.idx.msk [tilespmem:v19+s20+$0x0], $0xffff  }
.Ltmp8:
0x23f: {  	v8 =	vshrl.u32 v6, $0x2;
	v7 =	vshrl.u32 v4, $0x2;
	v19 =	vand.u32 $0xFFFFF07F, v4;
	[tilespmem:s22+$0xFFFFFE00] =	vst v20;
	v4 =	vld.idx.msk [tilespmem:v10+s20+$0x0], $0xffff;
	(pc) =	sbr.rel @p0 .LBB2_20-.Ltmp8, $4  }
0x240: {  	v29 =	vand.u32 $0xFFFFF07F, v12;
	v9 =	vshrl.u32 v12, $0x2;
	v20 =	vand.u32 $0xFFFFF07F, v6;
	[tilespmem:s22+$0xFFFFFE80] =	vst v14;
	v6 =	vld.idx.msk [tilespmem:v11+s20+$0x0], $0xffff  }
0x241: {  	v16 =	vand.u32 $0xFFFFF07F, v13;
	v10 =	vshrl.u32 v13, $0x2;
	v11 =	vshrl.u32 v15, $0x2;
	[tilespmem:s22+$0xFFFFFF00] =	vst v18  }
0x242: {  	v12 =	vor.u32 v17, v28;
	v14 =	vor.u32 v26, v27;
	v18 =	vand.u32 $0xFFFFF07F, v15;
	[tilespmem:s22+$0xFFFFFF80] =	vst v24  }
0x243: {  	s24 =	sadd.s32 $0x80, s24;
	v17 =	vor.u32 v21, v19;
	v13 =	vor.u32 v23, v29;
	v15 =	vor.u32 v22, v20;
	s22 =	sadd.s32 $0xC00, s22;
	[tilespmem:s21+$0x0] =	vst v25  }
0x244: {  	v5 =	vand.u32 $0x380, v5  }
0x245: {  	v1 =	vand.u32 $0x380, v1;
	v5 =	vor.u32 v5, v14  }
0x246: {  	v7 =	vand.u32 $0x380, v7;
	v1 =	vor.u32 v1, v12  }
0x247: {  	v8 =	vand.u32 $0x380, v8;
	v7 =	vor.u32 v7, v17  }
0x248: {  	v9 =	vand.u32 $0x380, v9;
	v8 =	vor.u32 v8, v15  }
0x249: {  	v0 =	vor.u32 v0, v16;
	v10 =	vand.u32 $0x380, v10;
	v9 =	vor.u32 v9, v13  }
0x24a: {  	v2 =	vor.u32 v2, v18;
	v11 =	vand.u32 $0x380, v11;
	v0 =	vor.u32 v10, v0;
	v5 =	vld.idx.msk [tilespmem:v5+s20+$0x0], $0xffff  }
0x24b: {  	v2 =	vor.u32 v11, v2;
	v1 =	vld.idx.msk [tilespmem:v1+s20+$0x0], $0xffff  }
0x24c: {  	[tilespmem:s22+$0x180] =	vst v3;
	v60 =	vld.idx.msk [tilespmem:v7+s20+$0x0], $0xffff  }
0x24d: {  	[tilespmem:s21+$0x80] =	vst v4;
	v61 =	vld.idx.msk [tilespmem:v8+s20+$0x0], $0xffff  }
0x24e: {  	[tilespmem:s21+$0x100] =	vst v6;
	v62 =	vld.idx.msk [tilespmem:v9+s20+$0x0], $0xffff  }
0x24f: {  	s17 =	sadd.s32 $0x1, s17;
	v0 =	vld.idx.msk [tilespmem:v0+s20+$0x0], $0xffff;
	[tilespmem:s22+$0xFFFFFE00] =	vst v5  }
0x250: {  	p0 =	sne.s32 s17, $0x18;
	v63 =	vld.idx.msk [tilespmem:v2+s20+$0x0], $0xffff;
	[tilespmem:s22+$0xFFFFFE80] =	vst v1  }
.Ltmp9:
0x251: {  	[tilespmem:s22+$0xFFFFFF00] =	vst v60;
	(pc) =	sbr.rel @p0 .LBB2_19-.Ltmp9, $4  }
0x252: {  	[tilespmem:s22+$0xFFFFFF80] =	vst v61  }
0x253: {  	[tilespmem:s22+$0x0] =	vst v62  }
0x254: {  	[tilespmem:s22+$0x80] =	vst v0  }
0x255: {  	s15 =	sadd.s32 $0x300, s15;
	s16 =	sadd.s32 $0x80, s16;
	s14 =	sadd.s32 $0x1, s14;
	[tilespmem:s22+$0x100] =	vst v63  }
0x256: {  	s14 =	rddreg [dreg:$0x8]  }
0x257: {  	s14 =	sadd.s32 s14, s12  }
0x258: {  	s14 =	sshrl.u32 s14, $0x3  }
0x259: {  	s17 =	rddreg [dreg:$0xa];
	s15 =	sadd.s32 s3, s14;
	s14 =	simm.s32 $0x0  }
0x25a: {  	[hbm4b:s15+s14] =	stream.linear.scatter [tilespmem:s4], [sflag:$0x3], $0x4800, $0x38;
	[tilespmem:$0x1D800] =	vst v63  }
0x25b: {  	s15 =	sadd.s32 s17, s13  }
0x25c: {  	s15 =	sshrl.u32 s15, $0x3  }
0x25d: {  	s15 =	sadd.s32 s1, s15  }
0x25e: {  	[tilespmem:s20], [sflag:$0x1] =	stream.linear.gather [hbm4b:s15+s14], $0xC00, $0x38;
	[tilespmem:$0x1D800] =	vst v63  }
0x25f: {  	s17 =	simm.s32 $0x5800;
	s16 =	sadd.s32 $0x180, s15  }
0x260: {  	[tilespmem:s17], [sflag:$0x1] =	stream.linear.gather [hbm4b:s16+s14], $0xC00, $0x38;
	[tilespmem:$0x1D800] =	vst v63  }
0x261: {  	s22 =	simm.s32 $0x6800;
	s21 =	sadd.s32 $0x300, s15  }
0x262: {  	[tilespmem:s22], [sflag:$0x1] =	stream.linear.gather [hbm4b:s21+s14], $0xC00, $0x38;
	[tilespmem:$0x1D800] =	vst v63  }
0x263: {  	s24 =	simm.s32 $0x7800;
	s23 =	sadd.s32 $0x480, s15  }
0x264: {  	[tilespmem:s24], [sflag:$0x1] =	stream.linear.gather [hbm4b:s23+s14], $0xC00, $0x38;
	[tilespmem:$0x1D800] =	vst v63  }
0x265: {  	s21 =	sadd.s32 $0x600, s15;
	s22 =	simm.s32 $0x8800  }
0x266: {  	[tilespmem:s22], [sflag:$0x1] =	stream.linear.gather [hbm4b:s21+s14], $0xC00, $0x38;
	[tilespmem:$0x1D800] =	vst v63  }
0x267: {  	s23 =	sadd.s32 $0x780, s15  }
0x268: {  	[tilespmem:s25], [sflag:$0x1] =	stream.linear.gather [hbm4b:s23+s14], $0xC00, $0x38;
	[tilespmem:$0x1D800] =	vst v63  }
0x269: {  	s24 =	sadd.s32 $0x900, s15  }
0x26a: {  	[tilespmem:s26], [sflag:$0x1] =	stream.linear.gather [hbm4b:s24+s14], $0xC00, $0x38;
	[tilespmem:$0x1D800] =	vst v63  }
0x26b: {  	s15 =	sadd.s32 $0xA80, s15  }
0x26c: {  	[tilespmem:s28], [sflag:$0x1] =	stream.linear.gather [hbm4b:s15+s14], $0xC00, $0x38;
	[tilespmem:$0x1D800] =	vst v63  }
0x26d: {  	_ =	swait.ge [sflag:s5], $0x6000  }
0x26e: {  	[sflag:s5] =	ssyncset.done $0x0  }
0x26f: {  	[sflag:s5] =	ssyncadd.s32 $0xFFFFA000  }
0x270: {  	_ =	swait.ge [sflag:s9], $0x4800  }
0x271: {  	s16 =	simm.s32 $0x0;
	[sflag:s9] =	ssyncset.done $0x0  }
0x272: {  	s17 =	simm.s32 $0x0;
	s15 =	simm.s32 $0x40;
	[sflag:s9] =	ssyncadd.s32 $0xFFFFB800  }
.LBB2_23:
0x273: {  	v0 =	vld [tilespmem:s15+$0x30]  }
0x274: {  	v1 =	vld [tilespmem:s15+$0xFFFFFFD0]  }
0x275: {  	v3 =	vld [tilespmem:s15+$0xFFFFFFF0]  }
0x276: {  	v5 =	vld [tilespmem:s15+$0x10]  }
0x277: {  	v7 =	vld [tilespmem:s15+$0x20]  }
0x278: {  	v9 =	vld [tilespmem:s15+$0xFFFFFFC0];
	_ =	sdelay $0x1  }
0x279: {  	v2 =	vld [tilespmem:s15+$0xFFFFFFE0]  }
0x27a: {  	v4 =	vld [tilespmem:s15+$0x0];
	v6 =	vshll.u32 v0, $0x3;
	v8 =	vshrl.u32 v0, $0x2;
	v0 =	vand.u32 $0xFFFFF07F, v0  }
0x27b: {  	v10 =	vshll.u32 v1, $0x3;
	v11 =	vshll.u32 v3, $0x3;
	v12 =	vshll.u32 v5, $0x3  }
0x27c: {  	v13 =	vshrl.u32 v1, $0x2;
	v14 =	vshll.u32 v7, $0x3;
	v15 =	vshll.u32 v9, $0x3  }
0x27d: {  	v16 =	vshrl.u32 v9, $0x2;
	v9 =	vand.u32 $0xFFFFF07F, v9;
	v1 =	vand.u32 $0xFFFFF07F, v1  }
0x27e: {  	v17 =	vshrl.u32 v2, $0x2;
	v18 =	vshrl.u32 v3, $0x2;
	v3 =	vand.u32 $0xFFFFF07F, v3  }
0x27f: {  	v19 =	vshrl.u32 v4, $0x2;
	v20 =	vshrl.u32 v5, $0x2;
	v5 =	vand.u32 $0xFFFFF07F, v5  }
0x280: {  	v21 =	vshrl.u32 v7, $0x2;
	v7 =	vand.u32 $0xFFFFF07F, v7;
	v6 =	vand.u32 $0xC00, v6  }
0x281: {  	v8 =	vand.u32 $0x380, v8;
	v11 =	vand.u32 $0xC00, v11;
	v12 =	vand.u32 $0xC00, v12  }
0x282: {  	v14 =	vand.u32 $0xC00, v14;
	v15 =	vand.u32 $0xC00, v15;
	v0 =	vor.u32 v6, v0  }
0x283: {  	v6 =	vshll.u32 v2, $0x3;
	v2 =	vand.u32 $0xFFFFF07F, v2;
	v9 =	vor.u32 v15, v9  }
0x284: {  	v3 =	vor.u32 v11, v3;
	v5 =	vor.u32 v12, v5;
	v7 =	vor.u32 v14, v7  }
0x285: {  	s22 =	sadd.s32 $0x80, s15;
	v11 =	vand.u32 $0x380, v13;
	v12 =	vand.u32 $0x380, v17;
	v13 =	vand.u32 $0x380, v18  }
0x286: {  	v14 =	vld [tilespmem:s22+$0xFFFFFFE0];
	v15 =	vand.u32 $0x380, v19;
	v17 =	vand.u32 $0x380, v21;
	v0 =	vor.u32 v8, v0  }
0x287: {  	v18 =	vld [tilespmem:s22+$0xFFFFFFF0];
	v8 =	vand.u32 $0xC00, v10;
	v6 =	vand.u32 $0xC00, v6;
	v10 =	vshll.u32 v4, $0x3  }
0x288: {  	v4 =	vand.u32 $0xFFFFF07F, v4;
	v3 =	vor.u32 v13, v3;
	v2 =	vor.u32 v6, v2;
	v6 =	vld [tilespmem:s22+$0x30]  }
0x289: {  	v13 =	vld [tilespmem:s22+$0x10];
	v10 =	vand.u32 $0xC00, v10;
	v1 =	vor.u32 v8, v1;
	v8 =	vand.u32 $0x380, v16  }
0x28a: {  	v16 =	vand.u32 $0x380, v20;
	v4 =	vor.u32 v10, v4;
	v10 =	vld [tilespmem:s22+$0xFFFFFFD0];
	v8 =	vor.u32 v8, v9  }
0x28b: {  	v1 =	vor.u32 v11, v1;
	v2 =	vor.u32 v12, v2;
	v12 =	vor.u32 v16, v5;
	v9 =	vld [tilespmem:s22+$0xFFFFFFC0]  }
0x28c: {  	v11 =	vld [tilespmem:s22+$0x0];
	v4 =	vor.u32 v15, v4;
	v15 =	vor.u32 v17, v7;
	v19 =	vshll.u32 v18, $0x3  }
0x28d: {  	v17 =	vld [tilespmem:s22+$0x20];
	v31 =	vand.u32 $0xFFFFF07F, v14;
	v19 =	vand.u32 $0xC00, v19;
	v5 =	vshll.u32 v6, $0x3  }
0x28e: {  	v26 =	vld.idx.msk [tilespmem:v3+s29+$0x0], $0xffff;
	v7 =	vshrl.u32 v6, $0x2;
	v6 =	vand.u32 $0xFFFFF07F, v6;
	v5 =	vand.u32 $0xC00, v5  }
0x28f: {  	s21 =	sshll.u32 s16, $0x2;
	s23 =	sand.u32 $0x7, s14;
	v16 =	vshll.u32 v10, $0x3;
	v7 =	vand.u32 $0x380, v7;
	v62 =	vld.idx.msk [tilespmem:v8+s29+$0x0], $0xffff;
	v5 =	vor.u32 v5, v6  }
0x290: {  	s21 =	sand.u32 $0xFFFFF000, s21;
	s23 =	sshll.u32 s23, $0x6;
	v25 =	vld.idx.msk [tilespmem:v2+s29+$0x0], $0xffff;
	v3 =	vshll.u32 v9, $0x3;
	v29 =	vand.u32 $0xFFFFF07F, v9;
	v20 =	vor.u32 v7, v5  }
0x291: {  	s21 =	sor.u32 s23, s21;
	v30 =	vand.u32 $0xFFFFF07F, v10;
	v8 =	vshrl.u32 v18, $0x2;
	v63 =	vand.u32 $0xFFFFF07F, v11;
	v6 =	vld.idx.msk [tilespmem:v0+s29+$0x0], $0xffff  }
0x292: {  	s21 =	sshrl.u32 s21, $0x2;
	v0 =	vshll.u32 v14, $0x3;
	v22 =	vand.u32 $0xC00, v16;
	v16 =	vld.idx.msk [tilespmem:v1+s29+$0x0], $0xffff;
	v1 =	vshrl.u32 v10, $0x2  }
0x293: {  	s21 =	sadd.s32 $0x19200, s21;
	v2 =	vshll.u32 v17, $0x3;
	v28 =	vand.u32 $0xC00, v3;
	v10 =	vshrl.u32 v13, $0x2  }
0x294: {  	v27 =	vld.idx.msk [tilespmem:v4+s29+$0x0], $0xffff;
	v23 =	vand.u32 $0xC00, v0;
	v0 =	vshll.u32 v11, $0x3;
	v5 =	vshrl.u32 v9, $0x2;
	[tilespmem:s21+$0xFFFFFF80] =	vst v26  }
0x295: {  	v2 =	vand.u32 $0xC00, v2;
	v7 =	vshrl.u32 v14, $0x2;
	v9 =	vshrl.u32 v11, $0x2;
	[tilespmem:s21+$0xFFFFFE00] =	vst v62;
	v3 =	vld.idx.msk [tilespmem:v20+s29+$0x0], $0xffff  }
0x296: {  	v4 =	vld.idx.msk [tilespmem:v12+s29+$0x0], $0xffff;
	v11 =	vshrl.u32 v17, $0x2;
	v24 =	vand.u32 $0xC00, v0;
	v0 =	vshll.u32 v13, $0x3;
	[tilespmem:s21+$0xFFFFFF00] =	vst v25  }
0x297: {  	v14 =	vor.u32 v28, v29;
	v12 =	vor.u32 v22, v30;
	v0 =	vand.u32 $0xC00, v0;
	[tilespmem:s21+$0x180] =	vst v6;
	v6 =	vld.idx.msk [tilespmem:v15+s29+$0x0], $0xffff  }
0x298: {  	[tilespmem:s21+$0xFFFFFE80] =	vst v16;
	v16 =	vand.u32 $0xFFFFF07F, v13;
	v13 =	vor.u32 v24, v63;
	v20 =	vand.u32 $0xFFFFF07F, v18  }
0x299: {  	s24 =	sadd.s32 $0x80, s22;
	s23 =	simm.s32 $0x8;
	s22 =	sadd.s32 $0xC00, s21;
	[tilespmem:s21+$0x0] =	vst v27;
	v18 =	vand.u32 $0xFFFFF07F, v17;
	v17 =	vor.u32 v23, v31;
	v15 =	vor.u32 v19, v20  }
.LBB2_24:
0x29a: {  	v19 =	vld [tilespmem:s24+$0x30];
	s23 =	sadd.s32 $0x8, s23;
	v5 =	vand.u32 $0x380, v5;
	v0 =	vor.u32 v0, v16;
	v2 =	vor.u32 v2, v18;
	[tilespmem:s22+$0x180] =	vst v3  }
0x29b: {  	v1 =	vand.u32 $0x380, v1;
	v7 =	vand.u32 $0x380, v7;
	v8 =	vand.u32 $0x380, v8;
	v3 =	vld [tilespmem:s24+$0xFFFFFFD0];
	p0 =	slt.u32 s23, $0x28;
	[tilespmem:s21+$0x80] =	vst v4  }
0x29c: {  	v9 =	vand.u32 $0x380, v9;
	v10 =	vand.u32 $0x380, v10;
	v11 =	vand.u32 $0x380, v11;
	v4 =	vld [tilespmem:s24+$0xFFFFFFE0];
	[tilespmem:s21+$0x100] =	vst v6;
	s21 =	smov.u32 s22  }
0x29d: {  	v5 =	vor.u32 v5, v14;
	v1 =	vor.u32 v1, v12;
	v7 =	vor.u32 v7, v17;
	v6 =	vld [tilespmem:s24+$0xFFFFFFF0]  }
0x29e: {  	v8 =	vor.u32 v8, v15;
	v9 =	vor.u32 v9, v13;
	v10 =	vor.u32 v10, v0;
	v12 =	vld [tilespmem:s24+$0x0]  }
0x29f: {  	v11 =	vor.u32 v11, v2;
	v13 =	vld [tilespmem:s24+$0x10];
	v0 =	vshll.u32 v19, $0x3  }
0x2a0: {  	v2 =	vshrl.u32 v19, $0x2;
	v14 =	vand.u32 $0xFFFFF07F, v19;
	v15 =	vld [tilespmem:s24+$0x20];
	v0 =	vand.u32 $0xC00, v0  }
0x2a1: {  	v17 =	vshll.u32 v3, $0x3;
	v2 =	vand.u32 $0x380, v2;
	v16 =	vld [tilespmem:s24+$0xFFFFFFC0];
	v0 =	vor.u32 v0, v14  }
0x2a2: {  	v14 =	vshll.u32 v4, $0x3;
	v18 =	vshll.u32 v6, $0x3;
	v19 =	vor.u32 v2, v0;
	v20 =	vld.idx.msk [tilespmem:v5+s29+$0x0], $0xffff  }
0x2a3: {  	v17 =	vand.u32 $0xC00, v17;
	v21 =	vand.u32 $0xC00, v14;
	v0 =	vshll.u32 v12, $0x3;
	v14 =	vld.idx.msk [tilespmem:v1+s29+$0x0], $0xffff  }
0x2a4: {  	v22 =	vand.u32 $0xC00, v18;
	v23 =	vand.u32 $0xC00, v0;
	v0 =	vshll.u32 v13, $0x3;
	v18 =	vld.idx.msk [tilespmem:v7+s29+$0x0], $0xffff  }
0x2a5: {  	v1 =	vshrl.u32 v3, $0x2;
	v0 =	vand.u32 $0xC00, v0;
	v2 =	vshll.u32 v15, $0x3;
	v24 =	vld.idx.msk [tilespmem:v8+s29+$0x0], $0xffff  }
0x2a6: {  	v7 =	vshll.u32 v16, $0x3;
	v5 =	vshrl.u32 v16, $0x2;
	v2 =	vand.u32 $0xC00, v2;
	v25 =	vld.idx.msk [tilespmem:v9+s29+$0x0], $0xffff  }
0x2a7: {  	v28 =	vand.u32 $0xFFFFF07F, v3;
	v27 =	vand.u32 $0xFFFFF07F, v16;
	v26 =	vand.u32 $0xC00, v7;
	v3 =	vld.idx.msk [tilespmem:v19+s29+$0x0], $0xffff  }
.Ltmp10:
0x2a8: {  	v8 =	vshrl.u32 v6, $0x2;
	v7 =	vshrl.u32 v4, $0x2;
	v19 =	vand.u32 $0xFFFFF07F, v4;
	[tilespmem:s22+$0xFFFFFE00] =	vst v20;
	v4 =	vld.idx.msk [tilespmem:v10+s29+$0x0], $0xffff;
	(pc) =	sbr.rel @p0 .LBB2_24-.Ltmp10, $4  }
0x2a9: {  	v29 =	vand.u32 $0xFFFFF07F, v12;
	v9 =	vshrl.u32 v12, $0x2;
	v20 =	vand.u32 $0xFFFFF07F, v6;
	[tilespmem:s22+$0xFFFFFE80] =	vst v14;
	v6 =	vld.idx.msk [tilespmem:v11+s29+$0x0], $0xffff  }
0x2aa: {  	v16 =	vand.u32 $0xFFFFF07F, v13;
	v10 =	vshrl.u32 v13, $0x2;
	v11 =	vshrl.u32 v15, $0x2;
	[tilespmem:s22+$0xFFFFFF00] =	vst v18  }
0x2ab: {  	v12 =	vor.u32 v17, v28;
	v14 =	vor.u32 v26, v27;
	v18 =	vand.u32 $0xFFFFF07F, v15;
	[tilespmem:s22+$0xFFFFFF80] =	vst v24  }
0x2ac: {  	s24 =	sadd.s32 $0x80, s24;
	v17 =	vor.u32 v21, v19;
	v13 =	vor.u32 v23, v29;
	v15 =	vor.u32 v22, v20;
	s22 =	sadd.s32 $0xC00, s22;
	[tilespmem:s21+$0x0] =	vst v25  }
0x2ad: {  	v5 =	vand.u32 $0x380, v5  }
0x2ae: {  	v1 =	vand.u32 $0x380, v1;
	v5 =	vor.u32 v5, v14  }
0x2af: {  	v7 =	vand.u32 $0x380, v7;
	v1 =	vor.u32 v1, v12  }
0x2b0: {  	v8 =	vand.u32 $0x380, v8;
	v7 =	vor.u32 v7, v17  }
0x2b1: {  	v9 =	vand.u32 $0x380, v9;
	v8 =	vor.u32 v8, v15  }
0x2b2: {  	v0 =	vor.u32 v0, v16;
	v10 =	vand.u32 $0x380, v10;
	v9 =	vor.u32 v9, v13  }
0x2b3: {  	v2 =	vor.u32 v2, v18;
	v11 =	vand.u32 $0x380, v11;
	v0 =	vor.u32 v10, v0;
	v5 =	vld.idx.msk [tilespmem:v5+s29+$0x0], $0xffff  }
0x2b4: {  	v2 =	vor.u32 v11, v2;
	v1 =	vld.idx.msk [tilespmem:v1+s29+$0x0], $0xffff  }
0x2b5: {  	[tilespmem:s22+$0x180] =	vst v3;
	v60 =	vld.idx.msk [tilespmem:v7+s29+$0x0], $0xffff  }
0x2b6: {  	[tilespmem:s21+$0x80] =	vst v4;
	v61 =	vld.idx.msk [tilespmem:v8+s29+$0x0], $0xffff  }
0x2b7: {  	[tilespmem:s21+$0x100] =	vst v6;
	v62 =	vld.idx.msk [tilespmem:v9+s29+$0x0], $0xffff  }
0x2b8: {  	s17 =	sadd.s32 $0x1, s17;
	v0 =	vld.idx.msk [tilespmem:v0+s29+$0x0], $0xffff;
	[tilespmem:s22+$0xFFFFFE00] =	vst v5  }
0x2b9: {  	p0 =	sne.s32 s17, $0x18;
	v63 =	vld.idx.msk [tilespmem:v2+s29+$0x0], $0xffff;
	[tilespmem:s22+$0xFFFFFE80] =	vst v1  }
.Ltmp11:
0x2ba: {  	[tilespmem:s22+$0xFFFFFF00] =	vst v60;
	(pc) =	sbr.rel @p0 .LBB2_23-.Ltmp11, $4  }
0x2bb: {  	[tilespmem:s22+$0xFFFFFF80] =	vst v61  }
0x2bc: {  	[tilespmem:s22+$0x0] =	vst v62  }
0x2bd: {  	[tilespmem:s22+$0x80] =	vst v0  }
0x2be: {  	s15 =	sadd.s32 $0x300, s15;
	s16 =	sadd.s32 $0x80, s16;
	s14 =	sadd.s32 $0x1, s14;
	[tilespmem:s22+$0x100] =	vst v63  }
0x2bf: {  	s14 =	rddreg [dreg:$0x9]  }
0x2c0: {  	s14 =	sadd.s32 s14, s12  }
0x2c1: {  	s14 =	sshrl.u32 s14, $0x3  }
0x2c2: {  	s16 =	rddreg [dreg:$0xb];
	s15 =	sadd.s32 s3, s14;
	s14 =	simm.s32 $0x0  }
0x2c3: {  	[hbm4b:s15+s14] =	stream.linear.scatter [tilespmem:s6], [sflag:$0x4], $0x4800, $0x38;
	[tilespmem:$0x1D800] =	vst v63  }
0x2c4: {  	s15 =	sadd.s32 s16, s13  }
0x2c5: {  	s15 =	sshrl.u32 s15, $0x3  }
0x2c6: {  	s15 =	sadd.s32 s1, s15  }
0x2c7: {  	[tilespmem:s29], [sflag:$0x2] =	stream.linear.gather [hbm4b:s15+s14], $0xC00, $0x38;
	[tilespmem:$0x1D800] =	vst v63  }
0x2c8: {  	s16 =	sadd.s32 $0x180, s15  }
0x2c9: {  	[tilespmem:s30], [sflag:$0x2] =	stream.linear.gather [hbm4b:s16+s14], $0xC00, $0x38;
	[tilespmem:$0x1D800] =	vst v63  }
0x2ca: {  	s17 =	sadd.s32 $0x300, s15  }
0x2cb: {  	[tilespmem:s31], [sflag:$0x2] =	stream.linear.gather [hbm4b:s17+s14], $0xC00, $0x38;
	[tilespmem:$0x1D800] =	vst v63  }
0x2cc: {  	s21 =	sadd.s32 $0x480, s15  }
0x2cd: {  	[tilespmem:s7], [sflag:$0x2] =	stream.linear.gather [hbm4b:s21+s14], $0xC00, $0x38;
	[tilespmem:$0x1D800] =	vst v63  }
0x2ce: {  	s22 =	sadd.s32 $0x600, s15  }
0x2cf: {  	[tilespmem:s0], [sflag:$0x2] =	stream.linear.gather [hbm4b:s22+s14], $0xC00, $0x38;
	[tilespmem:$0x1D800] =	vst v63  }
0x2d0: {  	s23 =	sadd.s32 $0x780, s15  }
0x2d1: {  	[tilespmem:s18], [sflag:$0x2] =	stream.linear.gather [hbm4b:s23+s14], $0xC00, $0x38;
	[tilespmem:$0x1D800] =	vst v63  }
0x2d2: {  	s24 =	sadd.s32 $0x900, s15  }
0x2d3: {  	[tilespmem:s2], [sflag:$0x2] =	stream.linear.gather [hbm4b:s24+s14], $0xC00, $0x38;
	[tilespmem:$0x1D800] =	vst v63  }
0x2d4: {  	s15 =	sadd.s32 $0xA80, s15  }
0x2d5: {  	[tilespmem:s10], [sflag:$0x2] =	stream.linear.gather [hbm4b:s15+s14], $0xC00, $0x38;
	[tilespmem:$0x1D800] =	vst v63  }
0x2d6: {  	_ =	swait.ge [sflag:s19], $0x6000  }
0x2d7: {  	[sflag:s19] =	ssyncset.done $0x0  }
0x2d8: {  	[sflag:s19] =	ssyncadd.s32 $0xFFFFA000  }
0x2d9: {  	_ =	swait.ge [sflag:s8], $0x4800  }
0x2da: {  	s16 =	simm.s32 $0x0;
	[sflag:s8] =	ssyncset.done $0x0  }
0x2db: {  	s17 =	simm.s32 $0x0;
	s15 =	simm.s32 $0x40;
	[sflag:s8] =	ssyncadd.s32 $0xFFFFB800  }
.LBB2_27:
0x2dc: {  	v0 =	vld [tilespmem:s15+$0x30]  }
0x2dd: {  	v1 =	vld [tilespmem:s15+$0xFFFFFFD0]  }
0x2de: {  	v3 =	vld [tilespmem:s15+$0xFFFFFFF0]  }
0x2df: {  	v5 =	vld [tilespmem:s15+$0x10]  }
0x2e0: {  	v7 =	vld [tilespmem:s15+$0x20]  }
0x2e1: {  	v9 =	vld [tilespmem:s15+$0xFFFFFFC0];
	_ =	sdelay $0x1  }
0x2e2: {  	v2 =	vld [tilespmem:s15+$0xFFFFFFE0]  }
0x2e3: {  	v4 =	vld [tilespmem:s15+$0x0];
	v6 =	vshll.u32 v0, $0x3;
	v8 =	vshrl.u32 v0, $0x2;
	v0 =	vand.u32 $0xFFFFF07F, v0  }
0x2e4: {  	v10 =	vshll.u32 v1, $0x3;
	v11 =	vshll.u32 v3, $0x3;
	v12 =	vshll.u32 v5, $0x3  }
0x2e5: {  	v13 =	vshrl.u32 v1, $0x2;
	v14 =	vshll.u32 v7, $0x3;
	v15 =	vshll.u32 v9, $0x3  }
0x2e6: {  	v16 =	vshrl.u32 v9, $0x2;
	v9 =	vand.u32 $0xFFFFF07F, v9;
	v1 =	vand.u32 $0xFFFFF07F, v1  }
0x2e7: {  	v17 =	vshrl.u32 v2, $0x2;
	v18 =	vshrl.u32 v3, $0x2;
	v3 =	vand.u32 $0xFFFFF07F, v3  }
0x2e8: {  	v19 =	vshrl.u32 v4, $0x2;
	v20 =	vshrl.u32 v5, $0x2;
	v5 =	vand.u32 $0xFFFFF07F, v5  }
0x2e9: {  	v21 =	vshrl.u32 v7, $0x2;
	v7 =	vand.u32 $0xFFFFF07F, v7;
	v6 =	vand.u32 $0xC00, v6  }
0x2ea: {  	v8 =	vand.u32 $0x380, v8;
	v11 =	vand.u32 $0xC00, v11;
	v12 =	vand.u32 $0xC00, v12  }
0x2eb: {  	v14 =	vand.u32 $0xC00, v14;
	v15 =	vand.u32 $0xC00, v15;
	v0 =	vor.u32 v6, v0  }
0x2ec: {  	v6 =	vshll.u32 v2, $0x3;
	v2 =	vand.u32 $0xFFFFF07F, v2;
	v9 =	vor.u32 v15, v9  }
0x2ed: {  	v3 =	vor.u32 v11, v3;
	v5 =	vor.u32 v12, v5;
	v7 =	vor.u32 v14, v7  }
0x2ee: {  	s22 =	sadd.s32 $0x80, s15;
	v11 =	vand.u32 $0x380, v13;
	v12 =	vand.u32 $0x380, v17;
	v13 =	vand.u32 $0x380, v18  }
0x2ef: {  	v14 =	vld [tilespmem:s22+$0xFFFFFFE0];
	v15 =	vand.u32 $0x380, v19;
	v17 =	vand.u32 $0x380, v21;
	v0 =	vor.u32 v8, v0  }
0x2f0: {  	v18 =	vld [tilespmem:s22+$0xFFFFFFF0];
	v8 =	vand.u32 $0xC00, v10;
	v6 =	vand.u32 $0xC00, v6;
	v10 =	vshll.u32 v4, $0x3  }
0x2f1: {  	v4 =	vand.u32 $0xFFFFF07F, v4;
	v3 =	vor.u32 v13, v3;
	v2 =	vor.u32 v6, v2;
	v6 =	vld [tilespmem:s22+$0x30]  }
0x2f2: {  	v13 =	vld [tilespmem:s22+$0x10];
	v10 =	vand.u32 $0xC00, v10;
	v1 =	vor.u32 v8, v1;
	v8 =	vand.u32 $0x380, v16  }
0x2f3: {  	v16 =	vand.u32 $0x380, v20;
	v4 =	vor.u32 v10, v4;
	v10 =	vld [tilespmem:s22+$0xFFFFFFD0];
	v8 =	vor.u32 v8, v9  }
0x2f4: {  	v1 =	vor.u32 v11, v1;
	v2 =	vor.u32 v12, v2;
	v12 =	vor.u32 v16, v5;
	v9 =	vld [tilespmem:s22+$0xFFFFFFC0]  }
0x2f5: {  	v11 =	vld [tilespmem:s22+$0x0];
	v4 =	vor.u32 v15, v4;
	v15 =	vor.u32 v17, v7;
	v19 =	vshll.u32 v18, $0x3  }
0x2f6: {  	v17 =	vld [tilespmem:s22+$0x20];
	v31 =	vand.u32 $0xFFFFF07F, v14;
	v19 =	vand.u32 $0xC00, v19;
	v5 =	vshll.u32 v6, $0x3  }
0x2f7: {  	v26 =	vld.idx.msk [tilespmem:v3+s20+$0x0], $0xffff;
	v7 =	vshrl.u32 v6, $0x2;
	v6 =	vand.u32 $0xFFFFF07F, v6;
	v5 =	vand.u32 $0xC00, v5  }
0x2f8: {  	s21 =	sshll.u32 s16, $0x2;
	s23 =	sand.u32 $0x7, s14;
	v16 =	vshll.u32 v10, $0x3;
	v7 =	vand.u32 $0x380, v7;
	v62 =	vld.idx.msk [tilespmem:v8+s20+$0x0], $0xffff;
	v5 =	vor.u32 v5, v6  }
0x2f9: {  	s21 =	sand.u32 $0xFFFFF000, s21;
	s23 =	sshll.u32 s23, $0x6;
	v25 =	vld.idx.msk [tilespmem:v2+s20+$0x0], $0xffff;
	v3 =	vshll.u32 v9, $0x3;
	v29 =	vand.u32 $0xFFFFF07F, v9;
	v20 =	vor.u32 v7, v5  }
0x2fa: {  	s21 =	sor.u32 s23, s21;
	v30 =	vand.u32 $0xFFFFF07F, v10;
	v8 =	vshrl.u32 v18, $0x2;
	v63 =	vand.u32 $0xFFFFF07F, v11;
	v6 =	vld.idx.msk [tilespmem:v0+s20+$0x0], $0xffff  }
0x2fb: {  	s21 =	sshrl.u32 s21, $0x2;
	v0 =	vshll.u32 v14, $0x3;
	v22 =	vand.u32 $0xC00, v16;
	v16 =	vld.idx.msk [tilespmem:v1+s20+$0x0], $0xffff;
	v1 =	vshrl.u32 v10, $0x2  }
0x2fc: {  	s21 =	sadd.s32 $0x14A00, s21;
	v2 =	vshll.u32 v17, $0x3;
	v28 =	vand.u32 $0xC00, v3;
	v10 =	vshrl.u32 v13, $0x2  }
0x2fd: {  	v27 =	vld.idx.msk [tilespmem:v4+s20+$0x0], $0xffff;
	v23 =	vand.u32 $0xC00, v0;
	v0 =	vshll.u32 v11, $0x3;
	v5 =	vshrl.u32 v9, $0x2;
	[tilespmem:s21+$0xFFFFFF80] =	vst v26  }
0x2fe: {  	v2 =	vand.u32 $0xC00, v2;
	v7 =	vshrl.u32 v14, $0x2;
	v9 =	vshrl.u32 v11, $0x2;
	[tilespmem:s21+$0xFFFFFE00] =	vst v62;
	v3 =	vld.idx.msk [tilespmem:v20+s20+$0x0], $0xffff  }
0x2ff: {  	v4 =	vld.idx.msk [tilespmem:v12+s20+$0x0], $0xffff;
	v11 =	vshrl.u32 v17, $0x2;
	v24 =	vand.u32 $0xC00, v0;
	v0 =	vshll.u32 v13, $0x3;
	[tilespmem:s21+$0xFFFFFF00] =	vst v25  }
0x300: {  	v14 =	vor.u32 v28, v29;
	v12 =	vor.u32 v22, v30;
	v0 =	vand.u32 $0xC00, v0;
	[tilespmem:s21+$0x180] =	vst v6;
	v6 =	vld.idx.msk [tilespmem:v15+s20+$0x0], $0xffff  }
0x301: {  	[tilespmem:s21+$0xFFFFFE80] =	vst v16;
	v16 =	vand.u32 $0xFFFFF07F, v13;
	v13 =	vor.u32 v24, v63;
	v20 =	vand.u32 $0xFFFFF07F, v18  }
0x302: {  	s24 =	sadd.s32 $0x80, s22;
	s23 =	simm.s32 $0x8;
	s22 =	sadd.s32 $0xC00, s21;
	[tilespmem:s21+$0x0] =	vst v27;
	v18 =	vand.u32 $0xFFFFF07F, v17;
	v17 =	vor.u32 v23, v31;
	v15 =	vor.u32 v19, v20  }
.LBB2_28:
0x303: {  	v19 =	vld [tilespmem:s24+$0x30];
	s23 =	sadd.s32 $0x8, s23;
	v5 =	vand.u32 $0x380, v5;
	v0 =	vor.u32 v0, v16;
	v2 =	vor.u32 v2, v18;
	[tilespmem:s22+$0x180] =	vst v3  }
0x304: {  	v1 =	vand.u32 $0x380, v1;
	v7 =	vand.u32 $0x380, v7;
	v8 =	vand.u32 $0x380, v8;
	v3 =	vld [tilespmem:s24+$0xFFFFFFD0];
	p0 =	slt.u32 s23, $0x28;
	[tilespmem:s21+$0x80] =	vst v4  }
0x305: {  	v9 =	vand.u32 $0x380, v9;
	v10 =	vand.u32 $0x380, v10;
	v11 =	vand.u32 $0x380, v11;
	v4 =	vld [tilespmem:s24+$0xFFFFFFE0];
	[tilespmem:s21+$0x100] =	vst v6;
	s21 =	smov.u32 s22  }
0x306: {  	v5 =	vor.u32 v5, v14;
	v1 =	vor.u32 v1, v12;
	v7 =	vor.u32 v7, v17;
	v6 =	vld [tilespmem:s24+$0xFFFFFFF0]  }
0x307: {  	v8 =	vor.u32 v8, v15;
	v9 =	vor.u32 v9, v13;
	v10 =	vor.u32 v10, v0;
	v12 =	vld [tilespmem:s24+$0x0]  }
0x308: {  	v11 =	vor.u32 v11, v2;
	v13 =	vld [tilespmem:s24+$0x10];
	v0 =	vshll.u32 v19, $0x3  }
0x309: {  	v2 =	vshrl.u32 v19, $0x2;
	v14 =	vand.u32 $0xFFFFF07F, v19;
	v15 =	vld [tilespmem:s24+$0x20];
	v0 =	vand.u32 $0xC00, v0  }
0x30a: {  	v17 =	vshll.u32 v3, $0x3;
	v2 =	vand.u32 $0x380, v2;
	v16 =	vld [tilespmem:s24+$0xFFFFFFC0];
	v0 =	vor.u32 v0, v14  }
0x30b: {  	v14 =	vshll.u32 v4, $0x3;
	v18 =	vshll.u32 v6, $0x3;
	v19 =	vor.u32 v2, v0;
	v20 =	vld.idx.msk [tilespmem:v5+s20+$0x0], $0xffff  }
0x30c: {  	v17 =	vand.u32 $0xC00, v17;
	v21 =	vand.u32 $0xC00, v14;
	v0 =	vshll.u32 v12, $0x3;
	v14 =	vld.idx.msk [tilespmem:v1+s20+$0x0], $0xffff  }
0x30d: {  	v22 =	vand.u32 $0xC00, v18;
	v23 =	vand.u32 $0xC00, v0;
	v0 =	vshll.u32 v13, $0x3;
	v18 =	vld.idx.msk [tilespmem:v7+s20+$0x0], $0xffff  }
0x30e: {  	v1 =	vshrl.u32 v3, $0x2;
	v0 =	vand.u32 $0xC00, v0;
	v2 =	vshll.u32 v15, $0x3;
	v24 =	vld.idx.msk [tilespmem:v8+s20+$0x0], $0xffff  }
0x30f: {  	v7 =	vshll.u32 v16, $0x3;
	v5 =	vshrl.u32 v16, $0x2;
	v2 =	vand.u32 $0xC00, v2;
	v25 =	vld.idx.msk [tilespmem:v9+s20+$0x0], $0xffff  }
0x310: {  	v28 =	vand.u32 $0xFFFFF07F, v3;
	v27 =	vand.u32 $0xFFFFF07F, v16;
	v26 =	vand.u32 $0xC00, v7;
	v3 =	vld.idx.msk [tilespmem:v19+s20+$0x0], $0xffff  }
.Ltmp12:
0x311: {  	v8 =	vshrl.u32 v6, $0x2;
	v7 =	vshrl.u32 v4, $0x2;
	v19 =	vand.u32 $0xFFFFF07F, v4;
	[tilespmem:s22+$0xFFFFFE00] =	vst v20;
	v4 =	vld.idx.msk [tilespmem:v10+s20+$0x0], $0xffff;
	(pc) =	sbr.rel @p0 .LBB2_28-.Ltmp12, $4  }
0x312: {  	v29 =	vand.u32 $0xFFFFF07F, v12;
	v9 =	vshrl.u32 v12, $0x2;
	v20 =	vand.u32 $0xFFFFF07F, v6;
	[tilespmem:s22+$0xFFFFFE80] =	vst v14;
	v6 =	vld.idx.msk [tilespmem:v11+s20+$0x0], $0xffff  }
0x313: {  	v16 =	vand.u32 $0xFFFFF07F, v13;
	v10 =	vshrl.u32 v13, $0x2;
	v11 =	vshrl.u32 v15, $0x2;
	[tilespmem:s22+$0xFFFFFF00] =	vst v18  }
0x314: {  	v12 =	vor.u32 v17, v28;
	v14 =	vor.u32 v26, v27;
	v18 =	vand.u32 $0xFFFFF07F, v15;
	[tilespmem:s22+$0xFFFFFF80] =	vst v24  }
0x315: {  	s24 =	sadd.s32 $0x80, s24;
	v17 =	vor.u32 v21, v19;
	v13 =	vor.u32 v23, v29;
	v15 =	vor.u32 v22, v20;
	s22 =	sadd.s32 $0xC00, s22;
	[tilespmem:s21+$0x0] =	vst v25  }
0x316: {  	v5 =	vand.u32 $0x380, v5  }
0x317: {  	v1 =	vand.u32 $0x380, v1;
	v5 =	vor.u32 v5, v14  }
0x318: {  	v7 =	vand.u32 $0x380, v7;
	v1 =	vor.u32 v1, v12  }
0x319: {  	v8 =	vand.u32 $0x380, v8;
	v7 =	vor.u32 v7, v17  }
0x31a: {  	v9 =	vand.u32 $0x380, v9;
	v8 =	vor.u32 v8, v15  }
0x31b: {  	v0 =	vor.u32 v0, v16;
	v10 =	vand.u32 $0x380, v10;
	v9 =	vor.u32 v9, v13  }
0x31c: {  	v2 =	vor.u32 v2, v18;
	v11 =	vand.u32 $0x380, v11;
	v0 =	vor.u32 v10, v0;
	v5 =	vld.idx.msk [tilespmem:v5+s20+$0x0], $0xffff  }
0x31d: {  	v2 =	vor.u32 v11, v2;
	v1 =	vld.idx.msk [tilespmem:v1+s20+$0x0], $0xffff  }
0x31e: {  	[tilespmem:s22+$0x180] =	vst v3;
	v60 =	vld.idx.msk [tilespmem:v7+s20+$0x0], $0xffff  }
0x31f: {  	[tilespmem:s21+$0x80] =	vst v4;
	v61 =	vld.idx.msk [tilespmem:v8+s20+$0x0], $0xffff  }
0x320: {  	[tilespmem:s21+$0x100] =	vst v6;
	v62 =	vld.idx.msk [tilespmem:v9+s20+$0x0], $0xffff  }
0x321: {  	s17 =	sadd.s32 $0x1, s17;
	v0 =	vld.idx.msk [tilespmem:v0+s20+$0x0], $0xffff;
	[tilespmem:s22+$0xFFFFFE00] =	vst v5  }
0x322: {  	p0 =	sne.s32 s17, $0x18;
	v63 =	vld.idx.msk [tilespmem:v2+s20+$0x0], $0xffff;
	[tilespmem:s22+$0xFFFFFE80] =	vst v1  }
.Ltmp13:
0x323: {  	[tilespmem:s22+$0xFFFFFF00] =	vst v60;
	(pc) =	sbr.rel @p0 .LBB2_27-.Ltmp13, $4  }
0x324: {  	[tilespmem:s22+$0xFFFFFF80] =	vst v61  }
0x325: {  	[tilespmem:s22+$0x0] =	vst v62  }
0x326: {  	[tilespmem:s22+$0x80] =	vst v0  }
0x327: {  	s15 =	sadd.s32 $0x300, s15;
	s16 =	sadd.s32 $0x80, s16;
	s14 =	sadd.s32 $0x1, s14;
	[tilespmem:s22+$0x100] =	vst v63  }
0x328: {  	s14 =	rddreg [dreg:$0xa]  }
0x329: {  	s14 =	sadd.s32 s14, s12  }
0x32a: {  	s14 =	sshrl.u32 s14, $0x3  }
0x32b: {  	s17 =	rddreg [dreg:$0xc];
	s15 =	sadd.s32 s3, s14;
	s14 =	simm.s32 $0x0  }
0x32c: {  	[hbm4b:s15+s14] =	stream.linear.scatter [tilespmem:s4], [sflag:$0x3], $0x4800, $0x38;
	[tilespmem:$0x1D800] =	vst v63  }
0x32d: {  	s15 =	sadd.s32 s17, s13  }
0x32e: {  	s15 =	sshrl.u32 s15, $0x3  }
0x32f: {  	s15 =	sadd.s32 s1, s15  }
0x330: {  	[tilespmem:s20], [sflag:$0x1] =	stream.linear.gather [hbm4b:s15+s14], $0xC00, $0x38;
	[tilespmem:$0x1D800] =	vst v63  }
0x331: {  	s17 =	simm.s32 $0x5800;
	s16 =	sadd.s32 $0x180, s15  }
0x332: {  	[tilespmem:s17], [sflag:$0x1] =	stream.linear.gather [hbm4b:s16+s14], $0xC00, $0x38;
	[tilespmem:$0x1D800] =	vst v63  }
0x333: {  	s22 =	simm.s32 $0x6800;
	s21 =	sadd.s32 $0x300, s15  }
0x334: {  	[tilespmem:s22], [sflag:$0x1] =	stream.linear.gather [hbm4b:s21+s14], $0xC00, $0x38;
	[tilespmem:$0x1D800] =	vst v63  }
0x335: {  	s24 =	simm.s32 $0x7800;
	s23 =	sadd.s32 $0x480, s15  }
0x336: {  	[tilespmem:s24], [sflag:$0x1] =	stream.linear.gather [hbm4b:s23+s14], $0xC00, $0x38;
	[tilespmem:$0x1D800] =	vst v63  }
0x337: {  	s21 =	sadd.s32 $0x600, s15;
	s22 =	simm.s32 $0x8800  }
0x338: {  	[tilespmem:s22], [sflag:$0x1] =	stream.linear.gather [hbm4b:s21+s14], $0xC00, $0x38;
	[tilespmem:$0x1D800] =	vst v63  }
0x339: {  	s23 =	sadd.s32 $0x780, s15  }
0x33a: {  	[tilespmem:s25], [sflag:$0x1] =	stream.linear.gather [hbm4b:s23+s14], $0xC00, $0x38;
	[tilespmem:$0x1D800] =	vst v63  }
0x33b: {  	s24 =	sadd.s32 $0x900, s15  }
0x33c: {  	[tilespmem:s26], [sflag:$0x1] =	stream.linear.gather [hbm4b:s24+s14], $0xC00, $0x38;
	[tilespmem:$0x1D800] =	vst v63  }
0x33d: {  	s15 =	sadd.s32 $0xA80, s15  }
0x33e: {  	[tilespmem:s28], [sflag:$0x1] =	stream.linear.gather [hbm4b:s15+s14], $0xC00, $0x38;
	[tilespmem:$0x1D800] =	vst v63  }
0x33f: {  	_ =	swait.ge [sflag:s5], $0x6000  }
0x340: {  	[sflag:s5] =	ssyncset.done $0x0  }
0x341: {  	[sflag:s5] =	ssyncadd.s32 $0xFFFFA000  }
0x342: {  	_ =	swait.ge [sflag:s9], $0x4800  }
0x343: {  	s16 =	simm.s32 $0x0;
	[sflag:s9] =	ssyncset.done $0x0  }
0x344: {  	s17 =	simm.s32 $0x0;
	s15 =	simm.s32 $0x40;
	[sflag:s9] =	ssyncadd.s32 $0xFFFFB800  }
.LBB2_31:
0x345: {  	v0 =	vld [tilespmem:s15+$0x30]  }
0x346: {  	v1 =	vld [tilespmem:s15+$0xFFFFFFD0]  }
0x347: {  	v3 =	vld [tilespmem:s15+$0xFFFFFFF0]  }
0x348: {  	v5 =	vld [tilespmem:s15+$0x10]  }
0x349: {  	v7 =	vld [tilespmem:s15+$0x20]  }
0x34a: {  	v9 =	vld [tilespmem:s15+$0xFFFFFFC0];
	_ =	sdelay $0x1  }
0x34b: {  	v2 =	vld [tilespmem:s15+$0xFFFFFFE0]  }
0x34c: {  	v4 =	vld [tilespmem:s15+$0x0];
	v6 =	vshll.u32 v0, $0x3;
	v8 =	vshrl.u32 v0, $0x2;
	v0 =	vand.u32 $0xFFFFF07F, v0  }
0x34d: {  	v10 =	vshll.u32 v1, $0x3;
	v11 =	vshll.u32 v3, $0x3;
	v12 =	vshll.u32 v5, $0x3  }
0x34e: {  	v13 =	vshrl.u32 v1, $0x2;
	v14 =	vshll.u32 v7, $0x3;
	v15 =	vshll.u32 v9, $0x3  }
0x34f: {  	v16 =	vshrl.u32 v9, $0x2;
	v9 =	vand.u32 $0xFFFFF07F, v9;
	v1 =	vand.u32 $0xFFFFF07F, v1  }
0x350: {  	v17 =	vshrl.u32 v2, $0x2;
	v18 =	vshrl.u32 v3, $0x2;
	v3 =	vand.u32 $0xFFFFF07F, v3  }
0x351: {  	v19 =	vshrl.u32 v4, $0x2;
	v20 =	vshrl.u32 v5, $0x2;
	v5 =	vand.u32 $0xFFFFF07F, v5  }
0x352: {  	v21 =	vshrl.u32 v7, $0x2;
	v7 =	vand.u32 $0xFFFFF07F, v7;
	v6 =	vand.u32 $0xC00, v6  }
0x353: {  	v8 =	vand.u32 $0x380, v8;
	v11 =	vand.u32 $0xC00, v11;
	v12 =	vand.u32 $0xC00, v12  }
0x354: {  	v14 =	vand.u32 $0xC00, v14;
	v15 =	vand.u32 $0xC00, v15;
	v0 =	vor.u32 v6, v0  }
0x355: {  	v6 =	vshll.u32 v2, $0x3;
	v2 =	vand.u32 $0xFFFFF07F, v2;
	v9 =	vor.u32 v15, v9  }
0x356: {  	v3 =	vor.u32 v11, v3;
	v5 =	vor.u32 v12, v5;
	v7 =	vor.u32 v14, v7  }
0x357: {  	s22 =	sadd.s32 $0x80, s15;
	v11 =	vand.u32 $0x380, v13;
	v12 =	vand.u32 $0x380, v17;
	v13 =	vand.u32 $0x380, v18  }
0x358: {  	v14 =	vld [tilespmem:s22+$0xFFFFFFE0];
	v15 =	vand.u32 $0x380, v19;
	v17 =	vand.u32 $0x380, v21;
	v0 =	vor.u32 v8, v0  }
0x359: {  	v18 =	vld [tilespmem:s22+$0xFFFFFFF0];
	v8 =	vand.u32 $0xC00, v10;
	v6 =	vand.u32 $0xC00, v6;
	v10 =	vshll.u32 v4, $0x3  }
0x35a: {  	v4 =	vand.u32 $0xFFFFF07F, v4;
	v3 =	vor.u32 v13, v3;
	v2 =	vor.u32 v6, v2;
	v6 =	vld [tilespmem:s22+$0x30]  }
0x35b: {  	v13 =	vld [tilespmem:s22+$0x10];
	v10 =	vand.u32 $0xC00, v10;
	v1 =	vor.u32 v8, v1;
	v8 =	vand.u32 $0x380, v16  }
0x35c: {  	v16 =	vand.u32 $0x380, v20;
	v4 =	vor.u32 v10, v4;
	v10 =	vld [tilespmem:s22+$0xFFFFFFD0];
	v8 =	vor.u32 v8, v9  }
0x35d: {  	v1 =	vor.u32 v11, v1;
	v2 =	vor.u32 v12, v2;
	v12 =	vor.u32 v16, v5;
	v9 =	vld [tilespmem:s22+$0xFFFFFFC0]  }
0x35e: {  	v11 =	vld [tilespmem:s22+$0x0];
	v4 =	vor.u32 v15, v4;
	v15 =	vor.u32 v17, v7;
	v19 =	vshll.u32 v18, $0x3  }
0x35f: {  	v17 =	vld [tilespmem:s22+$0x20];
	v31 =	vand.u32 $0xFFFFF07F, v14;
	v19 =	vand.u32 $0xC00, v19;
	v5 =	vshll.u32 v6, $0x3  }
0x360: {  	v26 =	vld.idx.msk [tilespmem:v3+s29+$0x0], $0xffff;
	v7 =	vshrl.u32 v6, $0x2;
	v6 =	vand.u32 $0xFFFFF07F, v6;
	v5 =	vand.u32 $0xC00, v5  }
0x361: {  	s21 =	sshll.u32 s16, $0x2;
	s23 =	sand.u32 $0x7, s14;
	v16 =	vshll.u32 v10, $0x3;
	v7 =	vand.u32 $0x380, v7;
	v62 =	vld.idx.msk [tilespmem:v8+s29+$0x0], $0xffff;
	v5 =	vor.u32 v5, v6  }
0x362: {  	s21 =	sand.u32 $0xFFFFF000, s21;
	s23 =	sshll.u32 s23, $0x6;
	v25 =	vld.idx.msk [tilespmem:v2+s29+$0x0], $0xffff;
	v3 =	vshll.u32 v9, $0x3;
	v29 =	vand.u32 $0xFFFFF07F, v9;
	v20 =	vor.u32 v7, v5  }
0x363: {  	s21 =	sor.u32 s23, s21;
	v30 =	vand.u32 $0xFFFFF07F, v10;
	v8 =	vshrl.u32 v18, $0x2;
	v63 =	vand.u32 $0xFFFFF07F, v11;
	v6 =	vld.idx.msk [tilespmem:v0+s29+$0x0], $0xffff  }
0x364: {  	s21 =	sshrl.u32 s21, $0x2;
	v0 =	vshll.u32 v14, $0x3;
	v22 =	vand.u32 $0xC00, v16;
	v16 =	vld.idx.msk [tilespmem:v1+s29+$0x0], $0xffff;
	v1 =	vshrl.u32 v10, $0x2  }
0x365: {  	s21 =	sadd.s32 $0x19200, s21;
	v2 =	vshll.u32 v17, $0x3;
	v28 =	vand.u32 $0xC00, v3;
	v10 =	vshrl.u32 v13, $0x2  }
0x366: {  	v27 =	vld.idx.msk [tilespmem:v4+s29+$0x0], $0xffff;
	v23 =	vand.u32 $0xC00, v0;
	v0 =	vshll.u32 v11, $0x3;
	v5 =	vshrl.u32 v9, $0x2;
	[tilespmem:s21+$0xFFFFFF80] =	vst v26  }
0x367: {  	v2 =	vand.u32 $0xC00, v2;
	v7 =	vshrl.u32 v14, $0x2;
	v9 =	vshrl.u32 v11, $0x2;
	[tilespmem:s21+$0xFFFFFE00] =	vst v62;
	v3 =	vld.idx.msk [tilespmem:v20+s29+$0x0], $0xffff  }
0x368: {  	v4 =	vld.idx.msk [tilespmem:v12+s29+$0x0], $0xffff;
	v11 =	vshrl.u32 v17, $0x2;
	v24 =	vand.u32 $0xC00, v0;
	v0 =	vshll.u32 v13, $0x3;
	[tilespmem:s21+$0xFFFFFF00] =	vst v25  }
0x369: {  	v14 =	vor.u32 v28, v29;
	v12 =	vor.u32 v22, v30;
	v0 =	vand.u32 $0xC00, v0;
	[tilespmem:s21+$0x180] =	vst v6;
	v6 =	vld.idx.msk [tilespmem:v15+s29+$0x0], $0xffff  }
0x36a: {  	[tilespmem:s21+$0xFFFFFE80] =	vst v16;
	v16 =	vand.u32 $0xFFFFF07F, v13;
	v13 =	vor.u32 v24, v63;
	v20 =	vand.u32 $0xFFFFF07F, v18  }
0x36b: {  	s24 =	sadd.s32 $0x80, s22;
	s23 =	simm.s32 $0x8;
	s22 =	sadd.s32 $0xC00, s21;
	[tilespmem:s21+$0x0] =	vst v27;
	v18 =	vand.u32 $0xFFFFF07F, v17;
	v17 =	vor.u32 v23, v31;
	v15 =	vor.u32 v19, v20  }
.LBB2_32:
0x36c: {  	v19 =	vld [tilespmem:s24+$0x30];
	s23 =	sadd.s32 $0x8, s23;
	v5 =	vand.u32 $0x380, v5;
	v0 =	vor.u32 v0, v16;
	v2 =	vor.u32 v2, v18;
	[tilespmem:s22+$0x180] =	vst v3  }
0x36d: {  	v1 =	vand.u32 $0x380, v1;
	v7 =	vand.u32 $0x380, v7;
	v8 =	vand.u32 $0x380, v8;
	v3 =	vld [tilespmem:s24+$0xFFFFFFD0];
	p0 =	slt.u32 s23, $0x28;
	[tilespmem:s21+$0x80] =	vst v4  }
0x36e: {  	v9 =	vand.u32 $0x380, v9;
	v10 =	vand.u32 $0x380, v10;
	v11 =	vand.u32 $0x380, v11;
	v4 =	vld [tilespmem:s24+$0xFFFFFFE0];
	[tilespmem:s21+$0x100] =	vst v6;
	s21 =	smov.u32 s22  }
0x36f: {  	v5 =	vor.u32 v5, v14;
	v1 =	vor.u32 v1, v12;
	v7 =	vor.u32 v7, v17;
	v6 =	vld [tilespmem:s24+$0xFFFFFFF0]  }
0x370: {  	v8 =	vor.u32 v8, v15;
	v9 =	vor.u32 v9, v13;
	v10 =	vor.u32 v10, v0;
	v12 =	vld [tilespmem:s24+$0x0]  }
0x371: {  	v11 =	vor.u32 v11, v2;
	v13 =	vld [tilespmem:s24+$0x10];
	v0 =	vshll.u32 v19, $0x3  }
0x372: {  	v2 =	vshrl.u32 v19, $0x2;
	v14 =	vand.u32 $0xFFFFF07F, v19;
	v15 =	vld [tilespmem:s24+$0x20];
	v0 =	vand.u32 $0xC00, v0  }
0x373: {  	v17 =	vshll.u32 v3, $0x3;
	v2 =	vand.u32 $0x380, v2;
	v16 =	vld [tilespmem:s24+$0xFFFFFFC0];
	v0 =	vor.u32 v0, v14  }
0x374: {  	v14 =	vshll.u32 v4, $0x3;
	v18 =	vshll.u32 v6, $0x3;
	v19 =	vor.u32 v2, v0;
	v20 =	vld.idx.msk [tilespmem:v5+s29+$0x0], $0xffff  }
0x375: {  	v17 =	vand.u32 $0xC00, v17;
	v21 =	vand.u32 $0xC00, v14;
	v0 =	vshll.u32 v12, $0x3;
	v14 =	vld.idx.msk [tilespmem:v1+s29+$0x0], $0xffff  }
0x376: {  	v22 =	vand.u32 $0xC00, v18;
	v23 =	vand.u32 $0xC00, v0;
	v0 =	vshll.u32 v13, $0x3;
	v18 =	vld.idx.msk [tilespmem:v7+s29+$0x0], $0xffff  }
0x377: {  	v1 =	vshrl.u32 v3, $0x2;
	v0 =	vand.u32 $0xC00, v0;
	v2 =	vshll.u32 v15, $0x3;
	v24 =	vld.idx.msk [tilespmem:v8+s29+$0x0], $0xffff  }
0x378: {  	v7 =	vshll.u32 v16, $0x3;
	v5 =	vshrl.u32 v16, $0x2;
	v2 =	vand.u32 $0xC00, v2;
	v25 =	vld.idx.msk [tilespmem:v9+s29+$0x0], $0xffff  }
0x379: {  	v28 =	vand.u32 $0xFFFFF07F, v3;
	v27 =	vand.u32 $0xFFFFF07F, v16;
	v26 =	vand.u32 $0xC00, v7;
	v3 =	vld.idx.msk [tilespmem:v19+s29+$0x0], $0xffff  }
.Ltmp14:
0x37a: {  	v8 =	vshrl.u32 v6, $0x2;
	v7 =	vshrl.u32 v4, $0x2;
	v19 =	vand.u32 $0xFFFFF07F, v4;
	[tilespmem:s22+$0xFFFFFE00] =	vst v20;
	v4 =	vld.idx.msk [tilespmem:v10+s29+$0x0], $0xffff;
	(pc) =	sbr.rel @p0 .LBB2_32-.Ltmp14, $4  }
0x37b: {  	v29 =	vand.u32 $0xFFFFF07F, v12;
	v9 =	vshrl.u32 v12, $0x2;
	v20 =	vand.u32 $0xFFFFF07F, v6;
	[tilespmem:s22+$0xFFFFFE80] =	vst v14;
	v6 =	vld.idx.msk [tilespmem:v11+s29+$0x0], $0xffff  }
0x37c: {  	v16 =	vand.u32 $0xFFFFF07F, v13;
	v10 =	vshrl.u32 v13, $0x2;
	v11 =	vshrl.u32 v15, $0x2;
	[tilespmem:s22+$0xFFFFFF00] =	vst v18  }
0x37d: {  	v12 =	vor.u32 v17, v28;
	v14 =	vor.u32 v26, v27;
	v18 =	vand.u32 $0xFFFFF07F, v15;
	[tilespmem:s22+$0xFFFFFF80] =	vst v24  }
0x37e: {  	s24 =	sadd.s32 $0x80, s24;
	v17 =	vor.u32 v21, v19;
	v13 =	vor.u32 v23, v29;
	v15 =	vor.u32 v22, v20;
	s22 =	sadd.s32 $0xC00, s22;
	[tilespmem:s21+$0x0] =	vst v25  }
0x37f: {  	v5 =	vand.u32 $0x380, v5  }
0x380: {  	v1 =	vand.u32 $0x380, v1;
	v5 =	vor.u32 v5, v14  }
0x381: {  	v7 =	vand.u32 $0x380, v7;
	v1 =	vor.u32 v1, v12  }
0x382: {  	v8 =	vand.u32 $0x380, v8;
	v7 =	vor.u32 v7, v17  }
0x383: {  	v9 =	vand.u32 $0x380, v9;
	v8 =	vor.u32 v8, v15  }
0x384: {  	v0 =	vor.u32 v0, v16;
	v10 =	vand.u32 $0x380, v10;
	v9 =	vor.u32 v9, v13  }
0x385: {  	v2 =	vor.u32 v2, v18;
	v11 =	vand.u32 $0x380, v11;
	v0 =	vor.u32 v10, v0;
	v5 =	vld.idx.msk [tilespmem:v5+s29+$0x0], $0xffff  }
0x386: {  	v2 =	vor.u32 v11, v2;
	v1 =	vld.idx.msk [tilespmem:v1+s29+$0x0], $0xffff  }
0x387: {  	[tilespmem:s22+$0x180] =	vst v3;
	v60 =	vld.idx.msk [tilespmem:v7+s29+$0x0], $0xffff  }
0x388: {  	[tilespmem:s21+$0x80] =	vst v4;
	v61 =	vld.idx.msk [tilespmem:v8+s29+$0x0], $0xffff  }
0x389: {  	[tilespmem:s21+$0x100] =	vst v6;
	v62 =	vld.idx.msk [tilespmem:v9+s29+$0x0], $0xffff  }
0x38a: {  	s17 =	sadd.s32 $0x1, s17;
	v0 =	vld.idx.msk [tilespmem:v0+s29+$0x0], $0xffff;
	[tilespmem:s22+$0xFFFFFE00] =	vst v5  }
0x38b: {  	p0 =	sne.s32 s17, $0x18;
	v63 =	vld.idx.msk [tilespmem:v2+s29+$0x0], $0xffff;
	[tilespmem:s22+$0xFFFFFE80] =	vst v1  }
.Ltmp15:
0x38c: {  	[tilespmem:s22+$0xFFFFFF00] =	vst v60;
	(pc) =	sbr.rel @p0 .LBB2_31-.Ltmp15, $4  }
0x38d: {  	[tilespmem:s22+$0xFFFFFF80] =	vst v61  }
0x38e: {  	[tilespmem:s22+$0x0] =	vst v62  }
0x38f: {  	[tilespmem:s22+$0x80] =	vst v0  }
0x390: {  	s15 =	sadd.s32 $0x300, s15;
	s16 =	sadd.s32 $0x80, s16;
	s14 =	sadd.s32 $0x1, s14;
	[tilespmem:s22+$0x100] =	vst v63  }
0x391: {  	s14 =	rddreg [dreg:$0xb]  }
0x392: {  	s14 =	sadd.s32 s14, s12  }
0x393: {  	s14 =	sshrl.u32 s14, $0x3  }
0x394: {  	s16 =	rddreg [dreg:$0xd];
	s15 =	sadd.s32 s3, s14;
	s14 =	simm.s32 $0x0  }
0x395: {  	[hbm4b:s15+s14] =	stream.linear.scatter [tilespmem:s6], [sflag:$0x4], $0x4800, $0x38;
	[tilespmem:$0x1D800] =	vst v63  }
0x396: {  	s15 =	sadd.s32 s16, s13  }
0x397: {  	s15 =	sshrl.u32 s15, $0x3  }
0x398: {  	s15 =	sadd.s32 s1, s15  }
0x399: {  	[tilespmem:s29], [sflag:$0x2] =	stream.linear.gather [hbm4b:s15+s14], $0xC00, $0x38;
	[tilespmem:$0x1D800] =	vst v63  }
0x39a: {  	s16 =	sadd.s32 $0x180, s15  }
0x39b: {  	[tilespmem:s30], [sflag:$0x2] =	stream.linear.gather [hbm4b:s16+s14], $0xC00, $0x38;
	[tilespmem:$0x1D800] =	vst v63  }
0x39c: {  	s17 =	sadd.s32 $0x300, s15  }
0x39d: {  	[tilespmem:s31], [sflag:$0x2] =	stream.linear.gather [hbm4b:s17+s14], $0xC00, $0x38;
	[tilespmem:$0x1D800] =	vst v63  }
0x39e: {  	s21 =	sadd.s32 $0x480, s15  }
0x39f: {  	[tilespmem:s7], [sflag:$0x2] =	stream.linear.gather [hbm4b:s21+s14], $0xC00, $0x38;
	[tilespmem:$0x1D800] =	vst v63  }
0x3a0: {  	s22 =	sadd.s32 $0x600, s15  }
0x3a1: {  	[tilespmem:s0], [sflag:$0x2] =	stream.linear.gather [hbm4b:s22+s14], $0xC00, $0x38;
	[tilespmem:$0x1D800] =	vst v63  }
0x3a2: {  	s23 =	sadd.s32 $0x780, s15  }
0x3a3: {  	[tilespmem:s18], [sflag:$0x2] =	stream.linear.gather [hbm4b:s23+s14], $0xC00, $0x38;
	[tilespmem:$0x1D800] =	vst v63  }
0x3a4: {  	s24 =	sadd.s32 $0x900, s15  }
0x3a5: {  	[tilespmem:s2], [sflag:$0x2] =	stream.linear.gather [hbm4b:s24+s14], $0xC00, $0x38;
	[tilespmem:$0x1D800] =	vst v63  }
0x3a6: {  	s15 =	sadd.s32 $0xA80, s15  }
0x3a7: {  	[tilespmem:s10], [sflag:$0x2] =	stream.linear.gather [hbm4b:s15+s14], $0xC00, $0x38;
	[tilespmem:$0x1D800] =	vst v63  }
0x3a8: {  	_ =	swait.ge [sflag:s19], $0x6000  }
0x3a9: {  	[sflag:s19] =	ssyncset.done $0x0  }
0x3aa: {  	[sflag:s19] =	ssyncadd.s32 $0xFFFFA000  }
0x3ab: {  	_ =	swait.ge [sflag:s8], $0x4800  }
0x3ac: {  	s16 =	simm.s32 $0x0;
	[sflag:s8] =	ssyncset.done $0x0  }
0x3ad: {  	s17 =	simm.s32 $0x0;
	s15 =	simm.s32 $0x40;
	[sflag:s8] =	ssyncadd.s32 $0xFFFFB800  }
.LBB2_35:
0x3ae: {  	v0 =	vld [tilespmem:s15+$0x30]  }
0x3af: {  	v1 =	vld [tilespmem:s15+$0xFFFFFFD0]  }
0x3b0: {  	v3 =	vld [tilespmem:s15+$0xFFFFFFF0]  }
0x3b1: {  	v5 =	vld [tilespmem:s15+$0x10]  }
0x3b2: {  	v7 =	vld [tilespmem:s15+$0x20]  }
0x3b3: {  	v9 =	vld [tilespmem:s15+$0xFFFFFFC0];
	_ =	sdelay $0x1  }
0x3b4: {  	v2 =	vld [tilespmem:s15+$0xFFFFFFE0]  }
0x3b5: {  	v4 =	vld [tilespmem:s15+$0x0];
	v6 =	vshll.u32 v0, $0x3;
	v8 =	vshrl.u32 v0, $0x2;
	v0 =	vand.u32 $0xFFFFF07F, v0  }
0x3b6: {  	v10 =	vshll.u32 v1, $0x3;
	v11 =	vshll.u32 v3, $0x3;
	v12 =	vshll.u32 v5, $0x3  }
0x3b7: {  	v13 =	vshrl.u32 v1, $0x2;
	v14 =	vshll.u32 v7, $0x3;
	v15 =	vshll.u32 v9, $0x3  }
0x3b8: {  	v16 =	vshrl.u32 v9, $0x2;
	v9 =	vand.u32 $0xFFFFF07F, v9;
	v1 =	vand.u32 $0xFFFFF07F, v1  }
0x3b9: {  	v17 =	vshrl.u32 v2, $0x2;
	v18 =	vshrl.u32 v3, $0x2;
	v3 =	vand.u32 $0xFFFFF07F, v3  }
0x3ba: {  	v19 =	vshrl.u32 v4, $0x2;
	v20 =	vshrl.u32 v5, $0x2;
	v5 =	vand.u32 $0xFFFFF07F, v5  }
0x3bb: {  	v21 =	vshrl.u32 v7, $0x2;
	v7 =	vand.u32 $0xFFFFF07F, v7;
	v6 =	vand.u32 $0xC00, v6  }
0x3bc: {  	v8 =	vand.u32 $0x380, v8;
	v11 =	vand.u32 $0xC00, v11;
	v12 =	vand.u32 $0xC00, v12  }
0x3bd: {  	v14 =	vand.u32 $0xC00, v14;
	v15 =	vand.u32 $0xC00, v15;
	v0 =	vor.u32 v6, v0  }
0x3be: {  	v6 =	vshll.u32 v2, $0x3;
	v2 =	vand.u32 $0xFFFFF07F, v2;
	v9 =	vor.u32 v15, v9  }
0x3bf: {  	v3 =	vor.u32 v11, v3;
	v5 =	vor.u32 v12, v5;
	v7 =	vor.u32 v14, v7  }
0x3c0: {  	s22 =	sadd.s32 $0x80, s15;
	v11 =	vand.u32 $0x380, v13;
	v12 =	vand.u32 $0x380, v17;
	v13 =	vand.u32 $0x380, v18  }
0x3c1: {  	v14 =	vld [tilespmem:s22+$0xFFFFFFE0];
	v15 =	vand.u32 $0x380, v19;
	v17 =	vand.u32 $0x380, v21;
	v0 =	vor.u32 v8, v0  }
0x3c2: {  	v18 =	vld [tilespmem:s22+$0xFFFFFFF0];
	v8 =	vand.u32 $0xC00, v10;
	v6 =	vand.u32 $0xC00, v6;
	v10 =	vshll.u32 v4, $0x3  }
0x3c3: {  	v4 =	vand.u32 $0xFFFFF07F, v4;
	v3 =	vor.u32 v13, v3;
	v2 =	vor.u32 v6, v2;
	v6 =	vld [tilespmem:s22+$0x30]  }
0x3c4: {  	v13 =	vld [tilespmem:s22+$0x10];
	v10 =	vand.u32 $0xC00, v10;
	v1 =	vor.u32 v8, v1;
	v8 =	vand.u32 $0x380, v16  }
0x3c5: {  	v16 =	vand.u32 $0x380, v20;
	v4 =	vor.u32 v10, v4;
	v10 =	vld [tilespmem:s22+$0xFFFFFFD0];
	v8 =	vor.u32 v8, v9  }
0x3c6: {  	v1 =	vor.u32 v11, v1;
	v2 =	vor.u32 v12, v2;
	v12 =	vor.u32 v16, v5;
	v9 =	vld [tilespmem:s22+$0xFFFFFFC0]  }
0x3c7: {  	v11 =	vld [tilespmem:s22+$0x0];
	v4 =	vor.u32 v15, v4;
	v15 =	vor.u32 v17, v7;
	v19 =	vshll.u32 v18, $0x3  }
0x3c8: {  	v17 =	vld [tilespmem:s22+$0x20];
	v31 =	vand.u32 $0xFFFFF07F, v14;
	v19 =	vand.u32 $0xC00, v19;
	v5 =	vshll.u32 v6, $0x3  }
0x3c9: {  	v26 =	vld.idx.msk [tilespmem:v3+s20+$0x0], $0xffff;
	v7 =	vshrl.u32 v6, $0x2;
	v6 =	vand.u32 $0xFFFFF07F, v6;
	v5 =	vand.u32 $0xC00, v5  }
0x3ca: {  	s21 =	sshll.u32 s16, $0x2;
	s23 =	sand.u32 $0x7, s14;
	v16 =	vshll.u32 v10, $0x3;
	v7 =	vand.u32 $0x380, v7;
	v62 =	vld.idx.msk [tilespmem:v8+s20+$0x0], $0xffff;
	v5 =	vor.u32 v5, v6  }
0x3cb: {  	s21 =	sand.u32 $0xFFFFF000, s21;
	s23 =	sshll.u32 s23, $0x6;
	v25 =	vld.idx.msk [tilespmem:v2+s20+$0x0], $0xffff;
	v3 =	vshll.u32 v9, $0x3;
	v29 =	vand.u32 $0xFFFFF07F, v9;
	v20 =	vor.u32 v7, v5  }
0x3cc: {  	s21 =	sor.u32 s23, s21;
	v30 =	vand.u32 $0xFFFFF07F, v10;
	v8 =	vshrl.u32 v18, $0x2;
	v63 =	vand.u32 $0xFFFFF07F, v11;
	v6 =	vld.idx.msk [tilespmem:v0+s20+$0x0], $0xffff  }
0x3cd: {  	s21 =	sshrl.u32 s21, $0x2;
	v0 =	vshll.u32 v14, $0x3;
	v22 =	vand.u32 $0xC00, v16;
	v16 =	vld.idx.msk [tilespmem:v1+s20+$0x0], $0xffff;
	v1 =	vshrl.u32 v10, $0x2  }
0x3ce: {  	s21 =	sadd.s32 $0x14A00, s21;
	v2 =	vshll.u32 v17, $0x3;
	v28 =	vand.u32 $0xC00, v3;
	v10 =	vshrl.u32 v13, $0x2  }
0x3cf: {  	v27 =	vld.idx.msk [tilespmem:v4+s20+$0x0], $0xffff;
	v23 =	vand.u32 $0xC00, v0;
	v0 =	vshll.u32 v11, $0x3;
	v5 =	vshrl.u32 v9, $0x2;
	[tilespmem:s21+$0xFFFFFF80] =	vst v26  }
0x3d0: {  	v2 =	vand.u32 $0xC00, v2;
	v7 =	vshrl.u32 v14, $0x2;
	v9 =	vshrl.u32 v11, $0x2;
	[tilespmem:s21+$0xFFFFFE00] =	vst v62;
	v3 =	vld.idx.msk [tilespmem:v20+s20+$0x0], $0xffff  }
0x3d1: {  	v4 =	vld.idx.msk [tilespmem:v12+s20+$0x0], $0xffff;
	v11 =	vshrl.u32 v17, $0x2;
	v24 =	vand.u32 $0xC00, v0;
	v0 =	vshll.u32 v13, $0x3;
	[tilespmem:s21+$0xFFFFFF00] =	vst v25  }
0x3d2: {  	v14 =	vor.u32 v28, v29;
	v12 =	vor.u32 v22, v30;
	v0 =	vand.u32 $0xC00, v0;
	[tilespmem:s21+$0x180] =	vst v6;
	v6 =	vld.idx.msk [tilespmem:v15+s20+$0x0], $0xffff  }
0x3d3: {  	[tilespmem:s21+$0xFFFFFE80] =	vst v16;
	v16 =	vand.u32 $0xFFFFF07F, v13;
	v13 =	vor.u32 v24, v63;
	v20 =	vand.u32 $0xFFFFF07F, v18  }
0x3d4: {  	s24 =	sadd.s32 $0x80, s22;
	s23 =	simm.s32 $0x8;
	s22 =	sadd.s32 $0xC00, s21;
	[tilespmem:s21+$0x0] =	vst v27;
	v18 =	vand.u32 $0xFFFFF07F, v17;
	v17 =	vor.u32 v23, v31;
	v15 =	vor.u32 v19, v20  }
.LBB2_36:
0x3d5: {  	v19 =	vld [tilespmem:s24+$0x30];
	s23 =	sadd.s32 $0x8, s23;
	v5 =	vand.u32 $0x380, v5;
	v0 =	vor.u32 v0, v16;
	v2 =	vor.u32 v2, v18;
	[tilespmem:s22+$0x180] =	vst v3  }
0x3d6: {  	v1 =	vand.u32 $0x380, v1;
	v7 =	vand.u32 $0x380, v7;
	v8 =	vand.u32 $0x380, v8;
	v3 =	vld [tilespmem:s24+$0xFFFFFFD0];
	p0 =	slt.u32 s23, $0x28;
	[tilespmem:s21+$0x80] =	vst v4  }
0x3d7: {  	v9 =	vand.u32 $0x380, v9;
	v10 =	vand.u32 $0x380, v10;
	v11 =	vand.u32 $0x380, v11;
	v4 =	vld [tilespmem:s24+$0xFFFFFFE0];
	[tilespmem:s21+$0x100] =	vst v6;
	s21 =	smov.u32 s22  }
0x3d8: {  	v5 =	vor.u32 v5, v14;
	v1 =	vor.u32 v1, v12;
	v7 =	vor.u32 v7, v17;
	v6 =	vld [tilespmem:s24+$0xFFFFFFF0]  }
0x3d9: {  	v8 =	vor.u32 v8, v15;
	v9 =	vor.u32 v9, v13;
	v10 =	vor.u32 v10, v0;
	v12 =	vld [tilespmem:s24+$0x0]  }
0x3da: {  	v11 =	vor.u32 v11, v2;
	v13 =	vld [tilespmem:s24+$0x10];
	v0 =	vshll.u32 v19, $0x3  }
0x3db: {  	v2 =	vshrl.u32 v19, $0x2;
	v14 =	vand.u32 $0xFFFFF07F, v19;
	v15 =	vld [tilespmem:s24+$0x20];
	v0 =	vand.u32 $0xC00, v0  }
0x3dc: {  	v17 =	vshll.u32 v3, $0x3;
	v2 =	vand.u32 $0x380, v2;
	v16 =	vld [tilespmem:s24+$0xFFFFFFC0];
	v0 =	vor.u32 v0, v14  }
0x3dd: {  	v14 =	vshll.u32 v4, $0x3;
	v18 =	vshll.u32 v6, $0x3;
	v19 =	vor.u32 v2, v0;
	v20 =	vld.idx.msk [tilespmem:v5+s20+$0x0], $0xffff  }
0x3de: {  	v17 =	vand.u32 $0xC00, v17;
	v21 =	vand.u32 $0xC00, v14;
	v0 =	vshll.u32 v12, $0x3;
	v14 =	vld.idx.msk [tilespmem:v1+s20+$0x0], $0xffff  }
0x3df: {  	v22 =	vand.u32 $0xC00, v18;
	v23 =	vand.u32 $0xC00, v0;
	v0 =	vshll.u32 v13, $0x3;
	v18 =	vld.idx.msk [tilespmem:v7+s20+$0x0], $0xffff  }
0x3e0: {  	v1 =	vshrl.u32 v3, $0x2;
	v0 =	vand.u32 $0xC00, v0;
	v2 =	vshll.u32 v15, $0x3;
	v24 =	vld.idx.msk [tilespmem:v8+s20+$0x0], $0xffff  }
0x3e1: {  	v7 =	vshll.u32 v16, $0x3;
	v5 =	vshrl.u32 v16, $0x2;
	v2 =	vand.u32 $0xC00, v2;
	v25 =	vld.idx.msk [tilespmem:v9+s20+$0x0], $0xffff  }
0x3e2: {  	v28 =	vand.u32 $0xFFFFF07F, v3;
	v27 =	vand.u32 $0xFFFFF07F, v16;
	v26 =	vand.u32 $0xC00, v7;
	v3 =	vld.idx.msk [tilespmem:v19+s20+$0x0], $0xffff  }
.Ltmp16:
0x3e3: {  	v8 =	vshrl.u32 v6, $0x2;
	v7 =	vshrl.u32 v4, $0x2;
	v19 =	vand.u32 $0xFFFFF07F, v4;
	[tilespmem:s22+$0xFFFFFE00] =	vst v20;
	v4 =	vld.idx.msk [tilespmem:v10+s20+$0x0], $0xffff;
	(pc) =	sbr.rel @p0 .LBB2_36-.Ltmp16, $4  }
0x3e4: {  	v29 =	vand.u32 $0xFFFFF07F, v12;
	v9 =	vshrl.u32 v12, $0x2;
	v20 =	vand.u32 $0xFFFFF07F, v6;
	[tilespmem:s22+$0xFFFFFE80] =	vst v14;
	v6 =	vld.idx.msk [tilespmem:v11+s20+$0x0], $0xffff  }
0x3e5: {  	v16 =	vand.u32 $0xFFFFF07F, v13;
	v10 =	vshrl.u32 v13, $0x2;
	v11 =	vshrl.u32 v15, $0x2;
	[tilespmem:s22+$0xFFFFFF00] =	vst v18  }
0x3e6: {  	v12 =	vor.u32 v17, v28;
	v14 =	vor.u32 v26, v27;
	v18 =	vand.u32 $0xFFFFF07F, v15;
	[tilespmem:s22+$0xFFFFFF80] =	vst v24  }
0x3e7: {  	s24 =	sadd.s32 $0x80, s24;
	v17 =	vor.u32 v21, v19;
	v13 =	vor.u32 v23, v29;
	v15 =	vor.u32 v22, v20;
	s22 =	sadd.s32 $0xC00, s22;
	[tilespmem:s21+$0x0] =	vst v25  }
0x3e8: {  	v5 =	vand.u32 $0x380, v5  }
0x3e9: {  	v1 =	vand.u32 $0x380, v1;
	v5 =	vor.u32 v5, v14  }
0x3ea: {  	v7 =	vand.u32 $0x380, v7;
	v1 =	vor.u32 v1, v12  }
0x3eb: {  	v8 =	vand.u32 $0x380, v8;
	v7 =	vor.u32 v7, v17  }
0x3ec: {  	v9 =	vand.u32 $0x380, v9;
	v8 =	vor.u32 v8, v15  }
0x3ed: {  	v0 =	vor.u32 v0, v16;
	v10 =	vand.u32 $0x380, v10;
	v9 =	vor.u32 v9, v13  }
0x3ee: {  	v2 =	vor.u32 v2, v18;
	v11 =	vand.u32 $0x380, v11;
	v0 =	vor.u32 v10, v0;
	v5 =	vld.idx.msk [tilespmem:v5+s20+$0x0], $0xffff  }
0x3ef: {  	v2 =	vor.u32 v11, v2;
	v1 =	vld.idx.msk [tilespmem:v1+s20+$0x0], $0xffff  }
0x3f0: {  	[tilespmem:s22+$0x180] =	vst v3;
	v60 =	vld.idx.msk [tilespmem:v7+s20+$0x0], $0xffff  }
0x3f1: {  	[tilespmem:s21+$0x80] =	vst v4;
	v61 =	vld.idx.msk [tilespmem:v8+s20+$0x0], $0xffff  }
0x3f2: {  	[tilespmem:s21+$0x100] =	vst v6;
	v62 =	vld.idx.msk [tilespmem:v9+s20+$0x0], $0xffff  }
0x3f3: {  	s17 =	sadd.s32 $0x1, s17;
	v0 =	vld.idx.msk [tilespmem:v0+s20+$0x0], $0xffff;
	[tilespmem:s22+$0xFFFFFE00] =	vst v5  }
0x3f4: {  	p0 =	sne.s32 s17, $0x18;
	v63 =	vld.idx.msk [tilespmem:v2+s20+$0x0], $0xffff;
	[tilespmem:s22+$0xFFFFFE80] =	vst v1  }
.Ltmp17:
0x3f5: {  	[tilespmem:s22+$0xFFFFFF00] =	vst v60;
	(pc) =	sbr.rel @p0 .LBB2_35-.Ltmp17, $4  }
0x3f6: {  	[tilespmem:s22+$0xFFFFFF80] =	vst v61  }
0x3f7: {  	[tilespmem:s22+$0x0] =	vst v62  }
0x3f8: {  	[tilespmem:s22+$0x80] =	vst v0  }
0x3f9: {  	s15 =	sadd.s32 $0x300, s15;
	s16 =	sadd.s32 $0x80, s16;
	s14 =	sadd.s32 $0x1, s14;
	[tilespmem:s22+$0x100] =	vst v63  }
0x3fa: {  	s14 =	rddreg [dreg:$0xc]  }
0x3fb: {  	s14 =	sadd.s32 s14, s12  }
0x3fc: {  	s14 =	sshrl.u32 s14, $0x3  }
0x3fd: {  	s17 =	rddreg [dreg:$0xe];
	s15 =	sadd.s32 s3, s14;
	s14 =	simm.s32 $0x0  }
0x3fe: {  	[hbm4b:s15+s14] =	stream.linear.scatter [tilespmem:s4], [sflag:$0x3], $0x4800, $0x38;
	[tilespmem:$0x1D800] =	vst v63  }
0x3ff: {  	s15 =	sadd.s32 s17, s13  }
0x400: {  	s15 =	sshrl.u32 s15, $0x3  }
0x401: {  	s15 =	sadd.s32 s1, s15  }
0x402: {  	[tilespmem:s20], [sflag:$0x1] =	stream.linear.gather [hbm4b:s15+s14], $0xC00, $0x38;
	[tilespmem:$0x1D800] =	vst v63  }
0x403: {  	s17 =	simm.s32 $0x5800;
	s16 =	sadd.s32 $0x180, s15  }
0x404: {  	[tilespmem:s17], [sflag:$0x1] =	stream.linear.gather [hbm4b:s16+s14], $0xC00, $0x38;
	[tilespmem:$0x1D800] =	vst v63  }
0x405: {  	s22 =	simm.s32 $0x6800;
	s21 =	sadd.s32 $0x300, s15  }
0x406: {  	[tilespmem:s22], [sflag:$0x1] =	stream.linear.gather [hbm4b:s21+s14], $0xC00, $0x38;
	[tilespmem:$0x1D800] =	vst v63  }
0x407: {  	s24 =	simm.s32 $0x7800;
	s23 =	sadd.s32 $0x480, s15  }
0x408: {  	[tilespmem:s24], [sflag:$0x1] =	stream.linear.gather [hbm4b:s23+s14], $0xC00, $0x38;
	[tilespmem:$0x1D800] =	vst v63  }
0x409: {  	s21 =	sadd.s32 $0x600, s15;
	s22 =	simm.s32 $0x8800  }
0x40a: {  	[tilespmem:s22], [sflag:$0x1] =	stream.linear.gather [hbm4b:s21+s14], $0xC00, $0x38;
	[tilespmem:$0x1D800] =	vst v63  }
0x40b: {  	s23 =	sadd.s32 $0x780, s15  }
0x40c: {  	[tilespmem:s25], [sflag:$0x1] =	stream.linear.gather [hbm4b:s23+s14], $0xC00, $0x38;
	[tilespmem:$0x1D800] =	vst v63  }
0x40d: {  	s24 =	sadd.s32 $0x900, s15  }
0x40e: {  	[tilespmem:s26], [sflag:$0x1] =	stream.linear.gather [hbm4b:s24+s14], $0xC00, $0x38;
	[tilespmem:$0x1D800] =	vst v63  }
0x40f: {  	s15 =	sadd.s32 $0xA80, s15  }
0x410: {  	[tilespmem:s28], [sflag:$0x1] =	stream.linear.gather [hbm4b:s15+s14], $0xC00, $0x38;
	[tilespmem:$0x1D800] =	vst v63  }
0x411: {  	_ =	swait.ge [sflag:s5], $0x6000  }
0x412: {  	[sflag:s5] =	ssyncset.done $0x0  }
0x413: {  	[sflag:s5] =	ssyncadd.s32 $0xFFFFA000  }
0x414: {  	_ =	swait.ge [sflag:s9], $0x4800  }
0x415: {  	s16 =	simm.s32 $0x0;
	[sflag:s9] =	ssyncset.done $0x0  }
0x416: {  	s17 =	simm.s32 $0x0;
	s15 =	simm.s32 $0x40;
	[sflag:s9] =	ssyncadd.s32 $0xFFFFB800  }
.LBB2_39:
0x417: {  	v0 =	vld [tilespmem:s15+$0x30]  }
0x418: {  	v1 =	vld [tilespmem:s15+$0xFFFFFFD0]  }
0x419: {  	v3 =	vld [tilespmem:s15+$0xFFFFFFF0]  }
0x41a: {  	v5 =	vld [tilespmem:s15+$0x10]  }
0x41b: {  	v7 =	vld [tilespmem:s15+$0x20]  }
0x41c: {  	v9 =	vld [tilespmem:s15+$0xFFFFFFC0];
	_ =	sdelay $0x1  }
0x41d: {  	v2 =	vld [tilespmem:s15+$0xFFFFFFE0]  }
0x41e: {  	v4 =	vld [tilespmem:s15+$0x0];
	v6 =	vshll.u32 v0, $0x3;
	v8 =	vshrl.u32 v0, $0x2;
	v0 =	vand.u32 $0xFFFFF07F, v0  }
0x41f: {  	v10 =	vshll.u32 v1, $0x3;
	v11 =	vshll.u32 v3, $0x3;
	v12 =	vshll.u32 v5, $0x3  }
0x420: {  	v13 =	vshrl.u32 v1, $0x2;
	v14 =	vshll.u32 v7, $0x3;
	v15 =	vshll.u32 v9, $0x3  }
0x421: {  	v16 =	vshrl.u32 v9, $0x2;
	v9 =	vand.u32 $0xFFFFF07F, v9;
	v1 =	vand.u32 $0xFFFFF07F, v1  }
0x422: {  	v17 =	vshrl.u32 v2, $0x2;
	v18 =	vshrl.u32 v3, $0x2;
	v3 =	vand.u32 $0xFFFFF07F, v3  }
0x423: {  	v19 =	vshrl.u32 v4, $0x2;
	v20 =	vshrl.u32 v5, $0x2;
	v5 =	vand.u32 $0xFFFFF07F, v5  }
0x424: {  	v21 =	vshrl.u32 v7, $0x2;
	v7 =	vand.u32 $0xFFFFF07F, v7;
	v6 =	vand.u32 $0xC00, v6  }
0x425: {  	v8 =	vand.u32 $0x380, v8;
	v11 =	vand.u32 $0xC00, v11;
	v12 =	vand.u32 $0xC00, v12  }
0x426: {  	v14 =	vand.u32 $0xC00, v14;
	v15 =	vand.u32 $0xC00, v15;
	v0 =	vor.u32 v6, v0  }
0x427: {  	v6 =	vshll.u32 v2, $0x3;
	v2 =	vand.u32 $0xFFFFF07F, v2;
	v9 =	vor.u32 v15, v9  }
0x428: {  	v3 =	vor.u32 v11, v3;
	v5 =	vor.u32 v12, v5;
	v7 =	vor.u32 v14, v7  }
0x429: {  	s22 =	sadd.s32 $0x80, s15;
	v11 =	vand.u32 $0x380, v13;
	v12 =	vand.u32 $0x380, v17;
	v13 =	vand.u32 $0x380, v18  }
0x42a: {  	v14 =	vld [tilespmem:s22+$0xFFFFFFE0];
	v15 =	vand.u32 $0x380, v19;
	v17 =	vand.u32 $0x380, v21;
	v0 =	vor.u32 v8, v0  }
0x42b: {  	v18 =	vld [tilespmem:s22+$0xFFFFFFF0];
	v8 =	vand.u32 $0xC00, v10;
	v6 =	vand.u32 $0xC00, v6;
	v10 =	vshll.u32 v4, $0x3  }
0x42c: {  	v4 =	vand.u32 $0xFFFFF07F, v4;
	v3 =	vor.u32 v13, v3;
	v2 =	vor.u32 v6, v2;
	v6 =	vld [tilespmem:s22+$0x30]  }
0x42d: {  	v13 =	vld [tilespmem:s22+$0x10];
	v10 =	vand.u32 $0xC00, v10;
	v1 =	vor.u32 v8, v1;
	v8 =	vand.u32 $0x380, v16  }
0x42e: {  	v16 =	vand.u32 $0x380, v20;
	v4 =	vor.u32 v10, v4;
	v10 =	vld [tilespmem:s22+$0xFFFFFFD0];
	v8 =	vor.u32 v8, v9  }
0x42f: {  	v1 =	vor.u32 v11, v1;
	v2 =	vor.u32 v12, v2;
	v12 =	vor.u32 v16, v5;
	v9 =	vld [tilespmem:s22+$0xFFFFFFC0]  }
0x430: {  	v11 =	vld [tilespmem:s22+$0x0];
	v4 =	vor.u32 v15, v4;
	v15 =	vor.u32 v17, v7;
	v19 =	vshll.u32 v18, $0x3  }
0x431: {  	v17 =	vld [tilespmem:s22+$0x20];
	v31 =	vand.u32 $0xFFFFF07F, v14;
	v19 =	vand.u32 $0xC00, v19;
	v5 =	vshll.u32 v6, $0x3  }
0x432: {  	v26 =	vld.idx.msk [tilespmem:v3+s29+$0x0], $0xffff;
	v7 =	vshrl.u32 v6, $0x2;
	v6 =	vand.u32 $0xFFFFF07F, v6;
	v5 =	vand.u32 $0xC00, v5  }
0x433: {  	s21 =	sshll.u32 s16, $0x2;
	s23 =	sand.u32 $0x7, s14;
	v16 =	vshll.u32 v10, $0x3;
	v7 =	vand.u32 $0x380, v7;
	v62 =	vld.idx.msk [tilespmem:v8+s29+$0x0], $0xffff;
	v5 =	vor.u32 v5, v6  }
0x434: {  	s21 =	sand.u32 $0xFFFFF000, s21;
	s23 =	sshll.u32 s23, $0x6;
	v25 =	vld.idx.msk [tilespmem:v2+s29+$0x0], $0xffff;
	v3 =	vshll.u32 v9, $0x3;
	v29 =	vand.u32 $0xFFFFF07F, v9;
	v20 =	vor.u32 v7, v5  }
0x435: {  	s21 =	sor.u32 s23, s21;
	v30 =	vand.u32 $0xFFFFF07F, v10;
	v8 =	vshrl.u32 v18, $0x2;
	v63 =	vand.u32 $0xFFFFF07F, v11;
	v6 =	vld.idx.msk [tilespmem:v0+s29+$0x0], $0xffff  }
0x436: {  	s21 =	sshrl.u32 s21, $0x2;
	v0 =	vshll.u32 v14, $0x3;
	v22 =	vand.u32 $0xC00, v16;
	v16 =	vld.idx.msk [tilespmem:v1+s29+$0x0], $0xffff;
	v1 =	vshrl.u32 v10, $0x2  }
0x437: {  	s21 =	sadd.s32 $0x19200, s21;
	v2 =	vshll.u32 v17, $0x3;
	v28 =	vand.u32 $0xC00, v3;
	v10 =	vshrl.u32 v13, $0x2  }
0x438: {  	v27 =	vld.idx.msk [tilespmem:v4+s29+$0x0], $0xffff;
	v23 =	vand.u32 $0xC00, v0;
	v0 =	vshll.u32 v11, $0x3;
	v5 =	vshrl.u32 v9, $0x2;
	[tilespmem:s21+$0xFFFFFF80] =	vst v26  }
0x439: {  	v2 =	vand.u32 $0xC00, v2;
	v7 =	vshrl.u32 v14, $0x2;
	v9 =	vshrl.u32 v11, $0x2;
	[tilespmem:s21+$0xFFFFFE00] =	vst v62;
	v3 =	vld.idx.msk [tilespmem:v20+s29+$0x0], $0xffff  }
0x43a: {  	v4 =	vld.idx.msk [tilespmem:v12+s29+$0x0], $0xffff;
	v11 =	vshrl.u32 v17, $0x2;
	v24 =	vand.u32 $0xC00, v0;
	v0 =	vshll.u32 v13, $0x3;
	[tilespmem:s21+$0xFFFFFF00] =	vst v25  }
0x43b: {  	v14 =	vor.u32 v28, v29;
	v12 =	vor.u32 v22, v30;
	v0 =	vand.u32 $0xC00, v0;
	[tilespmem:s21+$0x180] =	vst v6;
	v6 =	vld.idx.msk [tilespmem:v15+s29+$0x0], $0xffff  }
0x43c: {  	[tilespmem:s21+$0xFFFFFE80] =	vst v16;
	v16 =	vand.u32 $0xFFFFF07F, v13;
	v13 =	vor.u32 v24, v63;
	v20 =	vand.u32 $0xFFFFF07F, v18  }
0x43d: {  	s24 =	sadd.s32 $0x80, s22;
	s23 =	simm.s32 $0x8;
	s22 =	sadd.s32 $0xC00, s21;
	[tilespmem:s21+$0x0] =	vst v27;
	v18 =	vand.u32 $0xFFFFF07F, v17;
	v17 =	vor.u32 v23, v31;
	v15 =	vor.u32 v19, v20  }
.LBB2_40:
0x43e: {  	v19 =	vld [tilespmem:s24+$0x30];
	s23 =	sadd.s32 $0x8, s23;
	v5 =	vand.u32 $0x380, v5;
	v0 =	vor.u32 v0, v16;
	v2 =	vor.u32 v2, v18;
	[tilespmem:s22+$0x180] =	vst v3  }
0x43f: {  	v1 =	vand.u32 $0x380, v1;
	v7 =	vand.u32 $0x380, v7;
	v8 =	vand.u32 $0x380, v8;
	v3 =	vld [tilespmem:s24+$0xFFFFFFD0];
	p0 =	slt.u32 s23, $0x28;
	[tilespmem:s21+$0x80] =	vst v4  }
0x440: {  	v9 =	vand.u32 $0x380, v9;
	v10 =	vand.u32 $0x380, v10;
	v11 =	vand.u32 $0x380, v11;
	v4 =	vld [tilespmem:s24+$0xFFFFFFE0];
	[tilespmem:s21+$0x100] =	vst v6;
	s21 =	smov.u32 s22  }
0x441: {  	v5 =	vor.u32 v5, v14;
	v1 =	vor.u32 v1, v12;
	v7 =	vor.u32 v7, v17;
	v6 =	vld [tilespmem:s24+$0xFFFFFFF0]  }
0x442: {  	v8 =	vor.u32 v8, v15;
	v9 =	vor.u32 v9, v13;
	v10 =	vor.u32 v10, v0;
	v12 =	vld [tilespmem:s24+$0x0]  }
0x443: {  	v11 =	vor.u32 v11, v2;
	v13 =	vld [tilespmem:s24+$0x10];
	v0 =	vshll.u32 v19, $0x3  }
0x444: {  	v2 =	vshrl.u32 v19, $0x2;
	v14 =	vand.u32 $0xFFFFF07F, v19;
	v15 =	vld [tilespmem:s24+$0x20];
	v0 =	vand.u32 $0xC00, v0  }
0x445: {  	v17 =	vshll.u32 v3, $0x3;
	v2 =	vand.u32 $0x380, v2;
	v16 =	vld [tilespmem:s24+$0xFFFFFFC0];
	v0 =	vor.u32 v0, v14  }
0x446: {  	v14 =	vshll.u32 v4, $0x3;
	v18 =	vshll.u32 v6, $0x3;
	v19 =	vor.u32 v2, v0;
	v20 =	vld.idx.msk [tilespmem:v5+s29+$0x0], $0xffff  }
0x447: {  	v17 =	vand.u32 $0xC00, v17;
	v21 =	vand.u32 $0xC00, v14;
	v0 =	vshll.u32 v12, $0x3;
	v14 =	vld.idx.msk [tilespmem:v1+s29+$0x0], $0xffff  }
0x448: {  	v22 =	vand.u32 $0xC00, v18;
	v23 =	vand.u32 $0xC00, v0;
	v0 =	vshll.u32 v13, $0x3;
	v18 =	vld.idx.msk [tilespmem:v7+s29+$0x0], $0xffff  }
0x449: {  	v1 =	vshrl.u32 v3, $0x2;
	v0 =	vand.u32 $0xC00, v0;
	v2 =	vshll.u32 v15, $0x3;
	v24 =	vld.idx.msk [tilespmem:v8+s29+$0x0], $0xffff  }
0x44a: {  	v7 =	vshll.u32 v16, $0x3;
	v5 =	vshrl.u32 v16, $0x2;
	v2 =	vand.u32 $0xC00, v2;
	v25 =	vld.idx.msk [tilespmem:v9+s29+$0x0], $0xffff  }
0x44b: {  	v28 =	vand.u32 $0xFFFFF07F, v3;
	v27 =	vand.u32 $0xFFFFF07F, v16;
	v26 =	vand.u32 $0xC00, v7;
	v3 =	vld.idx.msk [tilespmem:v19+s29+$0x0], $0xffff  }
.Ltmp18:
0x44c: {  	v8 =	vshrl.u32 v6, $0x2;
	v7 =	vshrl.u32 v4, $0x2;
	v19 =	vand.u32 $0xFFFFF07F, v4;
	[tilespmem:s22+$0xFFFFFE00] =	vst v20;
	v4 =	vld.idx.msk [tilespmem:v10+s29+$0x0], $0xffff;
	(pc) =	sbr.rel @p0 .LBB2_40-.Ltmp18, $4  }
0x44d: {  	v29 =	vand.u32 $0xFFFFF07F, v12;
	v9 =	vshrl.u32 v12, $0x2;
	v20 =	vand.u32 $0xFFFFF07F, v6;
	[tilespmem:s22+$0xFFFFFE80] =	vst v14;
	v6 =	vld.idx.msk [tilespmem:v11+s29+$0x0], $0xffff  }
0x44e: {  	v16 =	vand.u32 $0xFFFFF07F, v13;
	v10 =	vshrl.u32 v13, $0x2;
	v11 =	vshrl.u32 v15, $0x2;
	[tilespmem:s22+$0xFFFFFF00] =	vst v18  }
0x44f: {  	v12 =	vor.u32 v17, v28;
	v14 =	vor.u32 v26, v27;
	v18 =	vand.u32 $0xFFFFF07F, v15;
	[tilespmem:s22+$0xFFFFFF80] =	vst v24  }
0x450: {  	s24 =	sadd.s32 $0x80, s24;
	v17 =	vor.u32 v21, v19;
	v13 =	vor.u32 v23, v29;
	v15 =	vor.u32 v22, v20;
	s22 =	sadd.s32 $0xC00, s22;
	[tilespmem:s21+$0x0] =	vst v25  }
0x451: {  	v5 =	vand.u32 $0x380, v5  }
0x452: {  	v1 =	vand.u32 $0x380, v1;
	v5 =	vor.u32 v5, v14  }
0x453: {  	v7 =	vand.u32 $0x380, v7;
	v1 =	vor.u32 v1, v12  }
0x454: {  	v8 =	vand.u32 $0x380, v8;
	v7 =	vor.u32 v7, v17  }
0x455: {  	v9 =	vand.u32 $0x380, v9;
	v8 =	vor.u32 v8, v15  }
0x456: {  	v0 =	vor.u32 v0, v16;
	v10 =	vand.u32 $0x380, v10;
	v9 =	vor.u32 v9, v13  }
0x457: {  	v2 =	vor.u32 v2, v18;
	v11 =	vand.u32 $0x380, v11;
	v0 =	vor.u32 v10, v0;
	v5 =	vld.idx.msk [tilespmem:v5+s29+$0x0], $0xffff  }
0x458: {  	v2 =	vor.u32 v11, v2;
	v1 =	vld.idx.msk [tilespmem:v1+s29+$0x0], $0xffff  }
0x459: {  	[tilespmem:s22+$0x180] =	vst v3;
	v60 =	vld.idx.msk [tilespmem:v7+s29+$0x0], $0xffff  }
0x45a: {  	[tilespmem:s21+$0x80] =	vst v4;
	v61 =	vld.idx.msk [tilespmem:v8+s29+$0x0], $0xffff  }
0x45b: {  	[tilespmem:s21+$0x100] =	vst v6;
	v62 =	vld.idx.msk [tilespmem:v9+s29+$0x0], $0xffff  }
0x45c: {  	s17 =	sadd.s32 $0x1, s17;
	v0 =	vld.idx.msk [tilespmem:v0+s29+$0x0], $0xffff;
	[tilespmem:s22+$0xFFFFFE00] =	vst v5  }
0x45d: {  	p0 =	sne.s32 s17, $0x18;
	v63 =	vld.idx.msk [tilespmem:v2+s29+$0x0], $0xffff;
	[tilespmem:s22+$0xFFFFFE80] =	vst v1  }
.Ltmp19:
0x45e: {  	[tilespmem:s22+$0xFFFFFF00] =	vst v60;
	(pc) =	sbr.rel @p0 .LBB2_39-.Ltmp19, $4  }
0x45f: {  	[tilespmem:s22+$0xFFFFFF80] =	vst v61  }
0x460: {  	[tilespmem:s22+$0x0] =	vst v62  }
0x461: {  	[tilespmem:s22+$0x80] =	vst v0  }
0x462: {  	s15 =	sadd.s32 $0x300, s15;
	s16 =	sadd.s32 $0x80, s16;
	s14 =	sadd.s32 $0x1, s14;
	[tilespmem:s22+$0x100] =	vst v63  }
0x463: {  	s14 =	rddreg [dreg:$0xd]  }
0x464: {  	s24 =	rddreg [dreg:$0xf];
	s14 =	sadd.s32 s14, s12  }
0x465: {  	s13 =	sadd.s32 s24, s13;
	s14 =	sshrl.u32 s14, $0x3  }
0x466: {  	s13 =	sshrl.u32 s13, $0x3;
	s15 =	sadd.s32 s3, s14;
	s14 =	simm.s32 $0x0  }
0x467: {  	[hbm4b:s15+s14] =	stream.linear.scatter [tilespmem:s6], [sflag:$0x4], $0x4800, $0x38;
	[tilespmem:$0x1D800] =	vst v63  }
0x468: {  	s13 =	sadd.s32 s1, s13  }
0x469: {  	[tilespmem:s29], [sflag:$0x2] =	stream.linear.gather [hbm4b:s13+s14], $0xC00, $0x38;
	[tilespmem:$0x1D800] =	vst v63  }
0x46a: {  	s23 =	sadd.s32 $0x180, s13  }
0x46b: {  	[tilespmem:s30], [sflag:$0x2] =	stream.linear.gather [hbm4b:s23+s14], $0xC00, $0x38;
	[tilespmem:$0x1D800] =	vst v63  }
0x46c: {  	s16 =	sadd.s32 $0x300, s13  }
0x46d: {  	[tilespmem:s31], [sflag:$0x2] =	stream.linear.gather [hbm4b:s16+s14], $0xC00, $0x38;
	[tilespmem:$0x1D800] =	vst v63  }
0x46e: {  	s17 =	sadd.s32 $0x480, s13  }
0x46f: {  	[tilespmem:s7], [sflag:$0x2] =	stream.linear.gather [hbm4b:s17+s14], $0xC00, $0x38;
	[tilespmem:$0x1D800] =	vst v63  }
0x470: {  	s21 =	sadd.s32 $0x600, s13  }
0x471: {  	[tilespmem:s0], [sflag:$0x2] =	stream.linear.gather [hbm4b:s21+s14], $0xC00, $0x38;
	[tilespmem:$0x1D800] =	vst v63  }
0x472: {  	s22 =	sadd.s32 $0x780, s13  }
0x473: {  	[tilespmem:s18], [sflag:$0x2] =	stream.linear.gather [hbm4b:s22+s14], $0xC00, $0x38;
	[tilespmem:$0x1D800] =	vst v63  }
0x474: {  	s23 =	sadd.s32 $0x900, s13  }
0x475: {  	[tilespmem:s2], [sflag:$0x2] =	stream.linear.gather [hbm4b:s23+s14], $0xC00, $0x38;
	[tilespmem:$0x1D800] =	vst v63  }
0x476: {  	s13 =	sadd.s32 $0xA80, s13  }
0x477: {  	[tilespmem:s10], [sflag:$0x2] =	stream.linear.gather [hbm4b:s13+s14], $0xC00, $0x38;
	[tilespmem:$0x1D800] =	vst v63  }
0x478: {  	_ =	swait.ge [sflag:s19], $0x6000  }
0x479: {  	[sflag:s19] =	ssyncset.done $0x0  }
0x47a: {  	[sflag:s19] =	ssyncadd.s32 $0xFFFFA000  }
0x47b: {  	_ =	swait.ge [sflag:s8], $0x4800  }
0x47c: {  	s15 =	simm.s32 $0x0;
	[sflag:s8] =	ssyncset.done $0x0  }
0x47d: {  	s16 =	simm.s32 $0x0;
	s13 =	simm.s32 $0x40;
	[sflag:s8] =	ssyncadd.s32 $0xFFFFB800  }
.LBB2_43:
0x47e: {  	v0 =	vld [tilespmem:s13+$0x30]  }
0x47f: {  	v1 =	vld [tilespmem:s13+$0xFFFFFFD0]  }
0x480: {  	v3 =	vld [tilespmem:s13+$0xFFFFFFF0]  }
0x481: {  	v5 =	vld [tilespmem:s13+$0x10]  }
0x482: {  	v7 =	vld [tilespmem:s13+$0x20]  }
0x483: {  	v9 =	vld [tilespmem:s13+$0xFFFFFFC0];
	_ =	sdelay $0x1  }
0x484: {  	v2 =	vld [tilespmem:s13+$0xFFFFFFE0]  }
0x485: {  	v4 =	vld [tilespmem:s13+$0x0];
	v6 =	vshll.u32 v0, $0x3;
	v8 =	vshrl.u32 v0, $0x2;
	v0 =	vand.u32 $0xFFFFF07F, v0  }
0x486: {  	v10 =	vshll.u32 v1, $0x3;
	v11 =	vshll.u32 v3, $0x3;
	v12 =	vshll.u32 v5, $0x3  }
0x487: {  	v13 =	vshrl.u32 v1, $0x2;
	v14 =	vshll.u32 v7, $0x3;
	v15 =	vshll.u32 v9, $0x3  }
0x488: {  	v16 =	vshrl.u32 v9, $0x2;
	v9 =	vand.u32 $0xFFFFF07F, v9;
	v1 =	vand.u32 $0xFFFFF07F, v1  }
0x489: {  	v17 =	vshrl.u32 v2, $0x2;
	v18 =	vshrl.u32 v3, $0x2;
	v3 =	vand.u32 $0xFFFFF07F, v3  }
0x48a: {  	v19 =	vshrl.u32 v4, $0x2;
	v20 =	vshrl.u32 v5, $0x2;
	v5 =	vand.u32 $0xFFFFF07F, v5  }
0x48b: {  	v21 =	vshrl.u32 v7, $0x2;
	v7 =	vand.u32 $0xFFFFF07F, v7;
	v6 =	vand.u32 $0xC00, v6  }
0x48c: {  	v8 =	vand.u32 $0x380, v8;
	v11 =	vand.u32 $0xC00, v11;
	v12 =	vand.u32 $0xC00, v12  }
0x48d: {  	v14 =	vand.u32 $0xC00, v14;
	v15 =	vand.u32 $0xC00, v15;
	v0 =	vor.u32 v6, v0  }
0x48e: {  	v6 =	vshll.u32 v2, $0x3;
	v2 =	vand.u32 $0xFFFFF07F, v2;
	v9 =	vor.u32 v15, v9  }
0x48f: {  	v3 =	vor.u32 v11, v3;
	v5 =	vor.u32 v12, v5;
	v7 =	vor.u32 v14, v7  }
0x490: {  	s21 =	sadd.s32 $0x80, s13;
	v11 =	vand.u32 $0x380, v13;
	v12 =	vand.u32 $0x380, v17;
	v13 =	vand.u32 $0x380, v18  }
0x491: {  	v14 =	vld [tilespmem:s21+$0xFFFFFFE0];
	v15 =	vand.u32 $0x380, v19;
	v17 =	vand.u32 $0x380, v21;
	v0 =	vor.u32 v8, v0  }
0x492: {  	v18 =	vld [tilespmem:s21+$0xFFFFFFF0];
	v8 =	vand.u32 $0xC00, v10;
	v6 =	vand.u32 $0xC00, v6;
	v10 =	vshll.u32 v4, $0x3  }
0x493: {  	v4 =	vand.u32 $0xFFFFF07F, v4;
	v3 =	vor.u32 v13, v3;
	v2 =	vor.u32 v6, v2;
	v6 =	vld [tilespmem:s21+$0x30]  }
0x494: {  	v13 =	vld [tilespmem:s21+$0x10];
	v10 =	vand.u32 $0xC00, v10;
	v1 =	vor.u32 v8, v1;
	v8 =	vand.u32 $0x380, v16  }
0x495: {  	v16 =	vand.u32 $0x380, v20;
	v4 =	vor.u32 v10, v4;
	v10 =	vld [tilespmem:s21+$0xFFFFFFD0];
	v8 =	vor.u32 v8, v9  }
0x496: {  	v1 =	vor.u32 v11, v1;
	v2 =	vor.u32 v12, v2;
	v12 =	vor.u32 v16, v5;
	v9 =	vld [tilespmem:s21+$0xFFFFFFC0]  }
0x497: {  	v11 =	vld [tilespmem:s21+$0x0];
	v4 =	vor.u32 v15, v4;
	v15 =	vor.u32 v17, v7;
	v19 =	vshll.u32 v18, $0x3  }
0x498: {  	v17 =	vld [tilespmem:s21+$0x20];
	v31 =	vand.u32 $0xFFFFF07F, v14;
	v19 =	vand.u32 $0xC00, v19;
	v5 =	vshll.u32 v6, $0x3  }
0x499: {  	v26 =	vld.idx.msk [tilespmem:v3+s20+$0x0], $0xffff;
	v7 =	vshrl.u32 v6, $0x2;
	v6 =	vand.u32 $0xFFFFF07F, v6;
	v5 =	vand.u32 $0xC00, v5  }
0x49a: {  	s17 =	sshll.u32 s15, $0x2;
	s22 =	sand.u32 $0x7, s14;
	v16 =	vshll.u32 v10, $0x3;
	v7 =	vand.u32 $0x380, v7;
	v62 =	vld.idx.msk [tilespmem:v8+s20+$0x0], $0xffff;
	v5 =	vor.u32 v5, v6  }
0x49b: {  	s17 =	sand.u32 $0xFFFFF000, s17;
	s22 =	sshll.u32 s22, $0x6;
	v25 =	vld.idx.msk [tilespmem:v2+s20+$0x0], $0xffff;
	v3 =	vshll.u32 v9, $0x3;
	v29 =	vand.u32 $0xFFFFF07F, v9;
	v20 =	vor.u32 v7, v5  }
0x49c: {  	s17 =	sor.u32 s22, s17;
	v30 =	vand.u32 $0xFFFFF07F, v10;
	v8 =	vshrl.u32 v18, $0x2;
	v63 =	vand.u32 $0xFFFFF07F, v11;
	v6 =	vld.idx.msk [tilespmem:v0+s20+$0x0], $0xffff  }
0x49d: {  	s17 =	sshrl.u32 s17, $0x2;
	v0 =	vshll.u32 v14, $0x3;
	v22 =	vand.u32 $0xC00, v16;
	v16 =	vld.idx.msk [tilespmem:v1+s20+$0x0], $0xffff;
	v1 =	vshrl.u32 v10, $0x2  }
0x49e: {  	s17 =	sadd.s32 $0x14A00, s17;
	v2 =	vshll.u32 v17, $0x3;
	v28 =	vand.u32 $0xC00, v3;
	v10 =	vshrl.u32 v13, $0x2  }
0x49f: {  	v27 =	vld.idx.msk [tilespmem:v4+s20+$0x0], $0xffff;
	v23 =	vand.u32 $0xC00, v0;
	v0 =	vshll.u32 v11, $0x3;
	v5 =	vshrl.u32 v9, $0x2;
	[tilespmem:s17+$0xFFFFFF80] =	vst v26  }
0x4a0: {  	v2 =	vand.u32 $0xC00, v2;
	v7 =	vshrl.u32 v14, $0x2;
	v9 =	vshrl.u32 v11, $0x2;
	[tilespmem:s17+$0xFFFFFE00] =	vst v62;
	v3 =	vld.idx.msk [tilespmem:v20+s20+$0x0], $0xffff  }
0x4a1: {  	v4 =	vld.idx.msk [tilespmem:v12+s20+$0x0], $0xffff;
	v11 =	vshrl.u32 v17, $0x2;
	v24 =	vand.u32 $0xC00, v0;
	v0 =	vshll.u32 v13, $0x3;
	[tilespmem:s17+$0xFFFFFF00] =	vst v25  }
0x4a2: {  	v14 =	vor.u32 v28, v29;
	v12 =	vor.u32 v22, v30;
	v0 =	vand.u32 $0xC00, v0;
	[tilespmem:s17+$0x180] =	vst v6;
	v6 =	vld.idx.msk [tilespmem:v15+s20+$0x0], $0xffff  }
0x4a3: {  	[tilespmem:s17+$0xFFFFFE80] =	vst v16;
	v16 =	vand.u32 $0xFFFFF07F, v13;
	v13 =	vor.u32 v24, v63;
	v20 =	vand.u32 $0xFFFFF07F, v18  }
0x4a4: {  	s23 =	sadd.s32 $0x80, s21;
	s22 =	simm.s32 $0x8;
	s21 =	sadd.s32 $0xC00, s17;
	[tilespmem:s17+$0x0] =	vst v27;
	v18 =	vand.u32 $0xFFFFF07F, v17;
	v17 =	vor.u32 v23, v31;
	v15 =	vor.u32 v19, v20  }
.LBB2_44:
0x4a5: {  	v19 =	vld [tilespmem:s23+$0x30];
	s22 =	sadd.s32 $0x8, s22;
	v5 =	vand.u32 $0x380, v5;
	v0 =	vor.u32 v0, v16;
	v2 =	vor.u32 v2, v18;
	[tilespmem:s21+$0x180] =	vst v3  }
0x4a6: {  	v1 =	vand.u32 $0x380, v1;
	v7 =	vand.u32 $0x380, v7;
	v8 =	vand.u32 $0x380, v8;
	v3 =	vld [tilespmem:s23+$0xFFFFFFD0];
	p0 =	slt.u32 s22, $0x28;
	[tilespmem:s17+$0x80] =	vst v4  }
0x4a7: {  	v9 =	vand.u32 $0x380, v9;
	v10 =	vand.u32 $0x380, v10;
	v11 =	vand.u32 $0x380, v11;
	v4 =	vld [tilespmem:s23+$0xFFFFFFE0];
	[tilespmem:s17+$0x100] =	vst v6;
	s17 =	smov.u32 s21  }
0x4a8: {  	v5 =	vor.u32 v5, v14;
	v1 =	vor.u32 v1, v12;
	v7 =	vor.u32 v7, v17;
	v6 =	vld [tilespmem:s23+$0xFFFFFFF0]  }
0x4a9: {  	v8 =	vor.u32 v8, v15;
	v9 =	vor.u32 v9, v13;
	v10 =	vor.u32 v10, v0;
	v12 =	vld [tilespmem:s23+$0x0]  }
0x4aa: {  	v11 =	vor.u32 v11, v2;
	v13 =	vld [tilespmem:s23+$0x10];
	v0 =	vshll.u32 v19, $0x3  }
0x4ab: {  	v2 =	vshrl.u32 v19, $0x2;
	v14 =	vand.u32 $0xFFFFF07F, v19;
	v15 =	vld [tilespmem:s23+$0x20];
	v0 =	vand.u32 $0xC00, v0  }
0x4ac: {  	v17 =	vshll.u32 v3, $0x3;
	v2 =	vand.u32 $0x380, v2;
	v16 =	vld [tilespmem:s23+$0xFFFFFFC0];
	v0 =	vor.u32 v0, v14  }
0x4ad: {  	v14 =	vshll.u32 v4, $0x3;
	v18 =	vshll.u32 v6, $0x3;
	v19 =	vor.u32 v2, v0;
	v20 =	vld.idx.msk [tilespmem:v5+s20+$0x0], $0xffff  }
0x4ae: {  	v17 =	vand.u32 $0xC00, v17;
	v21 =	vand.u32 $0xC00, v14;
	v0 =	vshll.u32 v12, $0x3;
	v14 =	vld.idx.msk [tilespmem:v1+s20+$0x0], $0xffff  }
0x4af: {  	v22 =	vand.u32 $0xC00, v18;
	v23 =	vand.u32 $0xC00, v0;
	v0 =	vshll.u32 v13, $0x3;
	v18 =	vld.idx.msk [tilespmem:v7+s20+$0x0], $0xffff  }
0x4b0: {  	v1 =	vshrl.u32 v3, $0x2;
	v0 =	vand.u32 $0xC00, v0;
	v2 =	vshll.u32 v15, $0x3;
	v24 =	vld.idx.msk [tilespmem:v8+s20+$0x0], $0xffff  }
0x4b1: {  	v7 =	vshll.u32 v16, $0x3;
	v5 =	vshrl.u32 v16, $0x2;
	v2 =	vand.u32 $0xC00, v2;
	v25 =	vld.idx.msk [tilespmem:v9+s20+$0x0], $0xffff  }
0x4b2: {  	v28 =	vand.u32 $0xFFFFF07F, v3;
	v27 =	vand.u32 $0xFFFFF07F, v16;
	v26 =	vand.u32 $0xC00, v7;
	v3 =	vld.idx.msk [tilespmem:v19+s20+$0x0], $0xffff  }
.Ltmp20:
0x4b3: {  	v8 =	vshrl.u32 v6, $0x2;
	v7 =	vshrl.u32 v4, $0x2;
	v19 =	vand.u32 $0xFFFFF07F, v4;
	[tilespmem:s21+$0xFFFFFE00] =	vst v20;
	v4 =	vld.idx.msk [tilespmem:v10+s20+$0x0], $0xffff;
	(pc) =	sbr.rel @p0 .LBB2_44-.Ltmp20, $4  }
0x4b4: {  	v29 =	vand.u32 $0xFFFFF07F, v12;
	v9 =	vshrl.u32 v12, $0x2;
	v20 =	vand.u32 $0xFFFFF07F, v6;
	[tilespmem:s21+$0xFFFFFE80] =	vst v14;
	v6 =	vld.idx.msk [tilespmem:v11+s20+$0x0], $0xffff  }
0x4b5: {  	v16 =	vand.u32 $0xFFFFF07F, v13;
	v10 =	vshrl.u32 v13, $0x2;
	v11 =	vshrl.u32 v15, $0x2;
	[tilespmem:s21+$0xFFFFFF00] =	vst v18  }
0x4b6: {  	v12 =	vor.u32 v17, v28;
	v14 =	vor.u32 v26, v27;
	v18 =	vand.u32 $0xFFFFF07F, v15;
	[tilespmem:s21+$0xFFFFFF80] =	vst v24  }
0x4b7: {  	s23 =	sadd.s32 $0x80, s23;
	v17 =	vor.u32 v21, v19;
	v13 =	vor.u32 v23, v29;
	v15 =	vor.u32 v22, v20;
	s21 =	sadd.s32 $0xC00, s21;
	[tilespmem:s17+$0x0] =	vst v25  }
0x4b8: {  	v5 =	vand.u32 $0x380, v5  }
0x4b9: {  	v1 =	vand.u32 $0x380, v1;
	v5 =	vor.u32 v5, v14  }
0x4ba: {  	v7 =	vand.u32 $0x380, v7;
	v1 =	vor.u32 v1, v12  }
0x4bb: {  	v8 =	vand.u32 $0x380, v8;
	v7 =	vor.u32 v7, v17  }
0x4bc: {  	v9 =	vand.u32 $0x380, v9;
	v8 =	vor.u32 v8, v15  }
0x4bd: {  	v0 =	vor.u32 v0, v16;
	v10 =	vand.u32 $0x380, v10;
	v9 =	vor.u32 v9, v13  }
0x4be: {  	v2 =	vor.u32 v2, v18;
	v11 =	vand.u32 $0x380, v11;
	v0 =	vor.u32 v10, v0;
	v5 =	vld.idx.msk [tilespmem:v5+s20+$0x0], $0xffff  }
0x4bf: {  	v2 =	vor.u32 v11, v2;
	v1 =	vld.idx.msk [tilespmem:v1+s20+$0x0], $0xffff  }
0x4c0: {  	[tilespmem:s21+$0x180] =	vst v3;
	v60 =	vld.idx.msk [tilespmem:v7+s20+$0x0], $0xffff  }
0x4c1: {  	[tilespmem:s17+$0x80] =	vst v4;
	v61 =	vld.idx.msk [tilespmem:v8+s20+$0x0], $0xffff  }
0x4c2: {  	[tilespmem:s17+$0x100] =	vst v6;
	v62 =	vld.idx.msk [tilespmem:v9+s20+$0x0], $0xffff  }
0x4c3: {  	s16 =	sadd.s32 $0x1, s16;
	v0 =	vld.idx.msk [tilespmem:v0+s20+$0x0], $0xffff;
	[tilespmem:s21+$0xFFFFFE00] =	vst v5  }
0x4c4: {  	p0 =	sne.s32 s16, $0x18;
	v63 =	vld.idx.msk [tilespmem:v2+s20+$0x0], $0xffff;
	[tilespmem:s21+$0xFFFFFE80] =	vst v1  }
.Ltmp21:
0x4c5: {  	[tilespmem:s21+$0xFFFFFF00] =	vst v60;
	(pc) =	sbr.rel @p0 .LBB2_43-.Ltmp21, $4  }
0x4c6: {  	[tilespmem:s21+$0xFFFFFF80] =	vst v61  }
0x4c7: {  	[tilespmem:s21+$0x0] =	vst v62  }
0x4c8: {  	[tilespmem:s21+$0x80] =	vst v0  }
0x4c9: {  	s13 =	sadd.s32 $0x300, s13;
	s15 =	sadd.s32 $0x80, s15;
	s14 =	sadd.s32 $0x1, s14;
	[tilespmem:s21+$0x100] =	vst v63  }
0x4ca: {  	s13 =	rddreg [dreg:$0xe]  }
0x4cb: {  	s13 =	sadd.s32 s13, s12  }
0x4cc: {  	s13 =	sshrl.u32 s13, $0x3  }
0x4cd: {  	s14 =	sadd.s32 s3, s13;
	s13 =	simm.s32 $0x0  }
0x4ce: {  	[hbm4b:s14+s13] =	stream.linear.scatter [tilespmem:s4], [sflag:$0x3], $0x4800, $0x38;
	[tilespmem:$0x1D800] =	vst v63  }
0x4cf: {  	_ =	swait.ge [sflag:s5], $0x6000  }
0x4d0: {  	[sflag:s5] =	ssyncset.done $0x0  }
0x4d1: {  	[sflag:s5] =	ssyncadd.s32 $0xFFFFA000  }
0x4d2: {  	_ =	swait.ge [sflag:s9], $0x4800  }
0x4d3: {  	s15 =	simm.s32 $0x0;
	[sflag:s9] =	ssyncset.done $0x0  }
0x4d4: {  	s16 =	simm.s32 $0x0;
	s14 =	simm.s32 $0x40;
	[sflag:s9] =	ssyncadd.s32 $0xFFFFB800  }
.LBB2_47:
0x4d5: {  	v0 =	vld [tilespmem:s14+$0x30]  }
0x4d6: {  	v1 =	vld [tilespmem:s14+$0xFFFFFFD0]  }
0x4d7: {  	v3 =	vld [tilespmem:s14+$0xFFFFFFF0]  }
0x4d8: {  	v5 =	vld [tilespmem:s14+$0x10]  }
0x4d9: {  	v7 =	vld [tilespmem:s14+$0x20]  }
0x4da: {  	v9 =	vld [tilespmem:s14+$0xFFFFFFC0];
	_ =	sdelay $0x1  }
0x4db: {  	v2 =	vld [tilespmem:s14+$0xFFFFFFE0]  }
0x4dc: {  	v4 =	vld [tilespmem:s14+$0x0];
	v6 =	vshll.u32 v0, $0x3;
	v8 =	vshrl.u32 v0, $0x2;
	v0 =	vand.u32 $0xFFFFF07F, v0  }
0x4dd: {  	v10 =	vshll.u32 v1, $0x3;
	v11 =	vshll.u32 v3, $0x3;
	v12 =	vshll.u32 v5, $0x3  }
0x4de: {  	v13 =	vshrl.u32 v1, $0x2;
	v14 =	vshll.u32 v7, $0x3;
	v15 =	vshll.u32 v9, $0x3  }
0x4df: {  	v16 =	vshrl.u32 v9, $0x2;
	v9 =	vand.u32 $0xFFFFF07F, v9;
	v1 =	vand.u32 $0xFFFFF07F, v1  }
0x4e0: {  	v17 =	vshrl.u32 v2, $0x2;
	v18 =	vshrl.u32 v3, $0x2;
	v3 =	vand.u32 $0xFFFFF07F, v3  }
0x4e1: {  	v19 =	vshrl.u32 v4, $0x2;
	v20 =	vshrl.u32 v5, $0x2;
	v5 =	vand.u32 $0xFFFFF07F, v5  }
0x4e2: {  	v21 =	vshrl.u32 v7, $0x2;
	v7 =	vand.u32 $0xFFFFF07F, v7;
	v6 =	vand.u32 $0xC00, v6  }
0x4e3: {  	v8 =	vand.u32 $0x380, v8;
	v11 =	vand.u32 $0xC00, v11;
	v12 =	vand.u32 $0xC00, v12  }
0x4e4: {  	v14 =	vand.u32 $0xC00, v14;
	v15 =	vand.u32 $0xC00, v15;
	v0 =	vor.u32 v6, v0  }
0x4e5: {  	v6 =	vshll.u32 v2, $0x3;
	v2 =	vand.u32 $0xFFFFF07F, v2;
	v9 =	vor.u32 v15, v9  }
0x4e6: {  	v3 =	vor.u32 v11, v3;
	v5 =	vor.u32 v12, v5;
	v7 =	vor.u32 v14, v7  }
0x4e7: {  	s21 =	sadd.s32 $0x80, s14;
	v11 =	vand.u32 $0x380, v13;
	v12 =	vand.u32 $0x380, v17;
	v13 =	vand.u32 $0x380, v18  }
0x4e8: {  	v14 =	vld [tilespmem:s21+$0xFFFFFFE0];
	v15 =	vand.u32 $0x380, v19;
	v17 =	vand.u32 $0x380, v21;
	v0 =	vor.u32 v8, v0  }
0x4e9: {  	v18 =	vld [tilespmem:s21+$0xFFFFFFF0];
	v8 =	vand.u32 $0xC00, v10;
	v6 =	vand.u32 $0xC00, v6;
	v10 =	vshll.u32 v4, $0x3  }
0x4ea: {  	v4 =	vand.u32 $0xFFFFF07F, v4;
	v3 =	vor.u32 v13, v3;
	v2 =	vor.u32 v6, v2;
	v6 =	vld [tilespmem:s21+$0x30]  }
0x4eb: {  	v13 =	vld [tilespmem:s21+$0x10];
	v10 =	vand.u32 $0xC00, v10;
	v1 =	vor.u32 v8, v1;
	v8 =	vand.u32 $0x380, v16  }
0x4ec: {  	v16 =	vand.u32 $0x380, v20;
	v4 =	vor.u32 v10, v4;
	v10 =	vld [tilespmem:s21+$0xFFFFFFD0];
	v8 =	vor.u32 v8, v9  }
0x4ed: {  	v1 =	vor.u32 v11, v1;
	v2 =	vor.u32 v12, v2;
	v12 =	vor.u32 v16, v5;
	v9 =	vld [tilespmem:s21+$0xFFFFFFC0]  }
0x4ee: {  	v11 =	vld [tilespmem:s21+$0x0];
	v4 =	vor.u32 v15, v4;
	v15 =	vor.u32 v17, v7;
	v19 =	vshll.u32 v18, $0x3  }
0x4ef: {  	v17 =	vld [tilespmem:s21+$0x20];
	v31 =	vand.u32 $0xFFFFF07F, v14;
	v19 =	vand.u32 $0xC00, v19;
	v5 =	vshll.u32 v6, $0x3  }
0x4f0: {  	v26 =	vld.idx.msk [tilespmem:v3+s29+$0x0], $0xffff;
	v7 =	vshrl.u32 v6, $0x2;
	v6 =	vand.u32 $0xFFFFF07F, v6;
	v5 =	vand.u32 $0xC00, v5  }
0x4f1: {  	s17 =	sshll.u32 s15, $0x2;
	s22 =	sand.u32 $0x7, s13;
	v16 =	vshll.u32 v10, $0x3;
	v7 =	vand.u32 $0x380, v7;
	v62 =	vld.idx.msk [tilespmem:v8+s29+$0x0], $0xffff;
	v5 =	vor.u32 v5, v6  }
0x4f2: {  	s17 =	sand.u32 $0xFFFFF000, s17;
	s22 =	sshll.u32 s22, $0x6;
	v25 =	vld.idx.msk [tilespmem:v2+s29+$0x0], $0xffff;
	v3 =	vshll.u32 v9, $0x3;
	v29 =	vand.u32 $0xFFFFF07F, v9;
	v20 =	vor.u32 v7, v5  }
0x4f3: {  	s17 =	sor.u32 s22, s17;
	v30 =	vand.u32 $0xFFFFF07F, v10;
	v8 =	vshrl.u32 v18, $0x2;
	v63 =	vand.u32 $0xFFFFF07F, v11;
	v6 =	vld.idx.msk [tilespmem:v0+s29+$0x0], $0xffff  }
0x4f4: {  	s17 =	sshrl.u32 s17, $0x2;
	v0 =	vshll.u32 v14, $0x3;
	v22 =	vand.u32 $0xC00, v16;
	v16 =	vld.idx.msk [tilespmem:v1+s29+$0x0], $0xffff;
	v1 =	vshrl.u32 v10, $0x2  }
0x4f5: {  	s17 =	sadd.s32 $0x19200, s17;
	v2 =	vshll.u32 v17, $0x3;
	v28 =	vand.u32 $0xC00, v3;
	v10 =	vshrl.u32 v13, $0x2  }
0x4f6: {  	v27 =	vld.idx.msk [tilespmem:v4+s29+$0x0], $0xffff;
	v23 =	vand.u32 $0xC00, v0;
	v0 =	vshll.u32 v11, $0x3;
	v5 =	vshrl.u32 v9, $0x2;
	[tilespmem:s17+$0xFFFFFF80] =	vst v26  }
0x4f7: {  	v2 =	vand.u32 $0xC00, v2;
	v7 =	vshrl.u32 v14, $0x2;
	v9 =	vshrl.u32 v11, $0x2;
	[tilespmem:s17+$0xFFFFFE00] =	vst v62;
	v3 =	vld.idx.msk [tilespmem:v20+s29+$0x0], $0xffff  }
0x4f8: {  	v4 =	vld.idx.msk [tilespmem:v12+s29+$0x0], $0xffff;
	v11 =	vshrl.u32 v17, $0x2;
	v24 =	vand.u32 $0xC00, v0;
	v0 =	vshll.u32 v13, $0x3;
	[tilespmem:s17+$0xFFFFFF00] =	vst v25  }
0x4f9: {  	v14 =	vor.u32 v28, v29;
	v12 =	vor.u32 v22, v30;
	v0 =	vand.u32 $0xC00, v0;
	[tilespmem:s17+$0x180] =	vst v6;
	v6 =	vld.idx.msk [tilespmem:v15+s29+$0x0], $0xffff  }
0x4fa: {  	[tilespmem:s17+$0xFFFFFE80] =	vst v16;
	v16 =	vand.u32 $0xFFFFF07F, v13;
	v13 =	vor.u32 v24, v63;
	v20 =	vand.u32 $0xFFFFF07F, v18  }
0x4fb: {  	s23 =	sadd.s32 $0x80, s21;
	s22 =	simm.s32 $0x8;
	s21 =	sadd.s32 $0xC00, s17;
	[tilespmem:s17+$0x0] =	vst v27;
	v18 =	vand.u32 $0xFFFFF07F, v17;
	v17 =	vor.u32 v23, v31;
	v15 =	vor.u32 v19, v20  }
.LBB2_48:
0x4fc: {  	v19 =	vld [tilespmem:s23+$0x30];
	s22 =	sadd.s32 $0x8, s22;
	v5 =	vand.u32 $0x380, v5;
	v0 =	vor.u32 v0, v16;
	v2 =	vor.u32 v2, v18;
	[tilespmem:s21+$0x180] =	vst v3  }
0x4fd: {  	v1 =	vand.u32 $0x380, v1;
	v7 =	vand.u32 $0x380, v7;
	v8 =	vand.u32 $0x380, v8;
	v3 =	vld [tilespmem:s23+$0xFFFFFFD0];
	p0 =	slt.u32 s22, $0x28;
	[tilespmem:s17+$0x80] =	vst v4  }
0x4fe: {  	v9 =	vand.u32 $0x380, v9;
	v10 =	vand.u32 $0x380, v10;
	v11 =	vand.u32 $0x380, v11;
	v4 =	vld [tilespmem:s23+$0xFFFFFFE0];
	[tilespmem:s17+$0x100] =	vst v6;
	s17 =	smov.u32 s21  }
0x4ff: {  	v5 =	vor.u32 v5, v14;
	v1 =	vor.u32 v1, v12;
	v7 =	vor.u32 v7, v17;
	v6 =	vld [tilespmem:s23+$0xFFFFFFF0]  }
0x500: {  	v8 =	vor.u32 v8, v15;
	v9 =	vor.u32 v9, v13;
	v10 =	vor.u32 v10, v0;
	v12 =	vld [tilespmem:s23+$0x0]  }
0x501: {  	v11 =	vor.u32 v11, v2;
	v13 =	vld [tilespmem:s23+$0x10];
	v0 =	vshll.u32 v19, $0x3  }
0x502: {  	v2 =	vshrl.u32 v19, $0x2;
	v14 =	vand.u32 $0xFFFFF07F, v19;
	v15 =	vld [tilespmem:s23+$0x20];
	v0 =	vand.u32 $0xC00, v0  }
0x503: {  	v17 =	vshll.u32 v3, $0x3;
	v2 =	vand.u32 $0x380, v2;
	v16 =	vld [tilespmem:s23+$0xFFFFFFC0];
	v0 =	vor.u32 v0, v14  }
0x504: {  	v14 =	vshll.u32 v4, $0x3;
	v18 =	vshll.u32 v6, $0x3;
	v19 =	vor.u32 v2, v0;
	v20 =	vld.idx.msk [tilespmem:v5+s29+$0x0], $0xffff  }
0x505: {  	v17 =	vand.u32 $0xC00, v17;
	v21 =	vand.u32 $0xC00, v14;
	v0 =	vshll.u32 v12, $0x3;
	v14 =	vld.idx.msk [tilespmem:v1+s29+$0x0], $0xffff  }
0x506: {  	v22 =	vand.u32 $0xC00, v18;
	v23 =	vand.u32 $0xC00, v0;
	v0 =	vshll.u32 v13, $0x3;
	v18 =	vld.idx.msk [tilespmem:v7+s29+$0x0], $0xffff  }
0x507: {  	v1 =	vshrl.u32 v3, $0x2;
	v0 =	vand.u32 $0xC00, v0;
	v2 =	vshll.u32 v15, $0x3;
	v24 =	vld.idx.msk [tilespmem:v8+s29+$0x0], $0xffff  }
0x508: {  	v7 =	vshll.u32 v16, $0x3;
	v5 =	vshrl.u32 v16, $0x2;
	v2 =	vand.u32 $0xC00, v2;
	v25 =	vld.idx.msk [tilespmem:v9+s29+$0x0], $0xffff  }
0x509: {  	v28 =	vand.u32 $0xFFFFF07F, v3;
	v27 =	vand.u32 $0xFFFFF07F, v16;
	v26 =	vand.u32 $0xC00, v7;
	v3 =	vld.idx.msk [tilespmem:v19+s29+$0x0], $0xffff  }
.Ltmp22:
0x50a: {  	v8 =	vshrl.u32 v6, $0x2;
	v7 =	vshrl.u32 v4, $0x2;
	v19 =	vand.u32 $0xFFFFF07F, v4;
	[tilespmem:s21+$0xFFFFFE00] =	vst v20;
	v4 =	vld.idx.msk [tilespmem:v10+s29+$0x0], $0xffff;
	(pc) =	sbr.rel @p0 .LBB2_48-.Ltmp22, $4  }
0x50b: {  	v29 =	vand.u32 $0xFFFFF07F, v12;
	v9 =	vshrl.u32 v12, $0x2;
	v20 =	vand.u32 $0xFFFFF07F, v6;
	[tilespmem:s21+$0xFFFFFE80] =	vst v14;
	v6 =	vld.idx.msk [tilespmem:v11+s29+$0x0], $0xffff  }
0x50c: {  	v16 =	vand.u32 $0xFFFFF07F, v13;
	v10 =	vshrl.u32 v13, $0x2;
	v11 =	vshrl.u32 v15, $0x2;
	[tilespmem:s21+$0xFFFFFF00] =	vst v18  }
0x50d: {  	v12 =	vor.u32 v17, v28;
	v14 =	vor.u32 v26, v27;
	v18 =	vand.u32 $0xFFFFF07F, v15;
	[tilespmem:s21+$0xFFFFFF80] =	vst v24  }
0x50e: {  	s23 =	sadd.s32 $0x80, s23;
	v17 =	vor.u32 v21, v19;
	v13 =	vor.u32 v23, v29;
	v15 =	vor.u32 v22, v20;
	s21 =	sadd.s32 $0xC00, s21;
	[tilespmem:s17+$0x0] =	vst v25  }
0x50f: {  	v5 =	vand.u32 $0x380, v5  }
0x510: {  	v1 =	vand.u32 $0x380, v1;
	v5 =	vor.u32 v5, v14  }
0x511: {  	v7 =	vand.u32 $0x380, v7;
	v1 =	vor.u32 v1, v12  }
0x512: {  	v8 =	vand.u32 $0x380, v8;
	v7 =	vor.u32 v7, v17  }
0x513: {  	v9 =	vand.u32 $0x380, v9;
	v8 =	vor.u32 v8, v15  }
0x514: {  	v0 =	vor.u32 v0, v16;
	v10 =	vand.u32 $0x380, v10;
	v9 =	vor.u32 v9, v13  }
0x515: {  	v2 =	vor.u32 v2, v18;
	v11 =	vand.u32 $0x380, v11;
	v0 =	vor.u32 v10, v0;
	v5 =	vld.idx.msk [tilespmem:v5+s29+$0x0], $0xffff  }
0x516: {  	v2 =	vor.u32 v11, v2;
	v1 =	vld.idx.msk [tilespmem:v1+s29+$0x0], $0xffff  }
0x517: {  	[tilespmem:s21+$0x180] =	vst v3;
	v60 =	vld.idx.msk [tilespmem:v7+s29+$0x0], $0xffff  }
0x518: {  	[tilespmem:s17+$0x80] =	vst v4;
	v61 =	vld.idx.msk [tilespmem:v8+s29+$0x0], $0xffff  }
0x519: {  	[tilespmem:s17+$0x100] =	vst v6;
	v62 =	vld.idx.msk [tilespmem:v9+s29+$0x0], $0xffff  }
0x51a: {  	s16 =	sadd.s32 $0x1, s16;
	v0 =	vld.idx.msk [tilespmem:v0+s29+$0x0], $0xffff;
	[tilespmem:s21+$0xFFFFFE00] =	vst v5  }
0x51b: {  	p0 =	sne.s32 s16, $0x18;
	v63 =	vld.idx.msk [tilespmem:v2+s29+$0x0], $0xffff;
	[tilespmem:s21+$0xFFFFFE80] =	vst v1  }
.Ltmp23:
0x51c: {  	[tilespmem:s21+$0xFFFFFF00] =	vst v60;
	(pc) =	sbr.rel @p0 .LBB2_47-.Ltmp23, $4  }
0x51d: {  	[tilespmem:s21+$0xFFFFFF80] =	vst v61  }
0x51e: {  	[tilespmem:s21+$0x0] =	vst v62  }
0x51f: {  	[tilespmem:s21+$0x80] =	vst v0  }
0x520: {  	s14 =	sadd.s32 $0x300, s14;
	s15 =	sadd.s32 $0x80, s15;
	s13 =	sadd.s32 $0x1, s13;
	[tilespmem:s21+$0x100] =	vst v63  }
0x521: {  	s12 =	sadd.s32 s24, s12  }
0x522: {  	s12 =	sshrl.u32 s12, $0x3  }
0x523: {  	s13 =	simm.s32 $0x0;
	s11 =	sadd.s32 $0x1, s11;
	s12 =	sadd.s32 s3, s12  }
0x524: {  	[hbm4b:s12+s13] =	stream.linear.scatter [tilespmem:s6], [sflag:$0x4], $0x4800, $0x38;
	[tilespmem:$0x1D800] =	vst v63  }
0x525: {  	p0 =	sne.s32 s11, $0x8;
	_ =	swait.ge [sflag:s8], $0x4800  }
.Ltmp24:
0x526: {  	[sflag:s8] =	ssyncset.done $0x0;
	(pc) =	sbr.rel @p0 .LBB2_2-.Ltmp24, $4  }
0x527: {  	[sflag:s8] =	ssyncadd.s32 $0xFFFFB800  }
0x528: {  	_ =	swait.ge [sflag:s9], $0x4800  }
0x529: {  	[sflag:s9] =	ssyncset.done $0x0  }
0x52a: {  	[sflag:s9] =	ssyncadd.s32 $0xFFFFB800  }
0x52b: {  	s12 =	rddreg [dreg:$0x11]  }
0x52c: {  	s11 =	rddreg [dreg:$0x10];
	s12 =	sadd.s32 $0x1, s12  }
0x52d: {  	p0 =	sne.s32 s12, s11  }
.Ltmp25:
0x52e: {  	_ = 	snop;
	(pc) =	sbr.rel @p0 .LBB2_1-.Ltmp25, $1  }
0x52f: {  	_ =	sdelay $0x3  }
0x530: {  	_ =	sfence.sel $0x180000  }
0x531: {  	[bflag:$0x0] =	sbarrier.arrive $0xFFFF  }
0x532: {  	_ =	strace $0x90000047  }
0x533: {  	s0 =	stileid.u32;
	[bflag:$0x2] =	sbarrier.arrive $0xFFFF  }
0x534: {  	p0 =	sne.s32 s0, $0x0;
	s0 =	rddreg [dreg:$0x3]  }
0x535: {  	s0 =	sadd.s32 @!p0 $0x100000, s0  }
0x536: {  	[sflag:s0] =	ssyncadd.tile.s32 @!p0 $0x1;
	_ =	shalt  }
.Lfunc_end2:
_tile_overlayer_lowered:
.L_overlay_start_2:
0x537: {  	(tag) =	ssettag $0x2  }
0x538: {  	s0 =	rddreg [dreg:$0x0];
	s2 =	stileid.u32  }
0x539: {  	s1 =	rddreg [dreg:$0x1];
	p0 =	sne.s32 s2, $0x0  }
0x53a: {  	s3 =	rddreg [dreg:$0x2];
	[bflag:$0x3] =	sbarrier.arrive $0xFFFF;
	s2 =	simm.s32 @!p0 $0x1C05  }
0x53b: {  	[timem:s3], [sflag:s2] =	dma.local @!p0 [hbm:s0], s1  }
0x53c: {  	s0 =	simm.s32 @!p0 $0x5  }
0x53d: {  	_ =	swait.ge @!p0 [sflag:s0], s1  }
0x53e: {  	s1 =	ssub.s32 @!p0 $0x0, s1;
	[sflag:s0] =	ssyncset.done @!p0 $0x0  }
0x53f: {  	[sflag:s0] =	ssyncadd.s32 @!p0 s1  }
0x540: {  	[bflag:$0x3] =	sbarrier.arrive $0xFFFF  }
0x541: {  	_ =	shalt  }

</sc_bundles>
